<compile_context>
chip_gen: v7x
topology: tpu7x:2x2x1
jax: 0.10.2.dev20260603
libtpu: 0.0.44.dev20260713+nightly
codegen_flags: <defaults>
</compile_context>

<pallas_src>
import jax
import jax.numpy as jnp
from jax import lax
from jax.experimental import pallas as pl
from jax.experimental.pallas import tpu as pltpu
from jax.experimental.pallas import tpu_sc as plsc

B, S = 16384, 50
D = 64
N_ROWS = B * S
NC, NS = 2, 16
NW = NC * NS
B_PER_W = B // NW
NLANES = 16
NVB = B_PER_W // NLANES

CHUNK = 512
NBUF = 2
R_PER_W = N_ROWS // NW
N_CHUNKS = R_PER_W // CHUNK
N_GROUPS = N_CHUNKS // NBUF
assert R_PER_W % (CHUNK * NBUF) == 0


def _format_body(idx_hbm, flat_hbm, slab_v, flat_v, sems):
    wid = lax.axis_index("s") * NC + lax.axis_index("c")
    bbase = wid * B_PER_W
    lane = lax.iota(jnp.int32, NLANES)

    for s in range(S):
        pltpu.async_copy(
            idx_hbm.at[s, pl.ds(bbase, B_PER_W)], slab_v.at[s], sems[0])
    for s in range(S):
        pltpu.make_async_copy(
            idx_hbm.at[0, pl.ds(bbase, B_PER_W)], slab_v.at[s],
            sems[0]).wait()

    @pl.loop(0, NVB)
    def _vb(v):
        base = v * NLANES * S
        for s in range(S):
            x = slab_v[s, pl.ds(v * NLANES, NLANES)]
            plsc.store_scatter(flat_v, [lane * S + (base + s)], x + x)

    pltpu.async_copy(
        flat_v, flat_hbm.at[pl.ds(wid * R_PER_W, R_PER_W)], sems[1])
    pltpu.make_async_copy(
        flat_v, flat_hbm.at[pl.ds(wid * R_PER_W, R_PER_W)], sems[1]).wait()


def _gather_body(idx_hbm, table_hbm, out_hbm, idx_v, rows_v, isems, gsems, osems):
    wid = lax.axis_index("s") * NC + lax.axis_index("c")
    base = wid * R_PER_W

    def issue_idx(j, b):
        pltpu.async_copy(
            idx_hbm.at[pl.ds(base + j * CHUNK, CHUNK)], idx_v.at[b], isems[b])

    def wait_idx(b):
        pltpu.make_async_copy(
            idx_hbm.at[pl.ds(base, CHUNK)], idx_v.at[b], isems[b]).wait()

    def issue_gather(b):
        pltpu.async_copy(table_hbm.at[idx_v.at[b]], rows_v.at[b], gsems[b])

    def wait_gather(b):
        pltpu.make_async_copy(
            table_hbm.at[idx_v.at[b]], rows_v.at[b], gsems[b]).wait()

    def issue_out(j, b):
        pltpu.async_copy(
            rows_v.at[b], out_hbm.at[pl.ds(base + j * CHUNK, CHUNK)], osems[b])

    def wait_out(b):
        pltpu.make_async_copy(
            rows_v.at[b], out_hbm.at[pl.ds(base, CHUNK)], osems[b]).wait()

    def finalize(k, b, last):
        wait_gather(b)
        issue_out(k, b)
        if not last:
            issue_idx(jnp.minimum(k + NBUF, N_CHUNKS - 1), b)

    for b in range(NBUF):
        issue_idx(b, b)
    for b in range(NBUF):
        wait_idx(b)
        issue_gather(b)
        if b > 0:
            finalize(b - 1, b - 1, last=False)

    @pl.loop(1, N_GROUPS)
    def _group(g):
        j0 = g * NBUF
        for b in range(NBUF):
            j = j0 + b
            wait_idx(b)
            wait_out(b)
            issue_gather(b)
            pb = (b - 1) % NBUF
            finalize(j - 1, pb, last=False)

    last_b = (N_CHUNKS - 1) % NBUF
    finalize(N_CHUNKS - 1, last_b, last=True)
    for b in range(NBUF):
        wait_out(b)
    for b in range(NBUF):
        if b != last_b:
            wait_idx(b)


def kernel(word_idx, emb):
    mesh = plsc.VectorSubcoreMesh(core_axis_name="c", subcore_axis_name="s")

    fmt = pl.kernel(
        _format_body,
        out_type=jax.ShapeDtypeStruct((N_ROWS,), jnp.int32),
        mesh=mesh,
        scratch_types=[
            pltpu.VMEM((S, B_PER_W), jnp.int32),
            pltpu.VMEM((R_PER_W,), jnp.int32),
            [pltpu.SemaphoreType.DMA] * 2,
        ],
        compiler_params=pltpu.CompilerParams(
            use_tc_tiling_on_sc=True, needs_layout_passes=False),
    )
    flat_idx = fmt(word_idx.T)

    gather = pl.kernel(
        _gather_body,
        out_type=jax.ShapeDtypeStruct((N_ROWS, D), jnp.float32),
        mesh=mesh,
        scratch_types=[
            pltpu.VMEM((NBUF, CHUNK), jnp.int32),
            pltpu.VMEM((NBUF, CHUNK, D), jnp.float32),
            [pltpu.SemaphoreType.DMA] * NBUF,
            [pltpu.SemaphoreType.DMA] * NBUF,
            [pltpu.SemaphoreType.DMA] * NBUF,
        ],
        compiler_params=pltpu.CompilerParams(
            use_tc_tiling_on_sc=False, needs_layout_passes=False),
    )
    emb2 = jnp.pad(emb, ((0, 0), (0, D))).reshape(2 * emb.shape[0], D)
    out = gather(flat_idx, emb2)
    return out.reshape(B, S, D)

# --- scband reference (transcript-rebuilt; emitter-appended) ---
"""Pipeline reference for scband-cross-embedding-49692771615011 (READ-ONLY COPY).

The authoritative reference and input builder live on the scoring server;
editing this copy changes nothing except your own understanding.
"""

import jax, jax.numpy as jnp
import numpy as np

N_EMB = 1000000
N_HID = 64

def setup_inputs(seed: int = 0) -> dict:
    key = jax.random.key(seed)
    k1, k2 = jax.random.split(key)
    word_idx = jax.random.randint(k1, (16384, 50), 0, N_EMB, dtype=jnp.int64 if jax.config.jax_enable_x64 else jnp.int32)
    # nn.Embedding weight initialized uniform(-0.1, 0.1)
    emb = jax.random.uniform(k2, (N_EMB, N_HID), dtype=jnp.float32, minval=-0.1, maxval=0.1)
    return {"word_idx": word_idx, "emb": emb}

def reference(word_idx, emb):
    # CrossEmbedding.forward with n_emb path: transform is None, so output is
    # F.embedding(word_idx, emb.weight) -> pure gather over the table rows.
    return jnp.take(emb, word_idx, axis=0)

if __name__ == "__main__":
    import jax
    _d = setup_inputs()
    print(jax.jit(kernel)(*tuple(_d.values())))

</pallas_src>

<mosaic_0001>
#map = affine_map<(d0, d1) -> (0, 0)>
#map1 = affine_map<(d0, d1) -> (0)>
module attributes {stable_mosaic.version = 14 : i64} {
  func.func @_format_body(%arg0: i32, %arg1: i32, %arg2: memref<50x16384xi32, #tpu.memory_space<hbm>>, %arg3: memref<819200xi32, #tpu.memory_space<hbm>>, %arg4: memref<50x512xi32, #tpu.memory_space<vmem>>, %arg5: memref<25600xi32, #tpu.memory_space<vmem>>, %arg6: memref<!tpu.dma_semaphore, #tpu.memory_space<semaphore_mem>>, %arg7: memref<!tpu.dma_semaphore, #tpu.memory_space<semaphore_mem>>) attributes {dimension_semantics = [#tpu.dimension_semantics<core_parallel>, #tpu.dimension_semantics<subcore_parallel>], iteration_bounds = array<i64: 2, 16>, scalar_prefetch = 0 : i64, scratch_operands = 4 : i64, tpu.core_type = #tpu.core_type<sc_vector_subcore>, window_params = [{transform_indices = #map}, {transform_indices = #map1}]} {
    %mul3A = arith.constant 2 : i32
    %mul3A_0 = arith.muli %arg1, %mul3A : i32
    %add3A = arith.addi %mul3A_0, %arg0 : i32
    %mul3A_1 = arith.constant 512 : i32
    %mul3A_2 = arith.muli %add3A, %mul3A_1 : i32
    %iota3A = tpu.iota {dimensions = array<i32: 0>} : vector<16xi32>
    %dma_start3A = arith.constant 0 : i32
    %dma_start3A_3 = arith.constant 0 : i32
    %dma_start3A_4 = arith.constant 0 : i32
    %dma_start3A_5 = tpu.memref_slice %arg4[%dma_start3A_3, %dma_start3A_4] : memref<50x512xi32, #tpu.memory_space<vmem>> -> memref<1x512xi32, #tpu.memory_space<vmem>>
    %dma_start3A_6 = tpu.memref_squeeze %dma_start3A_5 : memref<1x512xi32, #tpu.memory_space<vmem>> -> memref<512xi32, #tpu.memory_space<vmem>>
    %dma_start3A_7 = tpu.memref_slice %arg2[%dma_start3A, %mul3A_2] : memref<50x16384xi32, #tpu.memory_space<hbm>> -> memref<1x512xi32, #tpu.memory_space<hbm>>
    %dma_start3A_8 = tpu.memref_squeeze %dma_start3A_7 : memref<1x512xi32, #tpu.memory_space<hbm>> -> memref<512xi32, #tpu.memory_space<hbm>>
    %dma_start3A_9 = arith.constant 0 : i32
    %dma_start3A_10 = tpu.memref_slice %arg4[%dma_start3A_3, %dma_start3A_9] : memref<50x512xi32, #tpu.memory_space<vmem>> -> memref<1x512xi32, #tpu.memory_space<vmem>>
    %dma_start3A_11 = tpu.memref_squeeze %dma_start3A_10 : memref<1x512xi32, #tpu.memory_space<vmem>> -> memref<512xi32, #tpu.memory_space<vmem>>
    %dma_start3A_12 = tpu.memref_slice %arg2[%dma_start3A, %mul3A_2] : memref<50x16384xi32, #tpu.memory_space<hbm>> -> memref<1x512xi32, #tpu.memory_space<hbm>>
    %dma_start3A_13 = tpu.memref_squeeze %dma_start3A_12 : memref<1x512xi32, #tpu.memory_space<hbm>> -> memref<512xi32, #tpu.memory_space<hbm>>
    tpu.enqueue_dma source(%dma_start3A_13 : memref<512xi32, #tpu.memory_space<hbm>>) target(%dma_start3A_11 : memref<512xi32, #tpu.memory_space<vmem>>) target_semaphore(%arg6 : memref<!tpu.dma_semaphore, #tpu.memory_space<semaphore_mem>>)
    %dma_start3A_14 = arith.constant 1 : i32
    %dma_start3A_15 = arith.constant 1 : i32
    %dma_start3A_16 = arith.constant 0 : i32
    %dma_start3A_17 = tpu.memref_slice %arg4[%dma_start3A_15, %dma_start3A_16] : memref<50x512xi32, #tpu.memory_space<vmem>> -> memref<1x512xi32, #tpu.memory_space<vmem>>
    %dma_start3A_18 = tpu.memref_squeeze %dma_start3A_17 : memref<1x512xi32, #tpu.memory_space<vmem>> -> memref<512xi32, #tpu.memory_space<vmem>>
    %dma_start3A_19 = tpu.memref_slice %arg2[%dma_start3A_14, %mul3A_2] : memref<50x16384xi32, #tpu.memory_space<hbm>> -> memref<1x512xi32, #tpu.memory_space<hbm>>
    %dma_start3A_20 = tpu.memref_squeeze %dma_start3A_19 : memref<1x512xi32, #tpu.memory_space<hbm>> -> memref<512xi32, #tpu.memory_space<hbm>>
    %dma_start3A_21 = arith.constant 0 : i32
    %dma_start3A_22 = tpu.memref_slice %arg4[%dma_start3A_15, %dma_start3A_21] : memref<50x512xi32, #tpu.memory_space<vmem>> -> memref<1x512xi32, #tpu.memory_space<vmem>>
    %dma_start3A_23 = tpu.memref_squeeze %dma_start3A_22 : memref<1x512xi32, #tpu.memory_space<vmem>> -> memref<512xi32, #tpu.memory_space<vmem>>
    %dma_start3A_24 = tpu.memref_slice %arg2[%dma_start3A_14, %mul3A_2] : memref<50x16384xi32, #tpu.memory_space<hbm>> -> memref<1x512xi32, #tpu.memory_space<hbm>>
    %dma_start3A_25 = tpu.memref_squeeze %dma_start3A_24 : memref<1x512xi32, #tpu.memory_space<hbm>> -> memref<512xi32, #tpu.memory_space<hbm>>
    tpu.enqueue_dma source(%dma_start3A_25 : memref<512xi32, #tpu.memory_space<hbm>>) target(%dma_start3A_23 : memref<512xi32, #tpu.memory_space<vmem>>) target_semaphore(%arg6 : memref<!tpu.dma_semaphore, #tpu.memory_space<semaphore_mem>>)
    %dma_start3A_26 = arith.constant 2 : i32
    %dma_start3A_27 = arith.constant 2 : i32
    %dma_start3A_28 = arith.constant 0 : i32
    %dma_start3A_29 = tpu.memref_slice %arg4[%dma_start3A_27, %dma_start3A_28] : memref<50x512xi32, #tpu.memory_space<vmem>> -> memref<1x512xi32, #tpu.memory_space<vmem>>
    %dma_start3A_30 = tpu.memref_squeeze %dma_start3A_29 : memref<1x512xi32, #tpu.memory_space<vmem>> -> memref<512xi32, #tpu.memory_space<vmem>>
    %dma_start3A_31 = tpu.memref_slice %arg2[%dma_start3A_26, %mul3A_2] : memref<50x16384xi32, #tpu.memory_space<hbm>> -> memref<1x512xi32, #tpu.memory_space<hbm>>
    %dma_start3A_32 = tpu.memref_squeeze %dma_start3A_31 : memref<1x512xi32, #tpu.memory_space<hbm>> -> memref<512xi32, #tpu.memory_space<hbm>>
    %dma_start3A_33 = arith.constant 0 : i32
    %dma_start3A_34 = tpu.memref_slice %arg4[%dma_start3A_27, %dma_start3A_33] : memref<50x512xi32, #tpu.memory_space<vmem>> -> memref<1x512xi32, #tpu.memory_space<vmem>>
    %dma_start3A_35 = tpu.memref_squeeze %dma_start3A_34 : memref<1x512xi32, #tpu.memory_space<vmem>> -> memref<512xi32, #tpu.memory_space<vmem>>
    %dma_start3A_36 = tpu.memref_slice %arg2[%dma_start3A_26, %mul3A_2] : memref<50x16384xi32, #tpu.memory_space<hbm>> -> memref<1x512xi32, #tpu.memory_space<hbm>>
    %dma_start3A_37 = tpu.memref_squeeze %dma_start3A_36 : memref<1x512xi32, #tpu.memory_space<hbm>> -> memref<512xi32, #tpu.memory_space<hbm>>
    tpu.enqueue_dma source(%dma_start3A_37 : memref<512xi32, #tpu.memory_space<hbm>>) target(%dma_start3A_35 : memref<512xi32, #tpu.memory_space<vmem>>) target_semaphore(%arg6 : memref<!tpu.dma_semaphore, #tpu.memory_space<semaphore_mem>>)
    %dma_start3A_38 = arith.constant 3 : i32
    %dma_start3A_39 = arith.constant 3 : i32
    %dma_start3A_40 = arith.constant 0 : i32
    %dma_start3A_41 = tpu.memref_slice %arg4[%dma_start3A_39, %dma_start3A_40] : memref<50x512xi32, #tpu.memory_space<vmem>> -> memref<1x512xi32, #tpu.memory_space<vmem>>
    %dma_start3A_42 = tpu.memref_squeeze %dma_start3A_41 : memref<1x512xi32, #tpu.memory_space<vmem>> -> memref<512xi32, #tpu.memory_space<vmem>>
    %dma_start3A_43 = tpu.memref_slice %arg2[%dma_start3A_38, %mul3A_2] : memref<50x16384xi32, #tpu.memory_space<hbm>> -> memref<1x512xi32, #tpu.memory_space<hbm>>
    %dma_start3A_44 = tpu.memref_squeeze %dma_start3A_43 : memref<1x512xi32, #tpu.memory_space<hbm>> -> memref<512xi32, #tpu.memory_space<hbm>>
    %dma_start3A_45 = arith.constant 0 : i32
    %dma_start3A_46 = tpu.memref_slice %arg4[%dma_start3A_39, %dma_start3A_45] : memref<50x512xi32, #tpu.memory_space<vmem>> -> memref<1x512xi32, #tpu.memory_space<vmem>>
    %dma_start3A_47 = tpu.memref_squeeze %dma_start3A_46 : memref<1x512xi32, #tpu.memory_space<vmem>> -> memref<512xi32, #tpu.memory_space<vmem>>
    %dma_start3A_48 = tpu.memref_slice %arg2[%dma_start3A_38, %mul3A_2] : memref<50x16384xi32, #tpu.memory_space<hbm>> -> memref<1x512xi32, #tpu.memory_space<hbm>>
    %dma_start3A_49 = tpu.memref_squeeze %dma_start3A_48 : memref<1x512xi32, #tpu.memory_space<hbm>> -> memref<512xi32, #tpu.memory_space<hbm>>
    tpu.enqueue_dma source(%dma_start3A_49 : memref<512xi32, #tpu.memory_space<hbm>>) target(%dma_start3A_47 : memref<512xi32, #tpu.memory_space<vmem>>) target_semaphore(%arg6 : memref<!tpu.dma_semaphore, #tpu.memory_space<semaphore_mem>>)
    %dma_start3A_50 = arith.constant 4 : i32
    %dma_start3A_51 = arith.constant 4 : i32
    %dma_start3A_52 = arith.constant 0 : i32
    %dma_start3A_53 = tpu.memref_slice %arg4[%dma_start3A_51, %dma_start3A_52] : memref<50x512xi32, #tpu.memory_space<vmem>> -> memref<1x512xi32, #tpu.memory_space<vmem>>
    %dma_start3A_54 = tpu.memref_squeeze %dma_start3A_53 : memref<1x512xi32, #tpu.memory_space<vmem>> -> memref<512xi32, #tpu.memory_space<vmem>>
    %dma_start3A_55 = tpu.memref_slice %arg2[%dma_start3A_50, %mul3A_2] : memref<50x16384xi32, #tpu.memory_space<hbm>> -> memref<1x512xi32, #tpu.memory_space<hbm>>
    %dma_start3A_56 = tpu.memref_squeeze %dma_start3A_55 : memref<1x512xi32, #tpu.memory_space<hbm>> -> memref<512xi32, #tpu.memory_space<hbm>>
    %dma_start3A_57 = arith.constant 0 : i32
    %dma_start3A_58 = tpu.memref_slice %arg4[%dma_start3A_51, %dma_start3A_57] : memref<50x512xi32, #tpu.memory_space<vmem>> -> memref<1x512xi32, #tpu.memory_space<vmem>>
    %dma_start3A_59 = tpu.memref_squeeze %dma_start3A_58 : memref<1x512xi32, #tpu.memory_space<vmem>> -> memref<512xi32, #tpu.memory_space<vmem>>
    %dma_start3A_60 = tpu.memref_slice %arg2[%dma_start3A_50, %mul3A_2] : memref<50x16384xi32, #tpu.memory_space<hbm>> -> memref<1x512xi32, #tpu.memory_space<hbm>>
    %dma_start3A_61 = tpu.memref_squeeze %dma_start3A_60 : memref<1x512xi32, #tpu.memory_space<hbm>> -> memref<512xi32, #tpu.memory_space<hbm>>
    tpu.enqueue_dma source(%dma_start3A_61 : memref<512xi32, #tpu.memory_space<hbm>>) target(%dma_start3A_59 : memref<512xi32, #tpu.memory_space<vmem>>) target_semaphore(%arg6 : memref<!tpu.dma_semaphore, #tpu.memory_space<semaphore_mem>>)
    %dma_start3A_62 = arith.constant 5 : i32
    %dma_start3A_63 = arith.constant 5 : i32
    %dma_start3A_64 = arith.constant 0 : i32
    %dma_start3A_65 = tpu.memref_slice %arg4[%dma_start3A_63, %dma_start3A_64] : memref<50x512xi32, #tpu.memory_space<vmem>> -> memref<1x512xi32, #tpu.memory_space<vmem>>
    %dma_start3A_66 = tpu.memref_squeeze %dma_start3A_65 : memref<1x512xi32, #tpu.memory_space<vmem>> -> memref<512xi32, #tpu.memory_space<vmem>>
    %dma_start3A_67 = tpu.memref_slice %arg2[%dma_start3A_62, %mul3A_2] : memref<50x16384xi32, #tpu.memory_space<hbm>> -> memref<1x512xi32, #tpu.memory_space<hbm>>
    %dma_start3A_68 = tpu.memref_squeeze %dma_start3A_67 : memref<1x512xi32, #tpu.memory_space<hbm>> -> memref<512xi32, #tpu.memory_space<hbm>>
    %dma_start3A_69 = arith.constant 0 : i32
    %dma_start3A_70 = tpu.memref_slice %arg4[%dma_start3A_63, %dma_start3A_69] : memref<50x512xi32, #tpu.memory_space<vmem>> -> memref<1x512xi32, #tpu.memory_space<vmem>>
    %dma_start3A_71 = tpu.memref_squeeze %dma_start3A_70 : memref<1x512xi32, #tpu.memory_space<vmem>> -> memref<512xi32, #tpu.memory_space<vmem>>
    %dma_start3A_72 = tpu.memref_slice %arg2[%dma_start3A_62, %mul3A_2] : memref<50x16384xi32, #tpu.memory_space<hbm>> -> memref<1x512xi32, #tpu.memory_space<hbm>>
    %dma_start3A_73 = tpu.memref_squeeze %dma_start3A_72 : memref<1x512xi32, #tpu.memory_space<hbm>> -> memref<512xi32, #tpu.memory_space<hbm>>
    tpu.enqueue_dma source(%dma_start3A_73 : memref<512xi32, #tpu.memory_space<hbm>>) target(%dma_start3A_71 : memref<512xi32, #tpu.memory_space<vmem>>) target_semaphore(%arg6 : memref<!tpu.dma_semaphore, #tpu.memory_space<semaphore_mem>>)
    %dma_start3A_74 = arith.constant 6 : i32
    %dma_start3A_75 = arith.constant 6 : i32
    %dma_start3A_76 = arith.constant 0 : i32
    %dma_start3A_77 = tpu.memref_slice %arg4[%dma_start3A_75, %dma_start3A_76] : memref<50x512xi32, #tpu.memory_space<vmem>> -> memref<1x512xi32, #tpu.memory_space<vmem>>
    %dma_start3A_78 = tpu.memref_squeeze %dma_start3A_77 : memref<1x512xi32, #tpu.memory_space<vmem>> -> memref<512xi32, #tpu.memory_space<vmem>>
    %dma_start3A_79 = tpu.memref_slice %arg2[%dma_start3A_74, %mul3A_2] : memref<50x16384xi32, #tpu.memory_space<hbm>> -> memref<1x512xi32, #tpu.memory_space<hbm>>
    %dma_start3A_80 = tpu.memref_squeeze %dma_start3A_79 : memref<1x512xi32, #tpu.memory_space<hbm>> -> memref<512xi32, #tpu.memory_space<hbm>>
    %dma_start3A_81 = arith.constant 0 : i32
    %dma_start3A_82 = tpu.memref_slice %arg4[%dma_start3A_75, %dma_start3A_81] : memref<50x512xi32, #tpu.memory_space<vmem>> -> memref<1x512xi32, #tpu.memory_space<vmem>>
    %dma_start3A_83 = tpu.memref_squeeze %dma_start3A_82 : memref<1x512xi32, #tpu.memory_space<vmem>> -> memref<512xi32, #tpu.memory_space<vmem>>
    %dma_start3A_84 = tpu.memref_slice %arg2[%dma_start3A_74, %mul3A_2] : memref<50x16384xi32, #tpu.memory_space<hbm>> -> memref<1x512xi32, #tpu.memory_space<hbm>>
    %dma_start3A_85 = tpu.memref_squeeze %dma_start3A_84 : memref<1x512xi32, #tpu.memory_space<hbm>> -> memref<512xi32, #tpu.memory_space<hbm>>
    tpu.enqueue_dma source(%dma_start3A_85 : memref<512xi32, #tpu.memory_space<hbm>>) target(%dma_start3A_83 : memref<512xi32, #tpu.memory_space<vmem>>) target_semaphore(%arg6 : memref<!tpu.dma_semaphore, #tpu.memory_space<semaphore_mem>>)
    %dma_start3A_86 = arith.constant 7 : i32
    %dma_start3A_87 = arith.constant 7 : i32
    %dma_start3A_88 = arith.constant 0 : i32
    %dma_start3A_89 = tpu.memref_slice %arg4[%dma_start3A_87, %dma_start3A_88] : memref<50x512xi32, #tpu.memory_space<vmem>> -> memref<1x512xi32, #tpu.memory_space<vmem>>
    %dma_start3A_90 = tpu.memref_squeeze %dma_start3A_89 : memref<1x512xi32, #tpu.memory_space<vmem>> -> memref<512xi32, #tpu.memory_space<vmem>>
    %dma_start3A_91 = tpu.memref_slice %arg2[%dma_start3A_86, %mul3A_2] : memref<50x16384xi32, #tpu.memory_space<hbm>> -> memref<1x512xi32, #tpu.memory_space<hbm>>
    %dma_start3A_92 = tpu.memref_squeeze %dma_start3A_91 : memref<1x512xi32, #tpu.memory_space<hbm>> -> memref<512xi32, #tpu.memory_space<hbm>>
    %dma_start3A_93 = arith.constant 0 : i32
    %dma_start3A_94 = tpu.memref_slice %arg4[%dma_start3A_87, %dma_start3A_93] : memref<50x512xi32, #tpu.memory_space<vmem>> -> memref<1x512xi32, #tpu.memory_space<vmem>>
    %dma_start3A_95 = tpu.memref_squeeze %dma_start3A_94 : memref<1x512xi32, #tpu.memory_space<vmem>> -> memref<512xi32, #tpu.memory_space<vmem>>
    %dma_start3A_96 = tpu.memref_slice %arg2[%dma_start3A_86, %mul3A_2] : memref<50x16384xi32, #tpu.memory_space<hbm>> -> memref<1x512xi32, #tpu.memory_space<hbm>>
    %dma_start3A_97 = tpu.memref_squeeze %dma_start3A_96 : memref<1x512xi32, #tpu.memory_space<hbm>> -> memref<512xi32, #tpu.memory_space<hbm>>
    tpu.enqueue_dma source(%dma_start3A_97 : memref<512xi32, #tpu.memory_space<hbm>>) target(%dma_start3A_95 : memref<512xi32, #tpu.memory_space<vmem>>) target_semaphore(%arg6 : memref<!tpu.dma_semaphore, #tpu.memory_space<semaphore_mem>>)
    %dma_start3A_98 = arith.constant 8 : i32
    %dma_start3A_99 = arith.constant 8 : i32
    %dma_start3A_100 = arith.constant 0 : i32
    %dma_start3A_101 = tpu.memref_slice %arg4[%dma_start3A_99, %dma_start3A_100] : memref<50x512xi32, #tpu.memory_space<vmem>> -> memref<1x512xi32, #tpu.memory_space<vmem>>
    %dma_start3A_102 = tpu.memref_squeeze %dma_start3A_101 : memref<1x512xi32, #tpu.memory_space<vmem>> -> memref<512xi32, #tpu.memory_space<vmem>>
    %dma_start3A_103 = tpu.memref_slice %arg2[%dma_start3A_98, %mul3A_2] : memref<50x16384xi32, #tpu.memory_space<hbm>> -> memref<1x512xi32, #tpu.memory_space<hbm>>
    %dma_start3A_104 = tpu.memref_squeeze %dma_start3A_103 : memref<1x512xi32, #tpu.memory_space<hbm>> -> memref<512xi32, #tpu.memory_space<hbm>>
    %dma_start3A_105 = arith.constant 0 : i32
    %dma_start3A_106 = tpu.memref_slice %arg4[%dma_start3A_99, %dma_start3A_105] : memref<50x512xi32, #tpu.memory_space<vmem>> -> memref<1x512xi32, #tpu.memory_space<vmem>>
    %dma_start3A_107 = tpu.memref_squeeze %dma_start3A_106 : memref<1x512xi32, #tpu.memory_space<vmem>> -> memref<512xi32, #tpu.memory_space<vmem>>
    %dma_start3A_108 = tpu.memref_slice %arg2[%dma_start3A_98, %mul3A_2] : memref<50x16384xi32, #tpu.memory_space<hbm>> -> memref<1x512xi32, #tpu.memory_space<hbm>>
    %dma_start3A_109 = tpu.memref_squeeze %dma_start3A_108 : memref<1x512xi32, #tpu.memory_space<hbm>> -> memref<512xi32, #tpu.memory_space<hbm>>
    tpu.enqueue_dma source(%dma_start3A_109 : memref<512xi32, #tpu.memory_space<hbm>>) target(%dma_start3A_107 : memref<512xi32, #tpu.memory_space<vmem>>) target_semaphore(%arg6 : memref<!tpu.dma_semaphore, #tpu.memory_space<semaphore_mem>>)
    %dma_start3A_110 = arith.constant 9 : i32
    %dma_start3A_111 = arith.constant 9 : i32
    %dma_start3A_112 = arith.constant 0 : i32
    %dma_start3A_113 = tpu.memref_slice %arg4[%dma_start3A_111, %dma_start3A_112] : memref<50x512xi32, #tpu.memory_space<vmem>> -> memref<1x512xi32, #tpu.memory_space<vmem>>
    %dma_start3A_114 = tpu.memref_squeeze %dma_start3A_113 : memref<1x512xi32, #tpu.memory_space<vmem>> -> memref<512xi32, #tpu.memory_space<vmem>>
    %dma_start3A_115 = tpu.memref_slice %arg2[%dma_start3A_110, %mul3A_2] : memref<50x16384xi32, #tpu.memory_space<hbm>> -> memref<1x512xi32, #tpu.memory_space<hbm>>
    %dma_start3A_116 = tpu.memref_squeeze %dma_start3A_115 : memref<1x512xi32, #tpu.memory_space<hbm>> -> memref<512xi32, #tpu.memory_space<hbm>>
    %dma_start3A_117 = arith.constant 0 : i32
    %dma_start3A_118 = tpu.memref_slice %arg4[%dma_start3A_111, %dma_start3A_117] : memref<50x512xi32, #tpu.memory_space<vmem>> -> memref<1x512xi32, #tpu.memory_space<vmem>>
    %dma_start3A_119 = tpu.memref_squeeze %dma_start3A_118 : memref<1x512xi32, #tpu.memory_space<vmem>> -> memref<512xi32, #tpu.memory_space<vmem>>
    %dma_start3A_120 = tpu.memref_slice %arg2[%dma_start3A_110, %mul3A_2] : memref<50x16384xi32, #tpu.memory_space<hbm>> -> memref<1x512xi32, #tpu.memory_space<hbm>>
    %dma_start3A_121 = tpu.memref_squeeze %dma_start3A_120 : memref<1x512xi32, #tpu.memory_space<hbm>> -> memref<512xi32, #tpu.memory_space<hbm>>
    tpu.enqueue_dma source(%dma_start3A_121 : memref<512xi32, #tpu.memory_space<hbm>>) target(%dma_start3A_119 : memref<512xi32, #tpu.memory_space<vmem>>) target_semaphore(%arg6 : memref<!tpu.dma_semaphore, #tpu.memory_space<semaphore_mem>>)
    %dma_start3A_122 = arith.constant 10 : i32
    %dma_start3A_123 = arith.constant 10 : i32
    %dma_start3A_124 = arith.constant 0 : i32
    %dma_start3A_125 = tpu.memref_slice %arg4[%dma_start3A_123, %dma_start3A_124] : memref<50x512xi32, #tpu.memory_space<vmem>> -> memref<1x512xi32, #tpu.memory_space<vmem>>
    %dma_start3A_126 = tpu.memref_squeeze %dma_start3A_125 : memref<1x512xi32, #tpu.memory_space<vmem>> -> memref<512xi32, #tpu.memory_space<vmem>>
    %dma_start3A_127 = tpu.memref_slice %arg2[%dma_start3A_122, %mul3A_2] : memref<50x16384xi32, #tpu.memory_space<hbm>> -> memref<1x512xi32, #tpu.memory_space<hbm>>
    %dma_start3A_128 = tpu.memref_squeeze %dma_start3A_127 : memref<1x512xi32, #tpu.memory_space<hbm>> -> memref<512xi32, #tpu.memory_space<hbm>>
    %dma_start3A_129 = arith.constant 0 : i32
    %dma_start3A_130 = tpu.memref_slice %arg4[%dma_start3A_123, %dma_start3A_129] : memref<50x512xi32, #tpu.memory_space<vmem>> -> memref<1x512xi32, #tpu.memory_space<vmem>>
    %dma_start3A_131 = tpu.memref_squeeze %dma_start3A_130 : memref<1x512xi32, #tpu.memory_space<vmem>> -> memref<512xi32, #tpu.memory_space<vmem>>
    %dma_start3A_132 = tpu.memref_slice %arg2[%dma_start3A_122, %mul3A_2] : memref<50x16384xi32, #tpu.memory_space<hbm>> -> memref<1x512xi32, #tpu.memory_space<hbm>>
    %dma_start3A_133 = tpu.memref_squeeze %dma_start3A_132 : memref<1x512xi32, #tpu.memory_space<hbm>> -> memref<512xi32, #tpu.memory_space<hbm>>
    tpu.enqueue_dma source(%dma_start3A_133 : memref<512xi32, #tpu.memory_space<hbm>>) target(%dma_start3A_131 : memref<512xi32, #tpu.memory_space<vmem>>) target_semaphore(%arg6 : memref<!tpu.dma_semaphore, #tpu.memory_space<semaphore_mem>>)
    %dma_start3A_134 = arith.constant 11 : i32
    %dma_start3A_135 = arith.constant 11 : i32
    %dma_start3A_136 = arith.constant 0 : i32
    %dma_start3A_137 = tpu.memref_slice %arg4[%dma_start3A_135, %dma_start3A_136] : memref<50x512xi32, #tpu.memory_space<vmem>> -> memref<1x512xi32, #tpu.memory_space<vmem>>
    %dma_start3A_138 = tpu.memref_squeeze %dma_start3A_137 : memref<1x512xi32, #tpu.memory_space<vmem>> -> memref<512xi32, #tpu.memory_space<vmem>>
    %dma_start3A_139 = tpu.memref_slice %arg2[%dma_start3A_134, %mul3A_2] : memref<50x16384xi32, #tpu.memory_space<hbm>> -> memref<1x512xi32, #tpu.memory_space<hbm>>
    %dma_start3A_140 = tpu.memref_squeeze %dma_start3A_139 : memref<1x512xi32, #tpu.memory_space<hbm>> -> memref<512xi32, #tpu.memory_space<hbm>>
    %dma_start3A_141 = arith.constant 0 : i32
    %dma_start3A_142 = tpu.memref_slice %arg4[%dma_start3A_135, %dma_start3A_141] : memref<50x512xi32, #tpu.memory_space<vmem>> -> memref<1x512xi32, #tpu.memory_space<vmem>>
    %dma_start3A_143 = tpu.memref_squeeze %dma_start3A_142 : memref<1x512xi32, #tpu.memory_space<vmem>> -> memref<512xi32, #tpu.memory_space<vmem>>
    %dma_start3A_144 = tpu.memref_slice %arg2[%dma_start3A_134, %mul3A_2] : memref<50x16384xi32, #tpu.memory_space<hbm>> -> memref<1x512xi32, #tpu.memory_space<hbm>>
    %dma_start3A_145 = tpu.memref_squeeze %dma_start3A_144 : memref<1x512xi32, #tpu.memory_space<hbm>> -> memref<512xi32, #tpu.memory_space<hbm>>
    tpu.enqueue_dma source(%dma_start3A_145 : memref<512xi32, #tpu.memory_space<hbm>>) target(%dma_start3A_143 : memref<512xi32, #tpu.memory_space<vmem>>) target_semaphore(%arg6 : memref<!tpu.dma_semaphore, #tpu.memory_space<semaphore_mem>>)
    %dma_start3A_146 = arith.constant 12 : i32
    %dma_start3A_147 = arith.constant 12 : i32
    %dma_start3A_148 = arith.constant 0 : i32
    %dma_start3A_149 = tpu.memref_slice %arg4[%dma_start3A_147, %dma_start3A_148] : memref<50x512xi32, #tpu.memory_space<vmem>> -> memref<1x512xi32, #tpu.memory_space<vmem>>
    %dma_start3A_150 = tpu.memref_squeeze %dma_start3A_149 : memref<1x512xi32, #tpu.memory_space<vmem>> -> memref<512xi32, #tpu.memory_space<vmem>>
    %dma_start3A_151 = tpu.memref_slice %arg2[%dma_start3A_146, %mul3A_2] : memref<50x16384xi32, #tpu.memory_space<hbm>> -> memref<1x512xi32, #tpu.memory_space<hbm>>
    %dma_start3A_152 = tpu.memref_squeeze %dma_start3A_151 : memref<1x512xi32, #tpu.memory_space<hbm>> -> memref<512xi32, #tpu.memory_space<hbm>>
    %dma_start3A_153 = arith.constant 0 : i32
    %dma_start3A_154 = tpu.memref_slice %arg4[%dma_start3A_147, %dma_start3A_153] : memref<50x512xi32, #tpu.memory_space<vmem>> -> memref<1x512xi32, #tpu.memory_space<vmem>>
    %dma_start3A_155 = tpu.memref_squeeze %dma_start3A_154 : memref<1x512xi32, #tpu.memory_space<vmem>> -> memref<512xi32, #tpu.memory_space<vmem>>
    %dma_start3A_156 = tpu.memref_slice %arg2[%dma_start3A_146, %mul3A_2] : memref<50x16384xi32, #tpu.memory_space<hbm>> -> memref<1x512xi32, #tpu.memory_space<hbm>>
    %dma_start3A_157 = tpu.memref_squeeze %dma_start3A_156 : memref<1x512xi32, #tpu.memory_space<hbm>> -> memref<512xi32, #tpu.memory_space<hbm>>
    tpu.enqueue_dma source(%dma_start3A_157 : memref<512xi32, #tpu.memory_space<hbm>>) target(%dma_start3A_155 : memref<512xi32, #tpu.memory_space<vmem>>) target_semaphore(%arg6 : memref<!tpu.dma_semaphore, #tpu.memory_space<semaphore_mem>>)
    %dma_start3A_158 = arith.constant 13 : i32
    %dma_start3A_159 = arith.constant 13 : i32
    %dma_start3A_160 = arith.constant 0 : i32
    %dma_start3A_161 = tpu.memref_slice %arg4[%dma_start3A_159, %dma_start3A_160] : memref<50x512xi32, #tpu.memory_space<vmem>> -> memref<1x512xi32, #tpu.memory_space<vmem>>
    %dma_start3A_162 = tpu.memref_squeeze %dma_start3A_161 : memref<1x512xi32, #tpu.memory_space<vmem>> -> memref<512xi32, #tpu.memory_space<vmem>>
    %dma_start3A_163 = tpu.memref_slice %arg2[%dma_start3A_158, %mul3A_2] : memref<50x16384xi32, #tpu.memory_space<hbm>> -> memref<1x512xi32, #tpu.memory_space<hbm>>
    %dma_start3A_164 = tpu.memref_squeeze %dma_start3A_163 : memref<1x512xi32, #tpu.memory_space<hbm>> -> memref<512xi32, #tpu.memory_space<hbm>>
    %dma_start3A_165 = arith.constant 0 : i32
    %dma_start3A_166 = tpu.memref_slice %arg4[%dma_start3A_159, %dma_start3A_165] : memref<50x512xi32, #tpu.memory_space<vmem>> -> memref<1x512xi32, #tpu.memory_space<vmem>>
    %dma_start3A_167 = tpu.memref_squeeze %dma_start3A_166 : memref<1x512xi32, #tpu.memory_space<vmem>> -> memref<512xi32, #tpu.memory_space<vmem>>
    %dma_start3A_168 = tpu.memref_slice %arg2[%dma_start3A_158, %mul3A_2] : memref<50x16384xi32, #tpu.memory_space<hbm>> -> memref<1x512xi32, #tpu.memory_space<hbm>>
    %dma_start3A_169 = tpu.memref_squeeze %dma_start3A_168 : memref<1x512xi32, #tpu.memory_space<hbm>> -> memref<512xi32, #tpu.memory_space<hbm>>
    tpu.enqueue_dma source(%dma_start3A_169 : memref<512xi32, #tpu.memory_space<hbm>>) target(%dma_start3A_167 : memref<512xi32, #tpu.memory_space<vmem>>) target_semaphore(%arg6 : memref<!tpu.dma_semaphore, #tpu.memory_space<semaphore_mem>>)
    %dma_start3A_170 = arith.constant 14 : i32
    %dma_start3A_171 = arith.constant 14 : i32
    %dma_start3A_172 = arith.constant 0 : i32
    %dma_start3A_173 = tpu.memref_slice %arg4[%dma_start3A_171, %dma_start3A_172] : memref<50x512xi32, #tpu.memory_space<vmem>> -> memref<1x512xi32, #tpu.memory_space<vmem>>
    %dma_start3A_174 = tpu.memref_squeeze %dma_start3A_173 : memref<1x512xi32, #tpu.memory_space<vmem>> -> memref<512xi32, #tpu.memory_space<vmem>>
    %dma_start3A_175 = tpu.memref_slice %arg2[%dma_start3A_170, %mul3A_2] : memref<50x16384xi32, #tpu.memory_space<hbm>> -> memref<1x512xi32, #tpu.memory_space<hbm>>
    %dma_start3A_176 = tpu.memref_squeeze %dma_start3A_175 : memref<1x512xi32, #tpu.memory_space<hbm>> -> memref<512xi32, #tpu.memory_space<hbm>>
    %dma_start3A_177 = arith.constant 0 : i32
    %dma_start3A_178 = tpu.memref_slice %arg4[%dma_start3A_171, %dma_start3A_177] : memref<50x512xi32, #tpu.memory_space<vmem>> -> memref<1x512xi32, #tpu.memory_space<vmem>>
    %dma_start3A_179 = tpu.memref_squeeze %dma_start3A_178 : memref<1x512xi32, #tpu.memory_space<vmem>> -> memref<512xi32, #tpu.memory_space<vmem>>
    %dma_start3A_180 = tpu.memref_slice %arg2[%dma_start3A_170, %mul3A_2] : memref<50x16384xi32, #tpu.memory_space<hbm>> -> memref<1x512xi32, #tpu.memory_space<hbm>>
    %dma_start3A_181 = tpu.memref_squeeze %dma_start3A_180 : memref<1x512xi32, #tpu.memory_space<hbm>> -> memref<512xi32, #tpu.memory_space<hbm>>
    tpu.enqueue_dma source(%dma_start3A_181 : memref<512xi32, #tpu.memory_space<hbm>>) target(%dma_start3A_179 : memref<512xi32, #tpu.memory_space<vmem>>) target_semaphore(%arg6 : memref<!tpu.dma_semaphore, #tpu.memory_space<semaphore_mem>>)
    %dma_start3A_182 = arith.constant 15 : i32
    %dma_start3A_183 = arith.constant 15 : i32
    %dma_start3A_184 = arith.constant 0 : i32
    %dma_start3A_185 = tpu.memref_slice %arg4[%dma_start3A_183, %dma_start3A_184] : memref<50x512xi32, #tpu.memory_space<vmem>> -> memref<1x512xi32, #tpu.memory_space<vmem>>
    %dma_start3A_186 = tpu.memref_squeeze %dma_start3A_185 : memref<1x512xi32, #tpu.memory_space<vmem>> -> memref<512xi32, #tpu.memory_space<vmem>>
    %dma_start3A_187 = tpu.memref_slice %arg2[%dma_start3A_182, %mul3A_2] : memref<50x16384xi32, #tpu.memory_space<hbm>> -> memref<1x512xi32, #tpu.memory_space<hbm>>
    %dma_start3A_188 = tpu.memref_squeeze %dma_start3A_187 : memref<1x512xi32, #tpu.memory_space<hbm>> -> memref<512xi32, #tpu.memory_space<hbm>>
    %dma_start3A_189 = arith.constant 0 : i32
    %dma_start3A_190 = tpu.memref_slice %arg4[%dma_start3A_183, %dma_start3A_189] : memref<50x512xi32, #tpu.memory_space<vmem>> -> memref<1x512xi32, #tpu.memory_space<vmem>>
    %dma_start3A_191 = tpu.memref_squeeze %dma_start3A_190 : memref<1x512xi32, #tpu.memory_space<vmem>> -> memref<512xi32, #tpu.memory_space<vmem>>
    %dma_start3A_192 = tpu.memref_slice %arg2[%dma_start3A_182, %mul3A_2] : memref<50x16384xi32, #tpu.memory_space<hbm>> -> memref<1x512xi32, #tpu.memory_space<hbm>>
    %dma_start3A_193 = tpu.memref_squeeze %dma_start3A_192 : memref<1x512xi32, #tpu.memory_space<hbm>> -> memref<512xi32, #tpu.memory_space<hbm>>
    tpu.enqueue_dma source(%dma_start3A_193 : memref<512xi32, #tpu.memory_space<hbm>>) target(%dma_start3A_191 : memref<512xi32, #tpu.memory_space<vmem>>) target_semaphore(%arg6 : memref<!tpu.dma_semaphore, #tpu.memory_space<semaphore_mem>>)
    %dma_start3A_194 = arith.constant 16 : i32
    %dma_start3A_195 = arith.constant 16 : i32
    %dma_start3A_196 = arith.constant 0 : i32
    %dma_start3A_197 = tpu.memref_slice %arg4[%dma_start3A_195, %dma_start3A_196] : memref<50x512xi32, #tpu.memory_space<vmem>> -> memref<1x512xi32, #tpu.memory_space<vmem>>
    %dma_start3A_198 = tpu.memref_squeeze %dma_start3A_197 : memref<1x512xi32, #tpu.memory_space<vmem>> -> memref<512xi32, #tpu.memory_space<vmem>>
    %dma_start3A_199 = tpu.memref_slice %arg2[%dma_start3A_194, %mul3A_2] : memref<50x16384xi32, #tpu.memory_space<hbm>> -> memref<1x512xi32, #tpu.memory_space<hbm>>
    %dma_start3A_200 = tpu.memref_squeeze %dma_start3A_199 : memref<1x512xi32, #tpu.memory_space<hbm>> -> memref<512xi32, #tpu.memory_space<hbm>>
    %dma_start3A_201 = arith.constant 0 : i32
    %dma_start3A_202 = tpu.memref_slice %arg4[%dma_start3A_195, %dma_start3A_201] : memref<50x512xi32, #tpu.memory_space<vmem>> -> memref<1x512xi32, #tpu.memory_space<vmem>>
    %dma_start3A_203 = tpu.memref_squeeze %dma_start3A_202 : memref<1x512xi32, #tpu.memory_space<vmem>> -> memref<512xi32, #tpu.memory_space<vmem>>
    %dma_start3A_204 = tpu.memref_slice %arg2[%dma_start3A_194, %mul3A_2] : memref<50x16384xi32, #tpu.memory_space<hbm>> -> memref<1x512xi32, #tpu.memory_space<hbm>>
    %dma_start3A_205 = tpu.memref_squeeze %dma_start3A_204 : memref<1x512xi32, #tpu.memory_space<hbm>> -> memref<512xi32, #tpu.memory_space<hbm>>
    tpu.enqueue_dma source(%dma_start3A_205 : memref<512xi32, #tpu.memory_space<hbm>>) target(%dma_start3A_203 : memref<512xi32, #tpu.memory_space<vmem>>) target_semaphore(%arg6 : memref<!tpu.dma_semaphore, #tpu.memory_space<semaphore_mem>>)
    %dma_start3A_206 = arith.constant 17 : i32
    %dma_start3A_207 = arith.constant 17 : i32
    %dma_start3A_208 = arith.constant 0 : i32
    %dma_start3A_209 = tpu.memref_slice %arg4[%dma_start3A_207, %dma_start3A_208] : memref<50x512xi32, #tpu.memory_space<vmem>> -> memref<1x512xi32, #tpu.memory_space<vmem>>
    %dma_start3A_210 = tpu.memref_squeeze %dma_start3A_209 : memref<1x512xi32, #tpu.memory_space<vmem>> -> memref<512xi32, #tpu.memory_space<vmem>>
    %dma_start3A_211 = tpu.memref_slice %arg2[%dma_start3A_206, %mul3A_2] : memref<50x16384xi32, #tpu.memory_space<hbm>> -> memref<1x512xi32, #tpu.memory_space<hbm>>
    %dma_start3A_212 = tpu.memref_squeeze %dma_start3A_211 : memref<1x512xi32, #tpu.memory_space<hbm>> -> memref<512xi32, #tpu.memory_space<hbm>>
    %dma_start3A_213 = arith.constant 0 : i32
    %dma_start3A_214 = tpu.memref_slice %arg4[%dma_start3A_207, %dma_start3A_213] : memref<50x512xi32, #tpu.memory_space<vmem>> -> memref<1x512xi32, #tpu.memory_space<vmem>>
    %dma_start3A_215 = tpu.memref_squeeze %dma_start3A_214 : memref<1x512xi32, #tpu.memory_space<vmem>> -> memref<512xi32, #tpu.memory_space<vmem>>
    %dma_start3A_216 = tpu.memref_slice %arg2[%dma_start3A_206, %mul3A_2] : memref<50x16384xi32, #tpu.memory_space<hbm>> -> memref<1x512xi32, #tpu.memory_space<hbm>>
    %dma_start3A_217 = tpu.memref_squeeze %dma_start3A_216 : memref<1x512xi32, #tpu.memory_space<hbm>> -> memref<512xi32, #tpu.memory_space<hbm>>
    tpu.enqueue_dma source(%dma_start3A_217 : memref<512xi32, #tpu.memory_space<hbm>>) target(%dma_start3A_215 : memref<512xi32, #tpu.memory_space<vmem>>) target_semaphore(%arg6 : memref<!tpu.dma_semaphore, #tpu.memory_space<semaphore_mem>>)
    %dma_start3A_218 = arith.constant 18 : i32
    %dma_start3A_219 = arith.constant 18 : i32
    %dma_start3A_220 = arith.constant 0 : i32
    %dma_start3A_221 = tpu.memref_slice %arg4[%dma_start3A_219, %dma_start3A_220] : memref<50x512xi32, #tpu.memory_space<vmem>> -> memref<1x512xi32, #tpu.memory_space<vmem>>
    %dma_start3A_222 = tpu.memref_squeeze %dma_start3A_221 : memref<1x512xi32, #tpu.memory_space<vmem>> -> memref<512xi32, #tpu.memory_space<vmem>>
    %dma_start3A_223 = tpu.memref_slice %arg2[%dma_start3A_218, %mul3A_2] : memref<50x16384xi32, #tpu.memory_space<hbm>> -> memref<1x512xi32, #tpu.memory_space<hbm>>
    %dma_start3A_224 = tpu.memref_squeeze %dma_start3A_223 : memref<1x512xi32, #tpu.memory_space<hbm>> -> memref<512xi32, #tpu.memory_space<hbm>>
    %dma_start3A_225 = arith.constant 0 : i32
    %dma_start3A_226 = tpu.memref_slice %arg4[%dma_start3A_219, %dma_start3A_225] : memref<50x512xi32, #tpu.memory_space<vmem>> -> memref<1x512xi32, #tpu.memory_space<vmem>>
    %dma_start3A_227 = tpu.memref_squeeze %dma_start3A_226 : memref<1x512xi32, #tpu.memory_space<vmem>> -> memref<512xi32, #tpu.memory_space<vmem>>
    %dma_start3A_228 = tpu.memref_slice %arg2[%dma_start3A_218, %mul3A_2] : memref<50x16384xi32, #tpu.memory_space<hbm>> -> memref<1x512xi32, #tpu.memory_space<hbm>>
    %dma_start3A_229 = tpu.memref_squeeze %dma_start3A_228 : memref<1x512xi32, #tpu.memory_space<hbm>> -> memref<512xi32, #tpu.memory_space<hbm>>
    tpu.enqueue_dma source(%dma_start3A_229 : memref<512xi32, #tpu.memory_space<hbm>>) target(%dma_start3A_227 : memref<512xi32, #tpu.memory_space<vmem>>) target_semaphore(%arg6 : memref<!tpu.dma_semaphore, #tpu.memory_space<semaphore_mem>>)
    %dma_start3A_230 = arith.constant 19 : i32
    %dma_start3A_231 = arith.constant 19 : i32
    %dma_start3A_232 = arith.constant 0 : i32
    %dma_start3A_233 = tpu.memref_slice %arg4[%dma_start3A_231, %dma_start3A_232] : memref<50x512xi32, #tpu.memory_space<vmem>> -> memref<1x512xi32, #tpu.memory_space<vmem>>
    %dma_start3A_234 = tpu.memref_squeeze %dma_start3A_233 : memref<1x512xi32, #tpu.memory_space<vmem>> -> memref<512xi32, #tpu.memory_space<vmem>>
    %dma_start3A_235 = tpu.memref_slice %arg2[%dma_start3A_230, %mul3A_2] : memref<50x16384xi32, #tpu.memory_space<hbm>> -> memref<1x512xi32, #tpu.memory_space<hbm>>
    %dma_start3A_236 = tpu.memref_squeeze %dma_start3A_235 : memref<1x512xi32, #tpu.memory_space<hbm>> -> memref<512xi32, #tpu.memory_space<hbm>>
    %dma_start3A_237 = arith.constant 0 : i32
    %dma_start3A_238 = tpu.memref_slice %arg4[%dma_start3A_231, %dma_start3A_237] : memref<50x512xi32, #tpu.memory_space<vmem>> -> memref<1x512xi32, #tpu.memory_space<vmem>>
    %dma_start3A_239 = tpu.memref_squeeze %dma_start3A_238 : memref<1x512xi32, #tpu.memory_space<vmem>> -> memref<512xi32, #tpu.memory_space<vmem>>
    %dma_start3A_240 = tpu.memref_slice %arg2[%dma_start3A_230, %mul3A_2] : memref<50x16384xi32, #tpu.memory_space<hbm>> -> memref<1x512xi32, #tpu.memory_space<hbm>>
    %dma_start3A_241 = tpu.memref_squeeze %dma_start3A_240 : memref<1x512xi32, #tpu.memory_space<hbm>> -> memref<512xi32, #tpu.memory_space<hbm>>
    tpu.enqueue_dma source(%dma_start3A_241 : memref<512xi32, #tpu.memory_space<hbm>>) target(%dma_start3A_239 : memref<512xi32, #tpu.memory_space<vmem>>) target_semaphore(%arg6 : memref<!tpu.dma_semaphore, #tpu.memory_space<semaphore_mem>>)
    %dma_start3A_242 = arith.constant 20 : i32
    %dma_start3A_243 = arith.constant 20 : i32
    %dma_start3A_244 = arith.constant 0 : i32
    %dma_start3A_245 = tpu.memref_slice %arg4[%dma_start3A_243, %dma_start3A_244] : memref<50x512xi32, #tpu.memory_space<vmem>> -> memref<1x512xi32, #tpu.memory_space<vmem>>
    %dma_start3A_246 = tpu.memref_squeeze %dma_start3A_245 : memref<1x512xi32, #tpu.memory_space<vmem>> -> memref<512xi32, #tpu.memory_space<vmem>>
    %dma_start3A_247 = tpu.memref_slice %arg2[%dma_start3A_242, %mul3A_2] : memref<50x16384xi32, #tpu.memory_space<hbm>> -> memref<1x512xi32, #tpu.memory_space<hbm>>
    %dma_start3A_248 = tpu.memref_squeeze %dma_start3A_247 : memref<1x512xi32, #tpu.memory_space<hbm>> -> memref<512xi32, #tpu.memory_space<hbm>>
    %dma_start3A_249 = arith.constant 0 : i32
    %dma_start3A_250 = tpu.memref_slice %arg4[%dma_start3A_243, %dma_start3A_249] : memref<50x512xi32, #tpu.memory_space<vmem>> -> memref<1x512xi32, #tpu.memory_space<vmem>>
    %dma_start3A_251 = tpu.memref_squeeze %dma_start3A_250 : memref<1x512xi32, #tpu.memory_space<vmem>> -> memref<512xi32, #tpu.memory_space<vmem>>
    %dma_start3A_252 = tpu.memref_slice %arg2[%dma_start3A_242, %mul3A_2] : memref<50x16384xi32, #tpu.memory_space<hbm>> -> memref<1x512xi32, #tpu.memory_space<hbm>>
    %dma_start3A_253 = tpu.memref_squeeze %dma_start3A_252 : memref<1x512xi32, #tpu.memory_space<hbm>> -> memref<512xi32, #tpu.memory_space<hbm>>
    tpu.enqueue_dma source(%dma_start3A_253 : memref<512xi32, #tpu.memory_space<hbm>>) target(%dma_start3A_251 : memref<512xi32, #tpu.memory_space<vmem>>) target_semaphore(%arg6 : memref<!tpu.dma_semaphore, #tpu.memory_space<semaphore_mem>>)
    %dma_start3A_254 = arith.constant 21 : i32
    %dma_start3A_255 = arith.constant 21 : i32
    %dma_start3A_256 = arith.constant 0 : i32
    %dma_start3A_257 = tpu.memref_slice %arg4[%dma_start3A_255, %dma_start3A_256] : memref<50x512xi32, #tpu.memory_space<vmem>> -> memref<1x512xi32, #tpu.memory_space<vmem>>
    %dma_start3A_258 = tpu.memref_squeeze %dma_start3A_257 : memref<1x512xi32, #tpu.memory_space<vmem>> -> memref<512xi32, #tpu.memory_space<vmem>>
    %dma_start3A_259 = tpu.memref_slice %arg2[%dma_start3A_254, %mul3A_2] : memref<50x16384xi32, #tpu.memory_space<hbm>> -> memref<1x512xi32, #tpu.memory_space<hbm>>
    %dma_start3A_260 = tpu.memref_squeeze %dma_start3A_259 : memref<1x512xi32, #tpu.memory_space<hbm>> -> memref<512xi32, #tpu.memory_space<hbm>>
    %dma_start3A_261 = arith.constant 0 : i32
    %dma_start3A_262 = tpu.memref_slice %arg4[%dma_start3A_255, %dma_start3A_261] : memref<50x512xi32, #tpu.memory_space<vmem>> -> memref<1x512xi32, #tpu.memory_space<vmem>>
    %dma_start3A_263 = tpu.memref_squeeze %dma_start3A_262 : memref<1x512xi32, #tpu.memory_space<vmem>> -> memref<512xi32, #tpu.memory_space<vmem>>
    %dma_start3A_264 = tpu.memref_slice %arg2[%dma_start3A_254, %mul3A_2] : memref<50x16384xi32, #tpu.memory_space<hbm>> -> memref<1x512xi32, #tpu.memory_space<hbm>>
    %dma_start3A_265 = tpu.memref_squeeze %dma_start3A_264 : memref<1x512xi32, #tpu.memory_space<hbm>> -> memref<512xi32, #tpu.memory_space<hbm>>
    tpu.enqueue_dma source(%dma_start3A_265 : memref<512xi32, #tpu.memory_space<hbm>>) target(%dma_start3A_263 : memref<512xi32, #tpu.memory_space<vmem>>) target_semaphore(%arg6 : memref<!tpu.dma_semaphore, #tpu.memory_space<semaphore_mem>>)
    %dma_start3A_266 = arith.constant 22 : i32
    %dma_start3A_267 = arith.constant 22 : i32
    %dma_start3A_268 = arith.constant 0 : i32
    %dma_start3A_269 = tpu.memref_slice %arg4[%dma_start3A_267, %dma_start3A_268] : memref<50x512xi32, #tpu.memory_space<vmem>> -> memref<1x512xi32, #tpu.memory_space<vmem>>
    %dma_start3A_270 = tpu.memref_squeeze %dma_start3A_269 : memref<1x512xi32, #tpu.memory_space<vmem>> -> memref<512xi32, #tpu.memory_space<vmem>>
    %dma_start3A_271 = tpu.memref_slice %arg2[%dma_start3A_266, %mul3A_2] : memref<50x16384xi32, #tpu.memory_space<hbm>> -> memref<1x512xi32, #tpu.memory_space<hbm>>
    %dma_start3A_272 = tpu.memref_squeeze %dma_start3A_271 : memref<1x512xi32, #tpu.memory_space<hbm>> -> memref<512xi32, #tpu.memory_space<hbm>>
    %dma_start3A_273 = arith.constant 0 : i32
    %dma_start3A_274 = tpu.memref_slice %arg4[%dma_start3A_267, %dma_start3A_273] : memref<50x512xi32, #tpu.memory_space<vmem>> -> memref<1x512xi32, #tpu.memory_space<vmem>>
    %dma_start3A_275 = tpu.memref_squeeze %dma_start3A_274 : memref<1x512xi32, #tpu.memory_space<vmem>> -> memref<512xi32, #tpu.memory_space<vmem>>
    %dma_start3A_276 = tpu.memref_slice %arg2[%dma_start3A_266, %mul3A_2] : memref<50x16384xi32, #tpu.memory_space<hbm>> -> memref<1x512xi32, #tpu.memory_space<hbm>>
    %dma_start3A_277 = tpu.memref_squeeze %dma_start3A_276 : memref<1x512xi32, #tpu.memory_space<hbm>> -> memref<512xi32, #tpu.memory_space<hbm>>
    tpu.enqueue_dma source(%dma_start3A_277 : memref<512xi32, #tpu.memory_space<hbm>>) target(%dma_start3A_275 : memref<512xi32, #tpu.memory_space<vmem>>) target_semaphore(%arg6 : memref<!tpu.dma_semaphore, #tpu.memory_space<semaphore_mem>>)
    %dma_start3A_278 = arith.constant 23 : i32
    %dma_start3A_279 = arith.constant 23 : i32
    %dma_start3A_280 = arith.constant 0 : i32
    %dma_start3A_281 = tpu.memref_slice %arg4[%dma_start3A_279, %dma_start3A_280] : memref<50x512xi32, #tpu.memory_space<vmem>> -> memref<1x512xi32, #tpu.memory_space<vmem>>
    %dma_start3A_282 = tpu.memref_squeeze %dma_start3A_281 : memref<1x512xi32, #tpu.memory_space<vmem>> -> memref<512xi32, #tpu.memory_space<vmem>>
    %dma_start3A_283 = tpu.memref_slice %arg2[%dma_start3A_278, %mul3A_2] : memref<50x16384xi32, #tpu.memory_space<hbm>> -> memref<1x512xi32, #tpu.memory_space<hbm>>
    %dma_start3A_284 = tpu.memref_squeeze %dma_start3A_283 : memref<1x512xi32, #tpu.memory_space<hbm>> -> memref<512xi32, #tpu.memory_space<hbm>>
    %dma_start3A_285 = arith.constant 0 : i32
    %dma_start3A_286 = tpu.memref_slice %arg4[%dma_start3A_279, %dma_start3A_285] : memref<50x512xi32, #tpu.memory_space<vmem>> -> memref<1x512xi32, #tpu.memory_space<vmem>>
    %dma_start3A_287 = tpu.memref_squeeze %dma_start3A_286 : memref<1x512xi32, #tpu.memory_space<vmem>> -> memref<512xi32, #tpu.memory_space<vmem>>
    %dma_start3A_288 = tpu.memref_slice %arg2[%dma_start3A_278, %mul3A_2] : memref<50x16384xi32, #tpu.memory_space<hbm>> -> memref<1x512xi32, #tpu.memory_space<hbm>>
    %dma_start3A_289 = tpu.memref_squeeze %dma_start3A_288 : memref<1x512xi32, #tpu.memory_space<hbm>> -> memref<512xi32, #tpu.memory_space<hbm>>
    tpu.enqueue_dma source(%dma_start3A_289 : memref<512xi32, #tpu.memory_space<hbm>>) target(%dma_start3A_287 : memref<512xi32, #tpu.memory_space<vmem>>) target_semaphore(%arg6 : memref<!tpu.dma_semaphore, #tpu.memory_space<semaphore_mem>>)
    %dma_start3A_290 = arith.constant 24 : i32
    %dma_start3A_291 = arith.constant 24 : i32
    %dma_start3A_292 = arith.constant 0 : i32
    %dma_start3A_293 = tpu.memref_slice %arg4[%dma_start3A_291, %dma_start3A_292] : memref<50x512xi32, #tpu.memory_space<vmem>> -> memref<1x512xi32, #tpu.memory_space<vmem>>
    %dma_start3A_294 = tpu.memref_squeeze %dma_start3A_293 : memref<1x512xi32, #tpu.memory_space<vmem>> -> memref<512xi32, #tpu.memory_space<vmem>>
    %dma_start3A_295 = tpu.memref_slice %arg2[%dma_start3A_290, %mul3A_2] : memref<50x16384xi32, #tpu.memory_space<hbm>> -> memref<1x512xi32, #tpu.memory_space<hbm>>
    %dma_start3A_296 = tpu.memref_squeeze %dma_start3A_295 : memref<1x512xi32, #tpu.memory_space<hbm>> -> memref<512xi32, #tpu.memory_space<hbm>>
    %dma_start3A_297 = arith.constant 0 : i32
    %dma_start3A_298 = tpu.memref_slice %arg4[%dma_start3A_291, %dma_start3A_297] : memref<50x512xi32, #tpu.memory_space<vmem>> -> memref<1x512xi32, #tpu.memory_space<vmem>>
    %dma_start3A_299 = tpu.memref_squeeze %dma_start3A_298 : memref<1x512xi32, #tpu.memory_space<vmem>> -> memref<512xi32, #tpu.memory_space<vmem>>
    %dma_start3A_300 = tpu.memref_slice %arg2[%dma_start3A_290, %mul3A_2] : memref<50x16384xi32, #tpu.memory_space<hbm>> -> memref<1x512xi32, #tpu.memory_space<hbm>>
    %dma_start3A_301 = tpu.memref_squeeze %dma_start3A_300 : memref<1x512xi32, #tpu.memory_space<hbm>> -> memref<512xi32, #tpu.memory_space<hbm>>
    tpu.enqueue_dma source(%dma_start3A_301 : memref<512xi32, #tpu.memory_space<hbm>>) target(%dma_start3A_299 : memref<512xi32, #tpu.memory_space<vmem>>) target_semaphore(%arg6 : memref<!tpu.dma_semaphore, #tpu.memory_space<semaphore_mem>>)
    %dma_start3A_302 = arith.constant 25 : i32
    %dma_start3A_303 = arith.constant 25 : i32
    %dma_start3A_304 = arith.constant 0 : i32
    %dma_start3A_305 = tpu.memref_slice %arg4[%dma_start3A_303, %dma_start3A_304] : memref<50x512xi32, #tpu.memory_space<vmem>> -> memref<1x512xi32, #tpu.memory_space<vmem>>
    %dma_start3A_306 = tpu.memref_squeeze %dma_start3A_305 : memref<1x512xi32, #tpu.memory_space<vmem>> -> memref<512xi32, #tpu.memory_space<vmem>>
    %dma_start3A_307 = tpu.memref_slice %arg2[%dma_start3A_302, %mul3A_2] : memref<50x16384xi32, #tpu.memory_space<hbm>> -> memref<1x512xi32, #tpu.memory_space<hbm>>
    %dma_start3A_308 = tpu.memref_squeeze %dma_start3A_307 : memref<1x512xi32, #tpu.memory_space<hbm>> -> memref<512xi32, #tpu.memory_space<hbm>>
    %dma_start3A_309 = arith.constant 0 : i32
    %dma_start3A_310 = tpu.memref_slice %arg4[%dma_start3A_303, %dma_start3A_309] : memref<50x512xi32, #tpu.memory_space<vmem>> -> memref<1x512xi32, #tpu.memory_space<vmem>>
    %dma_start3A_311 = tpu.memref_squeeze %dma_start3A_310 : memref<1x512xi32, #tpu.memory_space<vmem>> -> memref<512xi32, #tpu.memory_space<vmem>>
    %dma_start3A_312 = tpu.memref_slice %arg2[%dma_start3A_302, %mul3A_2] : memref<50x16384xi32, #tpu.memory_space<hbm>> -> memref<1x512xi32, #tpu.memory_space<hbm>>
    %dma_start3A_313 = tpu.memref_squeeze %dma_start3A_312 : memref<1x512xi32, #tpu.memory_space<hbm>> -> memref<512xi32, #tpu.memory_space<hbm>>
    tpu.enqueue_dma source(%dma_start3A_313 : memref<512xi32, #tpu.memory_space<hbm>>) target(%dma_start3A_311 : memref<512xi32, #tpu.memory_space<vmem>>) target_semaphore(%arg6 : memref<!tpu.dma_semaphore, #tpu.memory_space<semaphore_mem>>)
    %dma_start3A_314 = arith.constant 26 : i32
    %dma_start3A_315 = arith.constant 26 : i32
    %dma_start3A_316 = arith.constant 0 : i32
    %dma_start3A_317 = tpu.memref_slice %arg4[%dma_start3A_315, %dma_start3A_316] : memref<50x512xi32, #tpu.memory_space<vmem>> -> memref<1x512xi32, #tpu.memory_space<vmem>>
    %dma_start3A_318 = tpu.memref_squeeze %dma_start3A_317 : memref<1x512xi32, #tpu.memory_space<vmem>> -> memref<512xi32, #tpu.memory_space<vmem>>
    %dma_start3A_319 = tpu.memref_slice %arg2[%dma_start3A_314, %mul3A_2] : memref<50x16384xi32, #tpu.memory_space<hbm>> -> memref<1x512xi32, #tpu.memory_space<hbm>>
    %dma_start3A_320 = tpu.memref_squeeze %dma_start3A_319 : memref<1x512xi32, #tpu.memory_space<hbm>> -> memref<512xi32, #tpu.memory_space<hbm>>
    %dma_start3A_321 = arith.constant 0 : i32
    %dma_start3A_322 = tpu.memref_slice %arg4[%dma_start3A_315, %dma_start3A_321] : memref<50x512xi32, #tpu.memory_space<vmem>> -> memref<1x512xi32, #tpu.memory_space<vmem>>
    %dma_start3A_323 = tpu.memref_squeeze %dma_start3A_322 : memref<1x512xi32, #tpu.memory_space<vmem>> -> memref<512xi32, #tpu.memory_space<vmem>>
    %dma_start3A_324 = tpu.memref_slice %arg2[%dma_start3A_314, %mul3A_2] : memref<50x16384xi32, #tpu.memory_space<hbm>> -> memref<1x512xi32, #tpu.memory_space<hbm>>
    %dma_start3A_325 = tpu.memref_squeeze %dma_start3A_324 : memref<1x512xi32, #tpu.memory_space<hbm>> -> memref<512xi32, #tpu.memory_space<hbm>>
    tpu.enqueue_dma source(%dma_start3A_325 : memref<512xi32, #tpu.memory_space<hbm>>) target(%dma_start3A_323 : memref<512xi32, #tpu.memory_space<vmem>>) target_semaphore(%arg6 : memref<!tpu.dma_semaphore, #tpu.memory_space<semaphore_mem>>)
    %dma_start3A_326 = arith.constant 27 : i32
    %dma_start3A_327 = arith.constant 27 : i32
    %dma_start3A_328 = arith.constant 0 : i32
    %dma_start3A_329 = tpu.memref_slice %arg4[%dma_start3A_327, %dma_start3A_328] : memref<50x512xi32, #tpu.memory_space<vmem>> -> memref<1x512xi32, #tpu.memory_space<vmem>>
    %dma_start3A_330 = tpu.memref_squeeze %dma_start3A_329 : memref<1x512xi32, #tpu.memory_space<vmem>> -> memref<512xi32, #tpu.memory_space<vmem>>
    %dma_start3A_331 = tpu.memref_slice %arg2[%dma_start3A_326, %mul3A_2] : memref<50x16384xi32, #tpu.memory_space<hbm>> -> memref<1x512xi32, #tpu.memory_space<hbm>>
    %dma_start3A_332 = tpu.memref_squeeze %dma_start3A_331 : memref<1x512xi32, #tpu.memory_space<hbm>> -> memref<512xi32, #tpu.memory_space<hbm>>
    %dma_start3A_333 = arith.constant 0 : i32
    %dma_start3A_334 = tpu.memref_slice %arg4[%dma_start3A_327, %dma_start3A_333] : memref<50x512xi32, #tpu.memory_space<vmem>> -> memref<1x512xi32, #tpu.memory_space<vmem>>
    %dma_start3A_335 = tpu.memref_squeeze %dma_start3A_334 : memref<1x512xi32, #tpu.memory_space<vmem>> -> memref<512xi32, #tpu.memory_space<vmem>>
    %dma_start3A_336 = tpu.memref_slice %arg2[%dma_start3A_326, %mul3A_2] : memref<50x16384xi32, #tpu.memory_space<hbm>> -> memref<1x512xi32, #tpu.memory_space<hbm>>
    %dma_start3A_337 = tpu.memref_squeeze %dma_start3A_336 : memref<1x512xi32, #tpu.memory_space<hbm>> -> memref<512xi32, #tpu.memory_space<hbm>>
    tpu.enqueue_dma source(%dma_start3A_337 : memref<512xi32, #tpu.memory_space<hbm>>) target(%dma_start3A_335 : memref<512xi32, #tpu.memory_space<vmem>>) target_semaphore(%arg6 : memref<!tpu.dma_semaphore, #tpu.memory_space<semaphore_mem>>)
    %dma_start3A_338 = arith.constant 28 : i32
    %dma_start3A_339 = arith.constant 28 : i32
    %dma_start3A_340 = arith.constant 0 : i32
    %dma_start3A_341 = tpu.memref_slice %arg4[%dma_start3A_339, %dma_start3A_340] : memref<50x512xi32, #tpu.memory_space<vmem>> -> memref<1x512xi32, #tpu.memory_space<vmem>>
    %dma_start3A_342 = tpu.memref_squeeze %dma_start3A_341 : memref<1x512xi32, #tpu.memory_space<vmem>> -> memref<512xi32, #tpu.memory_space<vmem>>
    %dma_start3A_343 = tpu.memref_slice %arg2[%dma_start3A_338, %mul3A_2] : memref<50x16384xi32, #tpu.memory_space<hbm>> -> memref<1x512xi32, #tpu.memory_space<hbm>>
    %dma_start3A_344 = tpu.memref_squeeze %dma_start3A_343 : memref<1x512xi32, #tpu.memory_space<hbm>> -> memref<512xi32, #tpu.memory_space<hbm>>
    %dma_start3A_345 = arith.constant 0 : i32
    %dma_start3A_346 = tpu.memref_slice %arg4[%dma_start3A_339, %dma_start3A_345] : memref<50x512xi32, #tpu.memory_space<vmem>> -> memref<1x512xi32, #tpu.memory_space<vmem>>
    %dma_start3A_347 = tpu.memref_squeeze %dma_start3A_346 : memref<1x512xi32, #tpu.memory_space<vmem>> -> memref<512xi32, #tpu.memory_space<vmem>>
    %dma_start3A_348 = tpu.memref_slice %arg2[%dma_start3A_338, %mul3A_2] : memref<50x16384xi32, #tpu.memory_space<hbm>> -> memref<1x512xi32, #tpu.memory_space<hbm>>
    %dma_start3A_349 = tpu.memref_squeeze %dma_start3A_348 : memref<1x512xi32, #tpu.memory_space<hbm>> -> memref<512xi32, #tpu.memory_space<hbm>>
    tpu.enqueue_dma source(%dma_start3A_349 : memref<512xi32, #tpu.memory_space<hbm>>) target(%dma_start3A_347 : memref<512xi32, #tpu.memory_space<vmem>>) target_semaphore(%arg6 : memref<!tpu.dma_semaphore, #tpu.memory_space<semaphore_mem>>)
    %dma_start3A_350 = arith.constant 29 : i32
    %dma_start3A_351 = arith.constant 29 : i32
    %dma_start3A_352 = arith.constant 0 : i32
    %dma_start3A_353 = tpu.memref_slice %arg4[%dma_start3A_351, %dma_start3A_352] : memref<50x512xi32, #tpu.memory_space<vmem>> -> memref<1x512xi32, #tpu.memory_space<vmem>>
    %dma_start3A_354 = tpu.memref_squeeze %dma_start3A_353 : memref<1x512xi32, #tpu.memory_space<vmem>> -> memref<512xi32, #tpu.memory_space<vmem>>
    %dma_start3A_355 = tpu.memref_slice %arg2[%dma_start3A_350, %mul3A_2] : memref<50x16384xi32, #tpu.memory_space<hbm>> -> memref<1x512xi32, #tpu.memory_space<hbm>>
    %dma_start3A_356 = tpu.memref_squeeze %dma_start3A_355 : memref<1x512xi32, #tpu.memory_space<hbm>> -> memref<512xi32, #tpu.memory_space<hbm>>
    %dma_start3A_357 = arith.constant 0 : i32
    %dma_start3A_358 = tpu.memref_slice %arg4[%dma_start3A_351, %dma_start3A_357] : memref<50x512xi32, #tpu.memory_space<vmem>> -> memref<1x512xi32, #tpu.memory_space<vmem>>
    %dma_start3A_359 = tpu.memref_squeeze %dma_start3A_358 : memref<1x512xi32, #tpu.memory_space<vmem>> -> memref<512xi32, #tpu.memory_space<vmem>>
    %dma_start3A_360 = tpu.memref_slice %arg2[%dma_start3A_350, %mul3A_2] : memref<50x16384xi32, #tpu.memory_space<hbm>> -> memref<1x512xi32, #tpu.memory_space<hbm>>
    %dma_start3A_361 = tpu.memref_squeeze %dma_start3A_360 : memref<1x512xi32, #tpu.memory_space<hbm>> -> memref<512xi32, #tpu.memory_space<hbm>>
    tpu.enqueue_dma source(%dma_start3A_361 : memref<512xi32, #tpu.memory_space<hbm>>) target(%dma_start3A_359 : memref<512xi32, #tpu.memory_space<vmem>>) target_semaphore(%arg6 : memref<!tpu.dma_semaphore, #tpu.memory_space<semaphore_mem>>)
    %dma_start3A_362 = arith.constant 30 : i32
    %dma_start3A_363 = arith.constant 30 : i32
    %dma_start3A_364 = arith.constant 0 : i32
    %dma_start3A_365 = tpu.memref_slice %arg4[%dma_start3A_363, %dma_start3A_364] : memref<50x512xi32, #tpu.memory_space<vmem>> -> memref<1x512xi32, #tpu.memory_space<vmem>>
    %dma_start3A_366 = tpu.memref_squeeze %dma_start3A_365 : memref<1x512xi32, #tpu.memory_space<vmem>> -> memref<512xi32, #tpu.memory_space<vmem>>
    %dma_start3A_367 = tpu.memref_slice %arg2[%dma_start3A_362, %mul3A_2] : memref<50x16384xi32, #tpu.memory_space<hbm>> -> memref<1x512xi32, #tpu.memory_space<hbm>>
    %dma_start3A_368 = tpu.memref_squeeze %dma_start3A_367 : memref<1x512xi32, #tpu.memory_space<hbm>> -> memref<512xi32, #tpu.memory_space<hbm>>
    %dma_start3A_369 = arith.constant 0 : i32
    %dma_start3A_370 = tpu.memref_slice %arg4[%dma_start3A_363, %dma_start3A_369] : memref<50x512xi32, #tpu.memory_space<vmem>> -> memref<1x512xi32, #tpu.memory_space<vmem>>
    %dma_start3A_371 = tpu.memref_squeeze %dma_start3A_370 : memref<1x512xi32, #tpu.memory_space<vmem>> -> memref<512xi32, #tpu.memory_space<vmem>>
    %dma_start3A_372 = tpu.memref_slice %arg2[%dma_start3A_362, %mul3A_2] : memref<50x16384xi32, #tpu.memory_space<hbm>> -> memref<1x512xi32, #tpu.memory_space<hbm>>
    %dma_start3A_373 = tpu.memref_squeeze %dma_start3A_372 : memref<1x512xi32, #tpu.memory_space<hbm>> -> memref<512xi32, #tpu.memory_space<hbm>>
    tpu.enqueue_dma source(%dma_start3A_373 : memref<512xi32, #tpu.memory_space<hbm>>) target(%dma_start3A_371 : memref<512xi32, #tpu.memory_space<vmem>>) target_semaphore(%arg6 : memref<!tpu.dma_semaphore, #tpu.memory_space<semaphore_mem>>)
    %dma_start3A_374 = arith.constant 31 : i32
    %dma_start3A_375 = arith.constant 31 : i32
    %dma_start3A_376 = arith.constant 0 : i32
    %dma_start3A_377 = tpu.memref_slice %arg4[%dma_start3A_375, %dma_start3A_376] : memref<50x512xi32, #tpu.memory_space<vmem>> -> memref<1x512xi32, #tpu.memory_space<vmem>>
    %dma_start3A_378 = tpu.memref_squeeze %dma_start3A_377 : memref<1x512xi32, #tpu.memory_space<vmem>> -> memref<512xi32, #tpu.memory_space<vmem>>
    %dma_start3A_379 = tpu.memref_slice %arg2[%dma_start3A_374, %mul3A_2] : memref<50x16384xi32, #tpu.memory_space<hbm>> -> memref<1x512xi32, #tpu.memory_space<hbm>>
    %dma_start3A_380 = tpu.memref_squeeze %dma_start3A_379 : memref<1x512xi32, #tpu.memory_space<hbm>> -> memref<512xi32, #tpu.memory_space<hbm>>
    %dma_start3A_381 = arith.constant 0 : i32
    %dma_start3A_382 = tpu.memref_slice %arg4[%dma_start3A_375, %dma_start3A_381] : memref<50x512xi32, #tpu.memory_space<vmem>> -> memref<1x512xi32, #tpu.memory_space<vmem>>
    %dma_start3A_383 = tpu.memref_squeeze %dma_start3A_382 : memref<1x512xi32, #tpu.memory_space<vmem>> -> memref<512xi32, #tpu.memory_space<vmem>>
    %dma_start3A_384 = tpu.memref_slice %arg2[%dma_start3A_374, %mul3A_2] : memref<50x16384xi32, #tpu.memory_space<hbm>> -> memref<1x512xi32, #tpu.memory_space<hbm>>
    %dma_start3A_385 = tpu.memref_squeeze %dma_start3A_384 : memref<1x512xi32, #tpu.memory_space<hbm>> -> memref<512xi32, #tpu.memory_space<hbm>>
    tpu.enqueue_dma source(%dma_start3A_385 : memref<512xi32, #tpu.memory_space<hbm>>) target(%dma_start3A_383 : memref<512xi32, #tpu.memory_space<vmem>>) target_semaphore(%arg6 : memref<!tpu.dma_semaphore, #tpu.memory_space<semaphore_mem>>)
    %dma_start3A_386 = arith.constant 32 : i32
    %dma_start3A_387 = arith.constant 32 : i32
    %dma_start3A_388 = arith.constant 0 : i32
    %dma_start3A_389 = tpu.memref_slice %arg4[%dma_start3A_387, %dma_start3A_388] : memref<50x512xi32, #tpu.memory_space<vmem>> -> memref<1x512xi32, #tpu.memory_space<vmem>>
    %dma_start3A_390 = tpu.memref_squeeze %dma_start3A_389 : memref<1x512xi32, #tpu.memory_space<vmem>> -> memref<512xi32, #tpu.memory_space<vmem>>
    %dma_start3A_391 = tpu.memref_slice %arg2[%dma_start3A_386, %mul3A_2] : memref<50x16384xi32, #tpu.memory_space<hbm>> -> memref<1x512xi32, #tpu.memory_space<hbm>>
    %dma_start3A_392 = tpu.memref_squeeze %dma_start3A_391 : memref<1x512xi32, #tpu.memory_space<hbm>> -> memref<512xi32, #tpu.memory_space<hbm>>
    %dma_start3A_393 = arith.constant 0 : i32
    %dma_start3A_394 = tpu.memref_slice %arg4[%dma_start3A_387, %dma_start3A_393] : memref<50x512xi32, #tpu.memory_space<vmem>> -> memref<1x512xi32, #tpu.memory_space<vmem>>
    %dma_start3A_395 = tpu.memref_squeeze %dma_start3A_394 : memref<1x512xi32, #tpu.memory_space<vmem>> -> memref<512xi32, #tpu.memory_space<vmem>>
    %dma_start3A_396 = tpu.memref_slice %arg2[%dma_start3A_386, %mul3A_2] : memref<50x16384xi32, #tpu.memory_space<hbm>> -> memref<1x512xi32, #tpu.memory_space<hbm>>
    %dma_start3A_397 = tpu.memref_squeeze %dma_start3A_396 : memref<1x512xi32, #tpu.memory_space<hbm>> -> memref<512xi32, #tpu.memory_space<hbm>>
    tpu.enqueue_dma source(%dma_start3A_397 : memref<512xi32, #tpu.memory_space<hbm>>) target(%dma_start3A_395 : memref<512xi32, #tpu.memory_space<vmem>>) target_semaphore(%arg6 : memref<!tpu.dma_semaphore, #tpu.memory_space<semaphore_mem>>)
    %dma_start3A_398 = arith.constant 33 : i32
    %dma_start3A_399 = arith.constant 33 : i32
    %dma_start3A_400 = arith.constant 0 : i32
    %dma_start3A_401 = tpu.memref_slice %arg4[%dma_start3A_399, %dma_start3A_400] : memref<50x512xi32, #tpu.memory_space<vmem>> -> memref<1x512xi32, #tpu.memory_space<vmem>>
    %dma_start3A_402 = tpu.memref_squeeze %dma_start3A_401 : memref<1x512xi32, #tpu.memory_space<vmem>> -> memref<512xi32, #tpu.memory_space<vmem>>
    %dma_start3A_403 = tpu.memref_slice %arg2[%dma_start3A_398, %mul3A_2] : memref<50x16384xi32, #tpu.memory_space<hbm>> -> memref<1x512xi32, #tpu.memory_space<hbm>>
    %dma_start3A_404 = tpu.memref_squeeze %dma_start3A_403 : memref<1x512xi32, #tpu.memory_space<hbm>> -> memref<512xi32, #tpu.memory_space<hbm>>
    %dma_start3A_405 = arith.constant 0 : i32
    %dma_start3A_406 = tpu.memref_slice %arg4[%dma_start3A_399, %dma_start3A_405] : memref<50x512xi32, #tpu.memory_space<vmem>> -> memref<1x512xi32, #tpu.memory_space<vmem>>
    %dma_start3A_407 = tpu.memref_squeeze %dma_start3A_406 : memref<1x512xi32, #tpu.memory_space<vmem>> -> memref<512xi32, #tpu.memory_space<vmem>>
    %dma_start3A_408 = tpu.memref_slice %arg2[%dma_start3A_398, %mul3A_2] : memref<50x16384xi32, #tpu.memory_space<hbm>> -> memref<1x512xi32, #tpu.memory_space<hbm>>
    %dma_start3A_409 = tpu.memref_squeeze %dma_start3A_408 : memref<1x512xi32, #tpu.memory_space<hbm>> -> memref<512xi32, #tpu.memory_space<hbm>>
    tpu.enqueue_dma source(%dma_start3A_409 : memref<512xi32, #tpu.memory_space<hbm>>) target(%dma_start3A_407 : memref<512xi32, #tpu.memory_space<vmem>>) target_semaphore(%arg6 : memref<!tpu.dma_semaphore, #tpu.memory_space<semaphore_mem>>)
    %dma_start3A_410 = arith.constant 34 : i32
    %dma_start3A_411 = arith.constant 34 : i32
    %dma_start3A_412 = arith.constant 0 : i32
    %dma_start3A_413 = tpu.memref_slice %arg4[%dma_start3A_411, %dma_start3A_412] : memref<50x512xi32, #tpu.memory_space<vmem>> -> memref<1x512xi32, #tpu.memory_space<vmem>>
    %dma_start3A_414 = tpu.memref_squeeze %dma_start3A_413 : memref<1x512xi32, #tpu.memory_space<vmem>> -> memref<512xi32, #tpu.memory_space<vmem>>
    %dma_start3A_415 = tpu.memref_slice %arg2[%dma_start3A_410, %mul3A_2] : memref<50x16384xi32, #tpu.memory_space<hbm>> -> memref<1x512xi32, #tpu.memory_space<hbm>>
    %dma_start3A_416 = tpu.memref_squeeze %dma_start3A_415 : memref<1x512xi32, #tpu.memory_space<hbm>> -> memref<512xi32, #tpu.memory_space<hbm>>
    %dma_start3A_417 = arith.constant 0 : i32
    %dma_start3A_418 = tpu.memref_slice %arg4[%dma_start3A_411, %dma_start3A_417] : memref<50x512xi32, #tpu.memory_space<vmem>> -> memref<1x512xi32, #tpu.memory_space<vmem>>
    %dma_start3A_419 = tpu.memref_squeeze %dma_start3A_418 : memref<1x512xi32, #tpu.memory_space<vmem>> -> memref<512xi32, #tpu.memory_space<vmem>>
    %dma_start3A_420 = tpu.memref_slice %arg2[%dma_start3A_410, %mul3A_2] : memref<50x16384xi32, #tpu.memory_space<hbm>> -> memref<1x512xi32, #tpu.memory_space<hbm>>
    %dma_start3A_421 = tpu.memref_squeeze %dma_start3A_420 : memref<1x512xi32, #tpu.memory_space<hbm>> -> memref<512xi32, #tpu.memory_space<hbm>>
    tpu.enqueue_dma source(%dma_start3A_421 : memref<512xi32, #tpu.memory_space<hbm>>) target(%dma_start3A_419 : memref<512xi32, #tpu.memory_space<vmem>>) target_semaphore(%arg6 : memref<!tpu.dma_semaphore, #tpu.memory_space<semaphore_mem>>)
    %dma_start3A_422 = arith.constant 35 : i32
    %dma_start3A_423 = arith.constant 35 : i32
    %dma_start3A_424 = arith.constant 0 : i32
    %dma_start3A_425 = tpu.memref_slice %arg4[%dma_start3A_423, %dma_start3A_424] : memref<50x512xi32, #tpu.memory_space<vmem>> -> memref<1x512xi32, #tpu.memory_space<vmem>>
    %dma_start3A_426 = tpu.memref_squeeze %dma_start3A_425 : memref<1x512xi32, #tpu.memory_space<vmem>> -> memref<512xi32, #tpu.memory_space<vmem>>
    %dma_start3A_427 = tpu.memref_slice %arg2[%dma_start3A_422, %mul3A_2] : memref<50x16384xi32, #tpu.memory_space<hbm>> -> memref<1x512xi32, #tpu.memory_space<hbm>>
    %dma_start3A_428 = tpu.memref_squeeze %dma_start3A_427 : memref<1x512xi32, #tpu.memory_space<hbm>> -> memref<512xi32, #tpu.memory_space<hbm>>
    %dma_start3A_429 = arith.constant 0 : i32
    %dma_start3A_430 = tpu.memref_slice %arg4[%dma_start3A_423, %dma_start3A_429] : memref<50x512xi32, #tpu.memory_space<vmem>> -> memref<1x512xi32, #tpu.memory_space<vmem>>
    %dma_start3A_431 = tpu.memref_squeeze %dma_start3A_430 : memref<1x512xi32, #tpu.memory_space<vmem>> -> memref<512xi32, #tpu.memory_space<vmem>>
    %dma_start3A_432 = tpu.memref_slice %arg2[%dma_start3A_422, %mul3A_2] : memref<50x16384xi32, #tpu.memory_space<hbm>> -> memref<1x512xi32, #tpu.memory_space<hbm>>
    %dma_start3A_433 = tpu.memref_squeeze %dma_start3A_432 : memref<1x512xi32, #tpu.memory_space<hbm>> -> memref<512xi32, #tpu.memory_space<hbm>>
    tpu.enqueue_dma source(%dma_start3A_433 : memref<512xi32, #tpu.memory_space<hbm>>) target(%dma_start3A_431 : memref<512xi32, #tpu.memory_space<vmem>>) target_semaphore(%arg6 : memref<!tpu.dma_semaphore, #tpu.memory_space<semaphore_mem>>)
    %dma_start3A_434 = arith.constant 36 : i32
    %dma_start3A_435 = arith.constant 36 : i32
    %dma_start3A_436 = arith.constant 0 : i32
    %dma_start3A_437 = tpu.memref_slice %arg4[%dma_start3A_435, %dma_start3A_436] : memref<50x512xi32, #tpu.memory_space<vmem>> -> memref<1x512xi32, #tpu.memory_space<vmem>>
    %dma_start3A_438 = tpu.memref_squeeze %dma_start3A_437 : memref<1x512xi32, #tpu.memory_space<vmem>> -> memref<512xi32, #tpu.memory_space<vmem>>
    %dma_start3A_439 = tpu.memref_slice %arg2[%dma_start3A_434, %mul3A_2] : memref<50x16384xi32, #tpu.memory_space<hbm>> -> memref<1x512xi32, #tpu.memory_space<hbm>>
    %dma_start3A_440 = tpu.memref_squeeze %dma_start3A_439 : memref<1x512xi32, #tpu.memory_space<hbm>> -> memref<512xi32, #tpu.memory_space<hbm>>
    %dma_start3A_441 = arith.constant 0 : i32
    %dma_start3A_442 = tpu.memref_slice %arg4[%dma_start3A_435, %dma_start3A_441] : memref<50x512xi32, #tpu.memory_space<vmem>> -> memref<1x512xi32, #tpu.memory_space<vmem>>
    %dma_start3A_443 = tpu.memref_squeeze %dma_start3A_442 : memref<1x512xi32, #tpu.memory_space<vmem>> -> memref<512xi32, #tpu.memory_space<vmem>>
    %dma_start3A_444 = tpu.memref_slice %arg2[%dma_start3A_434, %mul3A_2] : memref<50x16384xi32, #tpu.memory_space<hbm>> -> memref<1x512xi32, #tpu.memory_space<hbm>>
    %dma_start3A_445 = tpu.memref_squeeze %dma_start3A_444 : memref<1x512xi32, #tpu.memory_space<hbm>> -> memref<512xi32, #tpu.memory_space<hbm>>
    tpu.enqueue_dma source(%dma_start3A_445 : memref<512xi32, #tpu.memory_space<hbm>>) target(%dma_start3A_443 : memref<512xi32, #tpu.memory_space<vmem>>) target_semaphore(%arg6 : memref<!tpu.dma_semaphore, #tpu.memory_space<semaphore_mem>>)
    %dma_start3A_446 = arith.constant 37 : i32
    %dma_start3A_447 = arith.constant 37 : i32
    %dma_start3A_448 = arith.constant 0 : i32
    %dma_start3A_449 = tpu.memref_slice %arg4[%dma_start3A_447, %dma_start3A_448] : memref<50x512xi32, #tpu.memory_space<vmem>> -> memref<1x512xi32, #tpu.memory_space<vmem>>
    %dma_start3A_450 = tpu.memref_squeeze %dma_start3A_449 : memref<1x512xi32, #tpu.memory_space<vmem>> -> memref<512xi32, #tpu.memory_space<vmem>>
    %dma_start3A_451 = tpu.memref_slice %arg2[%dma_start3A_446, %mul3A_2] : memref<50x16384xi32, #tpu.memory_space<hbm>> -> memref<1x512xi32, #tpu.memory_space<hbm>>
    %dma_start3A_452 = tpu.memref_squeeze %dma_start3A_451 : memref<1x512xi32, #tpu.memory_space<hbm>> -> memref<512xi32, #tpu.memory_space<hbm>>
    %dma_start3A_453 = arith.constant 0 : i32
    %dma_start3A_454 = tpu.memref_slice %arg4[%dma_start3A_447, %dma_start3A_453] : memref<50x512xi32, #tpu.memory_space<vmem>> -> memref<1x512xi32, #tpu.memory_space<vmem>>
    %dma_start3A_455 = tpu.memref_squeeze %dma_start3A_454 : memref<1x512xi32, #tpu.memory_space<vmem>> -> memref<512xi32, #tpu.memory_space<vmem>>
    %dma_start3A_456 = tpu.memref_slice %arg2[%dma_start3A_446, %mul3A_2] : memref<50x16384xi32, #tpu.memory_space<hbm>> -> memref<1x512xi32, #tpu.memory_space<hbm>>
    %dma_start3A_457 = tpu.memref_squeeze %dma_start3A_456 : memref<1x512xi32, #tpu.memory_space<hbm>> -> memref<512xi32, #tpu.memory_space<hbm>>
    tpu.enqueue_dma source(%dma_start3A_457 : memref<512xi32, #tpu.memory_space<hbm>>) target(%dma_start3A_455 : memref<512xi32, #tpu.memory_space<vmem>>) target_semaphore(%arg6 : memref<!tpu.dma_semaphore, #tpu.memory_space<semaphore_mem>>)
    %dma_start3A_458 = arith.constant 38 : i32
    %dma_start3A_459 = arith.constant 38 : i32
    %dma_start3A_460 = arith.constant 0 : i32
    %dma_start3A_461 = tpu.memref_slice %arg4[%dma_start3A_459, %dma_start3A_460] : memref<50x512xi32, #tpu.memory_space<vmem>> -> memref<1x512xi32, #tpu.memory_space<vmem>>
    %dma_start3A_462 = tpu.memref_squeeze %dma_start3A_461 : memref<1x512xi32, #tpu.memory_space<vmem>> -> memref<512xi32, #tpu.memory_space<vmem>>
    %dma_start3A_463 = tpu.memref_slice %arg2[%dma_start3A_458, %mul3A_2] : memref<50x16384xi32, #tpu.memory_space<hbm>> -> memref<1x512xi32, #tpu.memory_space<hbm>>
    %dma_start3A_464 = tpu.memref_squeeze %dma_start3A_463 : memref<1x512xi32, #tpu.memory_space<hbm>> -> memref<512xi32, #tpu.memory_space<hbm>>
    %dma_start3A_465 = arith.constant 0 : i32
    %dma_start3A_466 = tpu.memref_slice %arg4[%dma_start3A_459, %dma_start3A_465] : memref<50x512xi32, #tpu.memory_space<vmem>> -> memref<1x512xi32, #tpu.memory_space<vmem>>
    %dma_start3A_467 = tpu.memref_squeeze %dma_start3A_466 : memref<1x512xi32, #tpu.memory_space<vmem>> -> memref<512xi32, #tpu.memory_space<vmem>>
    %dma_start3A_468 = tpu.memref_slice %arg2[%dma_start3A_458, %mul3A_2] : memref<50x16384xi32, #tpu.memory_space<hbm>> -> memref<1x512xi32, #tpu.memory_space<hbm>>
    %dma_start3A_469 = tpu.memref_squeeze %dma_start3A_468 : memref<1x512xi32, #tpu.memory_space<hbm>> -> memref<512xi32, #tpu.memory_space<hbm>>
    tpu.enqueue_dma source(%dma_start3A_469 : memref<512xi32, #tpu.memory_space<hbm>>) target(%dma_start3A_467 : memref<512xi32, #tpu.memory_space<vmem>>) target_semaphore(%arg6 : memref<!tpu.dma_semaphore, #tpu.memory_space<semaphore_mem>>)
    %dma_start3A_470 = arith.constant 39 : i32
    %dma_start3A_471 = arith.constant 39 : i32
    %dma_start3A_472 = arith.constant 0 : i32
    %dma_start3A_473 = tpu.memref_slice %arg4[%dma_start3A_471, %dma_start3A_472] : memref<50x512xi32, #tpu.memory_space<vmem>> -> memref<1x512xi32, #tpu.memory_space<vmem>>
    %dma_start3A_474 = tpu.memref_squeeze %dma_start3A_473 : memref<1x512xi32, #tpu.memory_space<vmem>> -> memref<512xi32, #tpu.memory_space<vmem>>
    %dma_start3A_475 = tpu.memref_slice %arg2[%dma_start3A_470, %mul3A_2] : memref<50x16384xi32, #tpu.memory_space<hbm>> -> memref<1x512xi32, #tpu.memory_space<hbm>>
    %dma_start3A_476 = tpu.memref_squeeze %dma_start3A_475 : memref<1x512xi32, #tpu.memory_space<hbm>> -> memref<512xi32, #tpu.memory_space<hbm>>
    %dma_start3A_477 = arith.constant 0 : i32
    %dma_start3A_478 = tpu.memref_slice %arg4[%dma_start3A_471, %dma_start3A_477] : memref<50x512xi32, #tpu.memory_space<vmem>> -> memref<1x512xi32, #tpu.memory_space<vmem>>
    %dma_start3A_479 = tpu.memref_squeeze %dma_start3A_478 : memref<1x512xi32, #tpu.memory_space<vmem>> -> memref<512xi32, #tpu.memory_space<vmem>>
    %dma_start3A_480 = tpu.memref_slice %arg2[%dma_start3A_470, %mul3A_2] : memref<50x16384xi32, #tpu.memory_space<hbm>> -> memref<1x512xi32, #tpu.memory_space<hbm>>
    %dma_start3A_481 = tpu.memref_squeeze %dma_start3A_480 : memref<1x512xi32, #tpu.memory_space<hbm>> -> memref<512xi32, #tpu.memory_space<hbm>>
    tpu.enqueue_dma source(%dma_start3A_481 : memref<512xi32, #tpu.memory_space<hbm>>) target(%dma_start3A_479 : memref<512xi32, #tpu.memory_space<vmem>>) target_semaphore(%arg6 : memref<!tpu.dma_semaphore, #tpu.memory_space<semaphore_mem>>)
    %dma_start3A_482 = arith.constant 40 : i32
    %dma_start3A_483 = arith.constant 40 : i32
    %dma_start3A_484 = arith.constant 0 : i32
    %dma_start3A_485 = tpu.memref_slice %arg4[%dma_start3A_483, %dma_start3A_484] : memref<50x512xi32, #tpu.memory_space<vmem>> -> memref<1x512xi32, #tpu.memory_space<vmem>>
    %dma_start3A_486 = tpu.memref_squeeze %dma_start3A_485 : memref<1x512xi32, #tpu.memory_space<vmem>> -> memref<512xi32, #tpu.memory_space<vmem>>
    %dma_start3A_487 = tpu.memref_slice %arg2[%dma_start3A_482, %mul3A_2] : memref<50x16384xi32, #tpu.memory_space<hbm>> -> memref<1x512xi32, #tpu.memory_space<hbm>>
    %dma_start3A_488 = tpu.memref_squeeze %dma_start3A_487 : memref<1x512xi32, #tpu.memory_space<hbm>> -> memref<512xi32, #tpu.memory_space<hbm>>
    %dma_start3A_489 = arith.constant 0 : i32
    %dma_start3A_490 = tpu.memref_slice %arg4[%dma_start3A_483, %dma_start3A_489] : memref<50x512xi32, #tpu.memory_space<vmem>> -> memref<1x512xi32, #tpu.memory_space<vmem>>
    %dma_start3A_491 = tpu.memref_squeeze %dma_start3A_490 : memref<1x512xi32, #tpu.memory_space<vmem>> -> memref<512xi32, #tpu.memory_space<vmem>>
    %dma_start3A_492 = tpu.memref_slice %arg2[%dma_start3A_482, %mul3A_2] : memref<50x16384xi32, #tpu.memory_space<hbm>> -> memref<1x512xi32, #tpu.memory_space<hbm>>
    %dma_start3A_493 = tpu.memref_squeeze %dma_start3A_492 : memref<1x512xi32, #tpu.memory_space<hbm>> -> memref<512xi32, #tpu.memory_space<hbm>>
    tpu.enqueue_dma source(%dma_start3A_493 : memref<512xi32, #tpu.memory_space<hbm>>) target(%dma_start3A_491 : memref<512xi32, #tpu.memory_space<vmem>>) target_semaphore(%arg6 : memref<!tpu.dma_semaphore, #tpu.memory_space<semaphore_mem>>)
    %dma_start3A_494 = arith.constant 41 : i32
    %dma_start3A_495 = arith.constant 41 : i32
    %dma_start3A_496 = arith.constant 0 : i32
    %dma_start3A_497 = tpu.memref_slice %arg4[%dma_start3A_495, %dma_start3A_496] : memref<50x512xi32, #tpu.memory_space<vmem>> -> memref<1x512xi32, #tpu.memory_space<vmem>>
    %dma_start3A_498 = tpu.memref_squeeze %dma_start3A_497 : memref<1x512xi32, #tpu.memory_space<vmem>> -> memref<512xi32, #tpu.memory_space<vmem>>
    %dma_start3A_499 = tpu.memref_slice %arg2[%dma_start3A_494, %mul3A_2] : memref<50x16384xi32, #tpu.memory_space<hbm>> -> memref<1x512xi32, #tpu.memory_space<hbm>>
    %dma_start3A_500 = tpu.memref_squeeze %dma_start3A_499 : memref<1x512xi32, #tpu.memory_space<hbm>> -> memref<512xi32, #tpu.memory_space<hbm>>
    %dma_start3A_501 = arith.constant 0 : i32
    %dma_start3A_502 = tpu.memref_slice %arg4[%dma_start3A_495, %dma_start3A_501] : memref<50x512xi32, #tpu.memory_space<vmem>> -> memref<1x512xi32, #tpu.memory_space<vmem>>
    %dma_start3A_503 = tpu.memref_squeeze %dma_start3A_502 : memref<1x512xi32, #tpu.memory_space<vmem>> -> memref<512xi32, #tpu.memory_space<vmem>>
    %dma_start3A_504 = tpu.memref_slice %arg2[%dma_start3A_494, %mul3A_2] : memref<50x16384xi32, #tpu.memory_space<hbm>> -> memref<1x512xi32, #tpu.memory_space<hbm>>
    %dma_start3A_505 = tpu.memref_squeeze %dma_start3A_504 : memref<1x512xi32, #tpu.memory_space<hbm>> -> memref<512xi32, #tpu.memory_space<hbm>>
    tpu.enqueue_dma source(%dma_start3A_505 : memref<512xi32, #tpu.memory_space<hbm>>) target(%dma_start3A_503 : memref<512xi32, #tpu.memory_space<vmem>>) target_semaphore(%arg6 : memref<!tpu.dma_semaphore, #tpu.memory_space<semaphore_mem>>)
    %dma_start3A_506 = arith.constant 42 : i32
    %dma_start3A_507 = arith.constant 42 : i32
    %dma_start3A_508 = arith.constant 0 : i32
    %dma_start3A_509 = tpu.memref_slice %arg4[%dma_start3A_507, %dma_start3A_508] : memref<50x512xi32, #tpu.memory_space<vmem>> -> memref<1x512xi32, #tpu.memory_space<vmem>>
    %dma_start3A_510 = tpu.memref_squeeze %dma_start3A_509 : memref<1x512xi32, #tpu.memory_space<vmem>> -> memref<512xi32, #tpu.memory_space<vmem>>
    %dma_start3A_511 = tpu.memref_slice %arg2[%dma_start3A_506, %mul3A_2] : memref<50x16384xi32, #tpu.memory_space<hbm>> -> memref<1x512xi32, #tpu.memory_space<hbm>>
    %dma_start3A_512 = tpu.memref_squeeze %dma_start3A_511 : memref<1x512xi32, #tpu.memory_space<hbm>> -> memref<512xi32, #tpu.memory_space<hbm>>
    %dma_start3A_513 = arith.constant 0 : i32
    %dma_start3A_514 = tpu.memref_slice %arg4[%dma_start3A_507, %dma_start3A_513] : memref<50x512xi32, #tpu.memory_space<vmem>> -> memref<1x512xi32, #tpu.memory_space<vmem>>
    %dma_start3A_515 = tpu.memref_squeeze %dma_start3A_514 : memref<1x512xi32, #tpu.memory_space<vmem>> -> memref<512xi32, #tpu.memory_space<vmem>>
    %dma_start3A_516 = tpu.memref_slice %arg2[%dma_start3A_506, %mul3A_2] : memref<50x16384xi32, #tpu.memory_space<hbm>> -> memref<1x512xi32, #tpu.memory_space<hbm>>
    %dma_start3A_517 = tpu.memref_squeeze %dma_start3A_516 : memref<1x512xi32, #tpu.memory_space<hbm>> -> memref<512xi32, #tpu.memory_space<hbm>>
    tpu.enqueue_dma source(%dma_start3A_517 : memref<512xi32, #tpu.memory_space<hbm>>) target(%dma_start3A_515 : memref<512xi32, #tpu.memory_space<vmem>>) target_semaphore(%arg6 : memref<!tpu.dma_semaphore, #tpu.memory_space<semaphore_mem>>)
    %dma_start3A_518 = arith.constant 43 : i32
    %dma_start3A_519 = arith.constant 43 : i32
    %dma_start3A_520 = arith.constant 0 : i32
    %dma_start3A_521 = tpu.memref_slice %arg4[%dma_start3A_519, %dma_start3A_520] : memref<50x512xi32, #tpu.memory_space<vmem>> -> memref<1x512xi32, #tpu.memory_space<vmem>>
    %dma_start3A_522 = tpu.memref_squeeze %dma_start3A_521 : memref<1x512xi32, #tpu.memory_space<vmem>> -> memref<512xi32, #tpu.memory_space<vmem>>
    %dma_start3A_523 = tpu.memref_slice %arg2[%dma_start3A_518, %mul3A_2] : memref<50x16384xi32, #tpu.memory_space<hbm>> -> memref<1x512xi32, #tpu.memory_space<hbm>>
    %dma_start3A_524 = tpu.memref_squeeze %dma_start3A_523 : memref<1x512xi32, #tpu.memory_space<hbm>> -> memref<512xi32, #tpu.memory_space<hbm>>
    %dma_start3A_525 = arith.constant 0 : i32
    %dma_start3A_526 = tpu.memref_slice %arg4[%dma_start3A_519, %dma_start3A_525] : memref<50x512xi32, #tpu.memory_space<vmem>> -> memref<1x512xi32, #tpu.memory_space<vmem>>
    %dma_start3A_527 = tpu.memref_squeeze %dma_start3A_526 : memref<1x512xi32, #tpu.memory_space<vmem>> -> memref<512xi32, #tpu.memory_space<vmem>>
    %dma_start3A_528 = tpu.memref_slice %arg2[%dma_start3A_518, %mul3A_2] : memref<50x16384xi32, #tpu.memory_space<hbm>> -> memref<1x512xi32, #tpu.memory_space<hbm>>
    %dma_start3A_529 = tpu.memref_squeeze %dma_start3A_528 : memref<1x512xi32, #tpu.memory_space<hbm>> -> memref<512xi32, #tpu.memory_space<hbm>>
    tpu.enqueue_dma source(%dma_start3A_529 : memref<512xi32, #tpu.memory_space<hbm>>) target(%dma_start3A_527 : memref<512xi32, #tpu.memory_space<vmem>>) target_semaphore(%arg6 : memref<!tpu.dma_semaphore, #tpu.memory_space<semaphore_mem>>)
    %dma_start3A_530 = arith.constant 44 : i32
    %dma_start3A_531 = arith.constant 44 : i32
    %dma_start3A_532 = arith.constant 0 : i32
    %dma_start3A_533 = tpu.memref_slice %arg4[%dma_start3A_531, %dma_start3A_532] : memref<50x512xi32, #tpu.memory_space<vmem>> -> memref<1x512xi32, #tpu.memory_space<vmem>>
    %dma_start3A_534 = tpu.memref_squeeze %dma_start3A_533 : memref<1x512xi32, #tpu.memory_space<vmem>> -> memref<512xi32, #tpu.memory_space<vmem>>
    %dma_start3A_535 = tpu.memref_slice %arg2[%dma_start3A_530, %mul3A_2] : memref<50x16384xi32, #tpu.memory_space<hbm>> -> memref<1x512xi32, #tpu.memory_space<hbm>>
    %dma_start3A_536 = tpu.memref_squeeze %dma_start3A_535 : memref<1x512xi32, #tpu.memory_space<hbm>> -> memref<512xi32, #tpu.memory_space<hbm>>
    %dma_start3A_537 = arith.constant 0 : i32
    %dma_start3A_538 = tpu.memref_slice %arg4[%dma_start3A_531, %dma_start3A_537] : memref<50x512xi32, #tpu.memory_space<vmem>> -> memref<1x512xi32, #tpu.memory_space<vmem>>
    %dma_start3A_539 = tpu.memref_squeeze %dma_start3A_538 : memref<1x512xi32, #tpu.memory_space<vmem>> -> memref<512xi32, #tpu.memory_space<vmem>>
    %dma_start3A_540 = tpu.memref_slice %arg2[%dma_start3A_530, %mul3A_2] : memref<50x16384xi32, #tpu.memory_space<hbm>> -> memref<1x512xi32, #tpu.memory_space<hbm>>
    %dma_start3A_541 = tpu.memref_squeeze %dma_start3A_540 : memref<1x512xi32, #tpu.memory_space<hbm>> -> memref<512xi32, #tpu.memory_space<hbm>>
    tpu.enqueue_dma source(%dma_start3A_541 : memref<512xi32, #tpu.memory_space<hbm>>) target(%dma_start3A_539 : memref<512xi32, #tpu.memory_space<vmem>>) target_semaphore(%arg6 : memref<!tpu.dma_semaphore, #tpu.memory_space<semaphore_mem>>)
    %dma_start3A_542 = arith.constant 45 : i32
    %dma_start3A_543 = arith.constant 45 : i32
    %dma_start3A_544 = arith.constant 0 : i32
    %dma_start3A_545 = tpu.memref_slice %arg4[%dma_start3A_543, %dma_start3A_544] : memref<50x512xi32, #tpu.memory_space<vmem>> -> memref<1x512xi32, #tpu.memory_space<vmem>>
    %dma_start3A_546 = tpu.memref_squeeze %dma_start3A_545 : memref<1x512xi32, #tpu.memory_space<vmem>> -> memref<512xi32, #tpu.memory_space<vmem>>
    %dma_start3A_547 = tpu.memref_slice %arg2[%dma_start3A_542, %mul3A_2] : memref<50x16384xi32, #tpu.memory_space<hbm>> -> memref<1x512xi32, #tpu.memory_space<hbm>>
    %dma_start3A_548 = tpu.memref_squeeze %dma_start3A_547 : memref<1x512xi32, #tpu.memory_space<hbm>> -> memref<512xi32, #tpu.memory_space<hbm>>
    %dma_start3A_549 = arith.constant 0 : i32
    %dma_start3A_550 = tpu.memref_slice %arg4[%dma_start3A_543, %dma_start3A_549] : memref<50x512xi32, #tpu.memory_space<vmem>> -> memref<1x512xi32, #tpu.memory_space<vmem>>
    %dma_start3A_551 = tpu.memref_squeeze %dma_start3A_550 : memref<1x512xi32, #tpu.memory_space<vmem>> -> memref<512xi32, #tpu.memory_space<vmem>>
    %dma_start3A_552 = tpu.memref_slice %arg2[%dma_start3A_542, %mul3A_2] : memref<50x16384xi32, #tpu.memory_space<hbm>> -> memref<1x512xi32, #tpu.memory_space<hbm>>
    %dma_start3A_553 = tpu.memref_squeeze %dma_start3A_552 : memref<1x512xi32, #tpu.memory_space<hbm>> -> memref<512xi32, #tpu.memory_space<hbm>>
    tpu.enqueue_dma source(%dma_start3A_553 : memref<512xi32, #tpu.memory_space<hbm>>) target(%dma_start3A_551 : memref<512xi32, #tpu.memory_space<vmem>>) target_semaphore(%arg6 : memref<!tpu.dma_semaphore, #tpu.memory_space<semaphore_mem>>)
    %dma_start3A_554 = arith.constant 46 : i32
    %dma_start3A_555 = arith.constant 46 : i32
    %dma_start3A_556 = arith.constant 0 : i32
    %dma_start3A_557 = tpu.memref_slice %arg4[%dma_start3A_555, %dma_start3A_556] : memref<50x512xi32, #tpu.memory_space<vmem>> -> memref<1x512xi32, #tpu.memory_space<vmem>>
    %dma_start3A_558 = tpu.memref_squeeze %dma_start3A_557 : memref<1x512xi32, #tpu.memory_space<vmem>> -> memref<512xi32, #tpu.memory_space<vmem>>
    %dma_start3A_559 = tpu.memref_slice %arg2[%dma_start3A_554, %mul3A_2] : memref<50x16384xi32, #tpu.memory_space<hbm>> -> memref<1x512xi32, #tpu.memory_space<hbm>>
    %dma_start3A_560 = tpu.memref_squeeze %dma_start3A_559 : memref<1x512xi32, #tpu.memory_space<hbm>> -> memref<512xi32, #tpu.memory_space<hbm>>
    %dma_start3A_561 = arith.constant 0 : i32
    %dma_start3A_562 = tpu.memref_slice %arg4[%dma_start3A_555, %dma_start3A_561] : memref<50x512xi32, #tpu.memory_space<vmem>> -> memref<1x512xi32, #tpu.memory_space<vmem>>
    %dma_start3A_563 = tpu.memref_squeeze %dma_start3A_562 : memref<1x512xi32, #tpu.memory_space<vmem>> -> memref<512xi32, #tpu.memory_space<vmem>>
    %dma_start3A_564 = tpu.memref_slice %arg2[%dma_start3A_554, %mul3A_2] : memref<50x16384xi32, #tpu.memory_space<hbm>> -> memref<1x512xi32, #tpu.memory_space<hbm>>
    %dma_start3A_565 = tpu.memref_squeeze %dma_start3A_564 : memref<1x512xi32, #tpu.memory_space<hbm>> -> memref<512xi32, #tpu.memory_space<hbm>>
    tpu.enqueue_dma source(%dma_start3A_565 : memref<512xi32, #tpu.memory_space<hbm>>) target(%dma_start3A_563 : memref<512xi32, #tpu.memory_space<vmem>>) target_semaphore(%arg6 : memref<!tpu.dma_semaphore, #tpu.memory_space<semaphore_mem>>)
    %dma_start3A_566 = arith.constant 47 : i32
    %dma_start3A_567 = arith.constant 47 : i32
    %dma_start3A_568 = arith.constant 0 : i32
    %dma_start3A_569 = tpu.memref_slice %arg4[%dma_start3A_567, %dma_start3A_568] : memref<50x512xi32, #tpu.memory_space<vmem>> -> memref<1x512xi32, #tpu.memory_space<vmem>>
    %dma_start3A_570 = tpu.memref_squeeze %dma_start3A_569 : memref<1x512xi32, #tpu.memory_space<vmem>> -> memref<512xi32, #tpu.memory_space<vmem>>
    %dma_start3A_571 = tpu.memref_slice %arg2[%dma_start3A_566, %mul3A_2] : memref<50x16384xi32, #tpu.memory_space<hbm>> -> memref<1x512xi32, #tpu.memory_space<hbm>>
    %dma_start3A_572 = tpu.memref_squeeze %dma_start3A_571 : memref<1x512xi32, #tpu.memory_space<hbm>> -> memref<512xi32, #tpu.memory_space<hbm>>
    %dma_start3A_573 = arith.constant 0 : i32
    %dma_start3A_574 = tpu.memref_slice %arg4[%dma_start3A_567, %dma_start3A_573] : memref<50x512xi32, #tpu.memory_space<vmem>> -> memref<1x512xi32, #tpu.memory_space<vmem>>
    %dma_start3A_575 = tpu.memref_squeeze %dma_start3A_574 : memref<1x512xi32, #tpu.memory_space<vmem>> -> memref<512xi32, #tpu.memory_space<vmem>>
    %dma_start3A_576 = tpu.memref_slice %arg2[%dma_start3A_566, %mul3A_2] : memref<50x16384xi32, #tpu.memory_space<hbm>> -> memref<1x512xi32, #tpu.memory_space<hbm>>
    %dma_start3A_577 = tpu.memref_squeeze %dma_start3A_576 : memref<1x512xi32, #tpu.memory_space<hbm>> -> memref<512xi32, #tpu.memory_space<hbm>>
    tpu.enqueue_dma source(%dma_start3A_577 : memref<512xi32, #tpu.memory_space<hbm>>) target(%dma_start3A_575 : memref<512xi32, #tpu.memory_space<vmem>>) target_semaphore(%arg6 : memref<!tpu.dma_semaphore, #tpu.memory_space<semaphore_mem>>)
    %dma_start3A_578 = arith.constant 48 : i32
    %dma_start3A_579 = arith.constant 48 : i32
    %dma_start3A_580 = arith.constant 0 : i32
    %dma_start3A_581 = tpu.memref_slice %arg4[%dma_start3A_579, %dma_start3A_580] : memref<50x512xi32, #tpu.memory_space<vmem>> -> memref<1x512xi32, #tpu.memory_space<vmem>>
    %dma_start3A_582 = tpu.memref_squeeze %dma_start3A_581 : memref<1x512xi32, #tpu.memory_space<vmem>> -> memref<512xi32, #tpu.memory_space<vmem>>
    %dma_start3A_583 = tpu.memref_slice %arg2[%dma_start3A_578, %mul3A_2] : memref<50x16384xi32, #tpu.memory_space<hbm>> -> memref<1x512xi32, #tpu.memory_space<hbm>>
    %dma_start3A_584 = tpu.memref_squeeze %dma_start3A_583 : memref<1x512xi32, #tpu.memory_space<hbm>> -> memref<512xi32, #tpu.memory_space<hbm>>
    %dma_start3A_585 = arith.constant 0 : i32
    %dma_start3A_586 = tpu.memref_slice %arg4[%dma_start3A_579, %dma_start3A_585] : memref<50x512xi32, #tpu.memory_space<vmem>> -> memref<1x512xi32, #tpu.memory_space<vmem>>
    %dma_start3A_587 = tpu.memref_squeeze %dma_start3A_586 : memref<1x512xi32, #tpu.memory_space<vmem>> -> memref<512xi32, #tpu.memory_space<vmem>>
    %dma_start3A_588 = tpu.memref_slice %arg2[%dma_start3A_578, %mul3A_2] : memref<50x16384xi32, #tpu.memory_space<hbm>> -> memref<1x512xi32, #tpu.memory_space<hbm>>
    %dma_start3A_589 = tpu.memref_squeeze %dma_start3A_588 : memref<1x512xi32, #tpu.memory_space<hbm>> -> memref<512xi32, #tpu.memory_space<hbm>>
    tpu.enqueue_dma source(%dma_start3A_589 : memref<512xi32, #tpu.memory_space<hbm>>) target(%dma_start3A_587 : memref<512xi32, #tpu.memory_space<vmem>>) target_semaphore(%arg6 : memref<!tpu.dma_semaphore, #tpu.memory_space<semaphore_mem>>)
    %dma_start3A_590 = arith.constant 49 : i32
    %dma_start3A_591 = arith.constant 49 : i32
    %dma_start3A_592 = arith.constant 0 : i32
    %dma_start3A_593 = tpu.memref_slice %arg4[%dma_start3A_591, %dma_start3A_592] : memref<50x512xi32, #tpu.memory_space<vmem>> -> memref<1x512xi32, #tpu.memory_space<vmem>>
    %dma_start3A_594 = tpu.memref_squeeze %dma_start3A_593 : memref<1x512xi32, #tpu.memory_space<vmem>> -> memref<512xi32, #tpu.memory_space<vmem>>
    %dma_start3A_595 = tpu.memref_slice %arg2[%dma_start3A_590, %mul3A_2] : memref<50x16384xi32, #tpu.memory_space<hbm>> -> memref<1x512xi32, #tpu.memory_space<hbm>>
    %dma_start3A_596 = tpu.memref_squeeze %dma_start3A_595 : memref<1x512xi32, #tpu.memory_space<hbm>> -> memref<512xi32, #tpu.memory_space<hbm>>
    %dma_start3A_597 = arith.constant 0 : i32
    %dma_start3A_598 = tpu.memref_slice %arg4[%dma_start3A_591, %dma_start3A_597] : memref<50x512xi32, #tpu.memory_space<vmem>> -> memref<1x512xi32, #tpu.memory_space<vmem>>
    %dma_start3A_599 = tpu.memref_squeeze %dma_start3A_598 : memref<1x512xi32, #tpu.memory_space<vmem>> -> memref<512xi32, #tpu.memory_space<vmem>>
    %dma_start3A_600 = tpu.memref_slice %arg2[%dma_start3A_590, %mul3A_2] : memref<50x16384xi32, #tpu.memory_space<hbm>> -> memref<1x512xi32, #tpu.memory_space<hbm>>
    %dma_start3A_601 = tpu.memref_squeeze %dma_start3A_600 : memref<1x512xi32, #tpu.memory_space<hbm>> -> memref<512xi32, #tpu.memory_space<hbm>>
    tpu.enqueue_dma source(%dma_start3A_601 : memref<512xi32, #tpu.memory_space<hbm>>) target(%dma_start3A_599 : memref<512xi32, #tpu.memory_space<vmem>>) target_semaphore(%arg6 : memref<!tpu.dma_semaphore, #tpu.memory_space<semaphore_mem>>)
    %dma_wait3A = arith.constant 0 : i32
    %dma_wait3A_602 = arith.constant 0 : i32
    %dma_wait3A_603 = arith.constant 0 : i32
    %dma_wait3A_604 = tpu.memref_slice %arg4[%dma_wait3A_602, %dma_wait3A_603] : memref<50x512xi32, #tpu.memory_space<vmem>> -> memref<1x512xi32, #tpu.memory_space<vmem>>
    %dma_wait3A_605 = tpu.memref_squeeze %dma_wait3A_604 : memref<1x512xi32, #tpu.memory_space<vmem>> -> memref<512xi32, #tpu.memory_space<vmem>>
    %dma_wait3A_606 = tpu.memref_slice %arg2[%dma_wait3A, %mul3A_2] : memref<50x16384xi32, #tpu.memory_space<hbm>> -> memref<1x512xi32, #tpu.memory_space<hbm>>
    %dma_wait3A_607 = tpu.memref_squeeze %dma_wait3A_606 : memref<1x512xi32, #tpu.memory_space<hbm>> -> memref<512xi32, #tpu.memory_space<hbm>>
    %dma_wait3A_608 = arith.constant 0 : i32
    %dma_wait3A_609 = tpu.memref_slice %arg4[%dma_wait3A_602, %dma_wait3A_608] : memref<50x512xi32, #tpu.memory_space<vmem>> -> memref<1x512xi32, #tpu.memory_space<vmem>>
    %dma_wait3A_610 = tpu.memref_squeeze %dma_wait3A_609 : memref<1x512xi32, #tpu.memory_space<vmem>> -> memref<512xi32, #tpu.memory_space<vmem>>
    %dma_wait3A_611 = tpu.memref_slice %arg2[%dma_wait3A, %mul3A_2] : memref<50x16384xi32, #tpu.memory_space<hbm>> -> memref<1x512xi32, #tpu.memory_space<hbm>>
    %dma_wait3A_612 = tpu.memref_squeeze %dma_wait3A_611 : memref<1x512xi32, #tpu.memory_space<hbm>> -> memref<512xi32, #tpu.memory_space<hbm>>
    tpu.wait_dma2 semaphore(%arg6 : memref<!tpu.dma_semaphore, #tpu.memory_space<semaphore_mem>>) src(%dma_wait3A_612 : memref<512xi32, #tpu.memory_space<hbm>>) dst(%dma_wait3A_610 : memref<512xi32, #tpu.memory_space<vmem>>)
    %dma_wait3A_613 = arith.constant 0 : i32
    %dma_wait3A_614 = arith.constant 1 : i32
    %dma_wait3A_615 = arith.constant 0 : i32
    %dma_wait3A_616 = tpu.memref_slice %arg4[%dma_wait3A_614, %dma_wait3A_615] : memref<50x512xi32, #tpu.memory_space<vmem>> -> memref<1x512xi32, #tpu.memory_space<vmem>>
    %dma_wait3A_617 = tpu.memref_squeeze %dma_wait3A_616 : memref<1x512xi32, #tpu.memory_space<vmem>> -> memref<512xi32, #tpu.memory_space<vmem>>
    %dma_wait3A_618 = tpu.memref_slice %arg2[%dma_wait3A_613, %mul3A_2] : memref<50x16384xi32, #tpu.memory_space<hbm>> -> memref<1x512xi32, #tpu.memory_space<hbm>>
    %dma_wait3A_619 = tpu.memref_squeeze %dma_wait3A_618 : memref<1x512xi32, #tpu.memory_space<hbm>> -> memref<512xi32, #tpu.memory_space<hbm>>
    %dma_wait3A_620 = arith.constant 0 : i32
    %dma_wait3A_621 = tpu.memref_slice %arg4[%dma_wait3A_614, %dma_wait3A_620] : memref<50x512xi32, #tpu.memory_space<vmem>> -> memref<1x512xi32, #tpu.memory_space<vmem>>
    %dma_wait3A_622 = tpu.memref_squeeze %dma_wait3A_621 : memref<1x512xi32, #tpu.memory_space<vmem>> -> memref<512xi32, #tpu.memory_space<vmem>>
    %dma_wait3A_623 = tpu.memref_slice %arg2[%dma_wait3A_613, %mul3A_2] : memref<50x16384xi32, #tpu.memory_space<hbm>> -> memref<1x512xi32, #tpu.memory_space<hbm>>
    %dma_wait3A_624 = tpu.memref_squeeze %dma_wait3A_623 : memref<1x512xi32, #tpu.memory_space<hbm>> -> memref<512xi32, #tpu.memory_space<hbm>>
    tpu.wait_dma2 semaphore(%arg6 : memref<!tpu.dma_semaphore, #tpu.memory_space<semaphore_mem>>) src(%dma_wait3A_624 : memref<512xi32, #tpu.memory_space<hbm>>) dst(%dma_wait3A_622 : memref<512xi32, #tpu.memory_space<vmem>>)
    %dma_wait3A_625 = arith.constant 0 : i32
    %dma_wait3A_626 = arith.constant 2 : i32
    %dma_wait3A_627 = arith.constant 0 : i32
    %dma_wait3A_628 = tpu.memref_slice %arg4[%dma_wait3A_626, %dma_wait3A_627] : memref<50x512xi32, #tpu.memory_space<vmem>> -> memref<1x512xi32, #tpu.memory_space<vmem>>
    %dma_wait3A_629 = tpu.memref_squeeze %dma_wait3A_628 : memref<1x512xi32, #tpu.memory_space<vmem>> -> memref<512xi32, #tpu.memory_space<vmem>>
    %dma_wait3A_630 = tpu.memref_slice %arg2[%dma_wait3A_625, %mul3A_2] : memref<50x16384xi32, #tpu.memory_space<hbm>> -> memref<1x512xi32, #tpu.memory_space<hbm>>
    %dma_wait3A_631 = tpu.memref_squeeze %dma_wait3A_630 : memref<1x512xi32, #tpu.memory_space<hbm>> -> memref<512xi32, #tpu.memory_space<hbm>>
    %dma_wait3A_632 = arith.constant 0 : i32
    %dma_wait3A_633 = tpu.memref_slice %arg4[%dma_wait3A_626, %dma_wait3A_632] : memref<50x512xi32, #tpu.memory_space<vmem>> -> memref<1x512xi32, #tpu.memory_space<vmem>>
    %dma_wait3A_634 = tpu.memref_squeeze %dma_wait3A_633 : memref<1x512xi32, #tpu.memory_space<vmem>> -> memref<512xi32, #tpu.memory_space<vmem>>
    %dma_wait3A_635 = tpu.memref_slice %arg2[%dma_wait3A_625, %mul3A_2] : memref<50x16384xi32, #tpu.memory_space<hbm>> -> memref<1x512xi32, #tpu.memory_space<hbm>>
    %dma_wait3A_636 = tpu.memref_squeeze %dma_wait3A_635 : memref<1x512xi32, #tpu.memory_space<hbm>> -> memref<512xi32, #tpu.memory_space<hbm>>
    tpu.wait_dma2 semaphore(%arg6 : memref<!tpu.dma_semaphore, #tpu.memory_space<semaphore_mem>>) src(%dma_wait3A_636 : memref<512xi32, #tpu.memory_space<hbm>>) dst(%dma_wait3A_634 : memref<512xi32, #tpu.memory_space<vmem>>)
    %dma_wait3A_637 = arith.constant 0 : i32
    %dma_wait3A_638 = arith.constant 3 : i32
    %dma_wait3A_639 = arith.constant 0 : i32
    %dma_wait3A_640 = tpu.memref_slice %arg4[%dma_wait3A_638, %dma_wait3A_639] : memref<50x512xi32, #tpu.memory_space<vmem>> -> memref<1x512xi32, #tpu.memory_space<vmem>>
    %dma_wait3A_641 = tpu.memref_squeeze %dma_wait3A_640 : memref<1x512xi32, #tpu.memory_space<vmem>> -> memref<512xi32, #tpu.memory_space<vmem>>
    %dma_wait3A_642 = tpu.memref_slice %arg2[%dma_wait3A_637, %mul3A_2] : memref<50x16384xi32, #tpu.memory_space<hbm>> -> memref<1x512xi32, #tpu.memory_space<hbm>>
    %dma_wait3A_643 = tpu.memref_squeeze %dma_wait3A_642 : memref<1x512xi32, #tpu.memory_space<hbm>> -> memref<512xi32, #tpu.memory_space<hbm>>
    %dma_wait3A_644 = arith.constant 0 : i32
    %dma_wait3A_645 = tpu.memref_slice %arg4[%dma_wait3A_638, %dma_wait3A_644] : memref<50x512xi32, #tpu.memory_space<vmem>> -> memref<1x512xi32, #tpu.memory_space<vmem>>
    %dma_wait3A_646 = tpu.memref_squeeze %dma_wait3A_645 : memref<1x512xi32, #tpu.memory_space<vmem>> -> memref<512xi32, #tpu.memory_space<vmem>>
    %dma_wait3A_647 = tpu.memref_slice %arg2[%dma_wait3A_637, %mul3A_2] : memref<50x16384xi32, #tpu.memory_space<hbm>> -> memref<1x512xi32, #tpu.memory_space<hbm>>
    %dma_wait3A_648 = tpu.memref_squeeze %dma_wait3A_647 : memref<1x512xi32, #tpu.memory_space<hbm>> -> memref<512xi32, #tpu.memory_space<hbm>>
    tpu.wait_dma2 semaphore(%arg6 : memref<!tpu.dma_semaphore, #tpu.memory_space<semaphore_mem>>) src(%dma_wait3A_648 : memref<512xi32, #tpu.memory_space<hbm>>) dst(%dma_wait3A_646 : memref<512xi32, #tpu.memory_space<vmem>>)
    %dma_wait3A_649 = arith.constant 0 : i32
    %dma_wait3A_650 = arith.constant 4 : i32
    %dma_wait3A_651 = arith.constant 0 : i32
    %dma_wait3A_652 = tpu.memref_slice %arg4[%dma_wait3A_650, %dma_wait3A_651] : memref<50x512xi32, #tpu.memory_space<vmem>> -> memref<1x512xi32, #tpu.memory_space<vmem>>
    %dma_wait3A_653 = tpu.memref_squeeze %dma_wait3A_652 : memref<1x512xi32, #tpu.memory_space<vmem>> -> memref<512xi32, #tpu.memory_space<vmem>>
    %dma_wait3A_654 = tpu.memref_slice %arg2[%dma_wait3A_649, %mul3A_2] : memref<50x16384xi32, #tpu.memory_space<hbm>> -> memref<1x512xi32, #tpu.memory_space<hbm>>
    %dma_wait3A_655 = tpu.memref_squeeze %dma_wait3A_654 : memref<1x512xi32, #tpu.memory_space<hbm>> -> memref<512xi32, #tpu.memory_space<hbm>>
    %dma_wait3A_656 = arith.constant 0 : i32
    %dma_wait3A_657 = tpu.memref_slice %arg4[%dma_wait3A_650, %dma_wait3A_656] : memref<50x512xi32, #tpu.memory_space<vmem>> -> memref<1x512xi32, #tpu.memory_space<vmem>>
    %dma_wait3A_658 = tpu.memref_squeeze %dma_wait3A_657 : memref<1x512xi32, #tpu.memory_space<vmem>> -> memref<512xi32, #tpu.memory_space<vmem>>
    %dma_wait3A_659 = tpu.memref_slice %arg2[%dma_wait3A_649, %mul3A_2] : memref<50x16384xi32, #tpu.memory_space<hbm>> -> memref<1x512xi32, #tpu.memory_space<hbm>>
    %dma_wait3A_660 = tpu.memref_squeeze %dma_wait3A_659 : memref<1x512xi32, #tpu.memory_space<hbm>> -> memref<512xi32, #tpu.memory_space<hbm>>
    tpu.wait_dma2 semaphore(%arg6 : memref<!tpu.dma_semaphore, #tpu.memory_space<semaphore_mem>>) src(%dma_wait3A_660 : memref<512xi32, #tpu.memory_space<hbm>>) dst(%dma_wait3A_658 : memref<512xi32, #tpu.memory_space<vmem>>)
    %dma_wait3A_661 = arith.constant 0 : i32
    %dma_wait3A_662 = arith.constant 5 : i32
    %dma_wait3A_663 = arith.constant 0 : i32
    %dma_wait3A_664 = tpu.memref_slice %arg4[%dma_wait3A_662, %dma_wait3A_663] : memref<50x512xi32, #tpu.memory_space<vmem>> -> memref<1x512xi32, #tpu.memory_space<vmem>>
    %dma_wait3A_665 = tpu.memref_squeeze %dma_wait3A_664 : memref<1x512xi32, #tpu.memory_space<vmem>> -> memref<512xi32, #tpu.memory_space<vmem>>
    %dma_wait3A_666 = tpu.memref_slice %arg2[%dma_wait3A_661, %mul3A_2] : memref<50x16384xi32, #tpu.memory_space<hbm>> -> memref<1x512xi32, #tpu.memory_space<hbm>>
    %dma_wait3A_667 = tpu.memref_squeeze %dma_wait3A_666 : memref<1x512xi32, #tpu.memory_space<hbm>> -> memref<512xi32, #tpu.memory_space<hbm>>
    %dma_wait3A_668 = arith.constant 0 : i32
    %dma_wait3A_669 = tpu.memref_slice %arg4[%dma_wait3A_662, %dma_wait3A_668] : memref<50x512xi32, #tpu.memory_space<vmem>> -> memref<1x512xi32, #tpu.memory_space<vmem>>
    %dma_wait3A_670 = tpu.memref_squeeze %dma_wait3A_669 : memref<1x512xi32, #tpu.memory_space<vmem>> -> memref<512xi32, #tpu.memory_space<vmem>>
    %dma_wait3A_671 = tpu.memref_slice %arg2[%dma_wait3A_661, %mul3A_2] : memref<50x16384xi32, #tpu.memory_space<hbm>> -> memref<1x512xi32, #tpu.memory_space<hbm>>
    %dma_wait3A_672 = tpu.memref_squeeze %dma_wait3A_671 : memref<1x512xi32, #tpu.memory_space<hbm>> -> memref<512xi32, #tpu.memory_space<hbm>>
    tpu.wait_dma2 semaphore(%arg6 : memref<!tpu.dma_semaphore, #tpu.memory_space<semaphore_mem>>) src(%dma_wait3A_672 : memref<512xi32, #tpu.memory_space<hbm>>) dst(%dma_wait3A_670 : memref<512xi32, #tpu.memory_space<vmem>>)
    %dma_wait3A_673 = arith.constant 0 : i32
    %dma_wait3A_674 = arith.constant 6 : i32
    %dma_wait3A_675 = arith.constant 0 : i32
    %dma_wait3A_676 = tpu.memref_slice %arg4[%dma_wait3A_674, %dma_wait3A_675] : memref<50x512xi32, #tpu.memory_space<vmem>> -> memref<1x512xi32, #tpu.memory_space<vmem>>
    %dma_wait3A_677 = tpu.memref_squeeze %dma_wait3A_676 : memref<1x512xi32, #tpu.memory_space<vmem>> -> memref<512xi32, #tpu.memory_space<vmem>>
    %dma_wait3A_678 = tpu.memref_slice %arg2[%dma_wait3A_673, %mul3A_2] : memref<50x16384xi32, #tpu.memory_space<hbm>> -> memref<1x512xi32, #tpu.memory_space<hbm>>
    %dma_wait3A_679 = tpu.memref_squeeze %dma_wait3A_678 : memref<1x512xi32, #tpu.memory_space<hbm>> -> memref<512xi32, #tpu.memory_space<hbm>>
    %dma_wait3A_680 = arith.constant 0 : i32
    %dma_wait3A_681 = tpu.memref_slice %arg4[%dma_wait3A_674, %dma_wait3A_680] : memref<50x512xi32, #tpu.memory_space<vmem>> -> memref<1x512xi32, #tpu.memory_space<vmem>>
    %dma_wait3A_682 = tpu.memref_squeeze %dma_wait3A_681 : memref<1x512xi32, #tpu.memory_space<vmem>> -> memref<512xi32, #tpu.memory_space<vmem>>
    %dma_wait3A_683 = tpu.memref_slice %arg2[%dma_wait3A_673, %mul3A_2] : memref<50x16384xi32, #tpu.memory_space<hbm>> -> memref<1x512xi32, #tpu.memory_space<hbm>>
    %dma_wait3A_684 = tpu.memref_squeeze %dma_wait3A_683 : memref<1x512xi32, #tpu.memory_space<hbm>> -> memref<512xi32, #tpu.memory_space<hbm>>
    tpu.wait_dma2 semaphore(%arg6 : memref<!tpu.dma_semaphore, #tpu.memory_space<semaphore_mem>>) src(%dma_wait3A_684 : memref<512xi32, #tpu.memory_space<hbm>>) dst(%dma_wait3A_682 : memref<512xi32, #tpu.memory_space<vmem>>)
    %dma_wait3A_685 = arith.constant 0 : i32
    %dma_wait3A_686 = arith.constant 7 : i32
    %dma_wait3A_687 = arith.constant 0 : i32
    %dma_wait3A_688 = tpu.memref_slice %arg4[%dma_wait3A_686, %dma_wait3A_687] : memref<50x512xi32, #tpu.memory_space<vmem>> -> memref<1x512xi32, #tpu.memory_space<vmem>>
    %dma_wait3A_689 = tpu.memref_squeeze %dma_wait3A_688 : memref<1x512xi32, #tpu.memory_space<vmem>> -> memref<512xi32, #tpu.memory_space<vmem>>
    %dma_wait3A_690 = tpu.memref_slice %arg2[%dma_wait3A_685, %mul3A_2] : memref<50x16384xi32, #tpu.memory_space<hbm>> -> memref<1x512xi32, #tpu.memory_space<hbm>>
    %dma_wait3A_691 = tpu.memref_squeeze %dma_wait3A_690 : memref<1x512xi32, #tpu.memory_space<hbm>> -> memref<512xi32, #tpu.memory_space<hbm>>
    %dma_wait3A_692 = arith.constant 0 : i32
    %dma_wait3A_693 = tpu.memref_slice %arg4[%dma_wait3A_686, %dma_wait3A_692] : memref<50x512xi32, #tpu.memory_space<vmem>> -> memref<1x512xi32, #tpu.memory_space<vmem>>
    %dma_wait3A_694 = tpu.memref_squeeze %dma_wait3A_693 : memref<1x512xi32, #tpu.memory_space<vmem>> -> memref<512xi32, #tpu.memory_space<vmem>>
    %dma_wait3A_695 = tpu.memref_slice %arg2[%dma_wait3A_685, %mul3A_2] : memref<50x16384xi32, #tpu.memory_space<hbm>> -> memref<1x512xi32, #tpu.memory_space<hbm>>
    %dma_wait3A_696 = tpu.memref_squeeze %dma_wait3A_695 : memref<1x512xi32, #tpu.memory_space<hbm>> -> memref<512xi32, #tpu.memory_space<hbm>>
    tpu.wait_dma2 semaphore(%arg6 : memref<!tpu.dma_semaphore, #tpu.memory_space<semaphore_mem>>) src(%dma_wait3A_696 : memref<512xi32, #tpu.memory_space<hbm>>) dst(%dma_wait3A_694 : memref<512xi32, #tpu.memory_space<vmem>>)
    %dma_wait3A_697 = arith.constant 0 : i32
    %dma_wait3A_698 = arith.constant 8 : i32
    %dma_wait3A_699 = arith.constant 0 : i32
    %dma_wait3A_700 = tpu.memref_slice %arg4[%dma_wait3A_698, %dma_wait3A_699] : memref<50x512xi32, #tpu.memory_space<vmem>> -> memref<1x512xi32, #tpu.memory_space<vmem>>
    %dma_wait3A_701 = tpu.memref_squeeze %dma_wait3A_700 : memref<1x512xi32, #tpu.memory_space<vmem>> -> memref<512xi32, #tpu.memory_space<vmem>>
    %dma_wait3A_702 = tpu.memref_slice %arg2[%dma_wait3A_697, %mul3A_2] : memref<50x16384xi32, #tpu.memory_space<hbm>> -> memref<1x512xi32, #tpu.memory_space<hbm>>
    %dma_wait3A_703 = tpu.memref_squeeze %dma_wait3A_702 : memref<1x512xi32, #tpu.memory_space<hbm>> -> memref<512xi32, #tpu.memory_space<hbm>>
    %dma_wait3A_704 = arith.constant 0 : i32
    %dma_wait3A_705 = tpu.memref_slice %arg4[%dma_wait3A_698, %dma_wait3A_704] : memref<50x512xi32, #tpu.memory_space<vmem>> -> memref<1x512xi32, #tpu.memory_space<vmem>>
    %dma_wait3A_706 = tpu.memref_squeeze %dma_wait3A_705 : memref<1x512xi32, #tpu.memory_space<vmem>> -> memref<512xi32, #tpu.memory_space<vmem>>
    %dma_wait3A_707 = tpu.memref_slice %arg2[%dma_wait3A_697, %mul3A_2] : memref<50x16384xi32, #tpu.memory_space<hbm>> -> memref<1x512xi32, #tpu.memory_space<hbm>>
    %dma_wait3A_708 = tpu.memref_squeeze %dma_wait3A_707 : memref<1x512xi32, #tpu.memory_space<hbm>> -> memref<512xi32, #tpu.memory_space<hbm>>
    tpu.wait_dma2 semaphore(%arg6 : memref<!tpu.dma_semaphore, #tpu.memory_space<semaphore_mem>>) src(%dma_wait3A_708 : memref<512xi32, #tpu.memory_space<hbm>>) dst(%dma_wait3A_706 : memref<512xi32, #tpu.memory_space<vmem>>)
    %dma_wait3A_709 = arith.constant 0 : i32
    %dma_wait3A_710 = arith.constant 9 : i32
    %dma_wait3A_711 = arith.constant 0 : i32
    %dma_wait3A_712 = tpu.memref_slice %arg4[%dma_wait3A_710, %dma_wait3A_711] : memref<50x512xi32, #tpu.memory_space<vmem>> -> memref<1x512xi32, #tpu.memory_space<vmem>>
    %dma_wait3A_713 = tpu.memref_squeeze %dma_wait3A_712 : memref<1x512xi32, #tpu.memory_space<vmem>> -> memref<512xi32, #tpu.memory_space<vmem>>
    %dma_wait3A_714 = tpu.memref_slice %arg2[%dma_wait3A_709, %mul3A_2] : memref<50x16384xi32, #tpu.memory_space<hbm>> -> memref<1x512xi32, #tpu.memory_space<hbm>>
    %dma_wait3A_715 = tpu.memref_squeeze %dma_wait3A_714 : memref<1x512xi32, #tpu.memory_space<hbm>> -> memref<512xi32, #tpu.memory_space<hbm>>
    %dma_wait3A_716 = arith.constant 0 : i32
    %dma_wait3A_717 = tpu.memref_slice %arg4[%dma_wait3A_710, %dma_wait3A_716] : memref<50x512xi32, #tpu.memory_space<vmem>> -> memref<1x512xi32, #tpu.memory_space<vmem>>
    %dma_wait3A_718 = tpu.memref_squeeze %dma_wait3A_717 : memref<1x512xi32, #tpu.memory_space<vmem>> -> memref<512xi32, #tpu.memory_space<vmem>>
    %dma_wait3A_719 = tpu.memref_slice %arg2[%dma_wait3A_709, %mul3A_2] : memref<50x16384xi32, #tpu.memory_space<hbm>> -> memref<1x512xi32, #tpu.memory_space<hbm>>
    %dma_wait3A_720 = tpu.memref_squeeze %dma_wait3A_719 : memref<1x512xi32, #tpu.memory_space<hbm>> -> memref<512xi32, #tpu.memory_space<hbm>>
    tpu.wait_dma2 semaphore(%arg6 : memref<!tpu.dma_semaphore, #tpu.memory_space<semaphore_mem>>) src(%dma_wait3A_720 : memref<512xi32, #tpu.memory_space<hbm>>) dst(%dma_wait3A_718 : memref<512xi32, #tpu.memory_space<vmem>>)
    %dma_wait3A_721 = arith.constant 0 : i32
    %dma_wait3A_722 = arith.constant 10 : i32
    %dma_wait3A_723 = arith.constant 0 : i32
    %dma_wait3A_724 = tpu.memref_slice %arg4[%dma_wait3A_722, %dma_wait3A_723] : memref<50x512xi32, #tpu.memory_space<vmem>> -> memref<1x512xi32, #tpu.memory_space<vmem>>
    %dma_wait3A_725 = tpu.memref_squeeze %dma_wait3A_724 : memref<1x512xi32, #tpu.memory_space<vmem>> -> memref<512xi32, #tpu.memory_space<vmem>>
    %dma_wait3A_726 = tpu.memref_slice %arg2[%dma_wait3A_721, %mul3A_2] : memref<50x16384xi32, #tpu.memory_space<hbm>> -> memref<1x512xi32, #tpu.memory_space<hbm>>
    %dma_wait3A_727 = tpu.memref_squeeze %dma_wait3A_726 : memref<1x512xi32, #tpu.memory_space<hbm>> -> memref<512xi32, #tpu.memory_space<hbm>>
    %dma_wait3A_728 = arith.constant 0 : i32
    %dma_wait3A_729 = tpu.memref_slice %arg4[%dma_wait3A_722, %dma_wait3A_728] : memref<50x512xi32, #tpu.memory_space<vmem>> -> memref<1x512xi32, #tpu.memory_space<vmem>>
    %dma_wait3A_730 = tpu.memref_squeeze %dma_wait3A_729 : memref<1x512xi32, #tpu.memory_space<vmem>> -> memref<512xi32, #tpu.memory_space<vmem>>
    %dma_wait3A_731 = tpu.memref_slice %arg2[%dma_wait3A_721, %mul3A_2] : memref<50x16384xi32, #tpu.memory_space<hbm>> -> memref<1x512xi32, #tpu.memory_space<hbm>>
    %dma_wait3A_732 = tpu.memref_squeeze %dma_wait3A_731 : memref<1x512xi32, #tpu.memory_space<hbm>> -> memref<512xi32, #tpu.memory_space<hbm>>
    tpu.wait_dma2 semaphore(%arg6 : memref<!tpu.dma_semaphore, #tpu.memory_space<semaphore_mem>>) src(%dma_wait3A_732 : memref<512xi32, #tpu.memory_space<hbm>>) dst(%dma_wait3A_730 : memref<512xi32, #tpu.memory_space<vmem>>)
    %dma_wait3A_733 = arith.constant 0 : i32
    %dma_wait3A_734 = arith.constant 11 : i32
    %dma_wait3A_735 = arith.constant 0 : i32
    %dma_wait3A_736 = tpu.memref_slice %arg4[%dma_wait3A_734, %dma_wait3A_735] : memref<50x512xi32, #tpu.memory_space<vmem>> -> memref<1x512xi32, #tpu.memory_space<vmem>>
    %dma_wait3A_737 = tpu.memref_squeeze %dma_wait3A_736 : memref<1x512xi32, #tpu.memory_space<vmem>> -> memref<512xi32, #tpu.memory_space<vmem>>
    %dma_wait3A_738 = tpu.memref_slice %arg2[%dma_wait3A_733, %mul3A_2] : memref<50x16384xi32, #tpu.memory_space<hbm>> -> memref<1x512xi32, #tpu.memory_space<hbm>>
    %dma_wait3A_739 = tpu.memref_squeeze %dma_wait3A_738 : memref<1x512xi32, #tpu.memory_space<hbm>> -> memref<512xi32, #tpu.memory_space<hbm>>
    %dma_wait3A_740 = arith.constant 0 : i32
    %dma_wait3A_741 = tpu.memref_slice %arg4[%dma_wait3A_734, %dma_wait3A_740] : memref<50x512xi32, #tpu.memory_space<vmem>> -> memref<1x512xi32, #tpu.memory_space<vmem>>
    %dma_wait3A_742 = tpu.memref_squeeze %dma_wait3A_741 : memref<1x512xi32, #tpu.memory_space<vmem>> -> memref<512xi32, #tpu.memory_space<vmem>>
    %dma_wait3A_743 = tpu.memref_slice %arg2[%dma_wait3A_733, %mul3A_2] : memref<50x16384xi32, #tpu.memory_space<hbm>> -> memref<1x512xi32, #tpu.memory_space<hbm>>
    %dma_wait3A_744 = tpu.memref_squeeze %dma_wait3A_743 : memref<1x512xi32, #tpu.memory_space<hbm>> -> memref<512xi32, #tpu.memory_space<hbm>>
    tpu.wait_dma2 semaphore(%arg6 : memref<!tpu.dma_semaphore, #tpu.memory_space<semaphore_mem>>) src(%dma_wait3A_744 : memref<512xi32, #tpu.memory_space<hbm>>) dst(%dma_wait3A_742 : memref<512xi32, #tpu.memory_space<vmem>>)
    %dma_wait3A_745 = arith.constant 0 : i32
    %dma_wait3A_746 = arith.constant 12 : i32
    %dma_wait3A_747 = arith.constant 0 : i32
    %dma_wait3A_748 = tpu.memref_slice %arg4[%dma_wait3A_746, %dma_wait3A_747] : memref<50x512xi32, #tpu.memory_space<vmem>> -> memref<1x512xi32, #tpu.memory_space<vmem>>
    %dma_wait3A_749 = tpu.memref_squeeze %dma_wait3A_748 : memref<1x512xi32, #tpu.memory_space<vmem>> -> memref<512xi32, #tpu.memory_space<vmem>>
    %dma_wait3A_750 = tpu.memref_slice %arg2[%dma_wait3A_745, %mul3A_2] : memref<50x16384xi32, #tpu.memory_space<hbm>> -> memref<1x512xi32, #tpu.memory_space<hbm>>
    %dma_wait3A_751 = tpu.memref_squeeze %dma_wait3A_750 : memref<1x512xi32, #tpu.memory_space<hbm>> -> memref<512xi32, #tpu.memory_space<hbm>>
    %dma_wait3A_752 = arith.constant 0 : i32
    %dma_wait3A_753 = tpu.memref_slice %arg4[%dma_wait3A_746, %dma_wait3A_752] : memref<50x512xi32, #tpu.memory_space<vmem>> -> memref<1x512xi32, #tpu.memory_space<vmem>>
    %dma_wait3A_754 = tpu.memref_squeeze %dma_wait3A_753 : memref<1x512xi32, #tpu.memory_space<vmem>> -> memref<512xi32, #tpu.memory_space<vmem>>
    %dma_wait3A_755 = tpu.memref_slice %arg2[%dma_wait3A_745, %mul3A_2] : memref<50x16384xi32, #tpu.memory_space<hbm>> -> memref<1x512xi32, #tpu.memory_space<hbm>>
    %dma_wait3A_756 = tpu.memref_squeeze %dma_wait3A_755 : memref<1x512xi32, #tpu.memory_space<hbm>> -> memref<512xi32, #tpu.memory_space<hbm>>
    tpu.wait_dma2 semaphore(%arg6 : memref<!tpu.dma_semaphore, #tpu.memory_space<semaphore_mem>>) src(%dma_wait3A_756 : memref<512xi32, #tpu.memory_space<hbm>>) dst(%dma_wait3A_754 : memref<512xi32, #tpu.memory_space<vmem>>)
    %dma_wait3A_757 = arith.constant 0 : i32
    %dma_wait3A_758 = arith.constant 13 : i32
    %dma_wait3A_759 = arith.constant 0 : i32
    %dma_wait3A_760 = tpu.memref_slice %arg4[%dma_wait3A_758, %dma_wait3A_759] : memref<50x512xi32, #tpu.memory_space<vmem>> -> memref<1x512xi32, #tpu.memory_space<vmem>>
    %dma_wait3A_761 = tpu.memref_squeeze %dma_wait3A_760 : memref<1x512xi32, #tpu.memory_space<vmem>> -> memref<512xi32, #tpu.memory_space<vmem>>
    %dma_wait3A_762 = tpu.memref_slice %arg2[%dma_wait3A_757, %mul3A_2] : memref<50x16384xi32, #tpu.memory_space<hbm>> -> memref<1x512xi32, #tpu.memory_space<hbm>>
    %dma_wait3A_763 = tpu.memref_squeeze %dma_wait3A_762 : memref<1x512xi32, #tpu.memory_space<hbm>> -> memref<512xi32, #tpu.memory_space<hbm>>
    %dma_wait3A_764 = arith.constant 0 : i32
    %dma_wait3A_765 = tpu.memref_slice %arg4[%dma_wait3A_758, %dma_wait3A_764] : memref<50x512xi32, #tpu.memory_space<vmem>> -> memref<1x512xi32, #tpu.memory_space<vmem>>
    %dma_wait3A_766 = tpu.memref_squeeze %dma_wait3A_765 : memref<1x512xi32, #tpu.memory_space<vmem>> -> memref<512xi32, #tpu.memory_space<vmem>>
    %dma_wait3A_767 = tpu.memref_slice %arg2[%dma_wait3A_757, %mul3A_2] : memref<50x16384xi32, #tpu.memory_space<hbm>> -> memref<1x512xi32, #tpu.memory_space<hbm>>
    %dma_wait3A_768 = tpu.memref_squeeze %dma_wait3A_767 : memref<1x512xi32, #tpu.memory_space<hbm>> -> memref<512xi32, #tpu.memory_space<hbm>>
    tpu.wait_dma2 semaphore(%arg6 : memref<!tpu.dma_semaphore, #tpu.memory_space<semaphore_mem>>) src(%dma_wait3A_768 : memref<512xi32, #tpu.memory_space<hbm>>) dst(%dma_wait3A_766 : memref<512xi32, #tpu.memory_space<vmem>>)
    %dma_wait3A_769 = arith.constant 0 : i32
    %dma_wait3A_770 = arith.constant 14 : i32
    %dma_wait3A_771 = arith.constant 0 : i32
    %dma_wait3A_772 = tpu.memref_slice %arg4[%dma_wait3A_770, %dma_wait3A_771] : memref<50x512xi32, #tpu.memory_space<vmem>> -> memref<1x512xi32, #tpu.memory_space<vmem>>
    %dma_wait3A_773 = tpu.memref_squeeze %dma_wait3A_772 : memref<1x512xi32, #tpu.memory_space<vmem>> -> memref<512xi32, #tpu.memory_space<vmem>>
    %dma_wait3A_774 = tpu.memref_slice %arg2[%dma_wait3A_769, %mul3A_2] : memref<50x16384xi32, #tpu.memory_space<hbm>> -> memref<1x512xi32, #tpu.memory_space<hbm>>
    %dma_wait3A_775 = tpu.memref_squeeze %dma_wait3A_774 : memref<1x512xi32, #tpu.memory_space<hbm>> -> memref<512xi32, #tpu.memory_space<hbm>>
    %dma_wait3A_776 = arith.constant 0 : i32
    %dma_wait3A_777 = tpu.memref_slice %arg4[%dma_wait3A_770, %dma_wait3A_776] : memref<50x512xi32, #tpu.memory_space<vmem>> -> memref<1x512xi32, #tpu.memory_space<vmem>>
    %dma_wait3A_778 = tpu.memref_squeeze %dma_wait3A_777 : memref<1x512xi32, #tpu.memory_space<vmem>> -> memref<512xi32, #tpu.memory_space<vmem>>
    %dma_wait3A_779 = tpu.memref_slice %arg2[%dma_wait3A_769, %mul3A_2] : memref<50x16384xi32, #tpu.memory_space<hbm>> -> memref<1x512xi32, #tpu.memory_space<hbm>>
    %dma_wait3A_780 = tpu.memref_squeeze %dma_wait3A_779 : memref<1x512xi32, #tpu.memory_space<hbm>> -> memref<512xi32, #tpu.memory_space<hbm>>
    tpu.wait_dma2 semaphore(%arg6 : memref<!tpu.dma_semaphore, #tpu.memory_space<semaphore_mem>>) src(%dma_wait3A_780 : memref<512xi32, #tpu.memory_space<hbm>>) dst(%dma_wait3A_778 : memref<512xi32, #tpu.memory_space<vmem>>)
    %dma_wait3A_781 = arith.constant 0 : i32
    %dma_wait3A_782 = arith.constant 15 : i32
    %dma_wait3A_783 = arith.constant 0 : i32
    %dma_wait3A_784 = tpu.memref_slice %arg4[%dma_wait3A_782, %dma_wait3A_783] : memref<50x512xi32, #tpu.memory_space<vmem>> -> memref<1x512xi32, #tpu.memory_space<vmem>>
    %dma_wait3A_785 = tpu.memref_squeeze %dma_wait3A_784 : memref<1x512xi32, #tpu.memory_space<vmem>> -> memref<512xi32, #tpu.memory_space<vmem>>
    %dma_wait3A_786 = tpu.memref_slice %arg2[%dma_wait3A_781, %mul3A_2] : memref<50x16384xi32, #tpu.memory_space<hbm>> -> memref<1x512xi32, #tpu.memory_space<hbm>>
    %dma_wait3A_787 = tpu.memref_squeeze %dma_wait3A_786 : memref<1x512xi32, #tpu.memory_space<hbm>> -> memref<512xi32, #tpu.memory_space<hbm>>
    %dma_wait3A_788 = arith.constant 0 : i32
    %dma_wait3A_789 = tpu.memref_slice %arg4[%dma_wait3A_782, %dma_wait3A_788] : memref<50x512xi32, #tpu.memory_space<vmem>> -> memref<1x512xi32, #tpu.memory_space<vmem>>
    %dma_wait3A_790 = tpu.memref_squeeze %dma_wait3A_789 : memref<1x512xi32, #tpu.memory_space<vmem>> -> memref<512xi32, #tpu.memory_space<vmem>>
    %dma_wait3A_791 = tpu.memref_slice %arg2[%dma_wait3A_781, %mul3A_2] : memref<50x16384xi32, #tpu.memory_space<hbm>> -> memref<1x512xi32, #tpu.memory_space<hbm>>
    %dma_wait3A_792 = tpu.memref_squeeze %dma_wait3A_791 : memref<1x512xi32, #tpu.memory_space<hbm>> -> memref<512xi32, #tpu.memory_space<hbm>>
    tpu.wait_dma2 semaphore(%arg6 : memref<!tpu.dma_semaphore, #tpu.memory_space<semaphore_mem>>) src(%dma_wait3A_792 : memref<512xi32, #tpu.memory_space<hbm>>) dst(%dma_wait3A_790 : memref<512xi32, #tpu.memory_space<vmem>>)
    %dma_wait3A_793 = arith.constant 0 : i32
    %dma_wait3A_794 = arith.constant 16 : i32
    %dma_wait3A_795 = arith.constant 0 : i32
    %dma_wait3A_796 = tpu.memref_slice %arg4[%dma_wait3A_794, %dma_wait3A_795] : memref<50x512xi32, #tpu.memory_space<vmem>> -> memref<1x512xi32, #tpu.memory_space<vmem>>
    %dma_wait3A_797 = tpu.memref_squeeze %dma_wait3A_796 : memref<1x512xi32, #tpu.memory_space<vmem>> -> memref<512xi32, #tpu.memory_space<vmem>>
    %dma_wait3A_798 = tpu.memref_slice %arg2[%dma_wait3A_793, %mul3A_2] : memref<50x16384xi32, #tpu.memory_space<hbm>> -> memref<1x512xi32, #tpu.memory_space<hbm>>
    %dma_wait3A_799 = tpu.memref_squeeze %dma_wait3A_798 : memref<1x512xi32, #tpu.memory_space<hbm>> -> memref<512xi32, #tpu.memory_space<hbm>>
    %dma_wait3A_800 = arith.constant 0 : i32
    %dma_wait3A_801 = tpu.memref_slice %arg4[%dma_wait3A_794, %dma_wait3A_800] : memref<50x512xi32, #tpu.memory_space<vmem>> -> memref<1x512xi32, #tpu.memory_space<vmem>>
    %dma_wait3A_802 = tpu.memref_squeeze %dma_wait3A_801 : memref<1x512xi32, #tpu.memory_space<vmem>> -> memref<512xi32, #tpu.memory_space<vmem>>
    %dma_wait3A_803 = tpu.memref_slice %arg2[%dma_wait3A_793, %mul3A_2] : memref<50x16384xi32, #tpu.memory_space<hbm>> -> memref<1x512xi32, #tpu.memory_space<hbm>>
    %dma_wait3A_804 = tpu.memref_squeeze %dma_wait3A_803 : memref<1x512xi32, #tpu.memory_space<hbm>> -> memref<512xi32, #tpu.memory_space<hbm>>
    tpu.wait_dma2 semaphore(%arg6 : memref<!tpu.dma_semaphore, #tpu.memory_space<semaphore_mem>>) src(%dma_wait3A_804 : memref<512xi32, #tpu.memory_space<hbm>>) dst(%dma_wait3A_802 : memref<512xi32, #tpu.memory_space<vmem>>)
    %dma_wait3A_805 = arith.constant 0 : i32
    %dma_wait3A_806 = arith.constant 17 : i32
    %dma_wait3A_807 = arith.constant 0 : i32
    %dma_wait3A_808 = tpu.memref_slice %arg4[%dma_wait3A_806, %dma_wait3A_807] : memref<50x512xi32, #tpu.memory_space<vmem>> -> memref<1x512xi32, #tpu.memory_space<vmem>>
    %dma_wait3A_809 = tpu.memref_squeeze %dma_wait3A_808 : memref<1x512xi32, #tpu.memory_space<vmem>> -> memref<512xi32, #tpu.memory_space<vmem>>
    %dma_wait3A_810 = tpu.memref_slice %arg2[%dma_wait3A_805, %mul3A_2] : memref<50x16384xi32, #tpu.memory_space<hbm>> -> memref<1x512xi32, #tpu.memory_space<hbm>>
    %dma_wait3A_811 = tpu.memref_squeeze %dma_wait3A_810 : memref<1x512xi32, #tpu.memory_space<hbm>> -> memref<512xi32, #tpu.memory_space<hbm>>
    %dma_wait3A_812 = arith.constant 0 : i32
    %dma_wait3A_813 = tpu.memref_slice %arg4[%dma_wait3A_806, %dma_wait3A_812] : memref<50x512xi32, #tpu.memory_space<vmem>> -> memref<1x512xi32, #tpu.memory_space<vmem>>
    %dma_wait3A_814 = tpu.memref_squeeze %dma_wait3A_813 : memref<1x512xi32, #tpu.memory_space<vmem>> -> memref<512xi32, #tpu.memory_space<vmem>>
    %dma_wait3A_815 = tpu.memref_slice %arg2[%dma_wait3A_805, %mul3A_2] : memref<50x16384xi32, #tpu.memory_space<hbm>> -> memref<1x512xi32, #tpu.memory_space<hbm>>
    %dma_wait3A_816 = tpu.memref_squeeze %dma_wait3A_815 : memref<1x512xi32, #tpu.memory_space<hbm>> -> memref<512xi32, #tpu.memory_space<hbm>>
    tpu.wait_dma2 semaphore(%arg6 : memref<!tpu.dma_semaphore, #tpu.memory_space<semaphore_mem>>) src(%dma_wait3A_816 : memref<512xi32, #tpu.memory_space<hbm>>) dst(%dma_wait3A_814 : memref<512xi32, #tpu.memory_space<vmem>>)
    %dma_wait3A_817 = arith.constant 0 : i32
    %dma_wait3A_818 = arith.constant 18 : i32
    %dma_wait3A_819 = arith.constant 0 : i32
    %dma_wait3A_820 = tpu.memref_slice %arg4[%dma_wait3A_818, %dma_wait3A_819] : memref<50x512xi32, #tpu.memory_space<vmem>> -> memref<1x512xi32, #tpu.memory_space<vmem>>
    %dma_wait3A_821 = tpu.memref_squeeze %dma_wait3A_820 : memref<1x512xi32, #tpu.memory_space<vmem>> -> memref<512xi32, #tpu.memory_space<vmem>>
    %dma_wait3A_822 = tpu.memref_slice %arg2[%dma_wait3A_817, %mul3A_2] : memref<50x16384xi32, #tpu.memory_space<hbm>> -> memref<1x512xi32, #tpu.memory_space<hbm>>
    %dma_wait3A_823 = tpu.memref_squeeze %dma_wait3A_822 : memref<1x512xi32, #tpu.memory_space<hbm>> -> memref<512xi32, #tpu.memory_space<hbm>>
    %dma_wait3A_824 = arith.constant 0 : i32
    %dma_wait3A_825 = tpu.memref_slice %arg4[%dma_wait3A_818, %dma_wait3A_824] : memref<50x512xi32, #tpu.memory_space<vmem>> -> memref<1x512xi32, #tpu.memory_space<vmem>>
    %dma_wait3A_826 = tpu.memref_squeeze %dma_wait3A_825 : memref<1x512xi32, #tpu.memory_space<vmem>> -> memref<512xi32, #tpu.memory_space<vmem>>
    %dma_wait3A_827 = tpu.memref_slice %arg2[%dma_wait3A_817, %mul3A_2] : memref<50x16384xi32, #tpu.memory_space<hbm>> -> memref<1x512xi32, #tpu.memory_space<hbm>>
    %dma_wait3A_828 = tpu.memref_squeeze %dma_wait3A_827 : memref<1x512xi32, #tpu.memory_space<hbm>> -> memref<512xi32, #tpu.memory_space<hbm>>
    tpu.wait_dma2 semaphore(%arg6 : memref<!tpu.dma_semaphore, #tpu.memory_space<semaphore_mem>>) src(%dma_wait3A_828 : memref<512xi32, #tpu.memory_space<hbm>>) dst(%dma_wait3A_826 : memref<512xi32, #tpu.memory_space<vmem>>)
    %dma_wait3A_829 = arith.constant 0 : i32
    %dma_wait3A_830 = arith.constant 19 : i32
    %dma_wait3A_831 = arith.constant 0 : i32
    %dma_wait3A_832 = tpu.memref_slice %arg4[%dma_wait3A_830, %dma_wait3A_831] : memref<50x512xi32, #tpu.memory_space<vmem>> -> memref<1x512xi32, #tpu.memory_space<vmem>>
    %dma_wait3A_833 = tpu.memref_squeeze %dma_wait3A_832 : memref<1x512xi32, #tpu.memory_space<vmem>> -> memref<512xi32, #tpu.memory_space<vmem>>
    %dma_wait3A_834 = tpu.memref_slice %arg2[%dma_wait3A_829, %mul3A_2] : memref<50x16384xi32, #tpu.memory_space<hbm>> -> memref<1x512xi32, #tpu.memory_space<hbm>>
    %dma_wait3A_835 = tpu.memref_squeeze %dma_wait3A_834 : memref<1x512xi32, #tpu.memory_space<hbm>> -> memref<512xi32, #tpu.memory_space<hbm>>
    %dma_wait3A_836 = arith.constant 0 : i32
    %dma_wait3A_837 = tpu.memref_slice %arg4[%dma_wait3A_830, %dma_wait3A_836] : memref<50x512xi32, #tpu.memory_space<vmem>> -> memref<1x512xi32, #tpu.memory_space<vmem>>
    %dma_wait3A_838 = tpu.memref_squeeze %dma_wait3A_837 : memref<1x512xi32, #tpu.memory_space<vmem>> -> memref<512xi32, #tpu.memory_space<vmem>>
    %dma_wait3A_839 = tpu.memref_slice %arg2[%dma_wait3A_829, %mul3A_2] : memref<50x16384xi32, #tpu.memory_space<hbm>> -> memref<1x512xi32, #tpu.memory_space<hbm>>
    %dma_wait3A_840 = tpu.memref_squeeze %dma_wait3A_839 : memref<1x512xi32, #tpu.memory_space<hbm>> -> memref<512xi32, #tpu.memory_space<hbm>>
    tpu.wait_dma2 semaphore(%arg6 : memref<!tpu.dma_semaphore, #tpu.memory_space<semaphore_mem>>) src(%dma_wait3A_840 : memref<512xi32, #tpu.memory_space<hbm>>) dst(%dma_wait3A_838 : memref<512xi32, #tpu.memory_space<vmem>>)
    %dma_wait3A_841 = arith.constant 0 : i32
    %dma_wait3A_842 = arith.constant 20 : i32
    %dma_wait3A_843 = arith.constant 0 : i32
    %dma_wait3A_844 = tpu.memref_slice %arg4[%dma_wait3A_842, %dma_wait3A_843] : memref<50x512xi32, #tpu.memory_space<vmem>> -> memref<1x512xi32, #tpu.memory_space<vmem>>
    %dma_wait3A_845 = tpu.memref_squeeze %dma_wait3A_844 : memref<1x512xi32, #tpu.memory_space<vmem>> -> memref<512xi32, #tpu.memory_space<vmem>>
    %dma_wait3A_846 = tpu.memref_slice %arg2[%dma_wait3A_841, %mul3A_2] : memref<50x16384xi32, #tpu.memory_space<hbm>> -> memref<1x512xi32, #tpu.memory_space<hbm>>
    %dma_wait3A_847 = tpu.memref_squeeze %dma_wait3A_846 : memref<1x512xi32, #tpu.memory_space<hbm>> -> memref<512xi32, #tpu.memory_space<hbm>>
    %dma_wait3A_848 = arith.constant 0 : i32
    %dma_wait3A_849 = tpu.memref_slice %arg4[%dma_wait3A_842, %dma_wait3A_848] : memref<50x512xi32, #tpu.memory_space<vmem>> -> memref<1x512xi32, #tpu.memory_space<vmem>>
    %dma_wait3A_850 = tpu.memref_squeeze %dma_wait3A_849 : memref<1x512xi32, #tpu.memory_space<vmem>> -> memref<512xi32, #tpu.memory_space<vmem>>
    %dma_wait3A_851 = tpu.memref_slice %arg2[%dma_wait3A_841, %mul3A_2] : memref<50x16384xi32, #tpu.memory_space<hbm>> -> memref<1x512xi32, #tpu.memory_space<hbm>>
    %dma_wait3A_852 = tpu.memref_squeeze %dma_wait3A_851 : memref<1x512xi32, #tpu.memory_space<hbm>> -> memref<512xi32, #tpu.memory_space<hbm>>
    tpu.wait_dma2 semaphore(%arg6 : memref<!tpu.dma_semaphore, #tpu.memory_space<semaphore_mem>>) src(%dma_wait3A_852 : memref<512xi32, #tpu.memory_space<hbm>>) dst(%dma_wait3A_850 : memref<512xi32, #tpu.memory_space<vmem>>)
    %dma_wait3A_853 = arith.constant 0 : i32
    %dma_wait3A_854 = arith.constant 21 : i32
    %dma_wait3A_855 = arith.constant 0 : i32
    %dma_wait3A_856 = tpu.memref_slice %arg4[%dma_wait3A_854, %dma_wait3A_855] : memref<50x512xi32, #tpu.memory_space<vmem>> -> memref<1x512xi32, #tpu.memory_space<vmem>>
    %dma_wait3A_857 = tpu.memref_squeeze %dma_wait3A_856 : memref<1x512xi32, #tpu.memory_space<vmem>> -> memref<512xi32, #tpu.memory_space<vmem>>
    %dma_wait3A_858 = tpu.memref_slice %arg2[%dma_wait3A_853, %mul3A_2] : memref<50x16384xi32, #tpu.memory_space<hbm>> -> memref<1x512xi32, #tpu.memory_space<hbm>>
    %dma_wait3A_859 = tpu.memref_squeeze %dma_wait3A_858 : memref<1x512xi32, #tpu.memory_space<hbm>> -> memref<512xi32, #tpu.memory_space<hbm>>
    %dma_wait3A_860 = arith.constant 0 : i32
    %dma_wait3A_861 = tpu.memref_slice %arg4[%dma_wait3A_854, %dma_wait3A_860] : memref<50x512xi32, #tpu.memory_space<vmem>> -> memref<1x512xi32, #tpu.memory_space<vmem>>
    %dma_wait3A_862 = tpu.memref_squeeze %dma_wait3A_861 : memref<1x512xi32, #tpu.memory_space<vmem>> -> memref<512xi32, #tpu.memory_space<vmem>>
    %dma_wait3A_863 = tpu.memref_slice %arg2[%dma_wait3A_853, %mul3A_2] : memref<50x16384xi32, #tpu.memory_space<hbm>> -> memref<1x512xi32, #tpu.memory_space<hbm>>
    %dma_wait3A_864 = tpu.memref_squeeze %dma_wait3A_863 : memref<1x512xi32, #tpu.memory_space<hbm>> -> memref<512xi32, #tpu.memory_space<hbm>>
    tpu.wait_dma2 semaphore(%arg6 : memref<!tpu.dma_semaphore, #tpu.memory_space<semaphore_mem>>) src(%dma_wait3A_864 : memref<512xi32, #tpu.memory_space<hbm>>) dst(%dma_wait3A_862 : memref<512xi32, #tpu.memory_space<vmem>>)
    %dma_wait3A_865 = arith.constant 0 : i32
    %dma_wait3A_866 = arith.constant 22 : i32
    %dma_wait3A_867 = arith.constant 0 : i32
    %dma_wait3A_868 = tpu.memref_slice %arg4[%dma_wait3A_866, %dma_wait3A_867] : memref<50x512xi32, #tpu.memory_space<vmem>> -> memref<1x512xi32, #tpu.memory_space<vmem>>
    %dma_wait3A_869 = tpu.memref_squeeze %dma_wait3A_868 : memref<1x512xi32, #tpu.memory_space<vmem>> -> memref<512xi32, #tpu.memory_space<vmem>>
    %dma_wait3A_870 = tpu.memref_slice %arg2[%dma_wait3A_865, %mul3A_2] : memref<50x16384xi32, #tpu.memory_space<hbm>> -> memref<1x512xi32, #tpu.memory_space<hbm>>
    %dma_wait3A_871 = tpu.memref_squeeze %dma_wait3A_870 : memref<1x512xi32, #tpu.memory_space<hbm>> -> memref<512xi32, #tpu.memory_space<hbm>>
    %dma_wait3A_872 = arith.constant 0 : i32
    %dma_wait3A_873 = tpu.memref_slice %arg4[%dma_wait3A_866, %dma_wait3A_872] : memref<50x512xi32, #tpu.memory_space<vmem>> -> memref<1x512xi32, #tpu.memory_space<vmem>>
    %dma_wait3A_874 = tpu.memref_squeeze %dma_wait3A_873 : memref<1x512xi32, #tpu.memory_space<vmem>> -> memref<512xi32, #tpu.memory_space<vmem>>
    %dma_wait3A_875 = tpu.memref_slice %arg2[%dma_wait3A_865, %mul3A_2] : memref<50x16384xi32, #tpu.memory_space<hbm>> -> memref<1x512xi32, #tpu.memory_space<hbm>>
    %dma_wait3A_876 = tpu.memref_squeeze %dma_wait3A_875 : memref<1x512xi32, #tpu.memory_space<hbm>> -> memref<512xi32, #tpu.memory_space<hbm>>
    tpu.wait_dma2 semaphore(%arg6 : memref<!tpu.dma_semaphore, #tpu.memory_space<semaphore_mem>>) src(%dma_wait3A_876 : memref<512xi32, #tpu.memory_space<hbm>>) dst(%dma_wait3A_874 : memref<512xi32, #tpu.memory_space<vmem>>)
    %dma_wait3A_877 = arith.constant 0 : i32
    %dma_wait3A_878 = arith.constant 23 : i32
    %dma_wait3A_879 = arith.constant 0 : i32
    %dma_wait3A_880 = tpu.memref_slice %arg4[%dma_wait3A_878, %dma_wait3A_879] : memref<50x512xi32, #tpu.memory_space<vmem>> -> memref<1x512xi32, #tpu.memory_space<vmem>>
    %dma_wait3A_881 = tpu.memref_squeeze %dma_wait3A_880 : memref<1x512xi32, #tpu.memory_space<vmem>> -> memref<512xi32, #tpu.memory_space<vmem>>
    %dma_wait3A_882 = tpu.memref_slice %arg2[%dma_wait3A_877, %mul3A_2] : memref<50x16384xi32, #tpu.memory_space<hbm>> -> memref<1x512xi32, #tpu.memory_space<hbm>>
    %dma_wait3A_883 = tpu.memref_squeeze %dma_wait3A_882 : memref<1x512xi32, #tpu.memory_space<hbm>> -> memref<512xi32, #tpu.memory_space<hbm>>
    %dma_wait3A_884 = arith.constant 0 : i32
    %dma_wait3A_885 = tpu.memref_slice %arg4[%dma_wait3A_878, %dma_wait3A_884] : memref<50x512xi32, #tpu.memory_space<vmem>> -> memref<1x512xi32, #tpu.memory_space<vmem>>
    %dma_wait3A_886 = tpu.memref_squeeze %dma_wait3A_885 : memref<1x512xi32, #tpu.memory_space<vmem>> -> memref<512xi32, #tpu.memory_space<vmem>>
    %dma_wait3A_887 = tpu.memref_slice %arg2[%dma_wait3A_877, %mul3A_2] : memref<50x16384xi32, #tpu.memory_space<hbm>> -> memref<1x512xi32, #tpu.memory_space<hbm>>
    %dma_wait3A_888 = tpu.memref_squeeze %dma_wait3A_887 : memref<1x512xi32, #tpu.memory_space<hbm>> -> memref<512xi32, #tpu.memory_space<hbm>>
    tpu.wait_dma2 semaphore(%arg6 : memref<!tpu.dma_semaphore, #tpu.memory_space<semaphore_mem>>) src(%dma_wait3A_888 : memref<512xi32, #tpu.memory_space<hbm>>) dst(%dma_wait3A_886 : memref<512xi32, #tpu.memory_space<vmem>>)
    %dma_wait3A_889 = arith.constant 0 : i32
    %dma_wait3A_890 = arith.constant 24 : i32
    %dma_wait3A_891 = arith.constant 0 : i32
    %dma_wait3A_892 = tpu.memref_slice %arg4[%dma_wait3A_890, %dma_wait3A_891] : memref<50x512xi32, #tpu.memory_space<vmem>> -> memref<1x512xi32, #tpu.memory_space<vmem>>
    %dma_wait3A_893 = tpu.memref_squeeze %dma_wait3A_892 : memref<1x512xi32, #tpu.memory_space<vmem>> -> memref<512xi32, #tpu.memory_space<vmem>>
    %dma_wait3A_894 = tpu.memref_slice %arg2[%dma_wait3A_889, %mul3A_2] : memref<50x16384xi32, #tpu.memory_space<hbm>> -> memref<1x512xi32, #tpu.memory_space<hbm>>
    %dma_wait3A_895 = tpu.memref_squeeze %dma_wait3A_894 : memref<1x512xi32, #tpu.memory_space<hbm>> -> memref<512xi32, #tpu.memory_space<hbm>>
    %dma_wait3A_896 = arith.constant 0 : i32
    %dma_wait3A_897 = tpu.memref_slice %arg4[%dma_wait3A_890, %dma_wait3A_896] : memref<50x512xi32, #tpu.memory_space<vmem>> -> memref<1x512xi32, #tpu.memory_space<vmem>>
    %dma_wait3A_898 = tpu.memref_squeeze %dma_wait3A_897 : memref<1x512xi32, #tpu.memory_space<vmem>> -> memref<512xi32, #tpu.memory_space<vmem>>
    %dma_wait3A_899 = tpu.memref_slice %arg2[%dma_wait3A_889, %mul3A_2] : memref<50x16384xi32, #tpu.memory_space<hbm>> -> memref<1x512xi32, #tpu.memory_space<hbm>>
    %dma_wait3A_900 = tpu.memref_squeeze %dma_wait3A_899 : memref<1x512xi32, #tpu.memory_space<hbm>> -> memref<512xi32, #tpu.memory_space<hbm>>
    tpu.wait_dma2 semaphore(%arg6 : memref<!tpu.dma_semaphore, #tpu.memory_space<semaphore_mem>>) src(%dma_wait3A_900 : memref<512xi32, #tpu.memory_space<hbm>>) dst(%dma_wait3A_898 : memref<512xi32, #tpu.memory_space<vmem>>)
    %dma_wait3A_901 = arith.constant 0 : i32
    %dma_wait3A_902 = arith.constant 25 : i32
    %dma_wait3A_903 = arith.constant 0 : i32
    %dma_wait3A_904 = tpu.memref_slice %arg4[%dma_wait3A_902, %dma_wait3A_903] : memref<50x512xi32, #tpu.memory_space<vmem>> -> memref<1x512xi32, #tpu.memory_space<vmem>>
    %dma_wait3A_905 = tpu.memref_squeeze %dma_wait3A_904 : memref<1x512xi32, #tpu.memory_space<vmem>> -> memref<512xi32, #tpu.memory_space<vmem>>
    %dma_wait3A_906 = tpu.memref_slice %arg2[%dma_wait3A_901, %mul3A_2] : memref<50x16384xi32, #tpu.memory_space<hbm>> -> memref<1x512xi32, #tpu.memory_space<hbm>>
    %dma_wait3A_907 = tpu.memref_squeeze %dma_wait3A_906 : memref<1x512xi32, #tpu.memory_space<hbm>> -> memref<512xi32, #tpu.memory_space<hbm>>
    %dma_wait3A_908 = arith.constant 0 : i32
    %dma_wait3A_909 = tpu.memref_slice %arg4[%dma_wait3A_902, %dma_wait3A_908] : memref<50x512xi32, #tpu.memory_space<vmem>> -> memref<1x512xi32, #tpu.memory_space<vmem>>
    %dma_wait3A_910 = tpu.memref_squeeze %dma_wait3A_909 : memref<1x512xi32, #tpu.memory_space<vmem>> -> memref<512xi32, #tpu.memory_space<vmem>>
    %dma_wait3A_911 = tpu.memref_slice %arg2[%dma_wait3A_901, %mul3A_2] : memref<50x16384xi32, #tpu.memory_space<hbm>> -> memref<1x512xi32, #tpu.memory_space<hbm>>
    %dma_wait3A_912 = tpu.memref_squeeze %dma_wait3A_911 : memref<1x512xi32, #tpu.memory_space<hbm>> -> memref<512xi32, #tpu.memory_space<hbm>>
    tpu.wait_dma2 semaphore(%arg6 : memref<!tpu.dma_semaphore, #tpu.memory_space<semaphore_mem>>) src(%dma_wait3A_912 : memref<512xi32, #tpu.memory_space<hbm>>) dst(%dma_wait3A_910 : memref<512xi32, #tpu.memory_space<vmem>>)
    %dma_wait3A_913 = arith.constant 0 : i32
    %dma_wait3A_914 = arith.constant 26 : i32
    %dma_wait3A_915 = arith.constant 0 : i32
    %dma_wait3A_916 = tpu.memref_slice %arg4[%dma_wait3A_914, %dma_wait3A_915] : memref<50x512xi32, #tpu.memory_space<vmem>> -> memref<1x512xi32, #tpu.memory_space<vmem>>
    %dma_wait3A_917 = tpu.memref_squeeze %dma_wait3A_916 : memref<1x512xi32, #tpu.memory_space<vmem>> -> memref<512xi32, #tpu.memory_space<vmem>>
    %dma_wait3A_918 = tpu.memref_slice %arg2[%dma_wait3A_913, %mul3A_2] : memref<50x16384xi32, #tpu.memory_space<hbm>> -> memref<1x512xi32, #tpu.memory_space<hbm>>
    %dma_wait3A_919 = tpu.memref_squeeze %dma_wait3A_918 : memref<1x512xi32, #tpu.memory_space<hbm>> -> memref<512xi32, #tpu.memory_space<hbm>>
    %dma_wait3A_920 = arith.constant 0 : i32
    %dma_wait3A_921 = tpu.memref_slice %arg4[%dma_wait3A_914, %dma_wait3A_920] : memref<50x512xi32, #tpu.memory_space<vmem>> -> memref<1x512xi32, #tpu.memory_space<vmem>>
    %dma_wait3A_922 = tpu.memref_squeeze %dma_wait3A_921 : memref<1x512xi32, #tpu.memory_space<vmem>> -> memref<512xi32, #tpu.memory_space<vmem>>
    %dma_wait3A_923 = tpu.memref_slice %arg2[%dma_wait3A_913, %mul3A_2] : memref<50x16384xi32, #tpu.memory_space<hbm>> -> memref<1x512xi32, #tpu.memory_space<hbm>>
    %dma_wait3A_924 = tpu.memref_squeeze %dma_wait3A_923 : memref<1x512xi32, #tpu.memory_space<hbm>> -> memref<512xi32, #tpu.memory_space<hbm>>
    tpu.wait_dma2 semaphore(%arg6 : memref<!tpu.dma_semaphore, #tpu.memory_space<semaphore_mem>>) src(%dma_wait3A_924 : memref<512xi32, #tpu.memory_space<hbm>>) dst(%dma_wait3A_922 : memref<512xi32, #tpu.memory_space<vmem>>)
    %dma_wait3A_925 = arith.constant 0 : i32
    %dma_wait3A_926 = arith.constant 27 : i32
    %dma_wait3A_927 = arith.constant 0 : i32
    %dma_wait3A_928 = tpu.memref_slice %arg4[%dma_wait3A_926, %dma_wait3A_927] : memref<50x512xi32, #tpu.memory_space<vmem>> -> memref<1x512xi32, #tpu.memory_space<vmem>>
    %dma_wait3A_929 = tpu.memref_squeeze %dma_wait3A_928 : memref<1x512xi32, #tpu.memory_space<vmem>> -> memref<512xi32, #tpu.memory_space<vmem>>
    %dma_wait3A_930 = tpu.memref_slice %arg2[%dma_wait3A_925, %mul3A_2] : memref<50x16384xi32, #tpu.memory_space<hbm>> -> memref<1x512xi32, #tpu.memory_space<hbm>>
    %dma_wait3A_931 = tpu.memref_squeeze %dma_wait3A_930 : memref<1x512xi32, #tpu.memory_space<hbm>> -> memref<512xi32, #tpu.memory_space<hbm>>
    %dma_wait3A_932 = arith.constant 0 : i32
    %dma_wait3A_933 = tpu.memref_slice %arg4[%dma_wait3A_926, %dma_wait3A_932] : memref<50x512xi32, #tpu.memory_space<vmem>> -> memref<1x512xi32, #tpu.memory_space<vmem>>
    %dma_wait3A_934 = tpu.memref_squeeze %dma_wait3A_933 : memref<1x512xi32, #tpu.memory_space<vmem>> -> memref<512xi32, #tpu.memory_space<vmem>>
    %dma_wait3A_935 = tpu.memref_slice %arg2[%dma_wait3A_925, %mul3A_2] : memref<50x16384xi32, #tpu.memory_space<hbm>> -> memref<1x512xi32, #tpu.memory_space<hbm>>
    %dma_wait3A_936 = tpu.memref_squeeze %dma_wait3A_935 : memref<1x512xi32, #tpu.memory_space<hbm>> -> memref<512xi32, #tpu.memory_space<hbm>>
    tpu.wait_dma2 semaphore(%arg6 : memref<!tpu.dma_semaphore, #tpu.memory_space<semaphore_mem>>) src(%dma_wait3A_936 : memref<512xi32, #tpu.memory_space<hbm>>) dst(%dma_wait3A_934 : memref<512xi32, #tpu.memory_space<vmem>>)
    %dma_wait3A_937 = arith.constant 0 : i32
    %dma_wait3A_938 = arith.constant 28 : i32
    %dma_wait3A_939 = arith.constant 0 : i32
    %dma_wait3A_940 = tpu.memref_slice %arg4[%dma_wait3A_938, %dma_wait3A_939] : memref<50x512xi32, #tpu.memory_space<vmem>> -> memref<1x512xi32, #tpu.memory_space<vmem>>
    %dma_wait3A_941 = tpu.memref_squeeze %dma_wait3A_940 : memref<1x512xi32, #tpu.memory_space<vmem>> -> memref<512xi32, #tpu.memory_space<vmem>>
    %dma_wait3A_942 = tpu.memref_slice %arg2[%dma_wait3A_937, %mul3A_2] : memref<50x16384xi32, #tpu.memory_space<hbm>> -> memref<1x512xi32, #tpu.memory_space<hbm>>
    %dma_wait3A_943 = tpu.memref_squeeze %dma_wait3A_942 : memref<1x512xi32, #tpu.memory_space<hbm>> -> memref<512xi32, #tpu.memory_space<hbm>>
    %dma_wait3A_944 = arith.constant 0 : i32
    %dma_wait3A_945 = tpu.memref_slice %arg4[%dma_wait3A_938, %dma_wait3A_944] : memref<50x512xi32, #tpu.memory_space<vmem>> -> memref<1x512xi32, #tpu.memory_space<vmem>>
    %dma_wait3A_946 = tpu.memref_squeeze %dma_wait3A_945 : memref<1x512xi32, #tpu.memory_space<vmem>> -> memref<512xi32, #tpu.memory_space<vmem>>
    %dma_wait3A_947 = tpu.memref_slice %arg2[%dma_wait3A_937, %mul3A_2] : memref<50x16384xi32, #tpu.memory_space<hbm>> -> memref<1x512xi32, #tpu.memory_space<hbm>>
    %dma_wait3A_948 = tpu.memref_squeeze %dma_wait3A_947 : memref<1x512xi32, #tpu.memory_space<hbm>> -> memref<512xi32, #tpu.memory_space<hbm>>
    tpu.wait_dma2 semaphore(%arg6 : memref<!tpu.dma_semaphore, #tpu.memory_space<semaphore_mem>>) src(%dma_wait3A_948 : memref<512xi32, #tpu.memory_space<hbm>>) dst(%dma_wait3A_946 : memref<512xi32, #tpu.memory_space<vmem>>)
    %dma_wait3A_949 = arith.constant 0 : i32
    %dma_wait3A_950 = arith.constant 29 : i32
    %dma_wait3A_951 = arith.constant 0 : i32
    %dma_wait3A_952 = tpu.memref_slice %arg4[%dma_wait3A_950, %dma_wait3A_951] : memref<50x512xi32, #tpu.memory_space<vmem>> -> memref<1x512xi32, #tpu.memory_space<vmem>>
    %dma_wait3A_953 = tpu.memref_squeeze %dma_wait3A_952 : memref<1x512xi32, #tpu.memory_space<vmem>> -> memref<512xi32, #tpu.memory_space<vmem>>
    %dma_wait3A_954 = tpu.memref_slice %arg2[%dma_wait3A_949, %mul3A_2] : memref<50x16384xi32, #tpu.memory_space<hbm>> -> memref<1x512xi32, #tpu.memory_space<hbm>>
    %dma_wait3A_955 = tpu.memref_squeeze %dma_wait3A_954 : memref<1x512xi32, #tpu.memory_space<hbm>> -> memref<512xi32, #tpu.memory_space<hbm>>
    %dma_wait3A_956 = arith.constant 0 : i32
    %dma_wait3A_957 = tpu.memref_slice %arg4[%dma_wait3A_950, %dma_wait3A_956] : memref<50x512xi32, #tpu.memory_space<vmem>> -> memref<1x512xi32, #tpu.memory_space<vmem>>
    %dma_wait3A_958 = tpu.memref_squeeze %dma_wait3A_957 : memref<1x512xi32, #tpu.memory_space<vmem>> -> memref<512xi32, #tpu.memory_space<vmem>>
    %dma_wait3A_959 = tpu.memref_slice %arg2[%dma_wait3A_949, %mul3A_2] : memref<50x16384xi32, #tpu.memory_space<hbm>> -> memref<1x512xi32, #tpu.memory_space<hbm>>
    %dma_wait3A_960 = tpu.memref_squeeze %dma_wait3A_959 : memref<1x512xi32, #tpu.memory_space<hbm>> -> memref<512xi32, #tpu.memory_space<hbm>>
    tpu.wait_dma2 semaphore(%arg6 : memref<!tpu.dma_semaphore, #tpu.memory_space<semaphore_mem>>) src(%dma_wait3A_960 : memref<512xi32, #tpu.memory_space<hbm>>) dst(%dma_wait3A_958 : memref<512xi32, #tpu.memory_space<vmem>>)
    %dma_wait3A_961 = arith.constant 0 : i32
    %dma_wait3A_962 = arith.constant 30 : i32
    %dma_wait3A_963 = arith.constant 0 : i32
    %dma_wait3A_964 = tpu.memref_slice %arg4[%dma_wait3A_962, %dma_wait3A_963] : memref<50x512xi32, #tpu.memory_space<vmem>> -> memref<1x512xi32, #tpu.memory_space<vmem>>
    %dma_wait3A_965 = tpu.memref_squeeze %dma_wait3A_964 : memref<1x512xi32, #tpu.memory_space<vmem>> -> memref<512xi32, #tpu.memory_space<vmem>>
    %dma_wait3A_966 = tpu.memref_slice %arg2[%dma_wait3A_961, %mul3A_2] : memref<50x16384xi32, #tpu.memory_space<hbm>> -> memref<1x512xi32, #tpu.memory_space<hbm>>
    %dma_wait3A_967 = tpu.memref_squeeze %dma_wait3A_966 : memref<1x512xi32, #tpu.memory_space<hbm>> -> memref<512xi32, #tpu.memory_space<hbm>>
    %dma_wait3A_968 = arith.constant 0 : i32
    %dma_wait3A_969 = tpu.memref_slice %arg4[%dma_wait3A_962, %dma_wait3A_968] : memref<50x512xi32, #tpu.memory_space<vmem>> -> memref<1x512xi32, #tpu.memory_space<vmem>>
    %dma_wait3A_970 = tpu.memref_squeeze %dma_wait3A_969 : memref<1x512xi32, #tpu.memory_space<vmem>> -> memref<512xi32, #tpu.memory_space<vmem>>
    %dma_wait3A_971 = tpu.memref_slice %arg2[%dma_wait3A_961, %mul3A_2] : memref<50x16384xi32, #tpu.memory_space<hbm>> -> memref<1x512xi32, #tpu.memory_space<hbm>>
    %dma_wait3A_972 = tpu.memref_squeeze %dma_wait3A_971 : memref<1x512xi32, #tpu.memory_space<hbm>> -> memref<512xi32, #tpu.memory_space<hbm>>
    tpu.wait_dma2 semaphore(%arg6 : memref<!tpu.dma_semaphore, #tpu.memory_space<semaphore_mem>>) src(%dma_wait3A_972 : memref<512xi32, #tpu.memory_space<hbm>>) dst(%dma_wait3A_970 : memref<512xi32, #tpu.memory_space<vmem>>)
    %dma_wait3A_973 = arith.constant 0 : i32
    %dma_wait3A_974 = arith.constant 31 : i32
    %dma_wait3A_975 = arith.constant 0 : i32
    %dma_wait3A_976 = tpu.memref_slice %arg4[%dma_wait3A_974, %dma_wait3A_975] : memref<50x512xi32, #tpu.memory_space<vmem>> -> memref<1x512xi32, #tpu.memory_space<vmem>>
    %dma_wait3A_977 = tpu.memref_squeeze %dma_wait3A_976 : memref<1x512xi32, #tpu.memory_space<vmem>> -> memref<512xi32, #tpu.memory_space<vmem>>
    %dma_wait3A_978 = tpu.memref_slice %arg2[%dma_wait3A_973, %mul3A_2] : memref<50x16384xi32, #tpu.memory_space<hbm>> -> memref<1x512xi32, #tpu.memory_space<hbm>>
    %dma_wait3A_979 = tpu.memref_squeeze %dma_wait3A_978 : memref<1x512xi32, #tpu.memory_space<hbm>> -> memref<512xi32, #tpu.memory_space<hbm>>
    %dma_wait3A_980 = arith.constant 0 : i32
    %dma_wait3A_981 = tpu.memref_slice %arg4[%dma_wait3A_974, %dma_wait3A_980] : memref<50x512xi32, #tpu.memory_space<vmem>> -> memref<1x512xi32, #tpu.memory_space<vmem>>
    %dma_wait3A_982 = tpu.memref_squeeze %dma_wait3A_981 : memref<1x512xi32, #tpu.memory_space<vmem>> -> memref<512xi32, #tpu.memory_space<vmem>>
    %dma_wait3A_983 = tpu.memref_slice %arg2[%dma_wait3A_973, %mul3A_2] : memref<50x16384xi32, #tpu.memory_space<hbm>> -> memref<1x512xi32, #tpu.memory_space<hbm>>
    %dma_wait3A_984 = tpu.memref_squeeze %dma_wait3A_983 : memref<1x512xi32, #tpu.memory_space<hbm>> -> memref<512xi32, #tpu.memory_space<hbm>>
    tpu.wait_dma2 semaphore(%arg6 : memref<!tpu.dma_semaphore, #tpu.memory_space<semaphore_mem>>) src(%dma_wait3A_984 : memref<512xi32, #tpu.memory_space<hbm>>) dst(%dma_wait3A_982 : memref<512xi32, #tpu.memory_space<vmem>>)
    %dma_wait3A_985 = arith.constant 0 : i32
    %dma_wait3A_986 = arith.constant 32 : i32
    %dma_wait3A_987 = arith.constant 0 : i32
    %dma_wait3A_988 = tpu.memref_slice %arg4[%dma_wait3A_986, %dma_wait3A_987] : memref<50x512xi32, #tpu.memory_space<vmem>> -> memref<1x512xi32, #tpu.memory_space<vmem>>
    %dma_wait3A_989 = tpu.memref_squeeze %dma_wait3A_988 : memref<1x512xi32, #tpu.memory_space<vmem>> -> memref<512xi32, #tpu.memory_space<vmem>>
    %dma_wait3A_990 = tpu.memref_slice %arg2[%dma_wait3A_985, %mul3A_2] : memref<50x16384xi32, #tpu.memory_space<hbm>> -> memref<1x512xi32, #tpu.memory_space<hbm>>
    %dma_wait3A_991 = tpu.memref_squeeze %dma_wait3A_990 : memref<1x512xi32, #tpu.memory_space<hbm>> -> memref<512xi32, #tpu.memory_space<hbm>>
    %dma_wait3A_992 = arith.constant 0 : i32
    %dma_wait3A_993 = tpu.memref_slice %arg4[%dma_wait3A_986, %dma_wait3A_992] : memref<50x512xi32, #tpu.memory_space<vmem>> -> memref<1x512xi32, #tpu.memory_space<vmem>>
    %dma_wait3A_994 = tpu.memref_squeeze %dma_wait3A_993 : memref<1x512xi32, #tpu.memory_space<vmem>> -> memref<512xi32, #tpu.memory_space<vmem>>
    %dma_wait3A_995 = tpu.memref_slice %arg2[%dma_wait3A_985, %mul3A_2] : memref<50x16384xi32, #tpu.memory_space<hbm>> -> memref<1x512xi32, #tpu.memory_space<hbm>>
    %dma_wait3A_996 = tpu.memref_squeeze %dma_wait3A_995 : memref<1x512xi32, #tpu.memory_space<hbm>> -> memref<512xi32, #tpu.memory_space<hbm>>
    tpu.wait_dma2 semaphore(%arg6 : memref<!tpu.dma_semaphore, #tpu.memory_space<semaphore_mem>>) src(%dma_wait3A_996 : memref<512xi32, #tpu.memory_space<hbm>>) dst(%dma_wait3A_994 : memref<512xi32, #tpu.memory_space<vmem>>)
    %dma_wait3A_997 = arith.constant 0 : i32
    %dma_wait3A_998 = arith.constant 33 : i32
    %dma_wait3A_999 = arith.constant 0 : i32
    %dma_wait3A_1000 = tpu.memref_slice %arg4[%dma_wait3A_998, %dma_wait3A_999] : memref<50x512xi32, #tpu.memory_space<vmem>> -> memref<1x512xi32, #tpu.memory_space<vmem>>
    %dma_wait3A_1001 = tpu.memref_squeeze %dma_wait3A_1000 : memref<1x512xi32, #tpu.memory_space<vmem>> -> memref<512xi32, #tpu.memory_space<vmem>>
    %dma_wait3A_1002 = tpu.memref_slice %arg2[%dma_wait3A_997, %mul3A_2] : memref<50x16384xi32, #tpu.memory_space<hbm>> -> memref<1x512xi32, #tpu.memory_space<hbm>>
    %dma_wait3A_1003 = tpu.memref_squeeze %dma_wait3A_1002 : memref<1x512xi32, #tpu.memory_space<hbm>> -> memref<512xi32, #tpu.memory_space<hbm>>
    %dma_wait3A_1004 = arith.constant 0 : i32
    %dma_wait3A_1005 = tpu.memref_slice %arg4[%dma_wait3A_998, %dma_wait3A_1004] : memref<50x512xi32, #tpu.memory_space<vmem>> -> memref<1x512xi32, #tpu.memory_space<vmem>>
    %dma_wait3A_1006 = tpu.memref_squeeze %dma_wait3A_1005 : memref<1x512xi32, #tpu.memory_space<vmem>> -> memref<512xi32, #tpu.memory_space<vmem>>
    %dma_wait3A_1007 = tpu.memref_slice %arg2[%dma_wait3A_997, %mul3A_2] : memref<50x16384xi32, #tpu.memory_space<hbm>> -> memref<1x512xi32, #tpu.memory_space<hbm>>
    %dma_wait3A_1008 = tpu.memref_squeeze %dma_wait3A_1007 : memref<1x512xi32, #tpu.memory_space<hbm>> -> memref<512xi32, #tpu.memory_space<hbm>>
    tpu.wait_dma2 semaphore(%arg6 : memref<!tpu.dma_semaphore, #tpu.memory_space<semaphore_mem>>) src(%dma_wait3A_1008 : memref<512xi32, #tpu.memory_space<hbm>>) dst(%dma_wait3A_1006 : memref<512xi32, #tpu.memory_space<vmem>>)
    %dma_wait3A_1009 = arith.constant 0 : i32
    %dma_wait3A_1010 = arith.constant 34 : i32
    %dma_wait3A_1011 = arith.constant 0 : i32
    %dma_wait3A_1012 = tpu.memref_slice %arg4[%dma_wait3A_1010, %dma_wait3A_1011] : memref<50x512xi32, #tpu.memory_space<vmem>> -> memref<1x512xi32, #tpu.memory_space<vmem>>
    %dma_wait3A_1013 = tpu.memref_squeeze %dma_wait3A_1012 : memref<1x512xi32, #tpu.memory_space<vmem>> -> memref<512xi32, #tpu.memory_space<vmem>>
    %dma_wait3A_1014 = tpu.memref_slice %arg2[%dma_wait3A_1009, %mul3A_2] : memref<50x16384xi32, #tpu.memory_space<hbm>> -> memref<1x512xi32, #tpu.memory_space<hbm>>
    %dma_wait3A_1015 = tpu.memref_squeeze %dma_wait3A_1014 : memref<1x512xi32, #tpu.memory_space<hbm>> -> memref<512xi32, #tpu.memory_space<hbm>>
    %dma_wait3A_1016 = arith.constant 0 : i32
    %dma_wait3A_1017 = tpu.memref_slice %arg4[%dma_wait3A_1010, %dma_wait3A_1016] : memref<50x512xi32, #tpu.memory_space<vmem>> -> memref<1x512xi32, #tpu.memory_space<vmem>>
    %dma_wait3A_1018 = tpu.memref_squeeze %dma_wait3A_1017 : memref<1x512xi32, #tpu.memory_space<vmem>> -> memref<512xi32, #tpu.memory_space<vmem>>
    %dma_wait3A_1019 = tpu.memref_slice %arg2[%dma_wait3A_1009, %mul3A_2] : memref<50x16384xi32, #tpu.memory_space<hbm>> -> memref<1x512xi32, #tpu.memory_space<hbm>>
    %dma_wait3A_1020 = tpu.memref_squeeze %dma_wait3A_1019 : memref<1x512xi32, #tpu.memory_space<hbm>> -> memref<512xi32, #tpu.memory_space<hbm>>
    tpu.wait_dma2 semaphore(%arg6 : memref<!tpu.dma_semaphore, #tpu.memory_space<semaphore_mem>>) src(%dma_wait3A_1020 : memref<512xi32, #tpu.memory_space<hbm>>) dst(%dma_wait3A_1018 : memref<512xi32, #tpu.memory_space<vmem>>)
    %dma_wait3A_1021 = arith.constant 0 : i32
    %dma_wait3A_1022 = arith.constant 35 : i32
    %dma_wait3A_1023 = arith.constant 0 : i32
    %dma_wait3A_1024 = tpu.memref_slice %arg4[%dma_wait3A_1022, %dma_wait3A_1023] : memref<50x512xi32, #tpu.memory_space<vmem>> -> memref<1x512xi32, #tpu.memory_space<vmem>>
    %dma_wait3A_1025 = tpu.memref_squeeze %dma_wait3A_1024 : memref<1x512xi32, #tpu.memory_space<vmem>> -> memref<512xi32, #tpu.memory_space<vmem>>
    %dma_wait3A_1026 = tpu.memref_slice %arg2[%dma_wait3A_1021, %mul3A_2] : memref<50x16384xi32, #tpu.memory_space<hbm>> -> memref<1x512xi32, #tpu.memory_space<hbm>>
    %dma_wait3A_1027 = tpu.memref_squeeze %dma_wait3A_1026 : memref<1x512xi32, #tpu.memory_space<hbm>> -> memref<512xi32, #tpu.memory_space<hbm>>
    %dma_wait3A_1028 = arith.constant 0 : i32
    %dma_wait3A_1029 = tpu.memref_slice %arg4[%dma_wait3A_1022, %dma_wait3A_1028] : memref<50x512xi32, #tpu.memory_space<vmem>> -> memref<1x512xi32, #tpu.memory_space<vmem>>
    %dma_wait3A_1030 = tpu.memref_squeeze %dma_wait3A_1029 : memref<1x512xi32, #tpu.memory_space<vmem>> -> memref<512xi32, #tpu.memory_space<vmem>>
    %dma_wait3A_1031 = tpu.memref_slice %arg2[%dma_wait3A_1021, %mul3A_2] : memref<50x16384xi32, #tpu.memory_space<hbm>> -> memref<1x512xi32, #tpu.memory_space<hbm>>
    %dma_wait3A_1032 = tpu.memref_squeeze %dma_wait3A_1031 : memref<1x512xi32, #tpu.memory_space<hbm>> -> memref<512xi32, #tpu.memory_space<hbm>>
    tpu.wait_dma2 semaphore(%arg6 : memref<!tpu.dma_semaphore, #tpu.memory_space<semaphore_mem>>) src(%dma_wait3A_1032 : memref<512xi32, #tpu.memory_space<hbm>>) dst(%dma_wait3A_1030 : memref<512xi32, #tpu.memory_space<vmem>>)
    %dma_wait3A_1033 = arith.constant 0 : i32
    %dma_wait3A_1034 = arith.constant 36 : i32
    %dma_wait3A_1035 = arith.constant 0 : i32
    %dma_wait3A_1036 = tpu.memref_slice %arg4[%dma_wait3A_1034, %dma_wait3A_1035] : memref<50x512xi32, #tpu.memory_space<vmem>> -> memref<1x512xi32, #tpu.memory_space<vmem>>
    %dma_wait3A_1037 = tpu.memref_squeeze %dma_wait3A_1036 : memref<1x512xi32, #tpu.memory_space<vmem>> -> memref<512xi32, #tpu.memory_space<vmem>>
    %dma_wait3A_1038 = tpu.memref_slice %arg2[%dma_wait3A_1033, %mul3A_2] : memref<50x16384xi32, #tpu.memory_space<hbm>> -> memref<1x512xi32, #tpu.memory_space<hbm>>
    %dma_wait3A_1039 = tpu.memref_squeeze %dma_wait3A_1038 : memref<1x512xi32, #tpu.memory_space<hbm>> -> memref<512xi32, #tpu.memory_space<hbm>>
    %dma_wait3A_1040 = arith.constant 0 : i32
    %dma_wait3A_1041 = tpu.memref_slice %arg4[%dma_wait3A_1034, %dma_wait3A_1040] : memref<50x512xi32, #tpu.memory_space<vmem>> -> memref<1x512xi32, #tpu.memory_space<vmem>>
    %dma_wait3A_1042 = tpu.memref_squeeze %dma_wait3A_1041 : memref<1x512xi32, #tpu.memory_space<vmem>> -> memref<512xi32, #tpu.memory_space<vmem>>
    %dma_wait3A_1043 = tpu.memref_slice %arg2[%dma_wait3A_1033, %mul3A_2] : memref<50x16384xi32, #tpu.memory_space<hbm>> -> memref<1x512xi32, #tpu.memory_space<hbm>>
    %dma_wait3A_1044 = tpu.memref_squeeze %dma_wait3A_1043 : memref<1x512xi32, #tpu.memory_space<hbm>> -> memref<512xi32, #tpu.memory_space<hbm>>
    tpu.wait_dma2 semaphore(%arg6 : memref<!tpu.dma_semaphore, #tpu.memory_space<semaphore_mem>>) src(%dma_wait3A_1044 : memref<512xi32, #tpu.memory_space<hbm>>) dst(%dma_wait3A_1042 : memref<512xi32, #tpu.memory_space<vmem>>)
    %dma_wait3A_1045 = arith.constant 0 : i32
    %dma_wait3A_1046 = arith.constant 37 : i32
    %dma_wait3A_1047 = arith.constant 0 : i32
    %dma_wait3A_1048 = tpu.memref_slice %arg4[%dma_wait3A_1046, %dma_wait3A_1047] : memref<50x512xi32, #tpu.memory_space<vmem>> -> memref<1x512xi32, #tpu.memory_space<vmem>>
    %dma_wait3A_1049 = tpu.memref_squeeze %dma_wait3A_1048 : memref<1x512xi32, #tpu.memory_space<vmem>> -> memref<512xi32, #tpu.memory_space<vmem>>
    %dma_wait3A_1050 = tpu.memref_slice %arg2[%dma_wait3A_1045, %mul3A_2] : memref<50x16384xi32, #tpu.memory_space<hbm>> -> memref<1x512xi32, #tpu.memory_space<hbm>>
    %dma_wait3A_1051 = tpu.memref_squeeze %dma_wait3A_1050 : memref<1x512xi32, #tpu.memory_space<hbm>> -> memref<512xi32, #tpu.memory_space<hbm>>
    %dma_wait3A_1052 = arith.constant 0 : i32
    %dma_wait3A_1053 = tpu.memref_slice %arg4[%dma_wait3A_1046, %dma_wait3A_1052] : memref<50x512xi32, #tpu.memory_space<vmem>> -> memref<1x512xi32, #tpu.memory_space<vmem>>
    %dma_wait3A_1054 = tpu.memref_squeeze %dma_wait3A_1053 : memref<1x512xi32, #tpu.memory_space<vmem>> -> memref<512xi32, #tpu.memory_space<vmem>>
    %dma_wait3A_1055 = tpu.memref_slice %arg2[%dma_wait3A_1045, %mul3A_2] : memref<50x16384xi32, #tpu.memory_space<hbm>> -> memref<1x512xi32, #tpu.memory_space<hbm>>
    %dma_wait3A_1056 = tpu.memref_squeeze %dma_wait3A_1055 : memref<1x512xi32, #tpu.memory_space<hbm>> -> memref<512xi32, #tpu.memory_space<hbm>>
    tpu.wait_dma2 semaphore(%arg6 : memref<!tpu.dma_semaphore, #tpu.memory_space<semaphore_mem>>) src(%dma_wait3A_1056 : memref<512xi32, #tpu.memory_space<hbm>>) dst(%dma_wait3A_1054 : memref<512xi32, #tpu.memory_space<vmem>>)
    %dma_wait3A_1057 = arith.constant 0 : i32
    %dma_wait3A_1058 = arith.constant 38 : i32
    %dma_wait3A_1059 = arith.constant 0 : i32
    %dma_wait3A_1060 = tpu.memref_slice %arg4[%dma_wait3A_1058, %dma_wait3A_1059] : memref<50x512xi32, #tpu.memory_space<vmem>> -> memref<1x512xi32, #tpu.memory_space<vmem>>
    %dma_wait3A_1061 = tpu.memref_squeeze %dma_wait3A_1060 : memref<1x512xi32, #tpu.memory_space<vmem>> -> memref<512xi32, #tpu.memory_space<vmem>>
    %dma_wait3A_1062 = tpu.memref_slice %arg2[%dma_wait3A_1057, %mul3A_2] : memref<50x16384xi32, #tpu.memory_space<hbm>> -> memref<1x512xi32, #tpu.memory_space<hbm>>
    %dma_wait3A_1063 = tpu.memref_squeeze %dma_wait3A_1062 : memref<1x512xi32, #tpu.memory_space<hbm>> -> memref<512xi32, #tpu.memory_space<hbm>>
    %dma_wait3A_1064 = arith.constant 0 : i32
    %dma_wait3A_1065 = tpu.memref_slice %arg4[%dma_wait3A_1058, %dma_wait3A_1064] : memref<50x512xi32, #tpu.memory_space<vmem>> -> memref<1x512xi32, #tpu.memory_space<vmem>>
    %dma_wait3A_1066 = tpu.memref_squeeze %dma_wait3A_1065 : memref<1x512xi32, #tpu.memory_space<vmem>> -> memref<512xi32, #tpu.memory_space<vmem>>
    %dma_wait3A_1067 = tpu.memref_slice %arg2[%dma_wait3A_1057, %mul3A_2] : memref<50x16384xi32, #tpu.memory_space<hbm>> -> memref<1x512xi32, #tpu.memory_space<hbm>>
    %dma_wait3A_1068 = tpu.memref_squeeze %dma_wait3A_1067 : memref<1x512xi32, #tpu.memory_space<hbm>> -> memref<512xi32, #tpu.memory_space<hbm>>
    tpu.wait_dma2 semaphore(%arg6 : memref<!tpu.dma_semaphore, #tpu.memory_space<semaphore_mem>>) src(%dma_wait3A_1068 : memref<512xi32, #tpu.memory_space<hbm>>) dst(%dma_wait3A_1066 : memref<512xi32, #tpu.memory_space<vmem>>)
    %dma_wait3A_1069 = arith.constant 0 : i32
    %dma_wait3A_1070 = arith.constant 39 : i32
    %dma_wait3A_1071 = arith.constant 0 : i32
    %dma_wait3A_1072 = tpu.memref_slice %arg4[%dma_wait3A_1070, %dma_wait3A_1071] : memref<50x512xi32, #tpu.memory_space<vmem>> -> memref<1x512xi32, #tpu.memory_space<vmem>>
    %dma_wait3A_1073 = tpu.memref_squeeze %dma_wait3A_1072 : memref<1x512xi32, #tpu.memory_space<vmem>> -> memref<512xi32, #tpu.memory_space<vmem>>
    %dma_wait3A_1074 = tpu.memref_slice %arg2[%dma_wait3A_1069, %mul3A_2] : memref<50x16384xi32, #tpu.memory_space<hbm>> -> memref<1x512xi32, #tpu.memory_space<hbm>>
    %dma_wait3A_1075 = tpu.memref_squeeze %dma_wait3A_1074 : memref<1x512xi32, #tpu.memory_space<hbm>> -> memref<512xi32, #tpu.memory_space<hbm>>
    %dma_wait3A_1076 = arith.constant 0 : i32
    %dma_wait3A_1077 = tpu.memref_slice %arg4[%dma_wait3A_1070, %dma_wait3A_1076] : memref<50x512xi32, #tpu.memory_space<vmem>> -> memref<1x512xi32, #tpu.memory_space<vmem>>
    %dma_wait3A_1078 = tpu.memref_squeeze %dma_wait3A_1077 : memref<1x512xi32, #tpu.memory_space<vmem>> -> memref<512xi32, #tpu.memory_space<vmem>>
    %dma_wait3A_1079 = tpu.memref_slice %arg2[%dma_wait3A_1069, %mul3A_2] : memref<50x16384xi32, #tpu.memory_space<hbm>> -> memref<1x512xi32, #tpu.memory_space<hbm>>
    %dma_wait3A_1080 = tpu.memref_squeeze %dma_wait3A_1079 : memref<1x512xi32, #tpu.memory_space<hbm>> -> memref<512xi32, #tpu.memory_space<hbm>>
    tpu.wait_dma2 semaphore(%arg6 : memref<!tpu.dma_semaphore, #tpu.memory_space<semaphore_mem>>) src(%dma_wait3A_1080 : memref<512xi32, #tpu.memory_space<hbm>>) dst(%dma_wait3A_1078 : memref<512xi32, #tpu.memory_space<vmem>>)
    %dma_wait3A_1081 = arith.constant 0 : i32
    %dma_wait3A_1082 = arith.constant 40 : i32
    %dma_wait3A_1083 = arith.constant 0 : i32
    %dma_wait3A_1084 = tpu.memref_slice %arg4[%dma_wait3A_1082, %dma_wait3A_1083] : memref<50x512xi32, #tpu.memory_space<vmem>> -> memref<1x512xi32, #tpu.memory_space<vmem>>
    %dma_wait3A_1085 = tpu.memref_squeeze %dma_wait3A_1084 : memref<1x512xi32, #tpu.memory_space<vmem>> -> memref<512xi32, #tpu.memory_space<vmem>>
    %dma_wait3A_1086 = tpu.memref_slice %arg2[%dma_wait3A_1081, %mul3A_2] : memref<50x16384xi32, #tpu.memory_space<hbm>> -> memref<1x512xi32, #tpu.memory_space<hbm>>
    %dma_wait3A_1087 = tpu.memref_squeeze %dma_wait3A_1086 : memref<1x512xi32, #tpu.memory_space<hbm>> -> memref<512xi32, #tpu.memory_space<hbm>>
    %dma_wait3A_1088 = arith.constant 0 : i32
    %dma_wait3A_1089 = tpu.memref_slice %arg4[%dma_wait3A_1082, %dma_wait3A_1088] : memref<50x512xi32, #tpu.memory_space<vmem>> -> memref<1x512xi32, #tpu.memory_space<vmem>>
    %dma_wait3A_1090 = tpu.memref_squeeze %dma_wait3A_1089 : memref<1x512xi32, #tpu.memory_space<vmem>> -> memref<512xi32, #tpu.memory_space<vmem>>
    %dma_wait3A_1091 = tpu.memref_slice %arg2[%dma_wait3A_1081, %mul3A_2] : memref<50x16384xi32, #tpu.memory_space<hbm>> -> memref<1x512xi32, #tpu.memory_space<hbm>>
    %dma_wait3A_1092 = tpu.memref_squeeze %dma_wait3A_1091 : memref<1x512xi32, #tpu.memory_space<hbm>> -> memref<512xi32, #tpu.memory_space<hbm>>
    tpu.wait_dma2 semaphore(%arg6 : memref<!tpu.dma_semaphore, #tpu.memory_space<semaphore_mem>>) src(%dma_wait3A_1092 : memref<512xi32, #tpu.memory_space<hbm>>) dst(%dma_wait3A_1090 : memref<512xi32, #tpu.memory_space<vmem>>)
    %dma_wait3A_1093 = arith.constant 0 : i32
    %dma_wait3A_1094 = arith.constant 41 : i32
    %dma_wait3A_1095 = arith.constant 0 : i32
    %dma_wait3A_1096 = tpu.memref_slice %arg4[%dma_wait3A_1094, %dma_wait3A_1095] : memref<50x512xi32, #tpu.memory_space<vmem>> -> memref<1x512xi32, #tpu.memory_space<vmem>>
    %dma_wait3A_1097 = tpu.memref_squeeze %dma_wait3A_1096 : memref<1x512xi32, #tpu.memory_space<vmem>> -> memref<512xi32, #tpu.memory_space<vmem>>
    %dma_wait3A_1098 = tpu.memref_slice %arg2[%dma_wait3A_1093, %mul3A_2] : memref<50x16384xi32, #tpu.memory_space<hbm>> -> memref<1x512xi32, #tpu.memory_space<hbm>>
    %dma_wait3A_1099 = tpu.memref_squeeze %dma_wait3A_1098 : memref<1x512xi32, #tpu.memory_space<hbm>> -> memref<512xi32, #tpu.memory_space<hbm>>
    %dma_wait3A_1100 = arith.constant 0 : i32
    %dma_wait3A_1101 = tpu.memref_slice %arg4[%dma_wait3A_1094, %dma_wait3A_1100] : memref<50x512xi32, #tpu.memory_space<vmem>> -> memref<1x512xi32, #tpu.memory_space<vmem>>
    %dma_wait3A_1102 = tpu.memref_squeeze %dma_wait3A_1101 : memref<1x512xi32, #tpu.memory_space<vmem>> -> memref<512xi32, #tpu.memory_space<vmem>>
    %dma_wait3A_1103 = tpu.memref_slice %arg2[%dma_wait3A_1093, %mul3A_2] : memref<50x16384xi32, #tpu.memory_space<hbm>> -> memref<1x512xi32, #tpu.memory_space<hbm>>
    %dma_wait3A_1104 = tpu.memref_squeeze %dma_wait3A_1103 : memref<1x512xi32, #tpu.memory_space<hbm>> -> memref<512xi32, #tpu.memory_space<hbm>>
    tpu.wait_dma2 semaphore(%arg6 : memref<!tpu.dma_semaphore, #tpu.memory_space<semaphore_mem>>) src(%dma_wait3A_1104 : memref<512xi32, #tpu.memory_space<hbm>>) dst(%dma_wait3A_1102 : memref<512xi32, #tpu.memory_space<vmem>>)
    %dma_wait3A_1105 = arith.constant 0 : i32
    %dma_wait3A_1106 = arith.constant 42 : i32
    %dma_wait3A_1107 = arith.constant 0 : i32
    %dma_wait3A_1108 = tpu.memref_slice %arg4[%dma_wait3A_1106, %dma_wait3A_1107] : memref<50x512xi32, #tpu.memory_space<vmem>> -> memref<1x512xi32, #tpu.memory_space<vmem>>
    %dma_wait3A_1109 = tpu.memref_squeeze %dma_wait3A_1108 : memref<1x512xi32, #tpu.memory_space<vmem>> -> memref<512xi32, #tpu.memory_space<vmem>>
    %dma_wait3A_1110 = tpu.memref_slice %arg2[%dma_wait3A_1105, %mul3A_2] : memref<50x16384xi32, #tpu.memory_space<hbm>> -> memref<1x512xi32, #tpu.memory_space<hbm>>
    %dma_wait3A_1111 = tpu.memref_squeeze %dma_wait3A_1110 : memref<1x512xi32, #tpu.memory_space<hbm>> -> memref<512xi32, #tpu.memory_space<hbm>>
    %dma_wait3A_1112 = arith.constant 0 : i32
    %dma_wait3A_1113 = tpu.memref_slice %arg4[%dma_wait3A_1106, %dma_wait3A_1112] : memref<50x512xi32, #tpu.memory_space<vmem>> -> memref<1x512xi32, #tpu.memory_space<vmem>>
    %dma_wait3A_1114 = tpu.memref_squeeze %dma_wait3A_1113 : memref<1x512xi32, #tpu.memory_space<vmem>> -> memref<512xi32, #tpu.memory_space<vmem>>
    %dma_wait3A_1115 = tpu.memref_slice %arg2[%dma_wait3A_1105, %mul3A_2] : memref<50x16384xi32, #tpu.memory_space<hbm>> -> memref<1x512xi32, #tpu.memory_space<hbm>>
    %dma_wait3A_1116 = tpu.memref_squeeze %dma_wait3A_1115 : memref<1x512xi32, #tpu.memory_space<hbm>> -> memref<512xi32, #tpu.memory_space<hbm>>
    tpu.wait_dma2 semaphore(%arg6 : memref<!tpu.dma_semaphore, #tpu.memory_space<semaphore_mem>>) src(%dma_wait3A_1116 : memref<512xi32, #tpu.memory_space<hbm>>) dst(%dma_wait3A_1114 : memref<512xi32, #tpu.memory_space<vmem>>)
    %dma_wait3A_1117 = arith.constant 0 : i32
    %dma_wait3A_1118 = arith.constant 43 : i32
    %dma_wait3A_1119 = arith.constant 0 : i32
    %dma_wait3A_1120 = tpu.memref_slice %arg4[%dma_wait3A_1118, %dma_wait3A_1119] : memref<50x512xi32, #tpu.memory_space<vmem>> -> memref<1x512xi32, #tpu.memory_space<vmem>>
    %dma_wait3A_1121 = tpu.memref_squeeze %dma_wait3A_1120 : memref<1x512xi32, #tpu.memory_space<vmem>> -> memref<512xi32, #tpu.memory_space<vmem>>
    %dma_wait3A_1122 = tpu.memref_slice %arg2[%dma_wait3A_1117, %mul3A_2] : memref<50x16384xi32, #tpu.memory_space<hbm>> -> memref<1x512xi32, #tpu.memory_space<hbm>>
    %dma_wait3A_1123 = tpu.memref_squeeze %dma_wait3A_1122 : memref<1x512xi32, #tpu.memory_space<hbm>> -> memref<512xi32, #tpu.memory_space<hbm>>
    %dma_wait3A_1124 = arith.constant 0 : i32
    %dma_wait3A_1125 = tpu.memref_slice %arg4[%dma_wait3A_1118, %dma_wait3A_1124] : memref<50x512xi32, #tpu.memory_space<vmem>> -> memref<1x512xi32, #tpu.memory_space<vmem>>
    %dma_wait3A_1126 = tpu.memref_squeeze %dma_wait3A_1125 : memref<1x512xi32, #tpu.memory_space<vmem>> -> memref<512xi32, #tpu.memory_space<vmem>>
    %dma_wait3A_1127 = tpu.memref_slice %arg2[%dma_wait3A_1117, %mul3A_2] : memref<50x16384xi32, #tpu.memory_space<hbm>> -> memref<1x512xi32, #tpu.memory_space<hbm>>
    %dma_wait3A_1128 = tpu.memref_squeeze %dma_wait3A_1127 : memref<1x512xi32, #tpu.memory_space<hbm>> -> memref<512xi32, #tpu.memory_space<hbm>>
    tpu.wait_dma2 semaphore(%arg6 : memref<!tpu.dma_semaphore, #tpu.memory_space<semaphore_mem>>) src(%dma_wait3A_1128 : memref<512xi32, #tpu.memory_space<hbm>>) dst(%dma_wait3A_1126 : memref<512xi32, #tpu.memory_space<vmem>>)
    %dma_wait3A_1129 = arith.constant 0 : i32
    %dma_wait3A_1130 = arith.constant 44 : i32
    %dma_wait3A_1131 = arith.constant 0 : i32
    %dma_wait3A_1132 = tpu.memref_slice %arg4[%dma_wait3A_1130, %dma_wait3A_1131] : memref<50x512xi32, #tpu.memory_space<vmem>> -> memref<1x512xi32, #tpu.memory_space<vmem>>
    %dma_wait3A_1133 = tpu.memref_squeeze %dma_wait3A_1132 : memref<1x512xi32, #tpu.memory_space<vmem>> -> memref<512xi32, #tpu.memory_space<vmem>>
    %dma_wait3A_1134 = tpu.memref_slice %arg2[%dma_wait3A_1129, %mul3A_2] : memref<50x16384xi32, #tpu.memory_space<hbm>> -> memref<1x512xi32, #tpu.memory_space<hbm>>
    %dma_wait3A_1135 = tpu.memref_squeeze %dma_wait3A_1134 : memref<1x512xi32, #tpu.memory_space<hbm>> -> memref<512xi32, #tpu.memory_space<hbm>>
    %dma_wait3A_1136 = arith.constant 0 : i32
    %dma_wait3A_1137 = tpu.memref_slice %arg4[%dma_wait3A_1130, %dma_wait3A_1136] : memref<50x512xi32, #tpu.memory_space<vmem>> -> memref<1x512xi32, #tpu.memory_space<vmem>>
    %dma_wait3A_1138 = tpu.memref_squeeze %dma_wait3A_1137 : memref<1x512xi32, #tpu.memory_space<vmem>> -> memref<512xi32, #tpu.memory_space<vmem>>
    %dma_wait3A_1139 = tpu.memref_slice %arg2[%dma_wait3A_1129, %mul3A_2] : memref<50x16384xi32, #tpu.memory_space<hbm>> -> memref<1x512xi32, #tpu.memory_space<hbm>>
    %dma_wait3A_1140 = tpu.memref_squeeze %dma_wait3A_1139 : memref<1x512xi32, #tpu.memory_space<hbm>> -> memref<512xi32, #tpu.memory_space<hbm>>
    tpu.wait_dma2 semaphore(%arg6 : memref<!tpu.dma_semaphore, #tpu.memory_space<semaphore_mem>>) src(%dma_wait3A_1140 : memref<512xi32, #tpu.memory_space<hbm>>) dst(%dma_wait3A_1138 : memref<512xi32, #tpu.memory_space<vmem>>)
    %dma_wait3A_1141 = arith.constant 0 : i32
    %dma_wait3A_1142 = arith.constant 45 : i32
    %dma_wait3A_1143 = arith.constant 0 : i32
    %dma_wait3A_1144 = tpu.memref_slice %arg4[%dma_wait3A_1142, %dma_wait3A_1143] : memref<50x512xi32, #tpu.memory_space<vmem>> -> memref<1x512xi32, #tpu.memory_space<vmem>>
    %dma_wait3A_1145 = tpu.memref_squeeze %dma_wait3A_1144 : memref<1x512xi32, #tpu.memory_space<vmem>> -> memref<512xi32, #tpu.memory_space<vmem>>
    %dma_wait3A_1146 = tpu.memref_slice %arg2[%dma_wait3A_1141, %mul3A_2] : memref<50x16384xi32, #tpu.memory_space<hbm>> -> memref<1x512xi32, #tpu.memory_space<hbm>>
    %dma_wait3A_1147 = tpu.memref_squeeze %dma_wait3A_1146 : memref<1x512xi32, #tpu.memory_space<hbm>> -> memref<512xi32, #tpu.memory_space<hbm>>
    %dma_wait3A_1148 = arith.constant 0 : i32
    %dma_wait3A_1149 = tpu.memref_slice %arg4[%dma_wait3A_1142, %dma_wait3A_1148] : memref<50x512xi32, #tpu.memory_space<vmem>> -> memref<1x512xi32, #tpu.memory_space<vmem>>
    %dma_wait3A_1150 = tpu.memref_squeeze %dma_wait3A_1149 : memref<1x512xi32, #tpu.memory_space<vmem>> -> memref<512xi32, #tpu.memory_space<vmem>>
    %dma_wait3A_1151 = tpu.memref_slice %arg2[%dma_wait3A_1141, %mul3A_2] : memref<50x16384xi32, #tpu.memory_space<hbm>> -> memref<1x512xi32, #tpu.memory_space<hbm>>
    %dma_wait3A_1152 = tpu.memref_squeeze %dma_wait3A_1151 : memref<1x512xi32, #tpu.memory_space<hbm>> -> memref<512xi32, #tpu.memory_space<hbm>>
    tpu.wait_dma2 semaphore(%arg6 : memref<!tpu.dma_semaphore, #tpu.memory_space<semaphore_mem>>) src(%dma_wait3A_1152 : memref<512xi32, #tpu.memory_space<hbm>>) dst(%dma_wait3A_1150 : memref<512xi32, #tpu.memory_space<vmem>>)
    %dma_wait3A_1153 = arith.constant 0 : i32
    %dma_wait3A_1154 = arith.constant 46 : i32
    %dma_wait3A_1155 = arith.constant 0 : i32
    %dma_wait3A_1156 = tpu.memref_slice %arg4[%dma_wait3A_1154, %dma_wait3A_1155] : memref<50x512xi32, #tpu.memory_space<vmem>> -> memref<1x512xi32, #tpu.memory_space<vmem>>
    %dma_wait3A_1157 = tpu.memref_squeeze %dma_wait3A_1156 : memref<1x512xi32, #tpu.memory_space<vmem>> -> memref<512xi32, #tpu.memory_space<vmem>>
    %dma_wait3A_1158 = tpu.memref_slice %arg2[%dma_wait3A_1153, %mul3A_2] : memref<50x16384xi32, #tpu.memory_space<hbm>> -> memref<1x512xi32, #tpu.memory_space<hbm>>
    %dma_wait3A_1159 = tpu.memref_squeeze %dma_wait3A_1158 : memref<1x512xi32, #tpu.memory_space<hbm>> -> memref<512xi32, #tpu.memory_space<hbm>>
    %dma_wait3A_1160 = arith.constant 0 : i32
    %dma_wait3A_1161 = tpu.memref_slice %arg4[%dma_wait3A_1154, %dma_wait3A_1160] : memref<50x512xi32, #tpu.memory_space<vmem>> -> memref<1x512xi32, #tpu.memory_space<vmem>>
    %dma_wait3A_1162 = tpu.memref_squeeze %dma_wait3A_1161 : memref<1x512xi32, #tpu.memory_space<vmem>> -> memref<512xi32, #tpu.memory_space<vmem>>
    %dma_wait3A_1163 = tpu.memref_slice %arg2[%dma_wait3A_1153, %mul3A_2] : memref<50x16384xi32, #tpu.memory_space<hbm>> -> memref<1x512xi32, #tpu.memory_space<hbm>>
    %dma_wait3A_1164 = tpu.memref_squeeze %dma_wait3A_1163 : memref<1x512xi32, #tpu.memory_space<hbm>> -> memref<512xi32, #tpu.memory_space<hbm>>
    tpu.wait_dma2 semaphore(%arg6 : memref<!tpu.dma_semaphore, #tpu.memory_space<semaphore_mem>>) src(%dma_wait3A_1164 : memref<512xi32, #tpu.memory_space<hbm>>) dst(%dma_wait3A_1162 : memref<512xi32, #tpu.memory_space<vmem>>)
    %dma_wait3A_1165 = arith.constant 0 : i32
    %dma_wait3A_1166 = arith.constant 47 : i32
    %dma_wait3A_1167 = arith.constant 0 : i32
    %dma_wait3A_1168 = tpu.memref_slice %arg4[%dma_wait3A_1166, %dma_wait3A_1167] : memref<50x512xi32, #tpu.memory_space<vmem>> -> memref<1x512xi32, #tpu.memory_space<vmem>>
    %dma_wait3A_1169 = tpu.memref_squeeze %dma_wait3A_1168 : memref<1x512xi32, #tpu.memory_space<vmem>> -> memref<512xi32, #tpu.memory_space<vmem>>
    %dma_wait3A_1170 = tpu.memref_slice %arg2[%dma_wait3A_1165, %mul3A_2] : memref<50x16384xi32, #tpu.memory_space<hbm>> -> memref<1x512xi32, #tpu.memory_space<hbm>>
    %dma_wait3A_1171 = tpu.memref_squeeze %dma_wait3A_1170 : memref<1x512xi32, #tpu.memory_space<hbm>> -> memref<512xi32, #tpu.memory_space<hbm>>
    %dma_wait3A_1172 = arith.constant 0 : i32
    %dma_wait3A_1173 = tpu.memref_slice %arg4[%dma_wait3A_1166, %dma_wait3A_1172] : memref<50x512xi32, #tpu.memory_space<vmem>> -> memref<1x512xi32, #tpu.memory_space<vmem>>
    %dma_wait3A_1174 = tpu.memref_squeeze %dma_wait3A_1173 : memref<1x512xi32, #tpu.memory_space<vmem>> -> memref<512xi32, #tpu.memory_space<vmem>>
    %dma_wait3A_1175 = tpu.memref_slice %arg2[%dma_wait3A_1165, %mul3A_2] : memref<50x16384xi32, #tpu.memory_space<hbm>> -> memref<1x512xi32, #tpu.memory_space<hbm>>
    %dma_wait3A_1176 = tpu.memref_squeeze %dma_wait3A_1175 : memref<1x512xi32, #tpu.memory_space<hbm>> -> memref<512xi32, #tpu.memory_space<hbm>>
    tpu.wait_dma2 semaphore(%arg6 : memref<!tpu.dma_semaphore, #tpu.memory_space<semaphore_mem>>) src(%dma_wait3A_1176 : memref<512xi32, #tpu.memory_space<hbm>>) dst(%dma_wait3A_1174 : memref<512xi32, #tpu.memory_space<vmem>>)
    %dma_wait3A_1177 = arith.constant 0 : i32
    %dma_wait3A_1178 = arith.constant 48 : i32
    %dma_wait3A_1179 = arith.constant 0 : i32
    %dma_wait3A_1180 = tpu.memref_slice %arg4[%dma_wait3A_1178, %dma_wait3A_1179] : memref<50x512xi32, #tpu.memory_space<vmem>> -> memref<1x512xi32, #tpu.memory_space<vmem>>
    %dma_wait3A_1181 = tpu.memref_squeeze %dma_wait3A_1180 : memref<1x512xi32, #tpu.memory_space<vmem>> -> memref<512xi32, #tpu.memory_space<vmem>>
    %dma_wait3A_1182 = tpu.memref_slice %arg2[%dma_wait3A_1177, %mul3A_2] : memref<50x16384xi32, #tpu.memory_space<hbm>> -> memref<1x512xi32, #tpu.memory_space<hbm>>
    %dma_wait3A_1183 = tpu.memref_squeeze %dma_wait3A_1182 : memref<1x512xi32, #tpu.memory_space<hbm>> -> memref<512xi32, #tpu.memory_space<hbm>>
    %dma_wait3A_1184 = arith.constant 0 : i32
    %dma_wait3A_1185 = tpu.memref_slice %arg4[%dma_wait3A_1178, %dma_wait3A_1184] : memref<50x512xi32, #tpu.memory_space<vmem>> -> memref<1x512xi32, #tpu.memory_space<vmem>>
    %dma_wait3A_1186 = tpu.memref_squeeze %dma_wait3A_1185 : memref<1x512xi32, #tpu.memory_space<vmem>> -> memref<512xi32, #tpu.memory_space<vmem>>
    %dma_wait3A_1187 = tpu.memref_slice %arg2[%dma_wait3A_1177, %mul3A_2] : memref<50x16384xi32, #tpu.memory_space<hbm>> -> memref<1x512xi32, #tpu.memory_space<hbm>>
    %dma_wait3A_1188 = tpu.memref_squeeze %dma_wait3A_1187 : memref<1x512xi32, #tpu.memory_space<hbm>> -> memref<512xi32, #tpu.memory_space<hbm>>
    tpu.wait_dma2 semaphore(%arg6 : memref<!tpu.dma_semaphore, #tpu.memory_space<semaphore_mem>>) src(%dma_wait3A_1188 : memref<512xi32, #tpu.memory_space<hbm>>) dst(%dma_wait3A_1186 : memref<512xi32, #tpu.memory_space<vmem>>)
    %dma_wait3A_1189 = arith.constant 0 : i32
    %dma_wait3A_1190 = arith.constant 49 : i32
    %dma_wait3A_1191 = arith.constant 0 : i32
    %dma_wait3A_1192 = tpu.memref_slice %arg4[%dma_wait3A_1190, %dma_wait3A_1191] : memref<50x512xi32, #tpu.memory_space<vmem>> -> memref<1x512xi32, #tpu.memory_space<vmem>>
    %dma_wait3A_1193 = tpu.memref_squeeze %dma_wait3A_1192 : memref<1x512xi32, #tpu.memory_space<vmem>> -> memref<512xi32, #tpu.memory_space<vmem>>
    %dma_wait3A_1194 = tpu.memref_slice %arg2[%dma_wait3A_1189, %mul3A_2] : memref<50x16384xi32, #tpu.memory_space<hbm>> -> memref<1x512xi32, #tpu.memory_space<hbm>>
    %dma_wait3A_1195 = tpu.memref_squeeze %dma_wait3A_1194 : memref<1x512xi32, #tpu.memory_space<hbm>> -> memref<512xi32, #tpu.memory_space<hbm>>
    %dma_wait3A_1196 = arith.constant 0 : i32
    %dma_wait3A_1197 = tpu.memref_slice %arg4[%dma_wait3A_1190, %dma_wait3A_1196] : memref<50x512xi32, #tpu.memory_space<vmem>> -> memref<1x512xi32, #tpu.memory_space<vmem>>
    %dma_wait3A_1198 = tpu.memref_squeeze %dma_wait3A_1197 : memref<1x512xi32, #tpu.memory_space<vmem>> -> memref<512xi32, #tpu.memory_space<vmem>>
    %dma_wait3A_1199 = tpu.memref_slice %arg2[%dma_wait3A_1189, %mul3A_2] : memref<50x16384xi32, #tpu.memory_space<hbm>> -> memref<1x512xi32, #tpu.memory_space<hbm>>
    %dma_wait3A_1200 = tpu.memref_squeeze %dma_wait3A_1199 : memref<1x512xi32, #tpu.memory_space<hbm>> -> memref<512xi32, #tpu.memory_space<hbm>>
    tpu.wait_dma2 semaphore(%arg6 : memref<!tpu.dma_semaphore, #tpu.memory_space<semaphore_mem>>) src(%dma_wait3A_1200 : memref<512xi32, #tpu.memory_space<hbm>>) dst(%dma_wait3A_1198 : memref<512xi32, #tpu.memory_space<vmem>>)
    %scan3A = arith.constant 0 : i32
    %scan3A_1201 = arith.constant 32 : i32
    %scan3A_1202 = arith.addi %scan3A, %scan3A_1201 : i32
    %scan3A_1203 = arith.constant 1 : i32
    scf.for %scan3A_1213 = %scan3A to %scan3A_1202 step %scan3A_1203  : i32 {
      %mul3A_1214 = arith.constant 1 : i32
      %mul3A_1215 = arith.muli %scan3A_1213, %mul3A_1214 : i32
      %add3A_1216 = arith.constant 0 : i32
      %add3A_1217 = arith.addi %add3A_1216, %mul3A_1215 : i32
      %mul3A_1218 = arith.constant 16 : i32
      %mul3A_1219 = arith.muli %add3A_1217, %mul3A_1218 : i32
      %mul3A_1220 = arith.constant 50 : i32
      %mul3A_1221 = arith.muli %mul3A_1219, %mul3A_1220 : i32
      %mul3A_1222 = arith.constant 16 : i32
      %mul3A_1223 = arith.muli %add3A_1217, %mul3A_1222 : i32
      %get3A = arith.constant 0 : i32
      %get3A_1224 = arith.index_cast %get3A : i32 to index
      %get3A_1225 = arith.index_cast %mul3A_1223 : i32 to index
      %get3A_1226 = tpu.vector_load %arg4[%get3A_1224, %get3A_1225] {strides = array<i32>} : memref<50x512xi32, #tpu.memory_space<vmem>>, vector<16xi32>,
      %mul3A_1227 = arith.constant 50 : i32
      %mul3A_1228 = vector.broadcast %mul3A_1227 : i32 to vector<16xi32>
      %mul3A_1229 = arith.muli %iota3A, %mul3A_1228 : vector<16xi32>
      %add3A_1230 = arith.constant 0 : i32
      %add3A_1231 = arith.addi %mul3A_1221, %add3A_1230 : i32
      %add3A_1232 = vector.broadcast %add3A_1231 : i32 to vector<16xi32>
      %add3A_1233 = arith.addi %mul3A_1229, %add3A_1232 : vector<16xi32>
      %add3A_1234 = arith.addi %get3A_1226, %get3A_1226 : vector<16xi32>
      tpu.vector_store_idx %arg5[%add3A_1233], %add3A_1234 : memref<25600xi32, #tpu.memory_space<vmem>>[vector<16xi32>], vector<16xi32>,
      %mul3A_1235 = arith.constant 16 : i32
      %mul3A_1236 = arith.muli %add3A_1217, %mul3A_1235 : i32
      %get3A_1237 = arith.constant 1 : i32
      %get3A_1238 = arith.index_cast %get3A_1237 : i32 to index
      %get3A_1239 = arith.index_cast %mul3A_1236 : i32 to index
      %get3A_1240 = tpu.vector_load %arg4[%get3A_1238, %get3A_1239] {strides = array<i32>} : memref<50x512xi32, #tpu.memory_space<vmem>>, vector<16xi32>,
      %mul3A_1241 = arith.constant 50 : i32
      %mul3A_1242 = vector.broadcast %mul3A_1241 : i32 to vector<16xi32>
      %mul3A_1243 = arith.muli %iota3A, %mul3A_1242 : vector<16xi32>
      %add3A_1244 = arith.constant 1 : i32
      %add3A_1245 = arith.addi %mul3A_1221, %add3A_1244 : i32
      %add3A_1246 = vector.broadcast %add3A_1245 : i32 to vector<16xi32>
      %add3A_1247 = arith.addi %mul3A_1243, %add3A_1246 : vector<16xi32>
      %add3A_1248 = arith.addi %get3A_1240, %get3A_1240 : vector<16xi32>
      tpu.vector_store_idx %arg5[%add3A_1247], %add3A_1248 : memref<25600xi32, #tpu.memory_space<vmem>>[vector<16xi32>], vector<16xi32>,
      %mul3A_1249 = arith.constant 16 : i32
      %mul3A_1250 = arith.muli %add3A_1217, %mul3A_1249 : i32
      %get3A_1251 = arith.constant 2 : i32
      %get3A_1252 = arith.index_cast %get3A_1251 : i32 to index
      %get3A_1253 = arith.index_cast %mul3A_1250 : i32 to index
      %get3A_1254 = tpu.vector_load %arg4[%get3A_1252, %get3A_1253] {strides = array<i32>} : memref<50x512xi32, #tpu.memory_space<vmem>>, vector<16xi32>,
      %mul3A_1255 = arith.constant 50 : i32
      %mul3A_1256 = vector.broadcast %mul3A_1255 : i32 to vector<16xi32>
      %mul3A_1257 = arith.muli %iota3A, %mul3A_1256 : vector<16xi32>
      %add3A_1258 = arith.constant 2 : i32
      %add3A_1259 = arith.addi %mul3A_1221, %add3A_1258 : i32
      %add3A_1260 = vector.broadcast %add3A_1259 : i32 to vector<16xi32>
      %add3A_1261 = arith.addi %mul3A_1257, %add3A_1260 : vector<16xi32>
      %add3A_1262 = arith.addi %get3A_1254, %get3A_1254 : vector<16xi32>
      tpu.vector_store_idx %arg5[%add3A_1261], %add3A_1262 : memref<25600xi32, #tpu.memory_space<vmem>>[vector<16xi32>], vector<16xi32>,
      %mul3A_1263 = arith.constant 16 : i32
      %mul3A_1264 = arith.muli %add3A_1217, %mul3A_1263 : i32
      %get3A_1265 = arith.constant 3 : i32
      %get3A_1266 = arith.index_cast %get3A_1265 : i32 to index
      %get3A_1267 = arith.index_cast %mul3A_1264 : i32 to index
      %get3A_1268 = tpu.vector_load %arg4[%get3A_1266, %get3A_1267] {strides = array<i32>} : memref<50x512xi32, #tpu.memory_space<vmem>>, vector<16xi32>,
      %mul3A_1269 = arith.constant 50 : i32
      %mul3A_1270 = vector.broadcast %mul3A_1269 : i32 to vector<16xi32>
      %mul3A_1271 = arith.muli %iota3A, %mul3A_1270 : vector<16xi32>
      %add3A_1272 = arith.constant 3 : i32
      %add3A_1273 = arith.addi %mul3A_1221, %add3A_1272 : i32
      %add3A_1274 = vector.broadcast %add3A_1273 : i32 to vector<16xi32>
      %add3A_1275 = arith.addi %mul3A_1271, %add3A_1274 : vector<16xi32>
      %add3A_1276 = arith.addi %get3A_1268, %get3A_1268 : vector<16xi32>
      tpu.vector_store_idx %arg5[%add3A_1275], %add3A_1276 : memref<25600xi32, #tpu.memory_space<vmem>>[vector<16xi32>], vector<16xi32>,
      %mul3A_1277 = arith.constant 16 : i32
      %mul3A_1278 = arith.muli %add3A_1217, %mul3A_1277 : i32
      %get3A_1279 = arith.constant 4 : i32
      %get3A_1280 = arith.index_cast %get3A_1279 : i32 to index
      %get3A_1281 = arith.index_cast %mul3A_1278 : i32 to index
      %get3A_1282 = tpu.vector_load %arg4[%get3A_1280, %get3A_1281] {strides = array<i32>} : memref<50x512xi32, #tpu.memory_space<vmem>>, vector<16xi32>,
      %mul3A_1283 = arith.constant 50 : i32
      %mul3A_1284 = vector.broadcast %mul3A_1283 : i32 to vector<16xi32>
      %mul3A_1285 = arith.muli %iota3A, %mul3A_1284 : vector<16xi32>
      %add3A_1286 = arith.constant 4 : i32
      %add3A_1287 = arith.addi %mul3A_1221, %add3A_1286 : i32
      %add3A_1288 = vector.broadcast %add3A_1287 : i32 to vector<16xi32>
      %add3A_1289 = arith.addi %mul3A_1285, %add3A_1288 : vector<16xi32>
      %add3A_1290 = arith.addi %get3A_1282, %get3A_1282 : vector<16xi32>
      tpu.vector_store_idx %arg5[%add3A_1289], %add3A_1290 : memref<25600xi32, #tpu.memory_space<vmem>>[vector<16xi32>], vector<16xi32>,
      %mul3A_1291 = arith.constant 16 : i32
      %mul3A_1292 = arith.muli %add3A_1217, %mul3A_1291 : i32
      %get3A_1293 = arith.constant 5 : i32
      %get3A_1294 = arith.index_cast %get3A_1293 : i32 to index
      %get3A_1295 = arith.index_cast %mul3A_1292 : i32 to index
      %get3A_1296 = tpu.vector_load %arg4[%get3A_1294, %get3A_1295] {strides = array<i32>} : memref<50x512xi32, #tpu.memory_space<vmem>>, vector<16xi32>,
      %mul3A_1297 = arith.constant 50 : i32
      %mul3A_1298 = vector.broadcast %mul3A_1297 : i32 to vector<16xi32>
      %mul3A_1299 = arith.muli %iota3A, %mul3A_1298 : vector<16xi32>
      %add3A_1300 = arith.constant 5 : i32
      %add3A_1301 = arith.addi %mul3A_1221, %add3A_1300 : i32
      %add3A_1302 = vector.broadcast %add3A_1301 : i32 to vector<16xi32>
      %add3A_1303 = arith.addi %mul3A_1299, %add3A_1302 : vector<16xi32>
      %add3A_1304 = arith.addi %get3A_1296, %get3A_1296 : vector<16xi32>
      tpu.vector_store_idx %arg5[%add3A_1303], %add3A_1304 : memref<25600xi32, #tpu.memory_space<vmem>>[vector<16xi32>], vector<16xi32>,
      %mul3A_1305 = arith.constant 16 : i32
      %mul3A_1306 = arith.muli %add3A_1217, %mul3A_1305 : i32
      %get3A_1307 = arith.constant 6 : i32
      %get3A_1308 = arith.index_cast %get3A_1307 : i32 to index
      %get3A_1309 = arith.index_cast %mul3A_1306 : i32 to index
      %get3A_1310 = tpu.vector_load %arg4[%get3A_1308, %get3A_1309] {strides = array<i32>} : memref<50x512xi32, #tpu.memory_space<vmem>>, vector<16xi32>,
      %mul3A_1311 = arith.constant 50 : i32
      %mul3A_1312 = vector.broadcast %mul3A_1311 : i32 to vector<16xi32>
      %mul3A_1313 = arith.muli %iota3A, %mul3A_1312 : vector<16xi32>
      %add3A_1314 = arith.constant 6 : i32
      %add3A_1315 = arith.addi %mul3A_1221, %add3A_1314 : i32
      %add3A_1316 = vector.broadcast %add3A_1315 : i32 to vector<16xi32>
      %add3A_1317 = arith.addi %mul3A_1313, %add3A_1316 : vector<16xi32>
      %add3A_1318 = arith.addi %get3A_1310, %get3A_1310 : vector<16xi32>
      tpu.vector_store_idx %arg5[%add3A_1317], %add3A_1318 : memref<25600xi32, #tpu.memory_space<vmem>>[vector<16xi32>], vector<16xi32>,
      %mul3A_1319 = arith.constant 16 : i32
      %mul3A_1320 = arith.muli %add3A_1217, %mul3A_1319 : i32
      %get3A_1321 = arith.constant 7 : i32
      %get3A_1322 = arith.index_cast %get3A_1321 : i32 to index
      %get3A_1323 = arith.index_cast %mul3A_1320 : i32 to index
      %get3A_1324 = tpu.vector_load %arg4[%get3A_1322, %get3A_1323] {strides = array<i32>} : memref<50x512xi32, #tpu.memory_space<vmem>>, vector<16xi32>,
      %mul3A_1325 = arith.constant 50 : i32
      %mul3A_1326 = vector.broadcast %mul3A_1325 : i32 to vector<16xi32>
      %mul3A_1327 = arith.muli %iota3A, %mul3A_1326 : vector<16xi32>
      %add3A_1328 = arith.constant 7 : i32
      %add3A_1329 = arith.addi %mul3A_1221, %add3A_1328 : i32
      %add3A_1330 = vector.broadcast %add3A_1329 : i32 to vector<16xi32>
      %add3A_1331 = arith.addi %mul3A_1327, %add3A_1330 : vector<16xi32>
      %add3A_1332 = arith.addi %get3A_1324, %get3A_1324 : vector<16xi32>
      tpu.vector_store_idx %arg5[%add3A_1331], %add3A_1332 : memref<25600xi32, #tpu.memory_space<vmem>>[vector<16xi32>], vector<16xi32>,
      %mul3A_1333 = arith.constant 16 : i32
      %mul3A_1334 = arith.muli %add3A_1217, %mul3A_1333 : i32
      %get3A_1335 = arith.constant 8 : i32
      %get3A_1336 = arith.index_cast %get3A_1335 : i32 to index
      %get3A_1337 = arith.index_cast %mul3A_1334 : i32 to index
      %get3A_1338 = tpu.vector_load %arg4[%get3A_1336, %get3A_1337] {strides = array<i32>} : memref<50x512xi32, #tpu.memory_space<vmem>>, vector<16xi32>,
      %mul3A_1339 = arith.constant 50 : i32
      %mul3A_1340 = vector.broadcast %mul3A_1339 : i32 to vector<16xi32>
      %mul3A_1341 = arith.muli %iota3A, %mul3A_1340 : vector<16xi32>
      %add3A_1342 = arith.constant 8 : i32
      %add3A_1343 = arith.addi %mul3A_1221, %add3A_1342 : i32
      %add3A_1344 = vector.broadcast %add3A_1343 : i32 to vector<16xi32>
      %add3A_1345 = arith.addi %mul3A_1341, %add3A_1344 : vector<16xi32>
      %add3A_1346 = arith.addi %get3A_1338, %get3A_1338 : vector<16xi32>
      tpu.vector_store_idx %arg5[%add3A_1345], %add3A_1346 : memref<25600xi32, #tpu.memory_space<vmem>>[vector<16xi32>], vector<16xi32>,
      %mul3A_1347 = arith.constant 16 : i32
      %mul3A_1348 = arith.muli %add3A_1217, %mul3A_1347 : i32
      %get3A_1349 = arith.constant 9 : i32
      %get3A_1350 = arith.index_cast %get3A_1349 : i32 to index
      %get3A_1351 = arith.index_cast %mul3A_1348 : i32 to index
      %get3A_1352 = tpu.vector_load %arg4[%get3A_1350, %get3A_1351] {strides = array<i32>} : memref<50x512xi32, #tpu.memory_space<vmem>>, vector<16xi32>,
      %mul3A_1353 = arith.constant 50 : i32
      %mul3A_1354 = vector.broadcast %mul3A_1353 : i32 to vector<16xi32>
      %mul3A_1355 = arith.muli %iota3A, %mul3A_1354 : vector<16xi32>
      %add3A_1356 = arith.constant 9 : i32
      %add3A_1357 = arith.addi %mul3A_1221, %add3A_1356 : i32
      %add3A_1358 = vector.broadcast %add3A_1357 : i32 to vector<16xi32>
      %add3A_1359 = arith.addi %mul3A_1355, %add3A_1358 : vector<16xi32>
      %add3A_1360 = arith.addi %get3A_1352, %get3A_1352 : vector<16xi32>
      tpu.vector_store_idx %arg5[%add3A_1359], %add3A_1360 : memref<25600xi32, #tpu.memory_space<vmem>>[vector<16xi32>], vector<16xi32>,
      %mul3A_1361 = arith.constant 16 : i32
      %mul3A_1362 = arith.muli %add3A_1217, %mul3A_1361 : i32
      %get3A_1363 = arith.constant 10 : i32
      %get3A_1364 = arith.index_cast %get3A_1363 : i32 to index
      %get3A_1365 = arith.index_cast %mul3A_1362 : i32 to index
      %get3A_1366 = tpu.vector_load %arg4[%get3A_1364, %get3A_1365] {strides = array<i32>} : memref<50x512xi32, #tpu.memory_space<vmem>>, vector<16xi32>,
      %mul3A_1367 = arith.constant 50 : i32
      %mul3A_1368 = vector.broadcast %mul3A_1367 : i32 to vector<16xi32>
      %mul3A_1369 = arith.muli %iota3A, %mul3A_1368 : vector<16xi32>
      %add3A_1370 = arith.constant 10 : i32
      %add3A_1371 = arith.addi %mul3A_1221, %add3A_1370 : i32
      %add3A_1372 = vector.broadcast %add3A_1371 : i32 to vector<16xi32>
      %add3A_1373 = arith.addi %mul3A_1369, %add3A_1372 : vector<16xi32>
      %add3A_1374 = arith.addi %get3A_1366, %get3A_1366 : vector<16xi32>
      tpu.vector_store_idx %arg5[%add3A_1373], %add3A_1374 : memref<25600xi32, #tpu.memory_space<vmem>>[vector<16xi32>], vector<16xi32>,
      %mul3A_1375 = arith.constant 16 : i32
      %mul3A_1376 = arith.muli %add3A_1217, %mul3A_1375 : i32
      %get3A_1377 = arith.constant 11 : i32
      %get3A_1378 = arith.index_cast %get3A_1377 : i32 to index
      %get3A_1379 = arith.index_cast %mul3A_1376 : i32 to index
      %get3A_1380 = tpu.vector_load %arg4[%get3A_1378, %get3A_1379] {strides = array<i32>} : memref<50x512xi32, #tpu.memory_space<vmem>>, vector<16xi32>,
      %mul3A_1381 = arith.constant 50 : i32
      %mul3A_1382 = vector.broadcast %mul3A_1381 : i32 to vector<16xi32>
      %mul3A_1383 = arith.muli %iota3A, %mul3A_1382 : vector<16xi32>
      %add3A_1384 = arith.constant 11 : i32
      %add3A_1385 = arith.addi %mul3A_1221, %add3A_1384 : i32
      %add3A_1386 = vector.broadcast %add3A_1385 : i32 to vector<16xi32>
      %add3A_1387 = arith.addi %mul3A_1383, %add3A_1386 : vector<16xi32>
      %add3A_1388 = arith.addi %get3A_1380, %get3A_1380 : vector<16xi32>
      tpu.vector_store_idx %arg5[%add3A_1387], %add3A_1388 : memref<25600xi32, #tpu.memory_space<vmem>>[vector<16xi32>], vector<16xi32>,
      %mul3A_1389 = arith.constant 16 : i32
      %mul3A_1390 = arith.muli %add3A_1217, %mul3A_1389 : i32
      %get3A_1391 = arith.constant 12 : i32
      %get3A_1392 = arith.index_cast %get3A_1391 : i32 to index
      %get3A_1393 = arith.index_cast %mul3A_1390 : i32 to index
      %get3A_1394 = tpu.vector_load %arg4[%get3A_1392, %get3A_1393] {strides = array<i32>} : memref<50x512xi32, #tpu.memory_space<vmem>>, vector<16xi32>,
      %mul3A_1395 = arith.constant 50 : i32
      %mul3A_1396 = vector.broadcast %mul3A_1395 : i32 to vector<16xi32>
      %mul3A_1397 = arith.muli %iota3A, %mul3A_1396 : vector<16xi32>
      %add3A_1398 = arith.constant 12 : i32
      %add3A_1399 = arith.addi %mul3A_1221, %add3A_1398 : i32
      %add3A_1400 = vector.broadcast %add3A_1399 : i32 to vector<16xi32>
      %add3A_1401 = arith.addi %mul3A_1397, %add3A_1400 : vector<16xi32>
      %add3A_1402 = arith.addi %get3A_1394, %get3A_1394 : vector<16xi32>
      tpu.vector_store_idx %arg5[%add3A_1401], %add3A_1402 : memref<25600xi32, #tpu.memory_space<vmem>>[vector<16xi32>], vector<16xi32>,
      %mul3A_1403 = arith.constant 16 : i32
      %mul3A_1404 = arith.muli %add3A_1217, %mul3A_1403 : i32
      %get3A_1405 = arith.constant 13 : i32
      %get3A_1406 = arith.index_cast %get3A_1405 : i32 to index
      %get3A_1407 = arith.index_cast %mul3A_1404 : i32 to index
      %get3A_1408 = tpu.vector_load %arg4[%get3A_1406, %get3A_1407] {strides = array<i32>} : memref<50x512xi32, #tpu.memory_space<vmem>>, vector<16xi32>,
      %mul3A_1409 = arith.constant 50 : i32
      %mul3A_1410 = vector.broadcast %mul3A_1409 : i32 to vector<16xi32>
      %mul3A_1411 = arith.muli %iota3A, %mul3A_1410 : vector<16xi32>
      %add3A_1412 = arith.constant 13 : i32
      %add3A_1413 = arith.addi %mul3A_1221, %add3A_1412 : i32
      %add3A_1414 = vector.broadcast %add3A_1413 : i32 to vector<16xi32>
      %add3A_1415 = arith.addi %mul3A_1411, %add3A_1414 : vector<16xi32>
      %add3A_1416 = arith.addi %get3A_1408, %get3A_1408 : vector<16xi32>
      tpu.vector_store_idx %arg5[%add3A_1415], %add3A_1416 : memref<25600xi32, #tpu.memory_space<vmem>>[vector<16xi32>], vector<16xi32>,
      %mul3A_1417 = arith.constant 16 : i32
      %mul3A_1418 = arith.muli %add3A_1217, %mul3A_1417 : i32
      %get3A_1419 = arith.constant 14 : i32
      %get3A_1420 = arith.index_cast %get3A_1419 : i32 to index
      %get3A_1421 = arith.index_cast %mul3A_1418 : i32 to index
      %get3A_1422 = tpu.vector_load %arg4[%get3A_1420, %get3A_1421] {strides = array<i32>} : memref<50x512xi32, #tpu.memory_space<vmem>>, vector<16xi32>,
      %mul3A_1423 = arith.constant 50 : i32
      %mul3A_1424 = vector.broadcast %mul3A_1423 : i32 to vector<16xi32>
      %mul3A_1425 = arith.muli %iota3A, %mul3A_1424 : vector<16xi32>
      %add3A_1426 = arith.constant 14 : i32
      %add3A_1427 = arith.addi %mul3A_1221, %add3A_1426 : i32
      %add3A_1428 = vector.broadcast %add3A_1427 : i32 to vector<16xi32>
      %add3A_1429 = arith.addi %mul3A_1425, %add3A_1428 : vector<16xi32>
      %add3A_1430 = arith.addi %get3A_1422, %get3A_1422 : vector<16xi32>
      tpu.vector_store_idx %arg5[%add3A_1429], %add3A_1430 : memref<25600xi32, #tpu.memory_space<vmem>>[vector<16xi32>], vector<16xi32>,
      %mul3A_1431 = arith.constant 16 : i32
      %mul3A_1432 = arith.muli %add3A_1217, %mul3A_1431 : i32
      %get3A_1433 = arith.constant 15 : i32
      %get3A_1434 = arith.index_cast %get3A_1433 : i32 to index
      %get3A_1435 = arith.index_cast %mul3A_1432 : i32 to index
      %get3A_1436 = tpu.vector_load %arg4[%get3A_1434, %get3A_1435] {strides = array<i32>} : memref<50x512xi32, #tpu.memory_space<vmem>>, vector<16xi32>,
      %mul3A_1437 = arith.constant 50 : i32
      %mul3A_1438 = vector.broadcast %mul3A_1437 : i32 to vector<16xi32>
      %mul3A_1439 = arith.muli %iota3A, %mul3A_1438 : vector<16xi32>
      %add3A_1440 = arith.constant 15 : i32
      %add3A_1441 = arith.addi %mul3A_1221, %add3A_1440 : i32
      %add3A_1442 = vector.broadcast %add3A_1441 : i32 to vector<16xi32>
      %add3A_1443 = arith.addi %mul3A_1439, %add3A_1442 : vector<16xi32>
      %add3A_1444 = arith.addi %get3A_1436, %get3A_1436 : vector<16xi32>
      tpu.vector_store_idx %arg5[%add3A_1443], %add3A_1444 : memref<25600xi32, #tpu.memory_space<vmem>>[vector<16xi32>], vector<16xi32>,
      %mul3A_1445 = arith.constant 16 : i32
      %mul3A_1446 = arith.muli %add3A_1217, %mul3A_1445 : i32
      %get3A_1447 = arith.constant 16 : i32
      %get3A_1448 = arith.index_cast %get3A_1447 : i32 to index
      %get3A_1449 = arith.index_cast %mul3A_1446 : i32 to index
      %get3A_1450 = tpu.vector_load %arg4[%get3A_1448, %get3A_1449] {strides = array<i32>} : memref<50x512xi32, #tpu.memory_space<vmem>>, vector<16xi32>,
      %mul3A_1451 = arith.constant 50 : i32
      %mul3A_1452 = vector.broadcast %mul3A_1451 : i32 to vector<16xi32>
      %mul3A_1453 = arith.muli %iota3A, %mul3A_1452 : vector<16xi32>
      %add3A_1454 = arith.constant 16 : i32
      %add3A_1455 = arith.addi %mul3A_1221, %add3A_1454 : i32
      %add3A_1456 = vector.broadcast %add3A_1455 : i32 to vector<16xi32>
      %add3A_1457 = arith.addi %mul3A_1453, %add3A_1456 : vector<16xi32>
      %add3A_1458 = arith.addi %get3A_1450, %get3A_1450 : vector<16xi32>
      tpu.vector_store_idx %arg5[%add3A_1457], %add3A_1458 : memref<25600xi32, #tpu.memory_space<vmem>>[vector<16xi32>], vector<16xi32>,
      %mul3A_1459 = arith.constant 16 : i32
      %mul3A_1460 = arith.muli %add3A_1217, %mul3A_1459 : i32
      %get3A_1461 = arith.constant 17 : i32
      %get3A_1462 = arith.index_cast %get3A_1461 : i32 to index
      %get3A_1463 = arith.index_cast %mul3A_1460 : i32 to index
      %get3A_1464 = tpu.vector_load %arg4[%get3A_1462, %get3A_1463] {strides = array<i32>} : memref<50x512xi32, #tpu.memory_space<vmem>>, vector<16xi32>,
      %mul3A_1465 = arith.constant 50 : i32
      %mul3A_1466 = vector.broadcast %mul3A_1465 : i32 to vector<16xi32>
      %mul3A_1467 = arith.muli %iota3A, %mul3A_1466 : vector<16xi32>
      %add3A_1468 = arith.constant 17 : i32
      %add3A_1469 = arith.addi %mul3A_1221, %add3A_1468 : i32
      %add3A_1470 = vector.broadcast %add3A_1469 : i32 to vector<16xi32>
      %add3A_1471 = arith.addi %mul3A_1467, %add3A_1470 : vector<16xi32>
      %add3A_1472 = arith.addi %get3A_1464, %get3A_1464 : vector<16xi32>
      tpu.vector_store_idx %arg5[%add3A_1471], %add3A_1472 : memref<25600xi32, #tpu.memory_space<vmem>>[vector<16xi32>], vector<16xi32>,
      %mul3A_1473 = arith.constant 16 : i32
      %mul3A_1474 = arith.muli %add3A_1217, %mul3A_1473 : i32
      %get3A_1475 = arith.constant 18 : i32
      %get3A_1476 = arith.index_cast %get3A_1475 : i32 to index
      %get3A_1477 = arith.index_cast %mul3A_1474 : i32 to index
      %get3A_1478 = tpu.vector_load %arg4[%get3A_1476, %get3A_1477] {strides = array<i32>} : memref<50x512xi32, #tpu.memory_space<vmem>>, vector<16xi32>,
      %mul3A_1479 = arith.constant 50 : i32
      %mul3A_1480 = vector.broadcast %mul3A_1479 : i32 to vector<16xi32>
      %mul3A_1481 = arith.muli %iota3A, %mul3A_1480 : vector<16xi32>
      %add3A_1482 = arith.constant 18 : i32
      %add3A_1483 = arith.addi %mul3A_1221, %add3A_1482 : i32
      %add3A_1484 = vector.broadcast %add3A_1483 : i32 to vector<16xi32>
      %add3A_1485 = arith.addi %mul3A_1481, %add3A_1484 : vector<16xi32>
      %add3A_1486 = arith.addi %get3A_1478, %get3A_1478 : vector<16xi32>
      tpu.vector_store_idx %arg5[%add3A_1485], %add3A_1486 : memref<25600xi32, #tpu.memory_space<vmem>>[vector<16xi32>], vector<16xi32>,
      %mul3A_1487 = arith.constant 16 : i32
      %mul3A_1488 = arith.muli %add3A_1217, %mul3A_1487 : i32
      %get3A_1489 = arith.constant 19 : i32
      %get3A_1490 = arith.index_cast %get3A_1489 : i32 to index
      %get3A_1491 = arith.index_cast %mul3A_1488 : i32 to index
      %get3A_1492 = tpu.vector_load %arg4[%get3A_1490, %get3A_1491] {strides = array<i32>} : memref<50x512xi32, #tpu.memory_space<vmem>>, vector<16xi32>,
      %mul3A_1493 = arith.constant 50 : i32
      %mul3A_1494 = vector.broadcast %mul3A_1493 : i32 to vector<16xi32>
      %mul3A_1495 = arith.muli %iota3A, %mul3A_1494 : vector<16xi32>
      %add3A_1496 = arith.constant 19 : i32
      %add3A_1497 = arith.addi %mul3A_1221, %add3A_1496 : i32
      %add3A_1498 = vector.broadcast %add3A_1497 : i32 to vector<16xi32>
      %add3A_1499 = arith.addi %mul3A_1495, %add3A_1498 : vector<16xi32>
      %add3A_1500 = arith.addi %get3A_1492, %get3A_1492 : vector<16xi32>
      tpu.vector_store_idx %arg5[%add3A_1499], %add3A_1500 : memref<25600xi32, #tpu.memory_space<vmem>>[vector<16xi32>], vector<16xi32>,
      %mul3A_1501 = arith.constant 16 : i32
      %mul3A_1502 = arith.muli %add3A_1217, %mul3A_1501 : i32
      %get3A_1503 = arith.constant 20 : i32
      %get3A_1504 = arith.index_cast %get3A_1503 : i32 to index
      %get3A_1505 = arith.index_cast %mul3A_1502 : i32 to index
      %get3A_1506 = tpu.vector_load %arg4[%get3A_1504, %get3A_1505] {strides = array<i32>} : memref<50x512xi32, #tpu.memory_space<vmem>>, vector<16xi32>,
      %mul3A_1507 = arith.constant 50 : i32
      %mul3A_1508 = vector.broadcast %mul3A_1507 : i32 to vector<16xi32>
      %mul3A_1509 = arith.muli %iota3A, %mul3A_1508 : vector<16xi32>
      %add3A_1510 = arith.constant 20 : i32
      %add3A_1511 = arith.addi %mul3A_1221, %add3A_1510 : i32
      %add3A_1512 = vector.broadcast %add3A_1511 : i32 to vector<16xi32>
      %add3A_1513 = arith.addi %mul3A_1509, %add3A_1512 : vector<16xi32>
      %add3A_1514 = arith.addi %get3A_1506, %get3A_1506 : vector<16xi32>
      tpu.vector_store_idx %arg5[%add3A_1513], %add3A_1514 : memref<25600xi32, #tpu.memory_space<vmem>>[vector<16xi32>], vector<16xi32>,
      %mul3A_1515 = arith.constant 16 : i32
      %mul3A_1516 = arith.muli %add3A_1217, %mul3A_1515 : i32
      %get3A_1517 = arith.constant 21 : i32
      %get3A_1518 = arith.index_cast %get3A_1517 : i32 to index
      %get3A_1519 = arith.index_cast %mul3A_1516 : i32 to index
      %get3A_1520 = tpu.vector_load %arg4[%get3A_1518, %get3A_1519] {strides = array<i32>} : memref<50x512xi32, #tpu.memory_space<vmem>>, vector<16xi32>,
      %mul3A_1521 = arith.constant 50 : i32
      %mul3A_1522 = vector.broadcast %mul3A_1521 : i32 to vector<16xi32>
      %mul3A_1523 = arith.muli %iota3A, %mul3A_1522 : vector<16xi32>
      %add3A_1524 = arith.constant 21 : i32
      %add3A_1525 = arith.addi %mul3A_1221, %add3A_1524 : i32
      %add3A_1526 = vector.broadcast %add3A_1525 : i32 to vector<16xi32>
      %add3A_1527 = arith.addi %mul3A_1523, %add3A_1526 : vector<16xi32>
      %add3A_1528 = arith.addi %get3A_1520, %get3A_1520 : vector<16xi32>
      tpu.vector_store_idx %arg5[%add3A_1527], %add3A_1528 : memref<25600xi32, #tpu.memory_space<vmem>>[vector<16xi32>], vector<16xi32>,
      %mul3A_1529 = arith.constant 16 : i32
      %mul3A_1530 = arith.muli %add3A_1217, %mul3A_1529 : i32
      %get3A_1531 = arith.constant 22 : i32
      %get3A_1532 = arith.index_cast %get3A_1531 : i32 to index
      %get3A_1533 = arith.index_cast %mul3A_1530 : i32 to index
      %get3A_1534 = tpu.vector_load %arg4[%get3A_1532, %get3A_1533] {strides = array<i32>} : memref<50x512xi32, #tpu.memory_space<vmem>>, vector<16xi32>,
      %mul3A_1535 = arith.constant 50 : i32
      %mul3A_1536 = vector.broadcast %mul3A_1535 : i32 to vector<16xi32>
      %mul3A_1537 = arith.muli %iota3A, %mul3A_1536 : vector<16xi32>
      %add3A_1538 = arith.constant 22 : i32
      %add3A_1539 = arith.addi %mul3A_1221, %add3A_1538 : i32
      %add3A_1540 = vector.broadcast %add3A_1539 : i32 to vector<16xi32>
      %add3A_1541 = arith.addi %mul3A_1537, %add3A_1540 : vector<16xi32>
      %add3A_1542 = arith.addi %get3A_1534, %get3A_1534 : vector<16xi32>
      tpu.vector_store_idx %arg5[%add3A_1541], %add3A_1542 : memref<25600xi32, #tpu.memory_space<vmem>>[vector<16xi32>], vector<16xi32>,
      %mul3A_1543 = arith.constant 16 : i32
      %mul3A_1544 = arith.muli %add3A_1217, %mul3A_1543 : i32
      %get3A_1545 = arith.constant 23 : i32
      %get3A_1546 = arith.index_cast %get3A_1545 : i32 to index
      %get3A_1547 = arith.index_cast %mul3A_1544 : i32 to index
      %get3A_1548 = tpu.vector_load %arg4[%get3A_1546, %get3A_1547] {strides = array<i32>} : memref<50x512xi32, #tpu.memory_space<vmem>>, vector<16xi32>,
      %mul3A_1549 = arith.constant 50 : i32
      %mul3A_1550 = vector.broadcast %mul3A_1549 : i32 to vector<16xi32>
      %mul3A_1551 = arith.muli %iota3A, %mul3A_1550 : vector<16xi32>
      %add3A_1552 = arith.constant 23 : i32
      %add3A_1553 = arith.addi %mul3A_1221, %add3A_1552 : i32
      %add3A_1554 = vector.broadcast %add3A_1553 : i32 to vector<16xi32>
      %add3A_1555 = arith.addi %mul3A_1551, %add3A_1554 : vector<16xi32>
      %add3A_1556 = arith.addi %get3A_1548, %get3A_1548 : vector<16xi32>
      tpu.vector_store_idx %arg5[%add3A_1555], %add3A_1556 : memref<25600xi32, #tpu.memory_space<vmem>>[vector<16xi32>], vector<16xi32>,
      %mul3A_1557 = arith.constant 16 : i32
      %mul3A_1558 = arith.muli %add3A_1217, %mul3A_1557 : i32
      %get3A_1559 = arith.constant 24 : i32
      %get3A_1560 = arith.index_cast %get3A_1559 : i32 to index
      %get3A_1561 = arith.index_cast %mul3A_1558 : i32 to index
      %get3A_1562 = tpu.vector_load %arg4[%get3A_1560, %get3A_1561] {strides = array<i32>} : memref<50x512xi32, #tpu.memory_space<vmem>>, vector<16xi32>,
      %mul3A_1563 = arith.constant 50 : i32
      %mul3A_1564 = vector.broadcast %mul3A_1563 : i32 to vector<16xi32>
      %mul3A_1565 = arith.muli %iota3A, %mul3A_1564 : vector<16xi32>
      %add3A_1566 = arith.constant 24 : i32
      %add3A_1567 = arith.addi %mul3A_1221, %add3A_1566 : i32
      %add3A_1568 = vector.broadcast %add3A_1567 : i32 to vector<16xi32>
      %add3A_1569 = arith.addi %mul3A_1565, %add3A_1568 : vector<16xi32>
      %add3A_1570 = arith.addi %get3A_1562, %get3A_1562 : vector<16xi32>
      tpu.vector_store_idx %arg5[%add3A_1569], %add3A_1570 : memref<25600xi32, #tpu.memory_space<vmem>>[vector<16xi32>], vector<16xi32>,
      %mul3A_1571 = arith.constant 16 : i32
      %mul3A_1572 = arith.muli %add3A_1217, %mul3A_1571 : i32
      %get3A_1573 = arith.constant 25 : i32
      %get3A_1574 = arith.index_cast %get3A_1573 : i32 to index
      %get3A_1575 = arith.index_cast %mul3A_1572 : i32 to index
      %get3A_1576 = tpu.vector_load %arg4[%get3A_1574, %get3A_1575] {strides = array<i32>} : memref<50x512xi32, #tpu.memory_space<vmem>>, vector<16xi32>,
      %mul3A_1577 = arith.constant 50 : i32
      %mul3A_1578 = vector.broadcast %mul3A_1577 : i32 to vector<16xi32>
      %mul3A_1579 = arith.muli %iota3A, %mul3A_1578 : vector<16xi32>
      %add3A_1580 = arith.constant 25 : i32
      %add3A_1581 = arith.addi %mul3A_1221, %add3A_1580 : i32
      %add3A_1582 = vector.broadcast %add3A_1581 : i32 to vector<16xi32>
      %add3A_1583 = arith.addi %mul3A_1579, %add3A_1582 : vector<16xi32>
      %add3A_1584 = arith.addi %get3A_1576, %get3A_1576 : vector<16xi32>
      tpu.vector_store_idx %arg5[%add3A_1583], %add3A_1584 : memref<25600xi32, #tpu.memory_space<vmem>>[vector<16xi32>], vector<16xi32>,
      %mul3A_1585 = arith.constant 16 : i32
      %mul3A_1586 = arith.muli %add3A_1217, %mul3A_1585 : i32
      %get3A_1587 = arith.constant 26 : i32
      %get3A_1588 = arith.index_cast %get3A_1587 : i32 to index
      %get3A_1589 = arith.index_cast %mul3A_1586 : i32 to index
      %get3A_1590 = tpu.vector_load %arg4[%get3A_1588, %get3A_1589] {strides = array<i32>} : memref<50x512xi32, #tpu.memory_space<vmem>>, vector<16xi32>,
      %mul3A_1591 = arith.constant 50 : i32
      %mul3A_1592 = vector.broadcast %mul3A_1591 : i32 to vector<16xi32>
      %mul3A_1593 = arith.muli %iota3A, %mul3A_1592 : vector<16xi32>
      %add3A_1594 = arith.constant 26 : i32
      %add3A_1595 = arith.addi %mul3A_1221, %add3A_1594 : i32
      %add3A_1596 = vector.broadcast %add3A_1595 : i32 to vector<16xi32>
      %add3A_1597 = arith.addi %mul3A_1593, %add3A_1596 : vector<16xi32>
      %add3A_1598 = arith.addi %get3A_1590, %get3A_1590 : vector<16xi32>
      tpu.vector_store_idx %arg5[%add3A_1597], %add3A_1598 : memref<25600xi32, #tpu.memory_space<vmem>>[vector<16xi32>], vector<16xi32>,
      %mul3A_1599 = arith.constant 16 : i32
      %mul3A_1600 = arith.muli %add3A_1217, %mul3A_1599 : i32
      %get3A_1601 = arith.constant 27 : i32
      %get3A_1602 = arith.index_cast %get3A_1601 : i32 to index
      %get3A_1603 = arith.index_cast %mul3A_1600 : i32 to index
      %get3A_1604 = tpu.vector_load %arg4[%get3A_1602, %get3A_1603] {strides = array<i32>} : memref<50x512xi32, #tpu.memory_space<vmem>>, vector<16xi32>,
      %mul3A_1605 = arith.constant 50 : i32
      %mul3A_1606 = vector.broadcast %mul3A_1605 : i32 to vector<16xi32>
      %mul3A_1607 = arith.muli %iota3A, %mul3A_1606 : vector<16xi32>
      %add3A_1608 = arith.constant 27 : i32
      %add3A_1609 = arith.addi %mul3A_1221, %add3A_1608 : i32
      %add3A_1610 = vector.broadcast %add3A_1609 : i32 to vector<16xi32>
      %add3A_1611 = arith.addi %mul3A_1607, %add3A_1610 : vector<16xi32>
      %add3A_1612 = arith.addi %get3A_1604, %get3A_1604 : vector<16xi32>
      tpu.vector_store_idx %arg5[%add3A_1611], %add3A_1612 : memref<25600xi32, #tpu.memory_space<vmem>>[vector<16xi32>], vector<16xi32>,
      %mul3A_1613 = arith.constant 16 : i32
      %mul3A_1614 = arith.muli %add3A_1217, %mul3A_1613 : i32
      %get3A_1615 = arith.constant 28 : i32
      %get3A_1616 = arith.index_cast %get3A_1615 : i32 to index
      %get3A_1617 = arith.index_cast %mul3A_1614 : i32 to index
      %get3A_1618 = tpu.vector_load %arg4[%get3A_1616, %get3A_1617] {strides = array<i32>} : memref<50x512xi32, #tpu.memory_space<vmem>>, vector<16xi32>,
      %mul3A_1619 = arith.constant 50 : i32
      %mul3A_1620 = vector.broadcast %mul3A_1619 : i32 to vector<16xi32>
      %mul3A_1621 = arith.muli %iota3A, %mul3A_1620 : vector<16xi32>
      %add3A_1622 = arith.constant 28 : i32
      %add3A_1623 = arith.addi %mul3A_1221, %add3A_1622 : i32
      %add3A_1624 = vector.broadcast %add3A_1623 : i32 to vector<16xi32>
      %add3A_1625 = arith.addi %mul3A_1621, %add3A_1624 : vector<16xi32>
      %add3A_1626 = arith.addi %get3A_1618, %get3A_1618 : vector<16xi32>
      tpu.vector_store_idx %arg5[%add3A_1625], %add3A_1626 : memref<25600xi32, #tpu.memory_space<vmem>>[vector<16xi32>], vector<16xi32>,
      %mul3A_1627 = arith.constant 16 : i32
      %mul3A_1628 = arith.muli %add3A_1217, %mul3A_1627 : i32
      %get3A_1629 = arith.constant 29 : i32
      %get3A_1630 = arith.index_cast %get3A_1629 : i32 to index
      %get3A_1631 = arith.index_cast %mul3A_1628 : i32 to index
      %get3A_1632 = tpu.vector_load %arg4[%get3A_1630, %get3A_1631] {strides = array<i32>} : memref<50x512xi32, #tpu.memory_space<vmem>>, vector<16xi32>,
      %mul3A_1633 = arith.constant 50 : i32
      %mul3A_1634 = vector.broadcast %mul3A_1633 : i32 to vector<16xi32>
      %mul3A_1635 = arith.muli %iota3A, %mul3A_1634 : vector<16xi32>
      %add3A_1636 = arith.constant 29 : i32
      %add3A_1637 = arith.addi %mul3A_1221, %add3A_1636 : i32
      %add3A_1638 = vector.broadcast %add3A_1637 : i32 to vector<16xi32>
      %add3A_1639 = arith.addi %mul3A_1635, %add3A_1638 : vector<16xi32>
      %add3A_1640 = arith.addi %get3A_1632, %get3A_1632 : vector<16xi32>
      tpu.vector_store_idx %arg5[%add3A_1639], %add3A_1640 : memref<25600xi32, #tpu.memory_space<vmem>>[vector<16xi32>], vector<16xi32>,
      %mul3A_1641 = arith.constant 16 : i32
      %mul3A_1642 = arith.muli %add3A_1217, %mul3A_1641 : i32
      %get3A_1643 = arith.constant 30 : i32
      %get3A_1644 = arith.index_cast %get3A_1643 : i32 to index
      %get3A_1645 = arith.index_cast %mul3A_1642 : i32 to index
      %get3A_1646 = tpu.vector_load %arg4[%get3A_1644, %get3A_1645] {strides = array<i32>} : memref<50x512xi32, #tpu.memory_space<vmem>>, vector<16xi32>,
      %mul3A_1647 = arith.constant 50 : i32
      %mul3A_1648 = vector.broadcast %mul3A_1647 : i32 to vector<16xi32>
      %mul3A_1649 = arith.muli %iota3A, %mul3A_1648 : vector<16xi32>
      %add3A_1650 = arith.constant 30 : i32
      %add3A_1651 = arith.addi %mul3A_1221, %add3A_1650 : i32
      %add3A_1652 = vector.broadcast %add3A_1651 : i32 to vector<16xi32>
      %add3A_1653 = arith.addi %mul3A_1649, %add3A_1652 : vector<16xi32>
      %add3A_1654 = arith.addi %get3A_1646, %get3A_1646 : vector<16xi32>
      tpu.vector_store_idx %arg5[%add3A_1653], %add3A_1654 : memref<25600xi32, #tpu.memory_space<vmem>>[vector<16xi32>], vector<16xi32>,
      %mul3A_1655 = arith.constant 16 : i32
      %mul3A_1656 = arith.muli %add3A_1217, %mul3A_1655 : i32
      %get3A_1657 = arith.constant 31 : i32
      %get3A_1658 = arith.index_cast %get3A_1657 : i32 to index
      %get3A_1659 = arith.index_cast %mul3A_1656 : i32 to index
      %get3A_1660 = tpu.vector_load %arg4[%get3A_1658, %get3A_1659] {strides = array<i32>} : memref<50x512xi32, #tpu.memory_space<vmem>>, vector<16xi32>,
      %mul3A_1661 = arith.constant 50 : i32
      %mul3A_1662 = vector.broadcast %mul3A_1661 : i32 to vector<16xi32>
      %mul3A_1663 = arith.muli %iota3A, %mul3A_1662 : vector<16xi32>
      %add3A_1664 = arith.constant 31 : i32
      %add3A_1665 = arith.addi %mul3A_1221, %add3A_1664 : i32
      %add3A_1666 = vector.broadcast %add3A_1665 : i32 to vector<16xi32>
      %add3A_1667 = arith.addi %mul3A_1663, %add3A_1666 : vector<16xi32>
      %add3A_1668 = arith.addi %get3A_1660, %get3A_1660 : vector<16xi32>
      tpu.vector_store_idx %arg5[%add3A_1667], %add3A_1668 : memref<25600xi32, #tpu.memory_space<vmem>>[vector<16xi32>], vector<16xi32>,
      %mul3A_1669 = arith.constant 16 : i32
      %mul3A_1670 = arith.muli %add3A_1217, %mul3A_1669 : i32
      %get3A_1671 = arith.constant 32 : i32
      %get3A_1672 = arith.index_cast %get3A_1671 : i32 to index
      %get3A_1673 = arith.index_cast %mul3A_1670 : i32 to index
      %get3A_1674 = tpu.vector_load %arg4[%get3A_1672, %get3A_1673] {strides = array<i32>} : memref<50x512xi32, #tpu.memory_space<vmem>>, vector<16xi32>,
      %mul3A_1675 = arith.constant 50 : i32
      %mul3A_1676 = vector.broadcast %mul3A_1675 : i32 to vector<16xi32>
      %mul3A_1677 = arith.muli %iota3A, %mul3A_1676 : vector<16xi32>
      %add3A_1678 = arith.constant 32 : i32
      %add3A_1679 = arith.addi %mul3A_1221, %add3A_1678 : i32
      %add3A_1680 = vector.broadcast %add3A_1679 : i32 to vector<16xi32>
      %add3A_1681 = arith.addi %mul3A_1677, %add3A_1680 : vector<16xi32>
      %add3A_1682 = arith.addi %get3A_1674, %get3A_1674 : vector<16xi32>
      tpu.vector_store_idx %arg5[%add3A_1681], %add3A_1682 : memref<25600xi32, #tpu.memory_space<vmem>>[vector<16xi32>], vector<16xi32>,
      %mul3A_1683 = arith.constant 16 : i32
      %mul3A_1684 = arith.muli %add3A_1217, %mul3A_1683 : i32
      %get3A_1685 = arith.constant 33 : i32
      %get3A_1686 = arith.index_cast %get3A_1685 : i32 to index
      %get3A_1687 = arith.index_cast %mul3A_1684 : i32 to index
      %get3A_1688 = tpu.vector_load %arg4[%get3A_1686, %get3A_1687] {strides = array<i32>} : memref<50x512xi32, #tpu.memory_space<vmem>>, vector<16xi32>,
      %mul3A_1689 = arith.constant 50 : i32
      %mul3A_1690 = vector.broadcast %mul3A_1689 : i32 to vector<16xi32>
      %mul3A_1691 = arith.muli %iota3A, %mul3A_1690 : vector<16xi32>
      %add3A_1692 = arith.constant 33 : i32
      %add3A_1693 = arith.addi %mul3A_1221, %add3A_1692 : i32
      %add3A_1694 = vector.broadcast %add3A_1693 : i32 to vector<16xi32>
      %add3A_1695 = arith.addi %mul3A_1691, %add3A_1694 : vector<16xi32>
      %add3A_1696 = arith.addi %get3A_1688, %get3A_1688 : vector<16xi32>
      tpu.vector_store_idx %arg5[%add3A_1695], %add3A_1696 : memref<25600xi32, #tpu.memory_space<vmem>>[vector<16xi32>], vector<16xi32>,
      %mul3A_1697 = arith.constant 16 : i32
      %mul3A_1698 = arith.muli %add3A_1217, %mul3A_1697 : i32
      %get3A_1699 = arith.constant 34 : i32
      %get3A_1700 = arith.index_cast %get3A_1699 : i32 to index
      %get3A_1701 = arith.index_cast %mul3A_1698 : i32 to index
      %get3A_1702 = tpu.vector_load %arg4[%get3A_1700, %get3A_1701] {strides = array<i32>} : memref<50x512xi32, #tpu.memory_space<vmem>>, vector<16xi32>,
      %mul3A_1703 = arith.constant 50 : i32
      %mul3A_1704 = vector.broadcast %mul3A_1703 : i32 to vector<16xi32>
      %mul3A_1705 = arith.muli %iota3A, %mul3A_1704 : vector<16xi32>
      %add3A_1706 = arith.constant 34 : i32
      %add3A_1707 = arith.addi %mul3A_1221, %add3A_1706 : i32
      %add3A_1708 = vector.broadcast %add3A_1707 : i32 to vector<16xi32>
      %add3A_1709 = arith.addi %mul3A_1705, %add3A_1708 : vector<16xi32>
      %add3A_1710 = arith.addi %get3A_1702, %get3A_1702 : vector<16xi32>
      tpu.vector_store_idx %arg5[%add3A_1709], %add3A_1710 : memref<25600xi32, #tpu.memory_space<vmem>>[vector<16xi32>], vector<16xi32>,
      %mul3A_1711 = arith.constant 16 : i32
      %mul3A_1712 = arith.muli %add3A_1217, %mul3A_1711 : i32
      %get3A_1713 = arith.constant 35 : i32
      %get3A_1714 = arith.index_cast %get3A_1713 : i32 to index
      %get3A_1715 = arith.index_cast %mul3A_1712 : i32 to index
      %get3A_1716 = tpu.vector_load %arg4[%get3A_1714, %get3A_1715] {strides = array<i32>} : memref<50x512xi32, #tpu.memory_space<vmem>>, vector<16xi32>,
      %mul3A_1717 = arith.constant 50 : i32
      %mul3A_1718 = vector.broadcast %mul3A_1717 : i32 to vector<16xi32>
      %mul3A_1719 = arith.muli %iota3A, %mul3A_1718 : vector<16xi32>
      %add3A_1720 = arith.constant 35 : i32
      %add3A_1721 = arith.addi %mul3A_1221, %add3A_1720 : i32
      %add3A_1722 = vector.broadcast %add3A_1721 : i32 to vector<16xi32>
      %add3A_1723 = arith.addi %mul3A_1719, %add3A_1722 : vector<16xi32>
      %add3A_1724 = arith.addi %get3A_1716, %get3A_1716 : vector<16xi32>
      tpu.vector_store_idx %arg5[%add3A_1723], %add3A_1724 : memref<25600xi32, #tpu.memory_space<vmem>>[vector<16xi32>], vector<16xi32>,
      %mul3A_1725 = arith.constant 16 : i32
      %mul3A_1726 = arith.muli %add3A_1217, %mul3A_1725 : i32
      %get3A_1727 = arith.constant 36 : i32
      %get3A_1728 = arith.index_cast %get3A_1727 : i32 to index
      %get3A_1729 = arith.index_cast %mul3A_1726 : i32 to index
      %get3A_1730 = tpu.vector_load %arg4[%get3A_1728, %get3A_1729] {strides = array<i32>} : memref<50x512xi32, #tpu.memory_space<vmem>>, vector<16xi32>,
      %mul3A_1731 = arith.constant 50 : i32
      %mul3A_1732 = vector.broadcast %mul3A_1731 : i32 to vector<16xi32>
      %mul3A_1733 = arith.muli %iota3A, %mul3A_1732 : vector<16xi32>
      %add3A_1734 = arith.constant 36 : i32
      %add3A_1735 = arith.addi %mul3A_1221, %add3A_1734 : i32
      %add3A_1736 = vector.broadcast %add3A_1735 : i32 to vector<16xi32>
      %add3A_1737 = arith.addi %mul3A_1733, %add3A_1736 : vector<16xi32>
      %add3A_1738 = arith.addi %get3A_1730, %get3A_1730 : vector<16xi32>
      tpu.vector_store_idx %arg5[%add3A_1737], %add3A_1738 : memref<25600xi32, #tpu.memory_space<vmem>>[vector<16xi32>], vector<16xi32>,
      %mul3A_1739 = arith.constant 16 : i32
      %mul3A_1740 = arith.muli %add3A_1217, %mul3A_1739 : i32
      %get3A_1741 = arith.constant 37 : i32
      %get3A_1742 = arith.index_cast %get3A_1741 : i32 to index
      %get3A_1743 = arith.index_cast %mul3A_1740 : i32 to index
      %get3A_1744 = tpu.vector_load %arg4[%get3A_1742, %get3A_1743] {strides = array<i32>} : memref<50x512xi32, #tpu.memory_space<vmem>>, vector<16xi32>,
      %mul3A_1745 = arith.constant 50 : i32
      %mul3A_1746 = vector.broadcast %mul3A_1745 : i32 to vector<16xi32>
      %mul3A_1747 = arith.muli %iota3A, %mul3A_1746 : vector<16xi32>
      %add3A_1748 = arith.constant 37 : i32
      %add3A_1749 = arith.addi %mul3A_1221, %add3A_1748 : i32
      %add3A_1750 = vector.broadcast %add3A_1749 : i32 to vector<16xi32>
      %add3A_1751 = arith.addi %mul3A_1747, %add3A_1750 : vector<16xi32>
      %add3A_1752 = arith.addi %get3A_1744, %get3A_1744 : vector<16xi32>
      tpu.vector_store_idx %arg5[%add3A_1751], %add3A_1752 : memref<25600xi32, #tpu.memory_space<vmem>>[vector<16xi32>], vector<16xi32>,
      %mul3A_1753 = arith.constant 16 : i32
      %mul3A_1754 = arith.muli %add3A_1217, %mul3A_1753 : i32
      %get3A_1755 = arith.constant 38 : i32
      %get3A_1756 = arith.index_cast %get3A_1755 : i32 to index
      %get3A_1757 = arith.index_cast %mul3A_1754 : i32 to index
      %get3A_1758 = tpu.vector_load %arg4[%get3A_1756, %get3A_1757] {strides = array<i32>} : memref<50x512xi32, #tpu.memory_space<vmem>>, vector<16xi32>,
      %mul3A_1759 = arith.constant 50 : i32
      %mul3A_1760 = vector.broadcast %mul3A_1759 : i32 to vector<16xi32>
      %mul3A_1761 = arith.muli %iota3A, %mul3A_1760 : vector<16xi32>
      %add3A_1762 = arith.constant 38 : i32
      %add3A_1763 = arith.addi %mul3A_1221, %add3A_1762 : i32
      %add3A_1764 = vector.broadcast %add3A_1763 : i32 to vector<16xi32>
      %add3A_1765 = arith.addi %mul3A_1761, %add3A_1764 : vector<16xi32>
      %add3A_1766 = arith.addi %get3A_1758, %get3A_1758 : vector<16xi32>
      tpu.vector_store_idx %arg5[%add3A_1765], %add3A_1766 : memref<25600xi32, #tpu.memory_space<vmem>>[vector<16xi32>], vector<16xi32>,
      %mul3A_1767 = arith.constant 16 : i32
      %mul3A_1768 = arith.muli %add3A_1217, %mul3A_1767 : i32
      %get3A_1769 = arith.constant 39 : i32
      %get3A_1770 = arith.index_cast %get3A_1769 : i32 to index
      %get3A_1771 = arith.index_cast %mul3A_1768 : i32 to index
      %get3A_1772 = tpu.vector_load %arg4[%get3A_1770, %get3A_1771] {strides = array<i32>} : memref<50x512xi32, #tpu.memory_space<vmem>>, vector<16xi32>,
      %mul3A_1773 = arith.constant 50 : i32
      %mul3A_1774 = vector.broadcast %mul3A_1773 : i32 to vector<16xi32>
      %mul3A_1775 = arith.muli %iota3A, %mul3A_1774 : vector<16xi32>
      %add3A_1776 = arith.constant 39 : i32
      %add3A_1777 = arith.addi %mul3A_1221, %add3A_1776 : i32
      %add3A_1778 = vector.broadcast %add3A_1777 : i32 to vector<16xi32>
      %add3A_1779 = arith.addi %mul3A_1775, %add3A_1778 : vector<16xi32>
      %add3A_1780 = arith.addi %get3A_1772, %get3A_1772 : vector<16xi32>
      tpu.vector_store_idx %arg5[%add3A_1779], %add3A_1780 : memref<25600xi32, #tpu.memory_space<vmem>>[vector<16xi32>], vector<16xi32>,
      %mul3A_1781 = arith.constant 16 : i32
      %mul3A_1782 = arith.muli %add3A_1217, %mul3A_1781 : i32
      %get3A_1783 = arith.constant 40 : i32
      %get3A_1784 = arith.index_cast %get3A_1783 : i32 to index
      %get3A_1785 = arith.index_cast %mul3A_1782 : i32 to index
      %get3A_1786 = tpu.vector_load %arg4[%get3A_1784, %get3A_1785] {strides = array<i32>} : memref<50x512xi32, #tpu.memory_space<vmem>>, vector<16xi32>,
      %mul3A_1787 = arith.constant 50 : i32
      %mul3A_1788 = vector.broadcast %mul3A_1787 : i32 to vector<16xi32>
      %mul3A_1789 = arith.muli %iota3A, %mul3A_1788 : vector<16xi32>
      %add3A_1790 = arith.constant 40 : i32
      %add3A_1791 = arith.addi %mul3A_1221, %add3A_1790 : i32
      %add3A_1792 = vector.broadcast %add3A_1791 : i32 to vector<16xi32>
      %add3A_1793 = arith.addi %mul3A_1789, %add3A_1792 : vector<16xi32>
      %add3A_1794 = arith.addi %get3A_1786, %get3A_1786 : vector<16xi32>
      tpu.vector_store_idx %arg5[%add3A_1793], %add3A_1794 : memref<25600xi32, #tpu.memory_space<vmem>>[vector<16xi32>], vector<16xi32>,
      %mul3A_1795 = arith.constant 16 : i32
      %mul3A_1796 = arith.muli %add3A_1217, %mul3A_1795 : i32
      %get3A_1797 = arith.constant 41 : i32
      %get3A_1798 = arith.index_cast %get3A_1797 : i32 to index
      %get3A_1799 = arith.index_cast %mul3A_1796 : i32 to index
      %get3A_1800 = tpu.vector_load %arg4[%get3A_1798, %get3A_1799] {strides = array<i32>} : memref<50x512xi32, #tpu.memory_space<vmem>>, vector<16xi32>,
      %mul3A_1801 = arith.constant 50 : i32
      %mul3A_1802 = vector.broadcast %mul3A_1801 : i32 to vector<16xi32>
      %mul3A_1803 = arith.muli %iota3A, %mul3A_1802 : vector<16xi32>
      %add3A_1804 = arith.constant 41 : i32
      %add3A_1805 = arith.addi %mul3A_1221, %add3A_1804 : i32
      %add3A_1806 = vector.broadcast %add3A_1805 : i32 to vector<16xi32>
      %add3A_1807 = arith.addi %mul3A_1803, %add3A_1806 : vector<16xi32>
      %add3A_1808 = arith.addi %get3A_1800, %get3A_1800 : vector<16xi32>
      tpu.vector_store_idx %arg5[%add3A_1807], %add3A_1808 : memref<25600xi32, #tpu.memory_space<vmem>>[vector<16xi32>], vector<16xi32>,
      %mul3A_1809 = arith.constant 16 : i32
      %mul3A_1810 = arith.muli %add3A_1217, %mul3A_1809 : i32
      %get3A_1811 = arith.constant 42 : i32
      %get3A_1812 = arith.index_cast %get3A_1811 : i32 to index
      %get3A_1813 = arith.index_cast %mul3A_1810 : i32 to index
      %get3A_1814 = tpu.vector_load %arg4[%get3A_1812, %get3A_1813] {strides = array<i32>} : memref<50x512xi32, #tpu.memory_space<vmem>>, vector<16xi32>,
      %mul3A_1815 = arith.constant 50 : i32
      %mul3A_1816 = vector.broadcast %mul3A_1815 : i32 to vector<16xi32>
      %mul3A_1817 = arith.muli %iota3A, %mul3A_1816 : vector<16xi32>
      %add3A_1818 = arith.constant 42 : i32
      %add3A_1819 = arith.addi %mul3A_1221, %add3A_1818 : i32
      %add3A_1820 = vector.broadcast %add3A_1819 : i32 to vector<16xi32>
      %add3A_1821 = arith.addi %mul3A_1817, %add3A_1820 : vector<16xi32>
      %add3A_1822 = arith.addi %get3A_1814, %get3A_1814 : vector<16xi32>
      tpu.vector_store_idx %arg5[%add3A_1821], %add3A_1822 : memref<25600xi32, #tpu.memory_space<vmem>>[vector<16xi32>], vector<16xi32>,
      %mul3A_1823 = arith.constant 16 : i32
      %mul3A_1824 = arith.muli %add3A_1217, %mul3A_1823 : i32
      %get3A_1825 = arith.constant 43 : i32
      %get3A_1826 = arith.index_cast %get3A_1825 : i32 to index
      %get3A_1827 = arith.index_cast %mul3A_1824 : i32 to index
      %get3A_1828 = tpu.vector_load %arg4[%get3A_1826, %get3A_1827] {strides = array<i32>} : memref<50x512xi32, #tpu.memory_space<vmem>>, vector<16xi32>,
      %mul3A_1829 = arith.constant 50 : i32
      %mul3A_1830 = vector.broadcast %mul3A_1829 : i32 to vector<16xi32>
      %mul3A_1831 = arith.muli %iota3A, %mul3A_1830 : vector<16xi32>
      %add3A_1832 = arith.constant 43 : i32
      %add3A_1833 = arith.addi %mul3A_1221, %add3A_1832 : i32
      %add3A_1834 = vector.broadcast %add3A_1833 : i32 to vector<16xi32>
      %add3A_1835 = arith.addi %mul3A_1831, %add3A_1834 : vector<16xi32>
      %add3A_1836 = arith.addi %get3A_1828, %get3A_1828 : vector<16xi32>
      tpu.vector_store_idx %arg5[%add3A_1835], %add3A_1836 : memref<25600xi32, #tpu.memory_space<vmem>>[vector<16xi32>], vector<16xi32>,
      %mul3A_1837 = arith.constant 16 : i32
      %mul3A_1838 = arith.muli %add3A_1217, %mul3A_1837 : i32
      %get3A_1839 = arith.constant 44 : i32
      %get3A_1840 = arith.index_cast %get3A_1839 : i32 to index
      %get3A_1841 = arith.index_cast %mul3A_1838 : i32 to index
      %get3A_1842 = tpu.vector_load %arg4[%get3A_1840, %get3A_1841] {strides = array<i32>} : memref<50x512xi32, #tpu.memory_space<vmem>>, vector<16xi32>,
      %mul3A_1843 = arith.constant 50 : i32
      %mul3A_1844 = vector.broadcast %mul3A_1843 : i32 to vector<16xi32>
      %mul3A_1845 = arith.muli %iota3A, %mul3A_1844 : vector<16xi32>
      %add3A_1846 = arith.constant 44 : i32
      %add3A_1847 = arith.addi %mul3A_1221, %add3A_1846 : i32
      %add3A_1848 = vector.broadcast %add3A_1847 : i32 to vector<16xi32>
      %add3A_1849 = arith.addi %mul3A_1845, %add3A_1848 : vector<16xi32>
      %add3A_1850 = arith.addi %get3A_1842, %get3A_1842 : vector<16xi32>
      tpu.vector_store_idx %arg5[%add3A_1849], %add3A_1850 : memref<25600xi32, #tpu.memory_space<vmem>>[vector<16xi32>], vector<16xi32>,
      %mul3A_1851 = arith.constant 16 : i32
      %mul3A_1852 = arith.muli %add3A_1217, %mul3A_1851 : i32
      %get3A_1853 = arith.constant 45 : i32
      %get3A_1854 = arith.index_cast %get3A_1853 : i32 to index
      %get3A_1855 = arith.index_cast %mul3A_1852 : i32 to index
      %get3A_1856 = tpu.vector_load %arg4[%get3A_1854, %get3A_1855] {strides = array<i32>} : memref<50x512xi32, #tpu.memory_space<vmem>>, vector<16xi32>,
      %mul3A_1857 = arith.constant 50 : i32
      %mul3A_1858 = vector.broadcast %mul3A_1857 : i32 to vector<16xi32>
      %mul3A_1859 = arith.muli %iota3A, %mul3A_1858 : vector<16xi32>
      %add3A_1860 = arith.constant 45 : i32
      %add3A_1861 = arith.addi %mul3A_1221, %add3A_1860 : i32
      %add3A_1862 = vector.broadcast %add3A_1861 : i32 to vector<16xi32>
      %add3A_1863 = arith.addi %mul3A_1859, %add3A_1862 : vector<16xi32>
      %add3A_1864 = arith.addi %get3A_1856, %get3A_1856 : vector<16xi32>
      tpu.vector_store_idx %arg5[%add3A_1863], %add3A_1864 : memref<25600xi32, #tpu.memory_space<vmem>>[vector<16xi32>], vector<16xi32>,
      %mul3A_1865 = arith.constant 16 : i32
      %mul3A_1866 = arith.muli %add3A_1217, %mul3A_1865 : i32
      %get3A_1867 = arith.constant 46 : i32
      %get3A_1868 = arith.index_cast %get3A_1867 : i32 to index
      %get3A_1869 = arith.index_cast %mul3A_1866 : i32 to index
      %get3A_1870 = tpu.vector_load %arg4[%get3A_1868, %get3A_1869] {strides = array<i32>} : memref<50x512xi32, #tpu.memory_space<vmem>>, vector<16xi32>,
      %mul3A_1871 = arith.constant 50 : i32
      %mul3A_1872 = vector.broadcast %mul3A_1871 : i32 to vector<16xi32>
      %mul3A_1873 = arith.muli %iota3A, %mul3A_1872 : vector<16xi32>
      %add3A_1874 = arith.constant 46 : i32
      %add3A_1875 = arith.addi %mul3A_1221, %add3A_1874 : i32
      %add3A_1876 = vector.broadcast %add3A_1875 : i32 to vector<16xi32>
      %add3A_1877 = arith.addi %mul3A_1873, %add3A_1876 : vector<16xi32>
      %add3A_1878 = arith.addi %get3A_1870, %get3A_1870 : vector<16xi32>
      tpu.vector_store_idx %arg5[%add3A_1877], %add3A_1878 : memref<25600xi32, #tpu.memory_space<vmem>>[vector<16xi32>], vector<16xi32>,
      %mul3A_1879 = arith.constant 16 : i32
      %mul3A_1880 = arith.muli %add3A_1217, %mul3A_1879 : i32
      %get3A_1881 = arith.constant 47 : i32
      %get3A_1882 = arith.index_cast %get3A_1881 : i32 to index
      %get3A_1883 = arith.index_cast %mul3A_1880 : i32 to index
      %get3A_1884 = tpu.vector_load %arg4[%get3A_1882, %get3A_1883] {strides = array<i32>} : memref<50x512xi32, #tpu.memory_space<vmem>>, vector<16xi32>,
      %mul3A_1885 = arith.constant 50 : i32
      %mul3A_1886 = vector.broadcast %mul3A_1885 : i32 to vector<16xi32>
      %mul3A_1887 = arith.muli %iota3A, %mul3A_1886 : vector<16xi32>
      %add3A_1888 = arith.constant 47 : i32
      %add3A_1889 = arith.addi %mul3A_1221, %add3A_1888 : i32
      %add3A_1890 = vector.broadcast %add3A_1889 : i32 to vector<16xi32>
      %add3A_1891 = arith.addi %mul3A_1887, %add3A_1890 : vector<16xi32>
      %add3A_1892 = arith.addi %get3A_1884, %get3A_1884 : vector<16xi32>
      tpu.vector_store_idx %arg5[%add3A_1891], %add3A_1892 : memref<25600xi32, #tpu.memory_space<vmem>>[vector<16xi32>], vector<16xi32>,
      %mul3A_1893 = arith.constant 16 : i32
      %mul3A_1894 = arith.muli %add3A_1217, %mul3A_1893 : i32
      %get3A_1895 = arith.constant 48 : i32
      %get3A_1896 = arith.index_cast %get3A_1895 : i32 to index
      %get3A_1897 = arith.index_cast %mul3A_1894 : i32 to index
      %get3A_1898 = tpu.vector_load %arg4[%get3A_1896, %get3A_1897] {strides = array<i32>} : memref<50x512xi32, #tpu.memory_space<vmem>>, vector<16xi32>,
      %mul3A_1899 = arith.constant 50 : i32
      %mul3A_1900 = vector.broadcast %mul3A_1899 : i32 to vector<16xi32>
      %mul3A_1901 = arith.muli %iota3A, %mul3A_1900 : vector<16xi32>
      %add3A_1902 = arith.constant 48 : i32
      %add3A_1903 = arith.addi %mul3A_1221, %add3A_1902 : i32
      %add3A_1904 = vector.broadcast %add3A_1903 : i32 to vector<16xi32>
      %add3A_1905 = arith.addi %mul3A_1901, %add3A_1904 : vector<16xi32>
      %add3A_1906 = arith.addi %get3A_1898, %get3A_1898 : vector<16xi32>
      tpu.vector_store_idx %arg5[%add3A_1905], %add3A_1906 : memref<25600xi32, #tpu.memory_space<vmem>>[vector<16xi32>], vector<16xi32>,
      %mul3A_1907 = arith.constant 16 : i32
      %mul3A_1908 = arith.muli %add3A_1217, %mul3A_1907 : i32
      %get3A_1909 = arith.constant 49 : i32
      %get3A_1910 = arith.index_cast %get3A_1909 : i32 to index
      %get3A_1911 = arith.index_cast %mul3A_1908 : i32 to index
      %get3A_1912 = tpu.vector_load %arg4[%get3A_1910, %get3A_1911] {strides = array<i32>} : memref<50x512xi32, #tpu.memory_space<vmem>>, vector<16xi32>,
      %mul3A_1913 = arith.constant 50 : i32
      %mul3A_1914 = vector.broadcast %mul3A_1913 : i32 to vector<16xi32>
      %mul3A_1915 = arith.muli %iota3A, %mul3A_1914 : vector<16xi32>
      %add3A_1916 = arith.constant 49 : i32
      %add3A_1917 = arith.addi %mul3A_1221, %add3A_1916 : i32
      %add3A_1918 = vector.broadcast %add3A_1917 : i32 to vector<16xi32>
      %add3A_1919 = arith.addi %mul3A_1915, %add3A_1918 : vector<16xi32>
      %add3A_1920 = arith.addi %get3A_1912, %get3A_1912 : vector<16xi32>
      tpu.vector_store_idx %arg5[%add3A_1919], %add3A_1920 : memref<25600xi32, #tpu.memory_space<vmem>>[vector<16xi32>], vector<16xi32>,
    }
    %scan3A_1204 = arith.constant 32 : i32
    %mul3A_1205 = arith.constant 25600 : i32
    %mul3A_1206 = arith.muli %add3A, %mul3A_1205 : i32
    %dma_start3A_1207 = tpu.memref_slice %arg3[%mul3A_1206] : memref<819200xi32, #tpu.memory_space<hbm>> -> memref<25600xi32, #tpu.memory_space<hbm>>
    %dma_start3A_1208 = tpu.memref_slice %arg3[%mul3A_1206] : memref<819200xi32, #tpu.memory_space<hbm>> -> memref<25600xi32, #tpu.memory_space<hbm>>
    tpu.enqueue_dma source(%arg5 : memref<25600xi32, #tpu.memory_space<vmem>>) target(%dma_start3A_1208 : memref<25600xi32, #tpu.memory_space<hbm>>) target_semaphore(%arg7 : memref<!tpu.dma_semaphore, #tpu.memory_space<semaphore_mem>>)
    %mul3A_1209 = arith.constant 25600 : i32
    %mul3A_1210 = arith.muli %add3A, %mul3A_1209 : i32
    %dma_wait3A_1211 = tpu.memref_slice %arg3[%mul3A_1210] : memref<819200xi32, #tpu.memory_space<hbm>> -> memref<25600xi32, #tpu.memory_space<hbm>>
    %dma_wait3A_1212 = tpu.memref_slice %arg3[%mul3A_1210] : memref<819200xi32, #tpu.memory_space<hbm>> -> memref<25600xi32, #tpu.memory_space<hbm>>
    tpu.wait_dma2 semaphore(%arg7 : memref<!tpu.dma_semaphore, #tpu.memory_space<semaphore_mem>>) src(%arg5 : memref<25600xi32, #tpu.memory_space<vmem>>) dst(%dma_wait3A_1212 : memref<25600xi32, #tpu.memory_space<hbm>>)
    return
  }
}

#map = affine_map<(d0, d1) -> (0)>
#map1 = affine_map<(d0, d1) -> (0, 0)>
module attributes {stable_mosaic.version = 14 : i64} {
  func.func @_gather_body(%arg0: i32, %arg1: i32, %arg2: memref<819200xi32, #tpu.memory_space<hbm>>, %arg3: memref<2000000x64xf32, #tpu.memory_space<hbm>>, %arg4: memref<819200x64xf32, #tpu.memory_space<hbm>>, %arg5: memref<2x512xi32, #tpu.memory_space<vmem>>, %arg6: memref<2x512x64xf32, #tpu.memory_space<vmem>>, %arg7: memref<!tpu.dma_semaphore, #tpu.memory_space<semaphore_mem>>, %arg8: memref<!tpu.dma_semaphore, #tpu.memory_space<semaphore_mem>>, %arg9: memref<!tpu.dma_semaphore, #tpu.memory_space<semaphore_mem>>, %arg10: memref<!tpu.dma_semaphore, #tpu.memory_space<semaphore_mem>>, %arg11: memref<!tpu.dma_semaphore, #tpu.memory_space<semaphore_mem>>, %arg12: memref<!tpu.dma_semaphore, #tpu.memory_space<semaphore_mem>>) attributes {dimension_semantics = [#tpu.dimension_semantics<core_parallel>, #tpu.dimension_semantics<subcore_parallel>], iteration_bounds = array<i64: 2, 16>, scalar_prefetch = 0 : i64, scratch_operands = 8 : i64, tpu.core_type = #tpu.core_type<sc_vector_subcore>, window_params = [{transform_indices = #map}, {transform_indices = #map1}, {transform_indices = #map1}]} {
    %mul3A = arith.constant 2 : i32
    %mul3A_0 = arith.muli %arg1, %mul3A : i32
    %add3A = arith.addi %mul3A_0, %arg0 : i32
    %mul3A_1 = arith.constant 25600 : i32
    %mul3A_2 = arith.muli %add3A, %mul3A_1 : i32
    %add3A_3 = arith.constant 0 : i32
    %add3A_4 = arith.addi %mul3A_2, %add3A_3 : i32
    %dma_start3A = arith.constant 0 : i32
    %dma_start3A_5 = arith.constant 0 : i32
    %dma_start3A_6 = tpu.memref_slice %arg5[%dma_start3A, %dma_start3A_5] : memref<2x512xi32, #tpu.memory_space<vmem>> -> memref<1x512xi32, #tpu.memory_space<vmem>>
    %dma_start3A_7 = tpu.memref_squeeze %dma_start3A_6 : memref<1x512xi32, #tpu.memory_space<vmem>> -> memref<512xi32, #tpu.memory_space<vmem>>
    %dma_start3A_8 = tpu.memref_slice %arg2[%add3A_4] : memref<819200xi32, #tpu.memory_space<hbm>> -> memref<512xi32, #tpu.memory_space<hbm>>
    %dma_start3A_9 = arith.constant 0 : i32
    %dma_start3A_10 = tpu.memref_slice %arg5[%dma_start3A, %dma_start3A_9] : memref<2x512xi32, #tpu.memory_space<vmem>> -> memref<1x512xi32, #tpu.memory_space<vmem>>
    %dma_start3A_11 = tpu.memref_squeeze %dma_start3A_10 : memref<1x512xi32, #tpu.memory_space<vmem>> -> memref<512xi32, #tpu.memory_space<vmem>>
    %dma_start3A_12 = tpu.memref_slice %arg2[%add3A_4] : memref<819200xi32, #tpu.memory_space<hbm>> -> memref<512xi32, #tpu.memory_space<hbm>>
    tpu.enqueue_dma source(%dma_start3A_12 : memref<512xi32, #tpu.memory_space<hbm>>) target(%dma_start3A_11 : memref<512xi32, #tpu.memory_space<vmem>>) target_semaphore(%arg7 : memref<!tpu.dma_semaphore, #tpu.memory_space<semaphore_mem>>)
    %add3A_13 = arith.constant 512 : i32
    %add3A_14 = arith.addi %mul3A_2, %add3A_13 : i32
    %dma_start3A_15 = arith.constant 1 : i32
    %dma_start3A_16 = arith.constant 0 : i32
    %dma_start3A_17 = tpu.memref_slice %arg5[%dma_start3A_15, %dma_start3A_16] : memref<2x512xi32, #tpu.memory_space<vmem>> -> memref<1x512xi32, #tpu.memory_space<vmem>>
    %dma_start3A_18 = tpu.memref_squeeze %dma_start3A_17 : memref<1x512xi32, #tpu.memory_space<vmem>> -> memref<512xi32, #tpu.memory_space<vmem>>
    %dma_start3A_19 = tpu.memref_slice %arg2[%add3A_14] : memref<819200xi32, #tpu.memory_space<hbm>> -> memref<512xi32, #tpu.memory_space<hbm>>
    %dma_start3A_20 = arith.constant 0 : i32
    %dma_start3A_21 = tpu.memref_slice %arg5[%dma_start3A_15, %dma_start3A_20] : memref<2x512xi32, #tpu.memory_space<vmem>> -> memref<1x512xi32, #tpu.memory_space<vmem>>
    %dma_start3A_22 = tpu.memref_squeeze %dma_start3A_21 : memref<1x512xi32, #tpu.memory_space<vmem>> -> memref<512xi32, #tpu.memory_space<vmem>>
    %dma_start3A_23 = tpu.memref_slice %arg2[%add3A_14] : memref<819200xi32, #tpu.memory_space<hbm>> -> memref<512xi32, #tpu.memory_space<hbm>>
    tpu.enqueue_dma source(%dma_start3A_23 : memref<512xi32, #tpu.memory_space<hbm>>) target(%dma_start3A_22 : memref<512xi32, #tpu.memory_space<vmem>>) target_semaphore(%arg8 : memref<!tpu.dma_semaphore, #tpu.memory_space<semaphore_mem>>)
    %dma_wait3A = arith.constant 0 : i32
    %dma_wait3A_24 = arith.constant 0 : i32
    %dma_wait3A_25 = tpu.memref_slice %arg5[%dma_wait3A, %dma_wait3A_24] : memref<2x512xi32, #tpu.memory_space<vmem>> -> memref<1x512xi32, #tpu.memory_space<vmem>>
    %dma_wait3A_26 = tpu.memref_squeeze %dma_wait3A_25 : memref<1x512xi32, #tpu.memory_space<vmem>> -> memref<512xi32, #tpu.memory_space<vmem>>
    %dma_wait3A_27 = tpu.memref_slice %arg2[%mul3A_2] : memref<819200xi32, #tpu.memory_space<hbm>> -> memref<512xi32, #tpu.memory_space<hbm>>
    %dma_wait3A_28 = arith.constant 0 : i32
    %dma_wait3A_29 = tpu.memref_slice %arg5[%dma_wait3A, %dma_wait3A_28] : memref<2x512xi32, #tpu.memory_space<vmem>> -> memref<1x512xi32, #tpu.memory_space<vmem>>
    %dma_wait3A_30 = tpu.memref_squeeze %dma_wait3A_29 : memref<1x512xi32, #tpu.memory_space<vmem>> -> memref<512xi32, #tpu.memory_space<vmem>>
    %dma_wait3A_31 = tpu.memref_slice %arg2[%mul3A_2] : memref<819200xi32, #tpu.memory_space<hbm>> -> memref<512xi32, #tpu.memory_space<hbm>>
    tpu.wait_dma2 semaphore(%arg7 : memref<!tpu.dma_semaphore, #tpu.memory_space<semaphore_mem>>) src(%dma_wait3A_31 : memref<512xi32, #tpu.memory_space<hbm>>) dst(%dma_wait3A_30 : memref<512xi32, #tpu.memory_space<vmem>>)
    %dma_start3A_32 = arith.constant 0 : i32
    %dma_start3A_33 = arith.constant 0 : i32
    %dma_start3A_34 = arith.constant 0 : i32
    %dma_start3A_35 = arith.constant 0 : i32
    %dma_start3A_36 = tpu.memref_slice %arg6[%dma_start3A_33, %dma_start3A_34, %dma_start3A_35] : memref<2x512x64xf32, #tpu.memory_space<vmem>> -> memref<1x512x64xf32, #tpu.memory_space<vmem>>
    %dma_start3A_37 = tpu.memref_squeeze %dma_start3A_36 : memref<1x512x64xf32, #tpu.memory_space<vmem>> -> memref<512x64xf32, #tpu.memory_space<vmem>>
    %dma_start3A_38 = arith.constant 0 : i32
    %dma_start3A_39 = tpu.memref_slice %arg5[%dma_start3A_32, %dma_start3A_38] : memref<2x512xi32, #tpu.memory_space<vmem>> -> memref<1x512xi32, #tpu.memory_space<vmem>>
    %dma_start3A_40 = tpu.memref_squeeze %dma_start3A_39 : memref<1x512xi32, #tpu.memory_space<vmem>> -> memref<512xi32, #tpu.memory_space<vmem>>
    %dma_start3A_41 = arith.constant 0 : i32
    %dma_start3A_42 = arith.constant 0 : i32
    %dma_start3A_43 = tpu.memref_slice %arg3[%dma_start3A_41, %dma_start3A_42] : memref<2000000x64xf32, #tpu.memory_space<hbm>> -> memref<2000000x64xf32, #tpu.memory_space<hbm>>
    tpu.enqueue_indirect_dma source(%dma_start3A_43 : memref<2000000x64xf32, #tpu.memory_space<hbm>>) target(%dma_start3A_37 : memref<512x64xf32, #tpu.memory_space<vmem>>) offsets(%dma_start3A_40 : memref<512xi32, #tpu.memory_space<vmem>>) semaphore(%arg9 : memref<!tpu.dma_semaphore, #tpu.memory_space<semaphore_mem>>)
    %dma_wait3A_44 = arith.constant 1 : i32
    %dma_wait3A_45 = arith.constant 0 : i32
    %dma_wait3A_46 = tpu.memref_slice %arg5[%dma_wait3A_44, %dma_wait3A_45] : memref<2x512xi32, #tpu.memory_space<vmem>> -> memref<1x512xi32, #tpu.memory_space<vmem>>
    %dma_wait3A_47 = tpu.memref_squeeze %dma_wait3A_46 : memref<1x512xi32, #tpu.memory_space<vmem>> -> memref<512xi32, #tpu.memory_space<vmem>>
    %dma_wait3A_48 = tpu.memref_slice %arg2[%mul3A_2] : memref<819200xi32, #tpu.memory_space<hbm>> -> memref<512xi32, #tpu.memory_space<hbm>>
    %dma_wait3A_49 = arith.constant 0 : i32
    %dma_wait3A_50 = tpu.memref_slice %arg5[%dma_wait3A_44, %dma_wait3A_49] : memref<2x512xi32, #tpu.memory_space<vmem>> -> memref<1x512xi32, #tpu.memory_space<vmem>>
    %dma_wait3A_51 = tpu.memref_squeeze %dma_wait3A_50 : memref<1x512xi32, #tpu.memory_space<vmem>> -> memref<512xi32, #tpu.memory_space<vmem>>
    %dma_wait3A_52 = tpu.memref_slice %arg2[%mul3A_2] : memref<819200xi32, #tpu.memory_space<hbm>> -> memref<512xi32, #tpu.memory_space<hbm>>
    tpu.wait_dma2 semaphore(%arg8 : memref<!tpu.dma_semaphore, #tpu.memory_space<semaphore_mem>>) src(%dma_wait3A_52 : memref<512xi32, #tpu.memory_space<hbm>>) dst(%dma_wait3A_51 : memref<512xi32, #tpu.memory_space<vmem>>)
    %dma_start3A_53 = arith.constant 1 : i32
    %dma_start3A_54 = arith.constant 1 : i32
    %dma_start3A_55 = arith.constant 0 : i32
    %dma_start3A_56 = arith.constant 0 : i32
    %dma_start3A_57 = tpu.memref_slice %arg6[%dma_start3A_54, %dma_start3A_55, %dma_start3A_56] : memref<2x512x64xf32, #tpu.memory_space<vmem>> -> memref<1x512x64xf32, #tpu.memory_space<vmem>>
    %dma_start3A_58 = tpu.memref_squeeze %dma_start3A_57 : memref<1x512x64xf32, #tpu.memory_space<vmem>> -> memref<512x64xf32, #tpu.memory_space<vmem>>
    %dma_start3A_59 = arith.constant 0 : i32
    %dma_start3A_60 = tpu.memref_slice %arg5[%dma_start3A_53, %dma_start3A_59] : memref<2x512xi32, #tpu.memory_space<vmem>> -> memref<1x512xi32, #tpu.memory_space<vmem>>
    %dma_start3A_61 = tpu.memref_squeeze %dma_start3A_60 : memref<1x512xi32, #tpu.memory_space<vmem>> -> memref<512xi32, #tpu.memory_space<vmem>>
    %dma_start3A_62 = arith.constant 0 : i32
    %dma_start3A_63 = arith.constant 0 : i32
    %dma_start3A_64 = tpu.memref_slice %arg3[%dma_start3A_62, %dma_start3A_63] : memref<2000000x64xf32, #tpu.memory_space<hbm>> -> memref<2000000x64xf32, #tpu.memory_space<hbm>>
    tpu.enqueue_indirect_dma source(%dma_start3A_64 : memref<2000000x64xf32, #tpu.memory_space<hbm>>) target(%dma_start3A_58 : memref<512x64xf32, #tpu.memory_space<vmem>>) offsets(%dma_start3A_61 : memref<512xi32, #tpu.memory_space<vmem>>) semaphore(%arg10 : memref<!tpu.dma_semaphore, #tpu.memory_space<semaphore_mem>>)
    %dma_wait3A_65 = arith.constant 0 : i32
    %dma_wait3A_66 = arith.constant 0 : i32
    %dma_wait3A_67 = arith.constant 0 : i32
    %dma_wait3A_68 = arith.constant 0 : i32
    %dma_wait3A_69 = tpu.memref_slice %arg6[%dma_wait3A_66, %dma_wait3A_67, %dma_wait3A_68] : memref<2x512x64xf32, #tpu.memory_space<vmem>> -> memref<1x512x64xf32, #tpu.memory_space<vmem>>
    %dma_wait3A_70 = tpu.memref_squeeze %dma_wait3A_69 : memref<1x512x64xf32, #tpu.memory_space<vmem>> -> memref<512x64xf32, #tpu.memory_space<vmem>>
    %dma_wait3A_71 = arith.constant 0 : i32
    %dma_wait3A_72 = tpu.memref_slice %arg5[%dma_wait3A_65, %dma_wait3A_71] : memref<2x512xi32, #tpu.memory_space<vmem>> -> memref<1x512xi32, #tpu.memory_space<vmem>>
    %dma_wait3A_73 = tpu.memref_squeeze %dma_wait3A_72 : memref<1x512xi32, #tpu.memory_space<vmem>> -> memref<512xi32, #tpu.memory_space<vmem>>
    %dma_wait3A_74 = arith.constant 0 : i32
    %dma_wait3A_75 = arith.constant 0 : i32
    %dma_wait3A_76 = tpu.memref_slice %arg3[%dma_wait3A_74, %dma_wait3A_75] : memref<2000000x64xf32, #tpu.memory_space<hbm>> -> memref<2000000x64xf32, #tpu.memory_space<hbm>>
    tpu.wait_indirect_dma semaphore(%arg9 : memref<!tpu.dma_semaphore, #tpu.memory_space<semaphore_mem>>) src(%dma_wait3A_76 : memref<2000000x64xf32, #tpu.memory_space<hbm>>) dst(%dma_wait3A_70 : memref<512x64xf32, #tpu.memory_space<vmem>>)
    %add3A_77 = arith.constant 0 : i32
    %add3A_78 = arith.addi %mul3A_2, %add3A_77 : i32
    %dma_start3A_79 = arith.constant 0 : i32
    %dma_start3A_80 = arith.constant 0 : i32
    %dma_start3A_81 = arith.constant 0 : i32
    %dma_start3A_82 = tpu.memref_slice %arg6[%dma_start3A_79, %dma_start3A_80, %dma_start3A_81] : memref<2x512x64xf32, #tpu.memory_space<vmem>> -> memref<1x512x64xf32, #tpu.memory_space<vmem>>
    %dma_start3A_83 = tpu.memref_squeeze %dma_start3A_82 : memref<1x512x64xf32, #tpu.memory_space<vmem>> -> memref<512x64xf32, #tpu.memory_space<vmem>>
    %dma_start3A_84 = arith.constant 0 : i32
    %dma_start3A_85 = tpu.memref_slice %arg4[%add3A_78, %dma_start3A_84] : memref<819200x64xf32, #tpu.memory_space<hbm>> -> memref<512x64xf32, #tpu.memory_space<hbm>>
    %dma_start3A_86 = arith.constant 0 : i32
    %dma_start3A_87 = tpu.memref_slice %arg4[%add3A_78, %dma_start3A_86] : memref<819200x64xf32, #tpu.memory_space<hbm>> -> memref<512x64xf32, #tpu.memory_space<hbm>>
    %dma_start3A_88 = arith.constant 0 : i32
    %dma_start3A_89 = arith.constant 0 : i32
    %dma_start3A_90 = tpu.memref_slice %arg6[%dma_start3A_79, %dma_start3A_88, %dma_start3A_89] : memref<2x512x64xf32, #tpu.memory_space<vmem>> -> memref<1x512x64xf32, #tpu.memory_space<vmem>>
    %dma_start3A_91 = tpu.memref_squeeze %dma_start3A_90 : memref<1x512x64xf32, #tpu.memory_space<vmem>> -> memref<512x64xf32, #tpu.memory_space<vmem>>
    tpu.enqueue_dma source(%dma_start3A_91 : memref<512x64xf32, #tpu.memory_space<vmem>>) target(%dma_start3A_87 : memref<512x64xf32, #tpu.memory_space<hbm>>) target_semaphore(%arg11 : memref<!tpu.dma_semaphore, #tpu.memory_space<semaphore_mem>>)
    %min3A = arith.constant 2 : i32
    %min3A_92 = arith.constant 49 : i32
    %min3A_93 = arith.minsi %min3A, %min3A_92 : i32
    %mul3A_94 = arith.constant 512 : i32
    %mul3A_95 = arith.muli %min3A_93, %mul3A_94 : i32
    %add3A_96 = arith.addi %mul3A_2, %mul3A_95 : i32
    %dma_start3A_97 = arith.constant 0 : i32
    %dma_start3A_98 = arith.constant 0 : i32
    %dma_start3A_99 = tpu.memref_slice %arg5[%dma_start3A_97, %dma_start3A_98] : memref<2x512xi32, #tpu.memory_space<vmem>> -> memref<1x512xi32, #tpu.memory_space<vmem>>
    %dma_start3A_100 = tpu.memref_squeeze %dma_start3A_99 : memref<1x512xi32, #tpu.memory_space<vmem>> -> memref<512xi32, #tpu.memory_space<vmem>>
    %dma_start3A_101 = tpu.memref_slice %arg2[%add3A_96] : memref<819200xi32, #tpu.memory_space<hbm>> -> memref<512xi32, #tpu.memory_space<hbm>>
    %dma_start3A_102 = arith.constant 0 : i32
    %dma_start3A_103 = tpu.memref_slice %arg5[%dma_start3A_97, %dma_start3A_102] : memref<2x512xi32, #tpu.memory_space<vmem>> -> memref<1x512xi32, #tpu.memory_space<vmem>>
    %dma_start3A_104 = tpu.memref_squeeze %dma_start3A_103 : memref<1x512xi32, #tpu.memory_space<vmem>> -> memref<512xi32, #tpu.memory_space<vmem>>
    %dma_start3A_105 = tpu.memref_slice %arg2[%add3A_96] : memref<819200xi32, #tpu.memory_space<hbm>> -> memref<512xi32, #tpu.memory_space<hbm>>
    tpu.enqueue_dma source(%dma_start3A_105 : memref<512xi32, #tpu.memory_space<hbm>>) target(%dma_start3A_104 : memref<512xi32, #tpu.memory_space<vmem>>) target_semaphore(%arg7 : memref<!tpu.dma_semaphore, #tpu.memory_space<semaphore_mem>>)
    %scan3A = arith.constant 0 : i32
    %scan3A_106 = arith.constant 24 : i32
    %scan3A_107 = arith.addi %scan3A, %scan3A_106 : i32
    %scan3A_108 = arith.constant 1 : i32
    scf.for %scan3A_172 = %scan3A to %scan3A_107 step %scan3A_108  : i32 {
      %mul3A_173 = arith.constant 1 : i32
      %mul3A_174 = arith.muli %scan3A_172, %mul3A_173 : i32
      %add3A_175 = arith.constant 1 : i32
      %add3A_176 = arith.addi %add3A_175, %mul3A_174 : i32
      %mul3A_177 = arith.constant 2 : i32
      %mul3A_178 = arith.muli %add3A_176, %mul3A_177 : i32
      %add3A_179 = arith.constant 0 : i32
      %add3A_180 = arith.addi %mul3A_178, %add3A_179 : i32
      %dma_wait3A_181 = arith.constant 0 : i32
      %dma_wait3A_182 = arith.constant 0 : i32
      %dma_wait3A_183 = tpu.memref_slice %arg5[%dma_wait3A_181, %dma_wait3A_182] : memref<2x512xi32, #tpu.memory_space<vmem>> -> memref<1x512xi32, #tpu.memory_space<vmem>>
      %dma_wait3A_184 = tpu.memref_squeeze %dma_wait3A_183 : memref<1x512xi32, #tpu.memory_space<vmem>> -> memref<512xi32, #tpu.memory_space<vmem>>
      %dma_wait3A_185 = tpu.memref_slice %arg2[%mul3A_2] : memref<819200xi32, #tpu.memory_space<hbm>> -> memref<512xi32, #tpu.memory_space<hbm>>
      %dma_wait3A_186 = arith.constant 0 : i32
      %dma_wait3A_187 = tpu.memref_slice %arg5[%dma_wait3A_181, %dma_wait3A_186] : memref<2x512xi32, #tpu.memory_space<vmem>> -> memref<1x512xi32, #tpu.memory_space<vmem>>
      %dma_wait3A_188 = tpu.memref_squeeze %dma_wait3A_187 : memref<1x512xi32, #tpu.memory_space<vmem>> -> memref<512xi32, #tpu.memory_space<vmem>>
      %dma_wait3A_189 = tpu.memref_slice %arg2[%mul3A_2] : memref<819200xi32, #tpu.memory_space<hbm>> -> memref<512xi32, #tpu.memory_space<hbm>>
      tpu.wait_dma2 semaphore(%arg7 : memref<!tpu.dma_semaphore, #tpu.memory_space<semaphore_mem>>) src(%dma_wait3A_189 : memref<512xi32, #tpu.memory_space<hbm>>) dst(%dma_wait3A_188 : memref<512xi32, #tpu.memory_space<vmem>>)
      %dma_wait3A_190 = arith.constant 0 : i32
      %dma_wait3A_191 = arith.constant 0 : i32
      %dma_wait3A_192 = arith.constant 0 : i32
      %dma_wait3A_193 = tpu.memref_slice %arg6[%dma_wait3A_190, %dma_wait3A_191, %dma_wait3A_192] : memref<2x512x64xf32, #tpu.memory_space<vmem>> -> memref<1x512x64xf32, #tpu.memory_space<vmem>>
      %dma_wait3A_194 = tpu.memref_squeeze %dma_wait3A_193 : memref<1x512x64xf32, #tpu.memory_space<vmem>> -> memref<512x64xf32, #tpu.memory_space<vmem>>
      %dma_wait3A_195 = arith.constant 0 : i32
      %dma_wait3A_196 = tpu.memref_slice %arg4[%mul3A_2, %dma_wait3A_195] : memref<819200x64xf32, #tpu.memory_space<hbm>> -> memref<512x64xf32, #tpu.memory_space<hbm>>
      %dma_wait3A_197 = arith.constant 0 : i32
      %dma_wait3A_198 = tpu.memref_slice %arg4[%mul3A_2, %dma_wait3A_197] : memref<819200x64xf32, #tpu.memory_space<hbm>> -> memref<512x64xf32, #tpu.memory_space<hbm>>
      %dma_wait3A_199 = arith.constant 0 : i32
      %dma_wait3A_200 = arith.constant 0 : i32
      %dma_wait3A_201 = tpu.memref_slice %arg6[%dma_wait3A_190, %dma_wait3A_199, %dma_wait3A_200] : memref<2x512x64xf32, #tpu.memory_space<vmem>> -> memref<1x512x64xf32, #tpu.memory_space<vmem>>
      %dma_wait3A_202 = tpu.memref_squeeze %dma_wait3A_201 : memref<1x512x64xf32, #tpu.memory_space<vmem>> -> memref<512x64xf32, #tpu.memory_space<vmem>>
      tpu.wait_dma2 semaphore(%arg11 : memref<!tpu.dma_semaphore, #tpu.memory_space<semaphore_mem>>) src(%dma_wait3A_202 : memref<512x64xf32, #tpu.memory_space<vmem>>) dst(%dma_wait3A_198 : memref<512x64xf32, #tpu.memory_space<hbm>>)
      %dma_start3A_203 = arith.constant 0 : i32
      %dma_start3A_204 = arith.constant 0 : i32
      %dma_start3A_205 = arith.constant 0 : i32
      %dma_start3A_206 = arith.constant 0 : i32
      %dma_start3A_207 = tpu.memref_slice %arg6[%dma_start3A_204, %dma_start3A_205, %dma_start3A_206] : memref<2x512x64xf32, #tpu.memory_space<vmem>> -> memref<1x512x64xf32, #tpu.memory_space<vmem>>
      %dma_start3A_208 = tpu.memref_squeeze %dma_start3A_207 : memref<1x512x64xf32, #tpu.memory_space<vmem>> -> memref<512x64xf32, #tpu.memory_space<vmem>>
      %dma_start3A_209 = arith.constant 0 : i32
      %dma_start3A_210 = tpu.memref_slice %arg5[%dma_start3A_203, %dma_start3A_209] : memref<2x512xi32, #tpu.memory_space<vmem>> -> memref<1x512xi32, #tpu.memory_space<vmem>>
      %dma_start3A_211 = tpu.memref_squeeze %dma_start3A_210 : memref<1x512xi32, #tpu.memory_space<vmem>> -> memref<512xi32, #tpu.memory_space<vmem>>
      %dma_start3A_212 = arith.constant 0 : i32
      %dma_start3A_213 = arith.constant 0 : i32
      %dma_start3A_214 = tpu.memref_slice %arg3[%dma_start3A_212, %dma_start3A_213] : memref<2000000x64xf32, #tpu.memory_space<hbm>> -> memref<2000000x64xf32, #tpu.memory_space<hbm>>
      tpu.enqueue_indirect_dma source(%dma_start3A_214 : memref<2000000x64xf32, #tpu.memory_space<hbm>>) target(%dma_start3A_208 : memref<512x64xf32, #tpu.memory_space<vmem>>) offsets(%dma_start3A_211 : memref<512xi32, #tpu.memory_space<vmem>>) semaphore(%arg9 : memref<!tpu.dma_semaphore, #tpu.memory_space<semaphore_mem>>)
      %sub3A = arith.constant 1 : i32
      %sub3A_215 = arith.subi %add3A_180, %sub3A : i32
      %dma_wait3A_216 = arith.constant 1 : i32
      %dma_wait3A_217 = arith.constant 1 : i32
      %dma_wait3A_218 = arith.constant 0 : i32
      %dma_wait3A_219 = arith.constant 0 : i32
      %dma_wait3A_220 = tpu.memref_slice %arg6[%dma_wait3A_217, %dma_wait3A_218, %dma_wait3A_219] : memref<2x512x64xf32, #tpu.memory_space<vmem>> -> memref<1x512x64xf32, #tpu.memory_space<vmem>>
      %dma_wait3A_221 = tpu.memref_squeeze %dma_wait3A_220 : memref<1x512x64xf32, #tpu.memory_space<vmem>> -> memref<512x64xf32, #tpu.memory_space<vmem>>
      %dma_wait3A_222 = arith.constant 0 : i32
      %dma_wait3A_223 = tpu.memref_slice %arg5[%dma_wait3A_216, %dma_wait3A_222] : memref<2x512xi32, #tpu.memory_space<vmem>> -> memref<1x512xi32, #tpu.memory_space<vmem>>
      %dma_wait3A_224 = tpu.memref_squeeze %dma_wait3A_223 : memref<1x512xi32, #tpu.memory_space<vmem>> -> memref<512xi32, #tpu.memory_space<vmem>>
      %dma_wait3A_225 = arith.constant 0 : i32
      %dma_wait3A_226 = arith.constant 0 : i32
      %dma_wait3A_227 = tpu.memref_slice %arg3[%dma_wait3A_225, %dma_wait3A_226] : memref<2000000x64xf32, #tpu.memory_space<hbm>> -> memref<2000000x64xf32, #tpu.memory_space<hbm>>
      tpu.wait_indirect_dma semaphore(%arg10 : memref<!tpu.dma_semaphore, #tpu.memory_space<semaphore_mem>>) src(%dma_wait3A_227 : memref<2000000x64xf32, #tpu.memory_space<hbm>>) dst(%dma_wait3A_221 : memref<512x64xf32, #tpu.memory_space<vmem>>)
      %mul3A_228 = arith.constant 512 : i32
      %mul3A_229 = arith.muli %sub3A_215, %mul3A_228 : i32
      %add3A_230 = arith.addi %mul3A_2, %mul3A_229 : i32
      %dma_start3A_231 = arith.constant 1 : i32
      %dma_start3A_232 = arith.constant 0 : i32
      %dma_start3A_233 = arith.constant 0 : i32
      %dma_start3A_234 = tpu.memref_slice %arg6[%dma_start3A_231, %dma_start3A_232, %dma_start3A_233] : memref<2x512x64xf32, #tpu.memory_space<vmem>> -> memref<1x512x64xf32, #tpu.memory_space<vmem>>
      %dma_start3A_235 = tpu.memref_squeeze %dma_start3A_234 : memref<1x512x64xf32, #tpu.memory_space<vmem>> -> memref<512x64xf32, #tpu.memory_space<vmem>>
      %dma_start3A_236 = arith.constant 0 : i32
      %dma_start3A_237 = tpu.memref_slice %arg4[%add3A_230, %dma_start3A_236] : memref<819200x64xf32, #tpu.memory_space<hbm>> -> memref<512x64xf32, #tpu.memory_space<hbm>>
      %dma_start3A_238 = arith.constant 0 : i32
      %dma_start3A_239 = tpu.memref_slice %arg4[%add3A_230, %dma_start3A_238] : memref<819200x64xf32, #tpu.memory_space<hbm>> -> memref<512x64xf32, #tpu.memory_space<hbm>>
      %dma_start3A_240 = arith.constant 0 : i32
      %dma_start3A_241 = arith.constant 0 : i32
      %dma_start3A_242 = tpu.memref_slice %arg6[%dma_start3A_231, %dma_start3A_240, %dma_start3A_241] : memref<2x512x64xf32, #tpu.memory_space<vmem>> -> memref<1x512x64xf32, #tpu.memory_space<vmem>>
      %dma_start3A_243 = tpu.memref_squeeze %dma_start3A_242 : memref<1x512x64xf32, #tpu.memory_space<vmem>> -> memref<512x64xf32, #tpu.memory_space<vmem>>
      tpu.enqueue_dma source(%dma_start3A_243 : memref<512x64xf32, #tpu.memory_space<vmem>>) target(%dma_start3A_239 : memref<512x64xf32, #tpu.memory_space<hbm>>) target_semaphore(%arg12 : memref<!tpu.dma_semaphore, #tpu.memory_space<semaphore_mem>>)
      %add3A_244 = arith.constant 2 : i32
      %add3A_245 = arith.addi %sub3A_215, %add3A_244 : i32
      %min3A_246 = arith.constant 49 : i32
      %min3A_247 = arith.minsi %add3A_245, %min3A_246 : i32
      %mul3A_248 = arith.constant 512 : i32
      %mul3A_249 = arith.muli %min3A_247, %mul3A_248 : i32
      %add3A_250 = arith.addi %mul3A_2, %mul3A_249 : i32
      %dma_start3A_251 = arith.constant 1 : i32
      %dma_start3A_252 = arith.constant 0 : i32
      %dma_start3A_253 = tpu.memref_slice %arg5[%dma_start3A_251, %dma_start3A_252] : memref<2x512xi32, #tpu.memory_space<vmem>> -> memref<1x512xi32, #tpu.memory_space<vmem>>
      %dma_start3A_254 = tpu.memref_squeeze %dma_start3A_253 : memref<1x512xi32, #tpu.memory_space<vmem>> -> memref<512xi32, #tpu.memory_space<vmem>>
      %dma_start3A_255 = tpu.memref_slice %arg2[%add3A_250] : memref<819200xi32, #tpu.memory_space<hbm>> -> memref<512xi32, #tpu.memory_space<hbm>>
      %dma_start3A_256 = arith.constant 0 : i32
      %dma_start3A_257 = tpu.memref_slice %arg5[%dma_start3A_251, %dma_start3A_256] : memref<2x512xi32, #tpu.memory_space<vmem>> -> memref<1x512xi32, #tpu.memory_space<vmem>>
      %dma_start3A_258 = tpu.memref_squeeze %dma_start3A_257 : memref<1x512xi32, #tpu.memory_space<vmem>> -> memref<512xi32, #tpu.memory_space<vmem>>
      %dma_start3A_259 = tpu.memref_slice %arg2[%add3A_250] : memref<819200xi32, #tpu.memory_space<hbm>> -> memref<512xi32, #tpu.memory_space<hbm>>
      tpu.enqueue_dma source(%dma_start3A_259 : memref<512xi32, #tpu.memory_space<hbm>>) target(%dma_start3A_258 : memref<512xi32, #tpu.memory_space<vmem>>) target_semaphore(%arg8 : memref<!tpu.dma_semaphore, #tpu.memory_space<semaphore_mem>>)
      %add3A_260 = arith.constant 1 : i32
      %add3A_261 = arith.addi %mul3A_178, %add3A_260 : i32
      %dma_wait3A_262 = arith.constant 1 : i32
      %dma_wait3A_263 = arith.constant 0 : i32
      %dma_wait3A_264 = tpu.memref_slice %arg5[%dma_wait3A_262, %dma_wait3A_263] : memref<2x512xi32, #tpu.memory_space<vmem>> -> memref<1x512xi32, #tpu.memory_space<vmem>>
      %dma_wait3A_265 = tpu.memref_squeeze %dma_wait3A_264 : memref<1x512xi32, #tpu.memory_space<vmem>> -> memref<512xi32, #tpu.memory_space<vmem>>
      %dma_wait3A_266 = tpu.memref_slice %arg2[%mul3A_2] : memref<819200xi32, #tpu.memory_space<hbm>> -> memref<512xi32, #tpu.memory_space<hbm>>
      %dma_wait3A_267 = arith.constant 0 : i32
      %dma_wait3A_268 = tpu.memref_slice %arg5[%dma_wait3A_262, %dma_wait3A_267] : memref<2x512xi32, #tpu.memory_space<vmem>> -> memref<1x512xi32, #tpu.memory_space<vmem>>
      %dma_wait3A_269 = tpu.memref_squeeze %dma_wait3A_268 : memref<1x512xi32, #tpu.memory_space<vmem>> -> memref<512xi32, #tpu.memory_space<vmem>>
      %dma_wait3A_270 = tpu.memref_slice %arg2[%mul3A_2] : memref<819200xi32, #tpu.memory_space<hbm>> -> memref<512xi32, #tpu.memory_space<hbm>>
      tpu.wait_dma2 semaphore(%arg8 : memref<!tpu.dma_semaphore, #tpu.memory_space<semaphore_mem>>) src(%dma_wait3A_270 : memref<512xi32, #tpu.memory_space<hbm>>) dst(%dma_wait3A_269 : memref<512xi32, #tpu.memory_space<vmem>>)
      %dma_wait3A_271 = arith.constant 1 : i32
      %dma_wait3A_272 = arith.constant 0 : i32
      %dma_wait3A_273 = arith.constant 0 : i32
      %dma_wait3A_274 = tpu.memref_slice %arg6[%dma_wait3A_271, %dma_wait3A_272, %dma_wait3A_273] : memref<2x512x64xf32, #tpu.memory_space<vmem>> -> memref<1x512x64xf32, #tpu.memory_space<vmem>>
      %dma_wait3A_275 = tpu.memref_squeeze %dma_wait3A_274 : memref<1x512x64xf32, #tpu.memory_space<vmem>> -> memref<512x64xf32, #tpu.memory_space<vmem>>
      %dma_wait3A_276 = arith.constant 0 : i32
      %dma_wait3A_277 = tpu.memref_slice %arg4[%mul3A_2, %dma_wait3A_276] : memref<819200x64xf32, #tpu.memory_space<hbm>> -> memref<512x64xf32, #tpu.memory_space<hbm>>
      %dma_wait3A_278 = arith.constant 0 : i32
      %dma_wait3A_279 = tpu.memref_slice %arg4[%mul3A_2, %dma_wait3A_278] : memref<819200x64xf32, #tpu.memory_space<hbm>> -> memref<512x64xf32, #tpu.memory_space<hbm>>
      %dma_wait3A_280 = arith.constant 0 : i32
      %dma_wait3A_281 = arith.constant 0 : i32
      %dma_wait3A_282 = tpu.memref_slice %arg6[%dma_wait3A_271, %dma_wait3A_280, %dma_wait3A_281] : memref<2x512x64xf32, #tpu.memory_space<vmem>> -> memref<1x512x64xf32, #tpu.memory_space<vmem>>
      %dma_wait3A_283 = tpu.memref_squeeze %dma_wait3A_282 : memref<1x512x64xf32, #tpu.memory_space<vmem>> -> memref<512x64xf32, #tpu.memory_space<vmem>>
      tpu.wait_dma2 semaphore(%arg12 : memref<!tpu.dma_semaphore, #tpu.memory_space<semaphore_mem>>) src(%dma_wait3A_283 : memref<512x64xf32, #tpu.memory_space<vmem>>) dst(%dma_wait3A_279 : memref<512x64xf32, #tpu.memory_space<hbm>>)
      %dma_start3A_284 = arith.constant 1 : i32
      %dma_start3A_285 = arith.constant 1 : i32
      %dma_start3A_286 = arith.constant 0 : i32
      %dma_start3A_287 = arith.constant 0 : i32
      %dma_start3A_288 = tpu.memref_slice %arg6[%dma_start3A_285, %dma_start3A_286, %dma_start3A_287] : memref<2x512x64xf32, #tpu.memory_space<vmem>> -> memref<1x512x64xf32, #tpu.memory_space<vmem>>
      %dma_start3A_289 = tpu.memref_squeeze %dma_start3A_288 : memref<1x512x64xf32, #tpu.memory_space<vmem>> -> memref<512x64xf32, #tpu.memory_space<vmem>>
      %dma_start3A_290 = arith.constant 0 : i32
      %dma_start3A_291 = tpu.memref_slice %arg5[%dma_start3A_284, %dma_start3A_290] : memref<2x512xi32, #tpu.memory_space<vmem>> -> memref<1x512xi32, #tpu.memory_space<vmem>>
      %dma_start3A_292 = tpu.memref_squeeze %dma_start3A_291 : memref<1x512xi32, #tpu.memory_space<vmem>> -> memref<512xi32, #tpu.memory_space<vmem>>
      %dma_start3A_293 = arith.constant 0 : i32
      %dma_start3A_294 = arith.constant 0 : i32
      %dma_start3A_295 = tpu.memref_slice %arg3[%dma_start3A_293, %dma_start3A_294] : memref<2000000x64xf32, #tpu.memory_space<hbm>> -> memref<2000000x64xf32, #tpu.memory_space<hbm>>
      tpu.enqueue_indirect_dma source(%dma_start3A_295 : memref<2000000x64xf32, #tpu.memory_space<hbm>>) target(%dma_start3A_289 : memref<512x64xf32, #tpu.memory_space<vmem>>) offsets(%dma_start3A_292 : memref<512xi32, #tpu.memory_space<vmem>>) semaphore(%arg10 : memref<!tpu.dma_semaphore, #tpu.memory_space<semaphore_mem>>)
      %sub3A_296 = arith.constant 1 : i32
      %sub3A_297 = arith.subi %add3A_261, %sub3A_296 : i32
      %dma_wait3A_298 = arith.constant 0 : i32
      %dma_wait3A_299 = arith.constant 0 : i32
      %dma_wait3A_300 = arith.constant 0 : i32
      %dma_wait3A_301 = arith.constant 0 : i32
      %dma_wait3A_302 = tpu.memref_slice %arg6[%dma_wait3A_299, %dma_wait3A_300, %dma_wait3A_301] : memref<2x512x64xf32, #tpu.memory_space<vmem>> -> memref<1x512x64xf32, #tpu.memory_space<vmem>>
      %dma_wait3A_303 = tpu.memref_squeeze %dma_wait3A_302 : memref<1x512x64xf32, #tpu.memory_space<vmem>> -> memref<512x64xf32, #tpu.memory_space<vmem>>
      %dma_wait3A_304 = arith.constant 0 : i32
      %dma_wait3A_305 = tpu.memref_slice %arg5[%dma_wait3A_298, %dma_wait3A_304] : memref<2x512xi32, #tpu.memory_space<vmem>> -> memref<1x512xi32, #tpu.memory_space<vmem>>
      %dma_wait3A_306 = tpu.memref_squeeze %dma_wait3A_305 : memref<1x512xi32, #tpu.memory_space<vmem>> -> memref<512xi32, #tpu.memory_space<vmem>>
      %dma_wait3A_307 = arith.constant 0 : i32
      %dma_wait3A_308 = arith.constant 0 : i32
      %dma_wait3A_309 = tpu.memref_slice %arg3[%dma_wait3A_307, %dma_wait3A_308] : memref<2000000x64xf32, #tpu.memory_space<hbm>> -> memref<2000000x64xf32, #tpu.memory_space<hbm>>
      tpu.wait_indirect_dma semaphore(%arg9 : memref<!tpu.dma_semaphore, #tpu.memory_space<semaphore_mem>>) src(%dma_wait3A_309 : memref<2000000x64xf32, #tpu.memory_space<hbm>>) dst(%dma_wait3A_303 : memref<512x64xf32, #tpu.memory_space<vmem>>)
      %mul3A_310 = arith.constant 512 : i32
      %mul3A_311 = arith.muli %sub3A_297, %mul3A_310 : i32
      %add3A_312 = arith.addi %mul3A_2, %mul3A_311 : i32
      %dma_start3A_313 = arith.constant 0 : i32
      %dma_start3A_314 = arith.constant 0 : i32
      %dma_start3A_315 = arith.constant 0 : i32
      %dma_start3A_316 = tpu.memref_slice %arg6[%dma_start3A_313, %dma_start3A_314, %dma_start3A_315] : memref<2x512x64xf32, #tpu.memory_space<vmem>> -> memref<1x512x64xf32, #tpu.memory_space<vmem>>
      %dma_start3A_317 = tpu.memref_squeeze %dma_start3A_316 : memref<1x512x64xf32, #tpu.memory_space<vmem>> -> memref<512x64xf32, #tpu.memory_space<vmem>>
      %dma_start3A_318 = arith.constant 0 : i32
      %dma_start3A_319 = tpu.memref_slice %arg4[%add3A_312, %dma_start3A_318] : memref<819200x64xf32, #tpu.memory_space<hbm>> -> memref<512x64xf32, #tpu.memory_space<hbm>>
      %dma_start3A_320 = arith.constant 0 : i32
      %dma_start3A_321 = tpu.memref_slice %arg4[%add3A_312, %dma_start3A_320] : memref<819200x64xf32, #tpu.memory_space<hbm>> -> memref<512x64xf32, #tpu.memory_space<hbm>>
      %dma_start3A_322 = arith.constant 0 : i32
      %dma_start3A_323 = arith.constant 0 : i32
      %dma_start3A_324 = tpu.memref_slice %arg6[%dma_start3A_313, %dma_start3A_322, %dma_start3A_323] : memref<2x512x64xf32, #tpu.memory_space<vmem>> -> memref<1x512x64xf32, #tpu.memory_space<vmem>>
      %dma_start3A_325 = tpu.memref_squeeze %dma_start3A_324 : memref<1x512x64xf32, #tpu.memory_space<vmem>> -> memref<512x64xf32, #tpu.memory_space<vmem>>
      tpu.enqueue_dma source(%dma_start3A_325 : memref<512x64xf32, #tpu.memory_space<vmem>>) target(%dma_start3A_321 : memref<512x64xf32, #tpu.memory_space<hbm>>) target_semaphore(%arg11 : memref<!tpu.dma_semaphore, #tpu.memory_space<semaphore_mem>>)
      %add3A_326 = arith.constant 2 : i32
      %add3A_327 = arith.addi %sub3A_297, %add3A_326 : i32
      %min3A_328 = arith.constant 49 : i32
      %min3A_329 = arith.minsi %add3A_327, %min3A_328 : i32
      %mul3A_330 = arith.constant 512 : i32
      %mul3A_331 = arith.muli %min3A_329, %mul3A_330 : i32
      %add3A_332 = arith.addi %mul3A_2, %mul3A_331 : i32
      %dma_start3A_333 = arith.constant 0 : i32
      %dma_start3A_334 = arith.constant 0 : i32
      %dma_start3A_335 = tpu.memref_slice %arg5[%dma_start3A_333, %dma_start3A_334] : memref<2x512xi32, #tpu.memory_space<vmem>> -> memref<1x512xi32, #tpu.memory_space<vmem>>
      %dma_start3A_336 = tpu.memref_squeeze %dma_start3A_335 : memref<1x512xi32, #tpu.memory_space<vmem>> -> memref<512xi32, #tpu.memory_space<vmem>>
      %dma_start3A_337 = tpu.memref_slice %arg2[%add3A_332] : memref<819200xi32, #tpu.memory_space<hbm>> -> memref<512xi32, #tpu.memory_space<hbm>>
      %dma_start3A_338 = arith.constant 0 : i32
      %dma_start3A_339 = tpu.memref_slice %arg5[%dma_start3A_333, %dma_start3A_338] : memref<2x512xi32, #tpu.memory_space<vmem>> -> memref<1x512xi32, #tpu.memory_space<vmem>>
      %dma_start3A_340 = tpu.memref_squeeze %dma_start3A_339 : memref<1x512xi32, #tpu.memory_space<vmem>> -> memref<512xi32, #tpu.memory_space<vmem>>
      %dma_start3A_341 = tpu.memref_slice %arg2[%add3A_332] : memref<819200xi32, #tpu.memory_space<hbm>> -> memref<512xi32, #tpu.memory_space<hbm>>
      tpu.enqueue_dma source(%dma_start3A_341 : memref<512xi32, #tpu.memory_space<hbm>>) target(%dma_start3A_340 : memref<512xi32, #tpu.memory_space<vmem>>) target_semaphore(%arg7 : memref<!tpu.dma_semaphore, #tpu.memory_space<semaphore_mem>>)
    }
    %scan3A_109 = arith.constant 24 : i32
    %dma_wait3A_110 = arith.constant 1 : i32
    %dma_wait3A_111 = arith.constant 1 : i32
    %dma_wait3A_112 = arith.constant 0 : i32
    %dma_wait3A_113 = arith.constant 0 : i32
    %dma_wait3A_114 = tpu.memref_slice %arg6[%dma_wait3A_111, %dma_wait3A_112, %dma_wait3A_113] : memref<2x512x64xf32, #tpu.memory_space<vmem>> -> memref<1x512x64xf32, #tpu.memory_space<vmem>>
    %dma_wait3A_115 = tpu.memref_squeeze %dma_wait3A_114 : memref<1x512x64xf32, #tpu.memory_space<vmem>> -> memref<512x64xf32, #tpu.memory_space<vmem>>
    %dma_wait3A_116 = arith.constant 0 : i32
    %dma_wait3A_117 = tpu.memref_slice %arg5[%dma_wait3A_110, %dma_wait3A_116] : memref<2x512xi32, #tpu.memory_space<vmem>> -> memref<1x512xi32, #tpu.memory_space<vmem>>
    %dma_wait3A_118 = tpu.memref_squeeze %dma_wait3A_117 : memref<1x512xi32, #tpu.memory_space<vmem>> -> memref<512xi32, #tpu.memory_space<vmem>>
    %dma_wait3A_119 = arith.constant 0 : i32
    %dma_wait3A_120 = arith.constant 0 : i32
    %dma_wait3A_121 = tpu.memref_slice %arg3[%dma_wait3A_119, %dma_wait3A_120] : memref<2000000x64xf32, #tpu.memory_space<hbm>> -> memref<2000000x64xf32, #tpu.memory_space<hbm>>
    tpu.wait_indirect_dma semaphore(%arg10 : memref<!tpu.dma_semaphore, #tpu.memory_space<semaphore_mem>>) src(%dma_wait3A_121 : memref<2000000x64xf32, #tpu.memory_space<hbm>>) dst(%dma_wait3A_115 : memref<512x64xf32, #tpu.memory_space<vmem>>)
    %add3A_122 = arith.constant 25088 : i32
    %add3A_123 = arith.addi %mul3A_2, %add3A_122 : i32
    %dma_start3A_124 = arith.constant 1 : i32
    %dma_start3A_125 = arith.constant 0 : i32
    %dma_start3A_126 = arith.constant 0 : i32
    %dma_start3A_127 = tpu.memref_slice %arg6[%dma_start3A_124, %dma_start3A_125, %dma_start3A_126] : memref<2x512x64xf32, #tpu.memory_space<vmem>> -> memref<1x512x64xf32, #tpu.memory_space<vmem>>
    %dma_start3A_128 = tpu.memref_squeeze %dma_start3A_127 : memref<1x512x64xf32, #tpu.memory_space<vmem>> -> memref<512x64xf32, #tpu.memory_space<vmem>>
    %dma_start3A_129 = arith.constant 0 : i32
    %dma_start3A_130 = tpu.memref_slice %arg4[%add3A_123, %dma_start3A_129] : memref<819200x64xf32, #tpu.memory_space<hbm>> -> memref<512x64xf32, #tpu.memory_space<hbm>>
    %dma_start3A_131 = arith.constant 0 : i32
    %dma_start3A_132 = tpu.memref_slice %arg4[%add3A_123, %dma_start3A_131] : memref<819200x64xf32, #tpu.memory_space<hbm>> -> memref<512x64xf32, #tpu.memory_space<hbm>>
    %dma_start3A_133 = arith.constant 0 : i32
    %dma_start3A_134 = arith.constant 0 : i32
    %dma_start3A_135 = tpu.memref_slice %arg6[%dma_start3A_124, %dma_start3A_133, %dma_start3A_134] : memref<2x512x64xf32, #tpu.memory_space<vmem>> -> memref<1x512x64xf32, #tpu.memory_space<vmem>>
    %dma_start3A_136 = tpu.memref_squeeze %dma_start3A_135 : memref<1x512x64xf32, #tpu.memory_space<vmem>> -> memref<512x64xf32, #tpu.memory_space<vmem>>
    tpu.enqueue_dma source(%dma_start3A_136 : memref<512x64xf32, #tpu.memory_space<vmem>>) target(%dma_start3A_132 : memref<512x64xf32, #tpu.memory_space<hbm>>) target_semaphore(%arg12 : memref<!tpu.dma_semaphore, #tpu.memory_space<semaphore_mem>>)
    %dma_wait3A_137 = arith.constant 0 : i32
    %dma_wait3A_138 = arith.constant 0 : i32
    %dma_wait3A_139 = arith.constant 0 : i32
    %dma_wait3A_140 = tpu.memref_slice %arg6[%dma_wait3A_137, %dma_wait3A_138, %dma_wait3A_139] : memref<2x512x64xf32, #tpu.memory_space<vmem>> -> memref<1x512x64xf32, #tpu.memory_space<vmem>>
    %dma_wait3A_141 = tpu.memref_squeeze %dma_wait3A_140 : memref<1x512x64xf32, #tpu.memory_space<vmem>> -> memref<512x64xf32, #tpu.memory_space<vmem>>
    %dma_wait3A_142 = arith.constant 0 : i32
    %dma_wait3A_143 = tpu.memref_slice %arg4[%mul3A_2, %dma_wait3A_142] : memref<819200x64xf32, #tpu.memory_space<hbm>> -> memref<512x64xf32, #tpu.memory_space<hbm>>
    %dma_wait3A_144 = arith.constant 0 : i32
    %dma_wait3A_145 = tpu.memref_slice %arg4[%mul3A_2, %dma_wait3A_144] : memref<819200x64xf32, #tpu.memory_space<hbm>> -> memref<512x64xf32, #tpu.memory_space<hbm>>
    %dma_wait3A_146 = arith.constant 0 : i32
    %dma_wait3A_147 = arith.constant 0 : i32
    %dma_wait3A_148 = tpu.memref_slice %arg6[%dma_wait3A_137, %dma_wait3A_146, %dma_wait3A_147] : memref<2x512x64xf32, #tpu.memory_space<vmem>> -> memref<1x512x64xf32, #tpu.memory_space<vmem>>
    %dma_wait3A_149 = tpu.memref_squeeze %dma_wait3A_148 : memref<1x512x64xf32, #tpu.memory_space<vmem>> -> memref<512x64xf32, #tpu.memory_space<vmem>>
    tpu.wait_dma2 semaphore(%arg11 : memref<!tpu.dma_semaphore, #tpu.memory_space<semaphore_mem>>) src(%dma_wait3A_149 : memref<512x64xf32, #tpu.memory_space<vmem>>) dst(%dma_wait3A_145 : memref<512x64xf32, #tpu.memory_space<hbm>>)
    %dma_wait3A_150 = arith.constant 1 : i32
    %dma_wait3A_151 = arith.constant 0 : i32
    %dma_wait3A_152 = arith.constant 0 : i32
    %dma_wait3A_153 = tpu.memref_slice %arg6[%dma_wait3A_150, %dma_wait3A_151, %dma_wait3A_152] : memref<2x512x64xf32, #tpu.memory_space<vmem>> -> memref<1x512x64xf32, #tpu.memory_space<vmem>>
    %dma_wait3A_154 = tpu.memref_squeeze %dma_wait3A_153 : memref<1x512x64xf32, #tpu.memory_space<vmem>> -> memref<512x64xf32, #tpu.memory_space<vmem>>
    %dma_wait3A_155 = arith.constant 0 : i32
    %dma_wait3A_156 = tpu.memref_slice %arg4[%mul3A_2, %dma_wait3A_155] : memref<819200x64xf32, #tpu.memory_space<hbm>> -> memref<512x64xf32, #tpu.memory_space<hbm>>
    %dma_wait3A_157 = arith.constant 0 : i32
    %dma_wait3A_158 = tpu.memref_slice %arg4[%mul3A_2, %dma_wait3A_157] : memref<819200x64xf32, #tpu.memory_space<hbm>> -> memref<512x64xf32, #tpu.memory_space<hbm>>
    %dma_wait3A_159 = arith.constant 0 : i32
    %dma_wait3A_160 = arith.constant 0 : i32
    %dma_wait3A_161 = tpu.memref_slice %arg6[%dma_wait3A_150, %dma_wait3A_159, %dma_wait3A_160] : memref<2x512x64xf32, #tpu.memory_space<vmem>> -> memref<1x512x64xf32, #tpu.memory_space<vmem>>
    %dma_wait3A_162 = tpu.memref_squeeze %dma_wait3A_161 : memref<1x512x64xf32, #tpu.memory_space<vmem>> -> memref<512x64xf32, #tpu.memory_space<vmem>>
    tpu.wait_dma2 semaphore(%arg12 : memref<!tpu.dma_semaphore, #tpu.memory_space<semaphore_mem>>) src(%dma_wait3A_162 : memref<512x64xf32, #tpu.memory_space<vmem>>) dst(%dma_wait3A_158 : memref<512x64xf32, #tpu.memory_space<hbm>>)
    %dma_wait3A_163 = arith.constant 0 : i32
    %dma_wait3A_164 = arith.constant 0 : i32
    %dma_wait3A_165 = tpu.memref_slice %arg5[%dma_wait3A_163, %dma_wait3A_164] : memref<2x512xi32, #tpu.memory_space<vmem>> -> memref<1x512xi32, #tpu.memory_space<vmem>>
    %dma_wait3A_166 = tpu.memref_squeeze %dma_wait3A_165 : memref<1x512xi32, #tpu.memory_space<vmem>> -> memref<512xi32, #tpu.memory_space<vmem>>
    %dma_wait3A_167 = tpu.memref_slice %arg2[%mul3A_2] : memref<819200xi32, #tpu.memory_space<hbm>> -> memref<512xi32, #tpu.memory_space<hbm>>
    %dma_wait3A_168 = arith.constant 0 : i32
    %dma_wait3A_169 = tpu.memref_slice %arg5[%dma_wait3A_163, %dma_wait3A_168] : memref<2x512xi32, #tpu.memory_space<vmem>> -> memref<1x512xi32, #tpu.memory_space<vmem>>
    %dma_wait3A_170 = tpu.memref_squeeze %dma_wait3A_169 : memref<1x512xi32, #tpu.memory_space<vmem>> -> memref<512xi32, #tpu.memory_space<vmem>>
    %dma_wait3A_171 = tpu.memref_slice %arg2[%mul3A_2] : memref<819200xi32, #tpu.memory_space<hbm>> -> memref<512xi32, #tpu.memory_space<hbm>>
    tpu.wait_dma2 semaphore(%arg7 : memref<!tpu.dma_semaphore, #tpu.memory_space<semaphore_mem>>) src(%dma_wait3A_171 : memref<512xi32, #tpu.memory_space<hbm>>) dst(%dma_wait3A_170 : memref<512xi32, #tpu.memory_space<vmem>>)
    return
  }
}

</mosaic_0001>

<sc_bundles>
// kernel: kernel.4.cloned.1.call-start
scs
__scs_entry_jumppad:
0x0: {  	(pc) =	sbr.rel $0x88, $3  }
0x1: {  	(tag) =	ssettag $0x0;
	lr =	simm.s32 $0x1  }
0x2: {  	[smem:$0x3F9F] =	sst lr;
	_ =	strace $0xD0000000  }
0x3: {  	_ = 	snop  }
0x4: {  	_ = 	snop  }
0x5: {  	_ = 	snop  }
0x6: {  	_ = 	snop  }
0x7: {  	_ = 	snop  }
__scs_overlays_trampoline_lowered:
0x8: {  	[smem:$0x3FAE] =	sst s0  }
0x9: {  	[smem:$0x3FAF] =	sst s1  }
0xa: {  	[smem:$0x3FB0] =	sst s2  }
0xb: {  	[smem:$0x3FB1] =	sst s3  }
0xc: {  	[smem:$0x3FB2] =	sst s4  }
0xd: {  	[smem:$0x3FB3] =	sst s5  }
0xe: {  	[smem:$0x3FB4] =	sst s6  }
0xf: {  	[smem:$0x3FB5] =	sst s7  }
0x10: {  	[smem:$0x3FB6] =	sst s8  }
0x11: {  	[smem:$0x3FB7] =	sst s9;
	s0 =	simm.s32 @!p0 $0x0  }
0x12: {  	s1 =	sld [smem:$0x3F9D];
	s0 =	simm.s32 @p0 $0x1  }
0x13: {  	[smem:$0x3FB8] =	sst s0;
	s0 =	simm.s32 @!p1 $0x0  }
0x14: {  	s2 =	sld [smem:$0x3F9C];
	s0 =	simm.s32 @p1 $0x1  }
0x15: {  	[smem:$0x3FB9] =	sst s0;
	s0 =	simm.s32 @!p2 $0x0  }
0x16: {  	s3 =	sld [smem:$0x3FDB];
	s0 =	simm.s32 @p2 $0x1  }
0x17: {  	s4 =	simm.s32 $0x1BF5;
	[smem:$0x3FBB] =	sst s0  }
0x18: {  	s0 =	sld [smem:$0x3F9E];
	_ =	swait.ge [sflag:s4], $0x0  }
0x19: {  	s7 =	sld [smem:$0x3F9F]  }
0x1a: {  	s8 =	sadd.s32 $0xFFFFE003, lr  }
0x1b: {  	s9 =	sadd.s32 $0xFFFFFEF7, lr;
	s5 =	simm.s32 $0xFFFFFFFF;
	p2 =	slt.u32 s8, $0xFFFFF086  }
0x1c: {  	p1 =	slt.u32 s9, $0xF7A;
	s5 =	simm.s32 @!p2 $0x0  }
0x1d: {  	s5 =	simm.s32 @p1 $0x1;
	p0 =	seq.s32 s7, s2  }
0x1e: {  	s7 =	smul.u32 @!p0 $0xF7A, s2;
	p2 =	seq.s32 @!p0 s5, $0x0  }
0x1f: {  	s9 =	smul.u32 $0xF7A, s1;
	s8 =	simm.s32 @!p0 $0x1BF5;
	p2 =	por !p2, p0  }
0x20: {  	[sflag:s8] =	ssyncset.s32 @!p0 $0xFFFFF086;
	s6 =	sadd.s32 @!p0 s3, s7;
	s7 =	simm.s32 @!p0 $0x108  }
0x21: {  	s3 =	sadd.s32 s3, s9;
	s6 =	sadd.s32 @!p0 $0x88, s6;
	s7 =	simm.s32 @p2 $0x1082  }
0x22: {  	[simem:s7], [sflag:s8] =	dma.local @!p0 [hbm:s6], $0xF7A  }
0x23: {  	s9 =	sor.u32 $0xD0000000, s2;
	s6 =	simm.s32 $0x108;
	_ =	swait.ge @!p0 [sflag:s8], $0x0  }
0x24: {  	s3 =	sadd.s32 $0x88, s3;
	s6 =	simm.s32 @!p1 $0x1082;
	[sflag:s4] =	ssyncset.s32 $0xFFFFF086  }
0x25: {  	[simem:s6], [sflag:s4] =	dma.local [hbm:s3], $0xF7A  }
0x26: {  	[smem:$0x3F9F] =	sst s1;
	(tag) =	ssettag s2;
	_ =	strace s9  }
0x27: {  	s1 =	sld [smem:$0x3FAF]  }
0x28: {  	s2 =	sld [smem:$0x3FB0]  }
0x29: {  	s4 =	sld [smem:$0x3FB2]  }
0x2a: {  	p0 =	seq.s32 s5, $0x0;
	s5 =	sld [smem:$0x3FB3]  }
0x2b: {  	s6 =	sld [smem:$0x3FB4]  }
0x2c: {  	s7 =	sld [smem:$0x3FB5]  }
0x2d: {  	s3 =	simm.s32 $0x108;
	s8 =	sld [smem:$0x3FB6]  }
0x2e: {  	s3 =	simm.s32 @!p0 $0x1082;
	s9 =	sld [smem:$0x3FB7]  }
0x2f: {  	lr =	sadd.s32 s0, s3;
	s0 =	sld [smem:$0x3FAE]  }
0x30: {  	s3 =	sld [smem:$0x3FB1]  }
0x31: {  	[smem:$0x3FBA] =	sst s10  }
0x32: {  	s10 =	sld [smem:$0x3FB8];
	_ =	sdelay $0x3  }
0x33: {  	p0 =	seq.s32 s10, $0x1;
	s10 =	sld [smem:$0x3FBA];
	_ =	sdelay $0x3  }
0x34: {  	[smem:$0x3FBA] =	sst s10  }
0x35: {  	s10 =	sld [smem:$0x3FB9];
	_ =	sdelay $0x3  }
0x36: {  	p1 =	seq.s32 s10, $0x1;
	s10 =	sld [smem:$0x3FBA];
	_ =	sdelay $0x3  }
0x37: {  	[smem:$0x3FBA] =	sst s10  }
0x38: {  	s10 =	sld [smem:$0x3FBB]  }
0x39: {  	_ = 	snop;
	(pc) =	sbr.ind lr, $3  }
0x3a: {  	_ = 	snop  }
0x3b: {  	_ = 	snop  }
0x3c: {  	p2 =	seq.s32 s10, $0x1;
	s10 =	sld [smem:$0x3FBA]  }
0x3d: {  	_ =	shalt  }
0x3e: {  	_ =	shalt  }
0x3f: {  	_ =	shalt  }
0x40: {  	_ =	shalt  }
0x41: {  	_ =	shalt  }
0x42: {  	_ =	shalt  }
0x43: {  	_ =	shalt  }
0x44: {  	_ =	shalt  }
0x45: {  	_ =	shalt  }
0x46: {  	_ =	shalt  }
0x47: {  	_ =	shalt  }
0x48: {  	_ =	shalt  }
0x49: {  	_ =	shalt  }
0x4a: {  	_ =	shalt  }
0x4b: {  	_ =	shalt  }
0x4c: {  	_ =	shalt  }
0x4d: {  	_ =	shalt  }
0x4e: {  	_ =	shalt  }
0x4f: {  	_ =	shalt  }
0x50: {  	_ =	shalt  }
0x51: {  	_ =	shalt  }
0x52: {  	_ =	shalt  }
0x53: {  	_ =	shalt  }
0x54: {  	_ =	shalt  }
0x55: {  	_ =	shalt  }
0x56: {  	_ =	shalt  }
0x57: {  	_ =	shalt  }
0x58: {  	_ =	shalt  }
0x59: {  	_ =	shalt  }
0x5a: {  	_ =	shalt  }
0x5b: {  	_ =	shalt  }
0x5c: {  	_ =	shalt  }
0x5d: {  	_ =	shalt  }
0x5e: {  	_ =	shalt  }
0x5f: {  	_ =	shalt  }
0x60: {  	_ =	shalt  }
0x61: {  	_ =	shalt  }
0x62: {  	_ =	shalt  }
0x63: {  	_ =	shalt  }
0x64: {  	_ =	shalt  }
0x65: {  	_ =	shalt  }
0x66: {  	_ =	shalt  }
0x67: {  	_ =	shalt  }
0x68: {  	_ =	shalt  }
0x69: {  	_ =	shalt  }
0x6a: {  	_ =	shalt  }
0x6b: {  	_ =	shalt  }
0x6c: {  	_ =	shalt  }
0x6d: {  	_ =	shalt  }
0x6e: {  	_ =	shalt  }
0x6f: {  	_ =	shalt  }
0x70: {  	_ =	shalt  }
0x71: {  	_ =	shalt  }
0x72: {  	_ =	shalt  }
0x73: {  	_ =	shalt  }
0x74: {  	_ =	shalt  }
0x75: {  	_ =	shalt  }
0x76: {  	_ =	shalt  }
0x77: {  	_ =	shalt  }
0x78: {  	_ =	shalt  }
0x79: {  	_ =	shalt  }
0x7a: {  	_ =	shalt  }
0x7b: {  	_ =	shalt  }
0x7c: {  	_ =	shalt  }
0x7d: {  	_ =	shalt  }
0x7e: {  	_ =	shalt  }
0x7f: {  	_ =	shalt  }
0x80: {  	_ =	shalt  }
0x81: {  	_ =	shalt  }
0x82: {  	_ =	shalt  }
0x83: {  	_ =	shalt  }
0x84: {  	_ =	shalt  }
0x85: {  	_ =	shalt  }
0x86: {  	_ =	shalt  }
0x87: {  	_ =	shalt  }
.Lfunc_end0:
.L_simem_size_0:
called_computation.2_lowered:
.L_overlay_start_0:
0x88: {  	s2 =	sld [smem:$0x3FD9]  }
0x89: {  	s3 =	sld [smem:$0x3FFE];
	_ =	sdelay $0x1  }
0x8a: {  	s1 =	srdreg.scid  }
0x8b: {  	s0 =	sand.u32 $0x1, s1  }
0x8c: {  	s17 =	sshll.u32 s0, $0xA;
	s2 =	sadd.s32 s3, s2  }
0x8d: {  	s2 =	sadd.s32 s2, s17  }
0x8e: {  	[smem:$0x3FC6] =	sst s2  }
0x8f: {  	_ = 	snop  }
0x90: {  	s18 =	sld [smem:$0x3FC9];
	(tm) =	ssettm $0x1  }
0x91: {  	s19 =	sld [smem:$0x3FFB];
	_ =	sdelay $0x3  }
0x92: {  	_ =	strace s19  }
0x93: {  	s2 =	sld [smem:$0x3FFC];
	_ =	sdelay $0x3  }
0x94: {  	_ =	strace s2  }
0x95: {  	s2 =	sld [smem:$0x3FFD];
	_ =	sdelay $0x3  }
0x96: {  	_ =	strace s2  }
0x97: {  	_ =	strace $0x8FFFFFFF  }
0x98: {  	s20 =	sld [smem:$0x3FDB];
	_ =	sdelay $0x1  }
0x99: {  	s4 =	simm.s32 $_scs_section_size  }
0x9a: {  	s5 =	simm.s32 $_size__tile_overlayer_lowered;
	s6 =	simm.s32 $_tile_overlayer_lowered  }
0x9b: {  	s7 =	simm.s32 $0x1BFF;
	s21 =	sshll.u32 s6, $0x1;
	s4 =	sadd.s32 s4, s20  }
0x9c: {  	s22 =	simm.s32 $0x0;
	s5 =	sshll.u32 s5, $0x1;
	s6 =	sadd.s32 s21, s4  }
0x9d: {  	[timem:s22], [sflag:s7] =	dma.local [hbm:s6], s5  }
0x9e: {  	_ =	swait.ge [sflag:s7], s5  }
0x9f: {  	s5 =	ssub.s32 $0x0, s5;
	[sflag:s7] =	ssyncset.done $0x0  }
0xa0: {  	[sflag:s7] =	ssyncadd.s32 s5;
	_ =	sdelay $0x1  }
0xa1: {  	s23 =	simm.s32 $0x1B8B  }
0xa2: {  	_ =	swait.ge [sflag:s23], $0x1  }
0xa3: {  	[sflag:s23] =	ssyncset.done $0x0  }
0xa4: {  	[sflag:s23] =	ssyncadd.s32 $0xFFFFFFFF  }
0xa5: {  	s5 =	sld [smem:$0x0]  }
0xa6: {  	s6 =	sand.u32 $0xFFFFFFFE, s1  }
0xa7: {  	p0 =	sne.s32 s1, s6  }
0xa8: {  	s6 =	sshll.u32 @p0 s6, $0xE  }
0xa9: {  	s6 =	sadd.s32 @p0 $0x11B8D, s6;
	s7 =	sshll.u32 @p0 s5, $0x11  }
0xaa: {  	s6 =	sor.u32 @p0 s7, s6  }
0xab: {  	[sflag:s6] =	ssyncadd.remote.s32 @p0 $0x1;
	_ =	sdelay $0x1  }
0xac: {  	s6 =	simm.s32 @p0 $0x1B8D  }
0xad: {  	_ =	swait.eq @p0 [sflag:s6], $0x1  }
0xae: {  	[sflag:s6] =	ssyncadd.s32 @p0 $0xFFFFFFFF  }
0xaf: {  	s7 =	sshll.u32 @!p0 s1, $0xE  }
0xb0: {  	s7 =	sor.u32 @!p0 $0x4000, s7;
	s6 =	simm.s32 @!p0 $0x1B8D  }
0xb1: {  	s5 =	sshll.u32 @!p0 s5, $0x11;
	s7 =	sadd.s32 @!p0 $0x11B8D, s7;
	_ =	swait.eq @!p0 [sflag:s6], $0x1  }
0xb2: {  	s5 =	sor.u32 @!p0 s5, s7;
	[sflag:s6] =	ssyncadd.s32 @!p0 $0xFFFFFFFF  }
0xb3: {  	s25 =	simm.s32 $0x1B8E;
	s24 =	sld [smem:$0x3FFE];
	[sflag:s5] =	ssyncadd.remote.s32 @!p0 $0x1  }
0xb4: {  	s26 =	simm.s32 $execute0_lowered;
	[smem:$0x3FD2] =	sst s25  }
0xb5: {  	s6 =	sshll.u32 s26, $0x1;
	_ =	strace $0x80000049;
	[dreg:$0x1] =	wrdreg $0xFFFFFFFF  }
0xb6: {  	s28 =	simm.s32 $_size_execute0_lowered;
	s4 =	sadd.s32 s4, s6;
	[dreg:$0x0] =	wrdreg $0x0  }
0xb7: {  	s6 =	sshll.u32 s28, $0x1;
	[dreg:$0x2] =	wrdreg s4  }
0xb8: {  	[dreg:$0x3] =	wrdreg s6  }
0xb9: {  	[dreg:$0x4] =	wrdreg $0xC0  }
0xba: {  	_ =	task [dreg:s22], $0x5FFFF  }
0xbb: {  	[dreg:$0x1] =	wrdreg $0xFFFFFFFF  }
0xbc: {  	[dreg:$0x0] =	wrdreg $0x60  }
0xbd: {  	[dreg:$0x2] =	wrdreg s18  }
0xbe: {  	[dreg:$0x3] =	wrdreg s24  }
0xbf: {  	[dreg:$0x4] =	wrdreg $0xA  }
0xc0: {  	_ =	task.clear_ibuf [dreg:s22], $0x5FFFF;
	_ =	strace $0x90000049  }
0xc1: {  	s29 =	simm.s32 $0xA;
	_ =	strace $0x8000004B  }
0xc2: {  	_ =	swait.ge [sflag:s29], $0x1  }
0xc3: {  	[sflag:s29] =	ssyncadd.s32 $0xFFFFFFFF  }
0xc4: {  	_ =	strace $0x9000004B  }
0xc5: {  	_ =	sfence  }
0xc6: {  	s30 =	sld [smem:$0x0];
	_ =	sdelay $0x2  }
0xc7: {  	s31 =	sshll.u32 s1, $0xD;
	s1 =	sshrl.u32 s1, $0x2  }
0xc8: {  	s4 =	sand.u32 $0x4000, s31;
	s1 =	sadd.s32 s1, s30  }
0xc9: {  	s0 =	sor.u32 s4, s0;
	s1 =	sshll.u32 s1, $0x11  }
0xca: {  	s0 =	sor.u32 s1, s0  }
0xcb: {  	s0 =	sadd.s32 $0x8F2B, s0  }
0xcc: {  	[sflag:s0] =	ssyncadd.remote.s32 $0x1  }
0xcd: {  	_ =	sfence.sel $0xFFFF  }
0xce: {  	[dreg:$0x0] =	wrdreg $0xFFFFFFFF;
	(pc) =	sbr.abs _section_cstart, $3  }
0xcf: {  	[dreg:$0x1] =	wrdreg $0xFFFFFFFF  }
0xd0: {  	_ =	task.clear_ibuf [dreg:s22], $0x2FFFF;
	_ =	strace $0x9FFFFFFF  }
0xd1: {  	(tm) =	ssettm $0x7FFFFFFF  }
tec
execute0_lowered:
.L_overlay_start_1:
0x0: {  	(tag) =	ssettag $0x1  }
0x1: {  	s1 =	srdreg.scid;
	s2 =	stileid.u32  }
0x2: {  	s0 =	rddreg [dreg:$0x0];
	s1 =	sand.u32 $0x1, s1;
	s4 =	sshll.u32 s2, $0x1  }
0x3: {  	s3 =	rddreg [dreg:$0x1];
	s4 =	sor.u32 s1, s4;
	s1 =	ssub.s32 $0x2, s1  }
0x4: {  	s2 =	simm.s32 $0x0;
	s5 =	smul.u32 $0xC80, s4;
	s6 =	sshrl.u32 s1, $0x1  }
0x5: {  	[smem:$0x7FF] =	sst s2;
	s4 =	sshll.u32 s4, $0x9;
	s12 =	ssub.s32 s1, s6  }
0x6: {  	s5 =	sadd.s32 s5, s3;
	s3 =	sadd.s32 s0, s4;
	s0 =	smax.u32 s12, $0x1  }
0x7: {  	_ =	strace $0x8000004A;
	s13 =	sadd.s32 $0x10, s3;
	[dreg:$0x18] =	wrdreg s0  }
0x8: {  	s14 =	sadd.s32 $0x20, s3;
	[dreg:$0x3] =	wrdreg s13  }
0x9: {  	s15 =	sadd.s32 $0x30, s3;
	[dreg:$0x4] =	wrdreg s14  }
0xa: {  	s16 =	sadd.s32 $0x40, s3;
	[dreg:$0x5] =	wrdreg s15  }
0xb: {  	s17 =	sadd.s32 $0x50, s3;
	[dreg:$0x6] =	wrdreg s16  }
0xc: {  	s18 =	sadd.s32 $0x60, s3;
	[dreg:$0x7] =	wrdreg s17  }
0xd: {  	s19 =	sadd.s32 $0x70, s3;
	[dreg:$0x8] =	wrdreg s18  }
0xe: {  	s20 =	sadd.s32 $0x4000, s3;
	[dreg:$0x9] =	wrdreg s19  }
0xf: {  	s21 =	sadd.s32 $0x4010, s3;
	[dreg:$0xa] =	wrdreg s20  }
0x10: {  	s22 =	sadd.s32 $0x4020, s3;
	[dreg:$0xb] =	wrdreg s21  }
0x11: {  	s23 =	sadd.s32 $0x4030, s3;
	[dreg:$0xc] =	wrdreg s22  }
0x12: {  	s24 =	sadd.s32 $0x4040, s3;
	[dreg:$0xd] =	wrdreg s23  }
0x13: {  	s25 =	sadd.s32 $0x4050, s3;
	[dreg:$0xe] =	wrdreg s24  }
0x14: {  	s26 =	sadd.s32 $0x4060, s3;
	[dreg:$0xf] =	wrdreg s25  }
0x15: {  	s4 =	sadd.s32 $0x4070, s3;
	[dreg:$0x10] =	wrdreg s26  }
0x16: {  	s6 =	sadd.s32 $0x8000, s3;
	[dreg:$0x11] =	wrdreg s4  }
0x17: {  	s7 =	sadd.s32 $0x8010, s3;
	[dreg:$0x12] =	wrdreg s6  }
0x18: {  	s8 =	sadd.s32 $0x8020, s3;
	[dreg:$0x13] =	wrdreg s7  }
0x19: {  	s9 =	sadd.s32 $0x8030, s3;
	[dreg:$0x14] =	wrdreg s8  }
0x1a: {  	s10 =	sadd.s32 $0x8040, s3;
	[dreg:$0x15] =	wrdreg s9  }
0x1b: {  	s11 =	sadd.s32 $0xF43400, s5;
	[dreg:$0x16] =	wrdreg s10  }
0x1c: {  	s12 =	sadd.s32 $0x8050, s3;
	[dreg:$0x17] =	wrdreg s11  }
0x1d: {  	s1 =	sadd.s32 $0x10040, s3;
	[dreg:$0x19] =	wrdreg s12  }
0x1e: {  	s5 =	sadd.s32 $0x10060, s3;
	[smem:$0x76E] =	sst s1  }
0x1f: {  	s13 =	sadd.s32 $0x8060, s3;
	[smem:$0x770] =	sst s5  }
0x20: {  	s14 =	sadd.s32 $0x8070, s3;
	[dreg:$0x1a] =	wrdreg s13  }
0x21: {  	s15 =	sadd.s32 $0xC000, s3;
	[dreg:$0x1b] =	wrdreg s14  }
0x22: {  	s16 =	sadd.s32 $0xC010, s3;
	[dreg:$0x1c] =	wrdreg s15  }
0x23: {  	s17 =	sadd.s32 $0xC020, s3;
	[dreg:$0x1d] =	wrdreg s16  }
0x24: {  	s18 =	sadd.s32 $0xC030, s3;
	[dreg:$0x1e] =	wrdreg s17  }
0x25: {  	s19 =	sadd.s32 $0xC040, s3;
	[dreg:$0x1f] =	wrdreg s18  }
0x26: {  	s20 =	sadd.s32 $0xC050, s3;
	[smem:$0x766] =	sst s19  }
0x27: {  	s21 =	sadd.s32 $0xC060, s3;
	[smem:$0x767] =	sst s20  }
0x28: {  	s22 =	sadd.s32 $0xC070, s3;
	[smem:$0x768] =	sst s21  }
0x29: {  	s23 =	sadd.s32 $0x10000, s3;
	[smem:$0x769] =	sst s22  }
0x2a: {  	s24 =	sadd.s32 $0x10010, s3;
	[smem:$0x76A] =	sst s23  }
0x2b: {  	s25 =	sadd.s32 $0x10020, s3;
	[smem:$0x76B] =	sst s24  }
0x2c: {  	s26 =	sadd.s32 $0x10030, s3;
	[smem:$0x76C] =	sst s25  }
0x2d: {  	s4 =	sadd.s32 $0x10050, s3;
	[smem:$0x76D] =	sst s26  }
0x2e: {  	s6 =	sadd.s32 $0x10070, s3;
	[smem:$0x76F] =	sst s4  }
0x2f: {  	s7 =	sadd.s32 $0x14000, s3;
	[smem:$0x771] =	sst s6  }
0x30: {  	s8 =	sadd.s32 $0x14010, s3;
	[smem:$0x772] =	sst s7  }
0x31: {  	s9 =	sadd.s32 $0x14020, s3;
	[smem:$0x773] =	sst s8  }
0x32: {  	s10 =	sadd.s32 $0x14030, s3;
	[smem:$0x774] =	sst s9  }
0x33: {  	s11 =	sadd.s32 $0x14040, s3;
	[smem:$0x775] =	sst s10  }
0x34: {  	s12 =	sadd.s32 $0x14050, s3;
	[smem:$0x776] =	sst s11  }
0x35: {  	s1 =	sadd.s32 $0x130, s3;
	[smem:$0x777] =	sst s12  }
0x36: {  	s5 =	sadd.s32 $0xC0, s3;
	[smem:$0x786] =	sst s1  }
0x37: {  	s13 =	sadd.s32 $0x14060, s3;
	[smem:$0x788] =	sst s5  }
0x38: {  	s14 =	sadd.s32 $0x14070, s3;
	[smem:$0x778] =	sst s13  }
0x39: {  	s15 =	sadd.s32 $0x18000, s3;
	[smem:$0x779] =	sst s14  }
0x3a: {  	s16 =	sadd.s32 $0x18010, s3;
	[smem:$0x77A] =	sst s15  }
0x3b: {  	s17 =	sadd.s32 $0x80, s3;
	[smem:$0x77B] =	sst s16  }
0x3c: {  	s18 =	sadd.s32 $0x100, s3;
	[smem:$0x77C] =	sst s17  }
0x3d: {  	s19 =	sadd.s32 $0x180, s3;
	[smem:$0x77D] =	sst s18  }
0x3e: {  	s20 =	sadd.s32 $0x90, s3;
	[smem:$0x77E] =	sst s19  }
0x3f: {  	s21 =	sadd.s32 $0x110, s3;
	[smem:$0x77F] =	sst s20  }
0x40: {  	s22 =	sadd.s32 $0x190, s3;
	[smem:$0x780] =	sst s21  }
0x41: {  	s23 =	sadd.s32 $0xA0, s3;
	[smem:$0x781] =	sst s22  }
0x42: {  	s24 =	sadd.s32 $0x120, s3;
	[smem:$0x782] =	sst s23  }
0x43: {  	s25 =	sadd.s32 $0x1A0, s3;
	[smem:$0x783] =	sst s24  }
0x44: {  	s26 =	sadd.s32 $0xB0, s3;
	[smem:$0x784] =	sst s25  }
0x45: {  	s4 =	sadd.s32 $0x1B0, s3;
	[smem:$0x785] =	sst s26  }
0x46: {  	s6 =	sadd.s32 $0x140, s3;
	[smem:$0x787] =	sst s4  }
0x47: {  	s7 =	sadd.s32 $0x1C0, s3;
	[smem:$0x789] =	sst s6  }
0x48: {  	s8 =	sadd.s32 $0xD0, s3;
	[smem:$0x78A] =	sst s7  }
0x49: {  	s9 =	sadd.s32 $0x150, s3;
	[smem:$0x78B] =	sst s8  }
0x4a: {  	s10 =	sadd.s32 $0x1D0, s3;
	[smem:$0x78C] =	sst s9  }
0x4b: {  	s11 =	sadd.s32 $0xE0, s3;
	[smem:$0x78D] =	sst s10  }
0x4c: {  	s12 =	sadd.s32 $0x160, s3;
	[smem:$0x78E] =	sst s11  }
0x4d: {  	s1 =	sadd.s32 $0x4130, s3;
	[smem:$0x78F] =	sst s12  }
0x4e: {  	s5 =	sadd.s32 $0x40C0, s3;
	[smem:$0x79E] =	sst s1  }
0x4f: {  	s13 =	sadd.s32 $0x1E0, s3;
	[smem:$0x7A0] =	sst s5  }
0x50: {  	s14 =	sadd.s32 $0xF0, s3;
	[smem:$0x790] =	sst s13  }
0x51: {  	s15 =	sadd.s32 $0x170, s3;
	[smem:$0x791] =	sst s14  }
0x52: {  	s16 =	sadd.s32 $0x1F0, s3;
	[smem:$0x792] =	sst s15  }
0x53: {  	s17 =	sadd.s32 $0x4080, s3;
	[smem:$0x793] =	sst s16  }
0x54: {  	s18 =	sadd.s32 $0x4100, s3;
	[smem:$0x794] =	sst s17  }
0x55: {  	s19 =	sadd.s32 $0x4180, s3;
	[smem:$0x795] =	sst s18  }
0x56: {  	s20 =	sadd.s32 $0x4090, s3;
	[smem:$0x796] =	sst s19  }
0x57: {  	s21 =	sadd.s32 $0x4110, s3;
	[smem:$0x797] =	sst s20  }
0x58: {  	s22 =	sadd.s32 $0x4190, s3;
	[smem:$0x798] =	sst s21  }
0x59: {  	s23 =	sadd.s32 $0x40A0, s3;
	[smem:$0x799] =	sst s22  }
0x5a: {  	s24 =	sadd.s32 $0x4120, s3;
	[smem:$0x79A] =	sst s23  }
0x5b: {  	s25 =	sadd.s32 $0x41A0, s3;
	[smem:$0x79B] =	sst s24  }
0x5c: {  	s26 =	sadd.s32 $0x40B0, s3;
	[smem:$0x79C] =	sst s25  }
0x5d: {  	s4 =	sadd.s32 $0x41B0, s3;
	[smem:$0x79D] =	sst s26  }
0x5e: {  	s6 =	sadd.s32 $0x4140, s3;
	[smem:$0x79F] =	sst s4  }
0x5f: {  	s7 =	sadd.s32 $0x41C0, s3;
	[smem:$0x7A1] =	sst s6  }
0x60: {  	s8 =	sadd.s32 $0x40D0, s3;
	[smem:$0x7A2] =	sst s7  }
0x61: {  	s9 =	sadd.s32 $0x4150, s3;
	[smem:$0x7A3] =	sst s8  }
0x62: {  	s10 =	sadd.s32 $0x41D0, s3;
	[smem:$0x7A4] =	sst s9  }
0x63: {  	s11 =	sadd.s32 $0x40E0, s3;
	[smem:$0x7A5] =	sst s10  }
0x64: {  	s12 =	sadd.s32 $0x4160, s3;
	[smem:$0x7A6] =	sst s11  }
0x65: {  	s1 =	sadd.s32 $0x8130, s3;
	[smem:$0x7A7] =	sst s12  }
0x66: {  	s5 =	sadd.s32 $0x80C0, s3;
	[smem:$0x7B6] =	sst s1  }
0x67: {  	s13 =	sadd.s32 $0x41E0, s3;
	[smem:$0x7B8] =	sst s5  }
0x68: {  	s14 =	sadd.s32 $0x40F0, s3;
	[smem:$0x7A8] =	sst s13  }
0x69: {  	s15 =	sadd.s32 $0x4170, s3;
	[smem:$0x7A9] =	sst s14  }
0x6a: {  	s16 =	sadd.s32 $0x41F0, s3;
	[smem:$0x7AA] =	sst s15  }
0x6b: {  	s17 =	sadd.s32 $0x8080, s3;
	[smem:$0x7AB] =	sst s16  }
0x6c: {  	s18 =	sadd.s32 $0x8100, s3;
	[smem:$0x7AC] =	sst s17  }
0x6d: {  	s19 =	sadd.s32 $0x8180, s3;
	[smem:$0x7AD] =	sst s18  }
0x6e: {  	s20 =	sadd.s32 $0x8090, s3;
	[smem:$0x7AE] =	sst s19  }
0x6f: {  	s21 =	sadd.s32 $0x8110, s3;
	[smem:$0x7AF] =	sst s20  }
0x70: {  	s22 =	sadd.s32 $0x8190, s3;
	[smem:$0x7B0] =	sst s21  }
0x71: {  	s23 =	sadd.s32 $0x80A0, s3;
	[smem:$0x7B1] =	sst s22  }
0x72: {  	s24 =	sadd.s32 $0x8120, s3;
	[smem:$0x7B2] =	sst s23  }
0x73: {  	s25 =	sadd.s32 $0x81A0, s3;
	[smem:$0x7B3] =	sst s24  }
0x74: {  	s26 =	sadd.s32 $0x80B0, s3;
	[smem:$0x7B4] =	sst s25  }
0x75: {  	s4 =	sadd.s32 $0x81B0, s3;
	[smem:$0x7B5] =	sst s26  }
0x76: {  	s6 =	sadd.s32 $0x8140, s3;
	[smem:$0x7B7] =	sst s4  }
0x77: {  	s7 =	sadd.s32 $0x81C0, s3;
	[smem:$0x7B9] =	sst s6  }
0x78: {  	s8 =	sadd.s32 $0x80D0, s3;
	[smem:$0x7BA] =	sst s7  }
0x79: {  	s9 =	sadd.s32 $0x8150, s3;
	[smem:$0x7BB] =	sst s8  }
0x7a: {  	s10 =	sadd.s32 $0x81D0, s3;
	[smem:$0x7BC] =	sst s9  }
0x7b: {  	s11 =	sadd.s32 $0x80E0, s3;
	[smem:$0x7BD] =	sst s10  }
0x7c: {  	s12 =	sadd.s32 $0x8160, s3;
	[smem:$0x7BE] =	sst s11  }
0x7d: {  	s1 =	sadd.s32 $0xC130, s3;
	[smem:$0x7BF] =	sst s12  }
0x7e: {  	s5 =	sadd.s32 $0xC0C0, s3;
	[smem:$0x7CE] =	sst s1  }
0x7f: {  	s13 =	sadd.s32 $0x81E0, s3;
	[smem:$0x7D0] =	sst s5  }
0x80: {  	s14 =	sadd.s32 $0x80F0, s3;
	[smem:$0x7C0] =	sst s13  }
0x81: {  	s15 =	sadd.s32 $0x8170, s3;
	[smem:$0x7C1] =	sst s14  }
0x82: {  	s16 =	sadd.s32 $0x81F0, s3;
	[smem:$0x7C2] =	sst s15  }
0x83: {  	s17 =	sadd.s32 $0xC080, s3;
	[smem:$0x7C3] =	sst s16  }
0x84: {  	s18 =	sadd.s32 $0xC100, s3;
	[smem:$0x7C4] =	sst s17  }
0x85: {  	s19 =	sadd.s32 $0xC180, s3;
	[smem:$0x7C5] =	sst s18  }
0x86: {  	s20 =	sadd.s32 $0xC090, s3;
	[smem:$0x7C6] =	sst s19  }
0x87: {  	s21 =	sadd.s32 $0xC110, s3;
	[smem:$0x7C7] =	sst s20  }
0x88: {  	s22 =	sadd.s32 $0xC190, s3;
	[smem:$0x7C8] =	sst s21  }
0x89: {  	s23 =	sadd.s32 $0xC0A0, s3;
	[smem:$0x7C9] =	sst s22  }
0x8a: {  	s24 =	sadd.s32 $0xC120, s3;
	[smem:$0x7CA] =	sst s23  }
0x8b: {  	s25 =	sadd.s32 $0xC1A0, s3;
	[smem:$0x7CB] =	sst s24  }
0x8c: {  	s26 =	sadd.s32 $0xC0B0, s3;
	[smem:$0x7CC] =	sst s25  }
0x8d: {  	s4 =	sadd.s32 $0xC1B0, s3;
	[smem:$0x7CD] =	sst s26  }
0x8e: {  	s6 =	sadd.s32 $0xC140, s3;
	[smem:$0x7CF] =	sst s4  }
0x8f: {  	s7 =	sadd.s32 $0xC1C0, s3;
	[smem:$0x7D1] =	sst s6  }
0x90: {  	s8 =	sadd.s32 $0xC0D0, s3;
	[smem:$0x7D2] =	sst s7  }
0x91: {  	s9 =	sadd.s32 $0xC150, s3;
	[smem:$0x7D3] =	sst s8  }
0x92: {  	s10 =	sadd.s32 $0xC1D0, s3;
	[smem:$0x7D4] =	sst s9  }
0x93: {  	s11 =	sadd.s32 $0xC0E0, s3;
	[smem:$0x7D5] =	sst s10  }
0x94: {  	s12 =	sadd.s32 $0xC160, s3;
	[smem:$0x7D6] =	sst s11  }
0x95: {  	s1 =	sadd.s32 $0x10130, s3;
	[smem:$0x7D7] =	sst s12  }
0x96: {  	s5 =	sadd.s32 $0x100C0, s3;
	[smem:$0x7E6] =	sst s1  }
0x97: {  	s13 =	sadd.s32 $0xC1E0, s3;
	[smem:$0x7E8] =	sst s5  }
0x98: {  	s14 =	sadd.s32 $0xC0F0, s3;
	[smem:$0x7D8] =	sst s13  }
0x99: {  	s15 =	sadd.s32 $0xC170, s3;
	[smem:$0x7D9] =	sst s14  }
0x9a: {  	s16 =	sadd.s32 $0xC1F0, s3;
	[smem:$0x7DA] =	sst s15  }
0x9b: {  	s17 =	sadd.s32 $0x10080, s3;
	[smem:$0x7DB] =	sst s16  }
0x9c: {  	s18 =	sadd.s32 $0x10100, s3;
	[smem:$0x7DC] =	sst s17  }
0x9d: {  	s19 =	sadd.s32 $0x10180, s3;
	[smem:$0x7DD] =	sst s18  }
0x9e: {  	s20 =	sadd.s32 $0x10090, s3;
	[smem:$0x7DE] =	sst s19  }
0x9f: {  	s21 =	sadd.s32 $0x10110, s3;
	[smem:$0x7DF] =	sst s20  }
0xa0: {  	s22 =	sadd.s32 $0x10190, s3;
	[smem:$0x7E0] =	sst s21  }
0xa1: {  	s23 =	sadd.s32 $0x100A0, s3;
	[smem:$0x7E1] =	sst s22  }
0xa2: {  	s24 =	sadd.s32 $0x10120, s3;
	[smem:$0x7E2] =	sst s23  }
0xa3: {  	s25 =	sadd.s32 $0x101A0, s3;
	[smem:$0x7E3] =	sst s24  }
0xa4: {  	s26 =	sadd.s32 $0x100B0, s3;
	[smem:$0x7E4] =	sst s25  }
0xa5: {  	s4 =	sadd.s32 $0x101B0, s3;
	[smem:$0x7E5] =	sst s26  }
0xa6: {  	s6 =	sadd.s32 $0x10140, s3;
	[smem:$0x7E7] =	sst s4  }
0xa7: {  	s7 =	sadd.s32 $0x101C0, s3;
	[smem:$0x7E9] =	sst s6  }
0xa8: {  	s8 =	sadd.s32 $0x100D0, s3;
	[smem:$0x7EA] =	sst s7  }
0xa9: {  	s9 =	sadd.s32 $0x10150, s3;
	[smem:$0x7EB] =	sst s8  }
0xaa: {  	s10 =	sadd.s32 $0x101D0, s3;
	[smem:$0x7EC] =	sst s9  }
0xab: {  	s11 =	sadd.s32 $0x100E0, s3;
	[smem:$0x7ED] =	sst s10  }
0xac: {  	s12 =	sadd.s32 $0x10160, s3;
	[smem:$0x7EE] =	sst s11  }
0xad: {  	[smem:$0x7EF] =	sst s12;
	s13 =	sadd.s32 $0x101E0, s3  }
0xae: {  	s14 =	sadd.s32 $0x100F0, s3;
	[smem:$0x7F0] =	sst s13  }
0xaf: {  	s15 =	sadd.s32 $0x10170, s3;
	[smem:$0x7F1] =	sst s14  }
0xb0: {  	s16 =	sadd.s32 $0x101F0, s3;
	[smem:$0x7F2] =	sst s15  }
0xb1: {  	s28 =	sadd.s32 $0x18180, s3;
	s17 =	sadd.s32 $0x14080, s3;
	[smem:$0x7F3] =	sst s16  }
0xb2: {  	s29 =	sadd.s32 $0x18090, s3;
	s18 =	sadd.s32 $0x14100, s3;
	[smem:$0x7F4] =	sst s17  }
0xb3: {  	s30 =	sadd.s32 $0x18110, s3;
	s19 =	sadd.s32 $0x14180, s3;
	[smem:$0x7F5] =	sst s18  }
0xb4: {  	s31 =	sadd.s32 $0x18190, s3;
	s20 =	sadd.s32 $0x14090, s3;
	[smem:$0x7F6] =	sst s19  }
0xb5: {  	s0 =	simm.s32 $0x7000;
	s21 =	sadd.s32 $0x14110, s3;
	[smem:$0x7F7] =	sst s20  }
0xb6: {  	s1 =	simm.s32 $0x1;
	s22 =	sadd.s32 $0x14190, s3;
	[smem:$0x7F8] =	sst s21  }
0xb7: {  	s5 =	simm.s32 $0x0;
	s23 =	sadd.s32 $0x140A0, s3;
	[smem:$0x7F9] =	sst s22  }
0xb8: {  	s24 =	sadd.s32 $0x14120, s3;
	s25 =	sadd.s32 $0x141A0, s3;
	[smem:$0x7FA] =	sst s23  }
0xb9: {  	s26 =	sadd.s32 $0x140B0, s3;
	s11 =	sadd.s32 $0x14130, s3;
	[smem:$0x7FB] =	sst s24  }
0xba: {  	s12 =	sadd.s32 $0x141B0, s3;
	s4 =	simm.s32 $0x2;
	[smem:$0x7FC] =	sst s25  }
0xbb: {  	[smem:$0x7FD] =	sst s26;
	s13 =	sadd.s32 $0x140C0, s3;
	s14 =	sadd.s32 $0x14140, s3  }
0xbc: {  	s15 =	sadd.s32 $0x141C0, s3;
	s16 =	sadd.s32 $0x140D0, s3;
	s17 =	sadd.s32 $0x14150, s3  }
0xbd: {  	s18 =	sadd.s32 $0x141D0, s3;
	s19 =	sadd.s32 $0x140E0, s3;
	s20 =	sadd.s32 $0x14160, s3  }
0xbe: {  	v0 =	vlaneseq.u32;
	s21 =	sadd.s32 $0x141E0, s3;
	s22 =	sadd.s32 $0x140F0, s3;
	s23 =	sadd.s32 $0x14170, s3  }
0xbf: {  	v0 =	vmul.u32 $0x32, v0;
	s24 =	sadd.s32 $0x141F0, s3;
	s25 =	sadd.s32 $0x18080, s3;
	s26 =	sadd.s32 $0x18100, s3  }
.LBB2_1:
0xc0: {  	s6 =	sld [smem:$0x77C]  }
0xc1: {  	[tilespmem:s2], [sflag:$0x1] =	stream.linear.gather [hbm4b:s3+s2], $0x80, $0x38;
	[tilespmem:$0xD400] =	vst v63  }
0xc2: {  	s7 =	simm.s32 $0x400;
	s9 =	sld [smem:$0x77D]  }
0xc3: {  	[tilespmem:s7], [sflag:$0x1] =	stream.linear.gather [hbm4b:s6+s2], $0x80, $0x38;
	[tilespmem:$0xD400] =	vst v63  }
0xc4: {  	s10 =	simm.s32 $0x800;
	s7 =	sld [smem:$0x77E]  }
0xc5: {  	[tilespmem:s10], [sflag:$0x1] =	stream.linear.gather [hbm4b:s9+s2], $0x80, $0x38;
	[tilespmem:$0xD400] =	vst v63  }
0xc6: {  	s8 =	simm.s32 $0xC00;
	s9 =	rddreg [dreg:$0x3]  }
0xc7: {  	[tilespmem:s8], [sflag:$0x1] =	stream.linear.gather [hbm4b:s7+s2], $0x80, $0x38;
	[tilespmem:$0xD400] =	vst v63  }
0xc8: {  	s10 =	simm.s32 $0x80;
	s7 =	sld [smem:$0x77F]  }
0xc9: {  	[tilespmem:s10], [sflag:$0x1] =	stream.linear.gather [hbm4b:s9+s2], $0x80, $0x38;
	[tilespmem:$0xD400] =	vst v63  }
0xca: {  	s8 =	simm.s32 $0x480;
	s9 =	sld [smem:$0x780]  }
0xcb: {  	[tilespmem:s8], [sflag:$0x1] =	stream.linear.gather [hbm4b:s7+s2], $0x80, $0x38;
	[tilespmem:$0xD400] =	vst v63  }
0xcc: {  	s10 =	simm.s32 $0x880;
	s7 =	sld [smem:$0x781]  }
0xcd: {  	[tilespmem:s10], [sflag:$0x1] =	stream.linear.gather [hbm4b:s9+s2], $0x80, $0x38;
	[tilespmem:$0xD400] =	vst v63  }
0xce: {  	s8 =	simm.s32 $0xC80;
	s9 =	rddreg [dreg:$0x4]  }
0xcf: {  	[tilespmem:s8], [sflag:$0x1] =	stream.linear.gather [hbm4b:s7+s2], $0x80, $0x38;
	[tilespmem:$0xD400] =	vst v63  }
0xd0: {  	s10 =	simm.s32 $0x100;
	s7 =	sld [smem:$0x782]  }
0xd1: {  	[tilespmem:s10], [sflag:$0x1] =	stream.linear.gather [hbm4b:s9+s2], $0x80, $0x38;
	[tilespmem:$0xD400] =	vst v63  }
0xd2: {  	s8 =	simm.s32 $0x500;
	s9 =	sld [smem:$0x783]  }
0xd3: {  	[tilespmem:s8], [sflag:$0x1] =	stream.linear.gather [hbm4b:s7+s2], $0x80, $0x38;
	[tilespmem:$0xD400] =	vst v63  }
0xd4: {  	s10 =	simm.s32 $0x900;
	s7 =	sld [smem:$0x784]  }
0xd5: {  	[tilespmem:s10], [sflag:$0x1] =	stream.linear.gather [hbm4b:s9+s2], $0x80, $0x38;
	[tilespmem:$0xD400] =	vst v63  }
0xd6: {  	s8 =	simm.s32 $0xD00;
	s9 =	rddreg [dreg:$0x5]  }
0xd7: {  	[tilespmem:s8], [sflag:$0x1] =	stream.linear.gather [hbm4b:s7+s2], $0x80, $0x38;
	[tilespmem:$0xD400] =	vst v63  }
0xd8: {  	s10 =	simm.s32 $0x180;
	s7 =	sld [smem:$0x785]  }
0xd9: {  	[tilespmem:s10], [sflag:$0x1] =	stream.linear.gather [hbm4b:s9+s2], $0x80, $0x38;
	[tilespmem:$0xD400] =	vst v63  }
0xda: {  	s8 =	simm.s32 $0x580;
	s9 =	sld [smem:$0x786]  }
0xdb: {  	[tilespmem:s8], [sflag:$0x1] =	stream.linear.gather [hbm4b:s7+s2], $0x80, $0x38;
	[tilespmem:$0xD400] =	vst v63  }
0xdc: {  	s10 =	simm.s32 $0x980;
	s7 =	sld [smem:$0x787]  }
0xdd: {  	[tilespmem:s10], [sflag:$0x1] =	stream.linear.gather [hbm4b:s9+s2], $0x80, $0x38;
	[tilespmem:$0xD400] =	vst v63  }
0xde: {  	s8 =	simm.s32 $0xD80;
	s9 =	rddreg [dreg:$0x6]  }
0xdf: {  	[tilespmem:s8], [sflag:$0x1] =	stream.linear.gather [hbm4b:s7+s2], $0x80, $0x38;
	[tilespmem:$0xD400] =	vst v63  }
0xe0: {  	s10 =	simm.s32 $0x200;
	s7 =	sld [smem:$0x788]  }
0xe1: {  	[tilespmem:s10], [sflag:$0x1] =	stream.linear.gather [hbm4b:s9+s2], $0x80, $0x38;
	[tilespmem:$0xD400] =	vst v63  }
0xe2: {  	s8 =	simm.s32 $0x600;
	s9 =	sld [smem:$0x789]  }
0xe3: {  	[tilespmem:s8], [sflag:$0x1] =	stream.linear.gather [hbm4b:s7+s2], $0x80, $0x38;
	[tilespmem:$0xD400] =	vst v63  }
0xe4: {  	s10 =	simm.s32 $0xA00;
	s7 =	sld [smem:$0x78A]  }
0xe5: {  	[tilespmem:s10], [sflag:$0x1] =	stream.linear.gather [hbm4b:s9+s2], $0x80, $0x38;
	[tilespmem:$0xD400] =	vst v63  }
0xe6: {  	s8 =	simm.s32 $0xE00;
	s9 =	rddreg [dreg:$0x7]  }
0xe7: {  	[tilespmem:s8], [sflag:$0x1] =	stream.linear.gather [hbm4b:s7+s2], $0x80, $0x38;
	[tilespmem:$0xD400] =	vst v63  }
0xe8: {  	s10 =	simm.s32 $0x280;
	s7 =	sld [smem:$0x78B]  }
0xe9: {  	[tilespmem:s10], [sflag:$0x1] =	stream.linear.gather [hbm4b:s9+s2], $0x80, $0x38;
	[tilespmem:$0xD400] =	vst v63  }
0xea: {  	s8 =	simm.s32 $0x680;
	s9 =	sld [smem:$0x78C]  }
0xeb: {  	[tilespmem:s8], [sflag:$0x1] =	stream.linear.gather [hbm4b:s7+s2], $0x80, $0x38;
	[tilespmem:$0xD400] =	vst v63  }
0xec: {  	s10 =	simm.s32 $0xA80;
	s7 =	sld [smem:$0x78D]  }
0xed: {  	[tilespmem:s10], [sflag:$0x1] =	stream.linear.gather [hbm4b:s9+s2], $0x80, $0x38;
	[tilespmem:$0xD400] =	vst v63  }
0xee: {  	s8 =	simm.s32 $0xE80;
	s9 =	rddreg [dreg:$0x8]  }
0xef: {  	[tilespmem:s8], [sflag:$0x1] =	stream.linear.gather [hbm4b:s7+s2], $0x80, $0x38;
	[tilespmem:$0xD400] =	vst v63  }
0xf0: {  	s10 =	simm.s32 $0x300;
	s7 =	sld [smem:$0x78E]  }
0xf1: {  	[tilespmem:s10], [sflag:$0x1] =	stream.linear.gather [hbm4b:s9+s2], $0x80, $0x38;
	[tilespmem:$0xD400] =	vst v63  }
0xf2: {  	s8 =	simm.s32 $0x700;
	s9 =	sld [smem:$0x78F]  }
0xf3: {  	[tilespmem:s8], [sflag:$0x1] =	stream.linear.gather [hbm4b:s7+s2], $0x80, $0x38;
	[tilespmem:$0xD400] =	vst v63  }
0xf4: {  	s10 =	simm.s32 $0xB00;
	s7 =	sld [smem:$0x790]  }
0xf5: {  	[tilespmem:s10], [sflag:$0x1] =	stream.linear.gather [hbm4b:s9+s2], $0x80, $0x38;
	[tilespmem:$0xD400] =	vst v63  }
0xf6: {  	s8 =	simm.s32 $0xF00;
	s9 =	rddreg [dreg:$0x9]  }
0xf7: {  	[tilespmem:s8], [sflag:$0x1] =	stream.linear.gather [hbm4b:s7+s2], $0x80, $0x38;
	[tilespmem:$0xD400] =	vst v63  }
0xf8: {  	s10 =	simm.s32 $0x380;
	s7 =	sld [smem:$0x791]  }
0xf9: {  	[tilespmem:s10], [sflag:$0x1] =	stream.linear.gather [hbm4b:s9+s2], $0x80, $0x38;
	[tilespmem:$0xD400] =	vst v63  }
0xfa: {  	s8 =	simm.s32 $0x780;
	s9 =	sld [smem:$0x792]  }
0xfb: {  	[tilespmem:s8], [sflag:$0x1] =	stream.linear.gather [hbm4b:s7+s2], $0x80, $0x38;
	[tilespmem:$0xD400] =	vst v63  }
0xfc: {  	s10 =	simm.s32 $0xB80;
	s7 =	sld [smem:$0x793]  }
0xfd: {  	[tilespmem:s10], [sflag:$0x1] =	stream.linear.gather [hbm4b:s9+s2], $0x80, $0x38;
	[tilespmem:$0xD400] =	vst v63  }
0xfe: {  	s8 =	simm.s32 $0xF80;
	s9 =	rddreg [dreg:$0xa]  }
0xff: {  	[tilespmem:s8], [sflag:$0x1] =	stream.linear.gather [hbm4b:s7+s2], $0x80, $0x38;
	[tilespmem:$0xD400] =	vst v63  }
0x100: {  	s10 =	simm.s32 $0x1000;
	s7 =	sld [smem:$0x794]  }
0x101: {  	[tilespmem:s10], [sflag:$0x1] =	stream.linear.gather [hbm4b:s9+s2], $0x80, $0x38;
	[tilespmem:$0xD400] =	vst v63  }
0x102: {  	s8 =	simm.s32 $0x1400;
	s9 =	sld [smem:$0x795]  }
0x103: {  	[tilespmem:s8], [sflag:$0x1] =	stream.linear.gather [hbm4b:s7+s2], $0x80, $0x38;
	[tilespmem:$0xD400] =	vst v63  }
0x104: {  	s10 =	simm.s32 $0x1800;
	s7 =	sld [smem:$0x796]  }
0x105: {  	[tilespmem:s10], [sflag:$0x1] =	stream.linear.gather [hbm4b:s9+s2], $0x80, $0x38;
	[tilespmem:$0xD400] =	vst v63  }
0x106: {  	s8 =	simm.s32 $0x1C00;
	s9 =	rddreg [dreg:$0xb]  }
0x107: {  	[tilespmem:s8], [sflag:$0x1] =	stream.linear.gather [hbm4b:s7+s2], $0x80, $0x38;
	[tilespmem:$0xD400] =	vst v63  }
0x108: {  	s10 =	simm.s32 $0x1080;
	s7 =	sld [smem:$0x797]  }
0x109: {  	[tilespmem:s10], [sflag:$0x1] =	stream.linear.gather [hbm4b:s9+s2], $0x80, $0x38;
	[tilespmem:$0xD400] =	vst v63  }
0x10a: {  	s8 =	simm.s32 $0x1480;
	s9 =	sld [smem:$0x798]  }
0x10b: {  	[tilespmem:s8], [sflag:$0x1] =	stream.linear.gather [hbm4b:s7+s2], $0x80, $0x38;
	[tilespmem:$0xD400] =	vst v63  }
0x10c: {  	s10 =	simm.s32 $0x1880;
	s7 =	sld [smem:$0x799]  }
0x10d: {  	[tilespmem:s10], [sflag:$0x1] =	stream.linear.gather [hbm4b:s9+s2], $0x80, $0x38;
	[tilespmem:$0xD400] =	vst v63  }
0x10e: {  	s8 =	simm.s32 $0x1C80;
	s9 =	rddreg [dreg:$0xc]  }
0x10f: {  	[tilespmem:s8], [sflag:$0x1] =	stream.linear.gather [hbm4b:s7+s2], $0x80, $0x38;
	[tilespmem:$0xD400] =	vst v63  }
0x110: {  	s10 =	simm.s32 $0x1100;
	s7 =	sld [smem:$0x79A]  }
0x111: {  	[tilespmem:s10], [sflag:$0x1] =	stream.linear.gather [hbm4b:s9+s2], $0x80, $0x38;
	[tilespmem:$0xD400] =	vst v63  }
0x112: {  	s8 =	simm.s32 $0x1500;
	s9 =	sld [smem:$0x79B]  }
0x113: {  	[tilespmem:s8], [sflag:$0x1] =	stream.linear.gather [hbm4b:s7+s2], $0x80, $0x38;
	[tilespmem:$0xD400] =	vst v63  }
0x114: {  	s10 =	simm.s32 $0x1900;
	s7 =	sld [smem:$0x79C]  }
0x115: {  	[tilespmem:s10], [sflag:$0x1] =	stream.linear.gather [hbm4b:s9+s2], $0x80, $0x38;
	[tilespmem:$0xD400] =	vst v63  }
0x116: {  	s8 =	simm.s32 $0x1D00;
	s9 =	rddreg [dreg:$0xd]  }
0x117: {  	[tilespmem:s8], [sflag:$0x1] =	stream.linear.gather [hbm4b:s7+s2], $0x80, $0x38;
	[tilespmem:$0xD400] =	vst v63  }
0x118: {  	s10 =	simm.s32 $0x1180;
	s7 =	sld [smem:$0x79D]  }
0x119: {  	[tilespmem:s10], [sflag:$0x1] =	stream.linear.gather [hbm4b:s9+s2], $0x80, $0x38;
	[tilespmem:$0xD400] =	vst v63  }
0x11a: {  	s8 =	simm.s32 $0x1580;
	s9 =	sld [smem:$0x79E]  }
0x11b: {  	[tilespmem:s8], [sflag:$0x1] =	stream.linear.gather [hbm4b:s7+s2], $0x80, $0x38;
	[tilespmem:$0xD400] =	vst v63  }
0x11c: {  	s10 =	simm.s32 $0x1980;
	s7 =	sld [smem:$0x79F]  }
0x11d: {  	[tilespmem:s10], [sflag:$0x1] =	stream.linear.gather [hbm4b:s9+s2], $0x80, $0x38;
	[tilespmem:$0xD400] =	vst v63  }
0x11e: {  	s8 =	simm.s32 $0x1D80;
	s9 =	rddreg [dreg:$0xe]  }
0x11f: {  	[tilespmem:s8], [sflag:$0x1] =	stream.linear.gather [hbm4b:s7+s2], $0x80, $0x38;
	[tilespmem:$0xD400] =	vst v63  }
0x120: {  	s10 =	simm.s32 $0x1200;
	s7 =	sld [smem:$0x7A0]  }
0x121: {  	[tilespmem:s10], [sflag:$0x1] =	stream.linear.gather [hbm4b:s9+s2], $0x80, $0x38;
	[tilespmem:$0xD400] =	vst v63  }
0x122: {  	s8 =	simm.s32 $0x1600;
	s9 =	sld [smem:$0x7A1]  }
0x123: {  	[tilespmem:s8], [sflag:$0x1] =	stream.linear.gather [hbm4b:s7+s2], $0x80, $0x38;
	[tilespmem:$0xD400] =	vst v63  }
0x124: {  	s10 =	simm.s32 $0x1A00;
	s7 =	sld [smem:$0x7A2]  }
0x125: {  	[tilespmem:s10], [sflag:$0x1] =	stream.linear.gather [hbm4b:s9+s2], $0x80, $0x38;
	[tilespmem:$0xD400] =	vst v63  }
0x126: {  	s8 =	simm.s32 $0x1E00;
	s9 =	rddreg [dreg:$0xf]  }
0x127: {  	[tilespmem:s8], [sflag:$0x1] =	stream.linear.gather [hbm4b:s7+s2], $0x80, $0x38;
	[tilespmem:$0xD400] =	vst v63  }
0x128: {  	s10 =	simm.s32 $0x1280;
	s7 =	sld [smem:$0x7A3]  }
0x129: {  	[tilespmem:s10], [sflag:$0x1] =	stream.linear.gather [hbm4b:s9+s2], $0x80, $0x38;
	[tilespmem:$0xD400] =	vst v63  }
0x12a: {  	s8 =	simm.s32 $0x1680;
	s9 =	sld [smem:$0x7A4]  }
0x12b: {  	[tilespmem:s8], [sflag:$0x1] =	stream.linear.gather [hbm4b:s7+s2], $0x80, $0x38;
	[tilespmem:$0xD400] =	vst v63  }
0x12c: {  	s10 =	simm.s32 $0x1A80;
	s7 =	sld [smem:$0x7A5]  }
0x12d: {  	[tilespmem:s10], [sflag:$0x1] =	stream.linear.gather [hbm4b:s9+s2], $0x80, $0x38;
	[tilespmem:$0xD400] =	vst v63  }
0x12e: {  	s8 =	simm.s32 $0x1E80;
	s9 =	rddreg [dreg:$0x10]  }
0x12f: {  	[tilespmem:s8], [sflag:$0x1] =	stream.linear.gather [hbm4b:s7+s2], $0x80, $0x38;
	[tilespmem:$0xD400] =	vst v63  }
0x130: {  	s10 =	simm.s32 $0x1300;
	s7 =	sld [smem:$0x7A6]  }
0x131: {  	[tilespmem:s10], [sflag:$0x1] =	stream.linear.gather [hbm4b:s9+s2], $0x80, $0x38;
	[tilespmem:$0xD400] =	vst v63  }
0x132: {  	s8 =	simm.s32 $0x1700;
	s9 =	sld [smem:$0x7A7]  }
0x133: {  	[tilespmem:s8], [sflag:$0x1] =	stream.linear.gather [hbm4b:s7+s2], $0x80, $0x38;
	[tilespmem:$0xD400] =	vst v63  }
0x134: {  	s10 =	simm.s32 $0x1B00;
	s7 =	sld [smem:$0x7A8]  }
0x135: {  	[tilespmem:s10], [sflag:$0x1] =	stream.linear.gather [hbm4b:s9+s2], $0x80, $0x38;
	[tilespmem:$0xD400] =	vst v63  }
0x136: {  	s8 =	simm.s32 $0x1F00;
	s9 =	rddreg [dreg:$0x11]  }
0x137: {  	[tilespmem:s8], [sflag:$0x1] =	stream.linear.gather [hbm4b:s7+s2], $0x80, $0x38;
	[tilespmem:$0xD400] =	vst v63  }
0x138: {  	s10 =	simm.s32 $0x1380;
	s7 =	sld [smem:$0x7A9]  }
0x139: {  	[tilespmem:s10], [sflag:$0x1] =	stream.linear.gather [hbm4b:s9+s2], $0x80, $0x38;
	[tilespmem:$0xD400] =	vst v63  }
0x13a: {  	s8 =	simm.s32 $0x1780;
	s9 =	sld [smem:$0x7AA]  }
0x13b: {  	[tilespmem:s8], [sflag:$0x1] =	stream.linear.gather [hbm4b:s7+s2], $0x80, $0x38;
	[tilespmem:$0xD400] =	vst v63  }
0x13c: {  	s10 =	simm.s32 $0x1B80;
	s7 =	sld [smem:$0x7AB]  }
0x13d: {  	[tilespmem:s10], [sflag:$0x1] =	stream.linear.gather [hbm4b:s9+s2], $0x80, $0x38;
	[tilespmem:$0xD400] =	vst v63  }
0x13e: {  	s8 =	simm.s32 $0x1F80;
	s9 =	rddreg [dreg:$0x12]  }
0x13f: {  	[tilespmem:s8], [sflag:$0x1] =	stream.linear.gather [hbm4b:s7+s2], $0x80, $0x38;
	[tilespmem:$0xD400] =	vst v63  }
0x140: {  	s10 =	simm.s32 $0x2000;
	s7 =	sld [smem:$0x7AC]  }
0x141: {  	[tilespmem:s10], [sflag:$0x1] =	stream.linear.gather [hbm4b:s9+s2], $0x80, $0x38;
	[tilespmem:$0xD400] =	vst v63  }
0x142: {  	s8 =	simm.s32 $0x2400;
	s9 =	sld [smem:$0x7AD]  }
0x143: {  	[tilespmem:s8], [sflag:$0x1] =	stream.linear.gather [hbm4b:s7+s2], $0x80, $0x38;
	[tilespmem:$0xD400] =	vst v63  }
0x144: {  	s10 =	simm.s32 $0x2800;
	s7 =	sld [smem:$0x7AE]  }
0x145: {  	[tilespmem:s10], [sflag:$0x1] =	stream.linear.gather [hbm4b:s9+s2], $0x80, $0x38;
	[tilespmem:$0xD400] =	vst v63  }
0x146: {  	s8 =	simm.s32 $0x2C00;
	s9 =	rddreg [dreg:$0x13]  }
0x147: {  	[tilespmem:s8], [sflag:$0x1] =	stream.linear.gather [hbm4b:s7+s2], $0x80, $0x38;
	[tilespmem:$0xD400] =	vst v63  }
0x148: {  	s10 =	simm.s32 $0x2080;
	s7 =	sld [smem:$0x7AF]  }
0x149: {  	[tilespmem:s10], [sflag:$0x1] =	stream.linear.gather [hbm4b:s9+s2], $0x80, $0x38;
	[tilespmem:$0xD400] =	vst v63  }
0x14a: {  	s8 =	simm.s32 $0x2480;
	s9 =	sld [smem:$0x7B0]  }
0x14b: {  	[tilespmem:s8], [sflag:$0x1] =	stream.linear.gather [hbm4b:s7+s2], $0x80, $0x38;
	[tilespmem:$0xD400] =	vst v63  }
0x14c: {  	s10 =	simm.s32 $0x2880;
	s7 =	sld [smem:$0x7B1]  }
0x14d: {  	[tilespmem:s10], [sflag:$0x1] =	stream.linear.gather [hbm4b:s9+s2], $0x80, $0x38;
	[tilespmem:$0xD400] =	vst v63  }
0x14e: {  	s8 =	simm.s32 $0x2C80;
	s9 =	rddreg [dreg:$0x14]  }
0x14f: {  	[tilespmem:s8], [sflag:$0x1] =	stream.linear.gather [hbm4b:s7+s2], $0x80, $0x38;
	[tilespmem:$0xD400] =	vst v63  }
0x150: {  	s10 =	simm.s32 $0x2100;
	s7 =	sld [smem:$0x7B2]  }
0x151: {  	[tilespmem:s10], [sflag:$0x1] =	stream.linear.gather [hbm4b:s9+s2], $0x80, $0x38;
	[tilespmem:$0xD400] =	vst v63  }
0x152: {  	s8 =	simm.s32 $0x2500;
	s9 =	sld [smem:$0x7B3]  }
0x153: {  	[tilespmem:s8], [sflag:$0x1] =	stream.linear.gather [hbm4b:s7+s2], $0x80, $0x38;
	[tilespmem:$0xD400] =	vst v63  }
0x154: {  	s10 =	simm.s32 $0x2900;
	s7 =	sld [smem:$0x7B4]  }
0x155: {  	[tilespmem:s10], [sflag:$0x1] =	stream.linear.gather [hbm4b:s9+s2], $0x80, $0x38;
	[tilespmem:$0xD400] =	vst v63  }
0x156: {  	s8 =	simm.s32 $0x2D00;
	s9 =	rddreg [dreg:$0x15]  }
0x157: {  	[tilespmem:s8], [sflag:$0x1] =	stream.linear.gather [hbm4b:s7+s2], $0x80, $0x38;
	[tilespmem:$0xD400] =	vst v63  }
0x158: {  	s10 =	simm.s32 $0x2180;
	s7 =	sld [smem:$0x7B5]  }
0x159: {  	[tilespmem:s10], [sflag:$0x1] =	stream.linear.gather [hbm4b:s9+s2], $0x80, $0x38;
	[tilespmem:$0xD400] =	vst v63  }
0x15a: {  	s8 =	simm.s32 $0x2580;
	s9 =	sld [smem:$0x7B6]  }
0x15b: {  	[tilespmem:s8], [sflag:$0x1] =	stream.linear.gather [hbm4b:s7+s2], $0x80, $0x38;
	[tilespmem:$0xD400] =	vst v63  }
0x15c: {  	s10 =	simm.s32 $0x2980;
	s7 =	sld [smem:$0x7B7]  }
0x15d: {  	[tilespmem:s10], [sflag:$0x1] =	stream.linear.gather [hbm4b:s9+s2], $0x80, $0x38;
	[tilespmem:$0xD400] =	vst v63  }
0x15e: {  	s8 =	simm.s32 $0x2D80;
	s9 =	rddreg [dreg:$0x16]  }
0x15f: {  	[tilespmem:s8], [sflag:$0x1] =	stream.linear.gather [hbm4b:s7+s2], $0x80, $0x38;
	[tilespmem:$0xD400] =	vst v63  }
0x160: {  	s10 =	simm.s32 $0x2200;
	s7 =	sld [smem:$0x7B8]  }
0x161: {  	[tilespmem:s10], [sflag:$0x1] =	stream.linear.gather [hbm4b:s9+s2], $0x80, $0x38;
	[tilespmem:$0xD400] =	vst v63  }
0x162: {  	s8 =	simm.s32 $0x2600;
	s9 =	sld [smem:$0x7B9]  }
0x163: {  	[tilespmem:s8], [sflag:$0x1] =	stream.linear.gather [hbm4b:s7+s2], $0x80, $0x38;
	[tilespmem:$0xD400] =	vst v63  }
0x164: {  	s10 =	simm.s32 $0x2A00;
	s7 =	sld [smem:$0x7BA]  }
0x165: {  	[tilespmem:s10], [sflag:$0x1] =	stream.linear.gather [hbm4b:s9+s2], $0x80, $0x38;
	[tilespmem:$0xD400] =	vst v63  }
0x166: {  	s8 =	simm.s32 $0x2E00;
	s9 =	rddreg [dreg:$0x19]  }
0x167: {  	[tilespmem:s8], [sflag:$0x1] =	stream.linear.gather [hbm4b:s7+s2], $0x80, $0x38;
	[tilespmem:$0xD400] =	vst v63  }
0x168: {  	s10 =	simm.s32 $0x2280;
	s7 =	sld [smem:$0x7BB]  }
0x169: {  	[tilespmem:s10], [sflag:$0x1] =	stream.linear.gather [hbm4b:s9+s2], $0x80, $0x38;
	[tilespmem:$0xD400] =	vst v63  }
0x16a: {  	s8 =	simm.s32 $0x2680;
	s9 =	sld [smem:$0x7BC]  }
0x16b: {  	[tilespmem:s8], [sflag:$0x1] =	stream.linear.gather [hbm4b:s7+s2], $0x80, $0x38;
	[tilespmem:$0xD400] =	vst v63  }
0x16c: {  	s10 =	simm.s32 $0x2A80;
	s7 =	sld [smem:$0x7BD]  }
0x16d: {  	[tilespmem:s10], [sflag:$0x1] =	stream.linear.gather [hbm4b:s9+s2], $0x80, $0x38;
	[tilespmem:$0xD400] =	vst v63  }
0x16e: {  	s8 =	simm.s32 $0x2E80;
	s9 =	rddreg [dreg:$0x1a]  }
0x16f: {  	[tilespmem:s8], [sflag:$0x1] =	stream.linear.gather [hbm4b:s7+s2], $0x80, $0x38;
	[tilespmem:$0xD400] =	vst v63  }
0x170: {  	s10 =	simm.s32 $0x2300;
	s7 =	sld [smem:$0x7BE]  }
0x171: {  	[tilespmem:s10], [sflag:$0x1] =	stream.linear.gather [hbm4b:s9+s2], $0x80, $0x38;
	[tilespmem:$0xD400] =	vst v63  }
0x172: {  	s8 =	simm.s32 $0x2700;
	s9 =	sld [smem:$0x7BF]  }
0x173: {  	[tilespmem:s8], [sflag:$0x1] =	stream.linear.gather [hbm4b:s7+s2], $0x80, $0x38;
	[tilespmem:$0xD400] =	vst v63  }
0x174: {  	s10 =	simm.s32 $0x2B00;
	s7 =	sld [smem:$0x7C0]  }
0x175: {  	[tilespmem:s10], [sflag:$0x1] =	stream.linear.gather [hbm4b:s9+s2], $0x80, $0x38;
	[tilespmem:$0xD400] =	vst v63  }
0x176: {  	s8 =	simm.s32 $0x2F00;
	s9 =	rddreg [dreg:$0x1b]  }
0x177: {  	[tilespmem:s8], [sflag:$0x1] =	stream.linear.gather [hbm4b:s7+s2], $0x80, $0x38;
	[tilespmem:$0xD400] =	vst v63  }
0x178: {  	s10 =	simm.s32 $0x2380;
	s7 =	sld [smem:$0x7C1]  }
0x179: {  	[tilespmem:s10], [sflag:$0x1] =	stream.linear.gather [hbm4b:s9+s2], $0x80, $0x38;
	[tilespmem:$0xD400] =	vst v63  }
0x17a: {  	s8 =	simm.s32 $0x2780;
	s9 =	sld [smem:$0x7C2]  }
0x17b: {  	[tilespmem:s8], [sflag:$0x1] =	stream.linear.gather [hbm4b:s7+s2], $0x80, $0x38;
	[tilespmem:$0xD400] =	vst v63  }
0x17c: {  	s10 =	simm.s32 $0x2B80;
	s7 =	sld [smem:$0x7C3]  }
0x17d: {  	[tilespmem:s10], [sflag:$0x1] =	stream.linear.gather [hbm4b:s9+s2], $0x80, $0x38;
	[tilespmem:$0xD400] =	vst v63  }
0x17e: {  	s8 =	simm.s32 $0x2F80;
	s9 =	rddreg [dreg:$0x1c]  }
0x17f: {  	[tilespmem:s8], [sflag:$0x1] =	stream.linear.gather [hbm4b:s7+s2], $0x80, $0x38;
	[tilespmem:$0xD400] =	vst v63  }
0x180: {  	s10 =	simm.s32 $0x3000;
	s7 =	sld [smem:$0x7C4]  }
0x181: {  	[tilespmem:s10], [sflag:$0x1] =	stream.linear.gather [hbm4b:s9+s2], $0x80, $0x38;
	[tilespmem:$0xD400] =	vst v63  }
0x182: {  	s8 =	simm.s32 $0x3400;
	s9 =	sld [smem:$0x7C5]  }
0x183: {  	[tilespmem:s8], [sflag:$0x1] =	stream.linear.gather [hbm4b:s7+s2], $0x80, $0x38;
	[tilespmem:$0xD400] =	vst v63  }
0x184: {  	s10 =	simm.s32 $0x3800;
	s7 =	sld [smem:$0x7C6]  }
0x185: {  	[tilespmem:s10], [sflag:$0x1] =	stream.linear.gather [hbm4b:s9+s2], $0x80, $0x38;
	[tilespmem:$0xD400] =	vst v63  }
0x186: {  	s8 =	simm.s32 $0x3C00;
	s9 =	rddreg [dreg:$0x1d]  }
0x187: {  	[tilespmem:s8], [sflag:$0x1] =	stream.linear.gather [hbm4b:s7+s2], $0x80, $0x38;
	[tilespmem:$0xD400] =	vst v63  }
0x188: {  	s10 =	simm.s32 $0x3080;
	s7 =	sld [smem:$0x7C7]  }
0x189: {  	[tilespmem:s10], [sflag:$0x1] =	stream.linear.gather [hbm4b:s9+s2], $0x80, $0x38;
	[tilespmem:$0xD400] =	vst v63  }
0x18a: {  	s8 =	simm.s32 $0x3480;
	s9 =	sld [smem:$0x7C8]  }
0x18b: {  	[tilespmem:s8], [sflag:$0x1] =	stream.linear.gather [hbm4b:s7+s2], $0x80, $0x38;
	[tilespmem:$0xD400] =	vst v63  }
0x18c: {  	s10 =	simm.s32 $0x3880;
	s7 =	sld [smem:$0x7C9]  }
0x18d: {  	[tilespmem:s10], [sflag:$0x1] =	stream.linear.gather [hbm4b:s9+s2], $0x80, $0x38;
	[tilespmem:$0xD400] =	vst v63  }
0x18e: {  	s8 =	simm.s32 $0x3C80;
	s9 =	rddreg [dreg:$0x1e]  }
0x18f: {  	[tilespmem:s8], [sflag:$0x1] =	stream.linear.gather [hbm4b:s7+s2], $0x80, $0x38;
	[tilespmem:$0xD400] =	vst v63  }
0x190: {  	s10 =	simm.s32 $0x3100;
	s7 =	sld [smem:$0x7CA]  }
0x191: {  	[tilespmem:s10], [sflag:$0x1] =	stream.linear.gather [hbm4b:s9+s2], $0x80, $0x38;
	[tilespmem:$0xD400] =	vst v63  }
0x192: {  	s8 =	simm.s32 $0x3500;
	s9 =	sld [smem:$0x7CB]  }
0x193: {  	[tilespmem:s8], [sflag:$0x1] =	stream.linear.gather [hbm4b:s7+s2], $0x80, $0x38;
	[tilespmem:$0xD400] =	vst v63  }
0x194: {  	s10 =	simm.s32 $0x3900;
	s7 =	sld [smem:$0x7CC]  }
0x195: {  	[tilespmem:s10], [sflag:$0x1] =	stream.linear.gather [hbm4b:s9+s2], $0x80, $0x38;
	[tilespmem:$0xD400] =	vst v63  }
0x196: {  	s8 =	simm.s32 $0x3D00;
	s9 =	rddreg [dreg:$0x1f]  }
0x197: {  	[tilespmem:s8], [sflag:$0x1] =	stream.linear.gather [hbm4b:s7+s2], $0x80, $0x38;
	[tilespmem:$0xD400] =	vst v63  }
0x198: {  	s10 =	simm.s32 $0x3180;
	s7 =	sld [smem:$0x7CD]  }
0x199: {  	[tilespmem:s10], [sflag:$0x1] =	stream.linear.gather [hbm4b:s9+s2], $0x80, $0x38;
	[tilespmem:$0xD400] =	vst v63  }
0x19a: {  	s8 =	simm.s32 $0x3580;
	s9 =	sld [smem:$0x7CE]  }
0x19b: {  	[tilespmem:s8], [sflag:$0x1] =	stream.linear.gather [hbm4b:s7+s2], $0x80, $0x38;
	[tilespmem:$0xD400] =	vst v63  }
0x19c: {  	s10 =	simm.s32 $0x3980;
	s7 =	sld [smem:$0x7CF]  }
0x19d: {  	[tilespmem:s10], [sflag:$0x1] =	stream.linear.gather [hbm4b:s9+s2], $0x80, $0x38;
	[tilespmem:$0xD400] =	vst v63  }
0x19e: {  	s8 =	simm.s32 $0x3D80;
	s9 =	sld [smem:$0x766]  }
0x19f: {  	[tilespmem:s8], [sflag:$0x1] =	stream.linear.gather [hbm4b:s7+s2], $0x80, $0x38;
	[tilespmem:$0xD400] =	vst v63  }
0x1a0: {  	s10 =	simm.s32 $0x3200;
	s7 =	sld [smem:$0x7D0]  }
0x1a1: {  	[tilespmem:s10], [sflag:$0x1] =	stream.linear.gather [hbm4b:s9+s2], $0x80, $0x38;
	[tilespmem:$0xD400] =	vst v63  }
0x1a2: {  	s8 =	simm.s32 $0x3600;
	s9 =	sld [smem:$0x7D1]  }
0x1a3: {  	[tilespmem:s8], [sflag:$0x1] =	stream.linear.gather [hbm4b:s7+s2], $0x80, $0x38;
	[tilespmem:$0xD400] =	vst v63  }
0x1a4: {  	s10 =	simm.s32 $0x3A00;
	s7 =	sld [smem:$0x7D2]  }
0x1a5: {  	[tilespmem:s10], [sflag:$0x1] =	stream.linear.gather [hbm4b:s9+s2], $0x80, $0x38;
	[tilespmem:$0xD400] =	vst v63  }
0x1a6: {  	s8 =	simm.s32 $0x3E00;
	s9 =	sld [smem:$0x767]  }
0x1a7: {  	[tilespmem:s8], [sflag:$0x1] =	stream.linear.gather [hbm4b:s7+s2], $0x80, $0x38;
	[tilespmem:$0xD400] =	vst v63  }
0x1a8: {  	s10 =	simm.s32 $0x3280;
	s7 =	sld [smem:$0x7D3]  }
0x1a9: {  	[tilespmem:s10], [sflag:$0x1] =	stream.linear.gather [hbm4b:s9+s2], $0x80, $0x38;
	[tilespmem:$0xD400] =	vst v63  }
0x1aa: {  	s8 =	simm.s32 $0x3680;
	s9 =	sld [smem:$0x7D4]  }
0x1ab: {  	[tilespmem:s8], [sflag:$0x1] =	stream.linear.gather [hbm4b:s7+s2], $0x80, $0x38;
	[tilespmem:$0xD400] =	vst v63  }
0x1ac: {  	s10 =	simm.s32 $0x3A80;
	s7 =	sld [smem:$0x7D5]  }
0x1ad: {  	[tilespmem:s10], [sflag:$0x1] =	stream.linear.gather [hbm4b:s9+s2], $0x80, $0x38;
	[tilespmem:$0xD400] =	vst v63  }
0x1ae: {  	s8 =	simm.s32 $0x3E80;
	s9 =	sld [smem:$0x768]  }
0x1af: {  	[tilespmem:s8], [sflag:$0x1] =	stream.linear.gather [hbm4b:s7+s2], $0x80, $0x38;
	[tilespmem:$0xD400] =	vst v63  }
0x1b0: {  	s10 =	simm.s32 $0x3300;
	s7 =	sld [smem:$0x7D6]  }
0x1b1: {  	[tilespmem:s10], [sflag:$0x1] =	stream.linear.gather [hbm4b:s9+s2], $0x80, $0x38;
	[tilespmem:$0xD400] =	vst v63  }
0x1b2: {  	s8 =	simm.s32 $0x3700;
	s9 =	sld [smem:$0x7D7]  }
0x1b3: {  	[tilespmem:s8], [sflag:$0x1] =	stream.linear.gather [hbm4b:s7+s2], $0x80, $0x38;
	[tilespmem:$0xD400] =	vst v63  }
0x1b4: {  	s10 =	simm.s32 $0x3B00;
	s7 =	sld [smem:$0x7D8]  }
0x1b5: {  	[tilespmem:s10], [sflag:$0x1] =	stream.linear.gather [hbm4b:s9+s2], $0x80, $0x38;
	[tilespmem:$0xD400] =	vst v63  }
0x1b6: {  	s8 =	simm.s32 $0x3F00;
	s9 =	sld [smem:$0x769]  }
0x1b7: {  	[tilespmem:s8], [sflag:$0x1] =	stream.linear.gather [hbm4b:s7+s2], $0x80, $0x38;
	[tilespmem:$0xD400] =	vst v63  }
0x1b8: {  	s10 =	simm.s32 $0x3380;
	s7 =	sld [smem:$0x7D9]  }
0x1b9: {  	[tilespmem:s10], [sflag:$0x1] =	stream.linear.gather [hbm4b:s9+s2], $0x80, $0x38;
	[tilespmem:$0xD400] =	vst v63  }
0x1ba: {  	s8 =	simm.s32 $0x3780;
	s9 =	sld [smem:$0x7DA]  }
0x1bb: {  	[tilespmem:s8], [sflag:$0x1] =	stream.linear.gather [hbm4b:s7+s2], $0x80, $0x38;
	[tilespmem:$0xD400] =	vst v63  }
0x1bc: {  	s10 =	simm.s32 $0x3B80;
	s7 =	sld [smem:$0x7DB]  }
0x1bd: {  	[tilespmem:s10], [sflag:$0x1] =	stream.linear.gather [hbm4b:s9+s2], $0x80, $0x38;
	[tilespmem:$0xD400] =	vst v63  }
0x1be: {  	s8 =	simm.s32 $0x3F80;
	s9 =	sld [smem:$0x76A]  }
0x1bf: {  	[tilespmem:s8], [sflag:$0x1] =	stream.linear.gather [hbm4b:s7+s2], $0x80, $0x38;
	[tilespmem:$0xD400] =	vst v63  }
0x1c0: {  	s10 =	simm.s32 $0x4000;
	s7 =	sld [smem:$0x7DC]  }
0x1c1: {  	[tilespmem:s10], [sflag:$0x1] =	stream.linear.gather [hbm4b:s9+s2], $0x80, $0x38;
	[tilespmem:$0xD400] =	vst v63  }
0x1c2: {  	s8 =	simm.s32 $0x4400;
	s9 =	sld [smem:$0x7DD]  }
0x1c3: {  	[tilespmem:s8], [sflag:$0x1] =	stream.linear.gather [hbm4b:s7+s2], $0x80, $0x38;
	[tilespmem:$0xD400] =	vst v63  }
0x1c4: {  	s10 =	simm.s32 $0x4800;
	s7 =	sld [smem:$0x7DE]  }
0x1c5: {  	[tilespmem:s10], [sflag:$0x1] =	stream.linear.gather [hbm4b:s9+s2], $0x80, $0x38;
	[tilespmem:$0xD400] =	vst v63  }
0x1c6: {  	s8 =	simm.s32 $0x4C00;
	s9 =	sld [smem:$0x76B]  }
0x1c7: {  	[tilespmem:s8], [sflag:$0x1] =	stream.linear.gather [hbm4b:s7+s2], $0x80, $0x38;
	[tilespmem:$0xD400] =	vst v63  }
0x1c8: {  	s10 =	simm.s32 $0x4080;
	s7 =	sld [smem:$0x7DF]  }
0x1c9: {  	[tilespmem:s10], [sflag:$0x1] =	stream.linear.gather [hbm4b:s9+s2], $0x80, $0x38;
	[tilespmem:$0xD400] =	vst v63  }
0x1ca: {  	s8 =	simm.s32 $0x4480;
	s9 =	sld [smem:$0x7E0]  }
0x1cb: {  	[tilespmem:s8], [sflag:$0x1] =	stream.linear.gather [hbm4b:s7+s2], $0x80, $0x38;
	[tilespmem:$0xD400] =	vst v63  }
0x1cc: {  	s10 =	simm.s32 $0x4880;
	s7 =	sld [smem:$0x7E1]  }
0x1cd: {  	[tilespmem:s10], [sflag:$0x1] =	stream.linear.gather [hbm4b:s9+s2], $0x80, $0x38;
	[tilespmem:$0xD400] =	vst v63  }
0x1ce: {  	s8 =	simm.s32 $0x4C80;
	s9 =	sld [smem:$0x76C]  }
0x1cf: {  	[tilespmem:s8], [sflag:$0x1] =	stream.linear.gather [hbm4b:s7+s2], $0x80, $0x38;
	[tilespmem:$0xD400] =	vst v63  }
0x1d0: {  	s10 =	simm.s32 $0x4100;
	s7 =	sld [smem:$0x7E2]  }
0x1d1: {  	[tilespmem:s10], [sflag:$0x1] =	stream.linear.gather [hbm4b:s9+s2], $0x80, $0x38;
	[tilespmem:$0xD400] =	vst v63  }
0x1d2: {  	s8 =	simm.s32 $0x4500;
	s9 =	sld [smem:$0x7E3]  }
0x1d3: {  	[tilespmem:s8], [sflag:$0x1] =	stream.linear.gather [hbm4b:s7+s2], $0x80, $0x38;
	[tilespmem:$0xD400] =	vst v63  }
0x1d4: {  	s10 =	simm.s32 $0x4900;
	s7 =	sld [smem:$0x7E4]  }
0x1d5: {  	[tilespmem:s10], [sflag:$0x1] =	stream.linear.gather [hbm4b:s9+s2], $0x80, $0x38;
	[tilespmem:$0xD400] =	vst v63  }
0x1d6: {  	s8 =	simm.s32 $0x4D00;
	s9 =	sld [smem:$0x76D]  }
0x1d7: {  	[tilespmem:s8], [sflag:$0x1] =	stream.linear.gather [hbm4b:s7+s2], $0x80, $0x38;
	[tilespmem:$0xD400] =	vst v63  }
0x1d8: {  	s10 =	simm.s32 $0x4180;
	s7 =	sld [smem:$0x7E5]  }
0x1d9: {  	[tilespmem:s10], [sflag:$0x1] =	stream.linear.gather [hbm4b:s9+s2], $0x80, $0x38;
	[tilespmem:$0xD400] =	vst v63  }
0x1da: {  	s8 =	simm.s32 $0x4580;
	s9 =	sld [smem:$0x7E6]  }
0x1db: {  	[tilespmem:s8], [sflag:$0x1] =	stream.linear.gather [hbm4b:s7+s2], $0x80, $0x38;
	[tilespmem:$0xD400] =	vst v63  }
0x1dc: {  	s10 =	simm.s32 $0x4980;
	s7 =	sld [smem:$0x7E7]  }
0x1dd: {  	[tilespmem:s10], [sflag:$0x1] =	stream.linear.gather [hbm4b:s9+s2], $0x80, $0x38;
	[tilespmem:$0xD400] =	vst v63  }
0x1de: {  	s8 =	simm.s32 $0x4D80;
	s9 =	sld [smem:$0x76E]  }
0x1df: {  	[tilespmem:s8], [sflag:$0x1] =	stream.linear.gather [hbm4b:s7+s2], $0x80, $0x38;
	[tilespmem:$0xD400] =	vst v63  }
0x1e0: {  	s10 =	simm.s32 $0x4200;
	s7 =	sld [smem:$0x7E8]  }
0x1e1: {  	[tilespmem:s10], [sflag:$0x1] =	stream.linear.gather [hbm4b:s9+s2], $0x80, $0x38;
	[tilespmem:$0xD400] =	vst v63  }
0x1e2: {  	s8 =	simm.s32 $0x4600;
	s9 =	sld [smem:$0x7E9]  }
0x1e3: {  	[tilespmem:s8], [sflag:$0x1] =	stream.linear.gather [hbm4b:s7+s2], $0x80, $0x38;
	[tilespmem:$0xD400] =	vst v63  }
0x1e4: {  	s10 =	simm.s32 $0x4A00;
	s7 =	sld [smem:$0x7EA]  }
0x1e5: {  	[tilespmem:s10], [sflag:$0x1] =	stream.linear.gather [hbm4b:s9+s2], $0x80, $0x38;
	[tilespmem:$0xD400] =	vst v63  }
0x1e6: {  	s8 =	simm.s32 $0x4E00;
	s9 =	sld [smem:$0x76F]  }
0x1e7: {  	[tilespmem:s8], [sflag:$0x1] =	stream.linear.gather [hbm4b:s7+s2], $0x80, $0x38;
	[tilespmem:$0xD400] =	vst v63  }
0x1e8: {  	s10 =	simm.s32 $0x4280;
	s7 =	sld [smem:$0x7EB]  }
0x1e9: {  	[tilespmem:s10], [sflag:$0x1] =	stream.linear.gather [hbm4b:s9+s2], $0x80, $0x38;
	[tilespmem:$0xD400] =	vst v63  }
0x1ea: {  	s8 =	simm.s32 $0x4680;
	s9 =	sld [smem:$0x7EC]  }
0x1eb: {  	[tilespmem:s8], [sflag:$0x1] =	stream.linear.gather [hbm4b:s7+s2], $0x80, $0x38;
	[tilespmem:$0xD400] =	vst v63  }
0x1ec: {  	s10 =	simm.s32 $0x4A80;
	s7 =	sld [smem:$0x7ED]  }
0x1ed: {  	[tilespmem:s10], [sflag:$0x1] =	stream.linear.gather [hbm4b:s9+s2], $0x80, $0x38;
	[tilespmem:$0xD400] =	vst v63  }
0x1ee: {  	s8 =	simm.s32 $0x4E80;
	s9 =	sld [smem:$0x770]  }
0x1ef: {  	[tilespmem:s8], [sflag:$0x1] =	stream.linear.gather [hbm4b:s7+s2], $0x80, $0x38;
	[tilespmem:$0xD400] =	vst v63  }
0x1f0: {  	s10 =	simm.s32 $0x4300;
	s7 =	sld [smem:$0x7EE]  }
0x1f1: {  	[tilespmem:s10], [sflag:$0x1] =	stream.linear.gather [hbm4b:s9+s2], $0x80, $0x38;
	[tilespmem:$0xD400] =	vst v63  }
0x1f2: {  	s8 =	simm.s32 $0x4700;
	s9 =	sld [smem:$0x7EF]  }
0x1f3: {  	[tilespmem:s8], [sflag:$0x1] =	stream.linear.gather [hbm4b:s7+s2], $0x80, $0x38;
	[tilespmem:$0xD400] =	vst v63  }
0x1f4: {  	s10 =	simm.s32 $0x4B00;
	s7 =	sld [smem:$0x7F0]  }
0x1f5: {  	[tilespmem:s10], [sflag:$0x1] =	stream.linear.gather [hbm4b:s9+s2], $0x80, $0x38;
	[tilespmem:$0xD400] =	vst v63  }
0x1f6: {  	s8 =	simm.s32 $0x4F00;
	s9 =	sld [smem:$0x771]  }
0x1f7: {  	[tilespmem:s8], [sflag:$0x1] =	stream.linear.gather [hbm4b:s7+s2], $0x80, $0x38;
	[tilespmem:$0xD400] =	vst v63  }
0x1f8: {  	s10 =	simm.s32 $0x4380;
	s7 =	sld [smem:$0x7F1]  }
0x1f9: {  	[tilespmem:s10], [sflag:$0x1] =	stream.linear.gather [hbm4b:s9+s2], $0x80, $0x38;
	[tilespmem:$0xD400] =	vst v63  }
0x1fa: {  	s8 =	simm.s32 $0x4780;
	s9 =	sld [smem:$0x7F2]  }
0x1fb: {  	[tilespmem:s8], [sflag:$0x1] =	stream.linear.gather [hbm4b:s7+s2], $0x80, $0x38;
	[tilespmem:$0xD400] =	vst v63  }
0x1fc: {  	s10 =	simm.s32 $0x4B80;
	s7 =	sld [smem:$0x7F3]  }
0x1fd: {  	[tilespmem:s10], [sflag:$0x1] =	stream.linear.gather [hbm4b:s9+s2], $0x80, $0x38;
	[tilespmem:$0xD400] =	vst v63  }
0x1fe: {  	s8 =	simm.s32 $0x4F80;
	s9 =	sld [smem:$0x772]  }
0x1ff: {  	[tilespmem:s8], [sflag:$0x1] =	stream.linear.gather [hbm4b:s7+s2], $0x80, $0x38;
	[tilespmem:$0xD400] =	vst v63  }
0x200: {  	s10 =	simm.s32 $0x5000;
	s7 =	sld [smem:$0x7F4]  }
0x201: {  	[tilespmem:s10], [sflag:$0x1] =	stream.linear.gather [hbm4b:s9+s2], $0x80, $0x38;
	[tilespmem:$0xD400] =	vst v63  }
0x202: {  	s8 =	simm.s32 $0x5400;
	s9 =	sld [smem:$0x7F5]  }
0x203: {  	[tilespmem:s8], [sflag:$0x1] =	stream.linear.gather [hbm4b:s7+s2], $0x80, $0x38;
	[tilespmem:$0xD400] =	vst v63  }
0x204: {  	s10 =	simm.s32 $0x5800;
	s7 =	sld [smem:$0x7F6]  }
0x205: {  	[tilespmem:s10], [sflag:$0x1] =	stream.linear.gather [hbm4b:s9+s2], $0x80, $0x38;
	[tilespmem:$0xD400] =	vst v63  }
0x206: {  	s8 =	simm.s32 $0x5C00;
	s9 =	sld [smem:$0x773]  }
0x207: {  	[tilespmem:s8], [sflag:$0x1] =	stream.linear.gather [hbm4b:s7+s2], $0x80, $0x38;
	[tilespmem:$0xD400] =	vst v63  }
0x208: {  	s10 =	simm.s32 $0x5080;
	s7 =	sld [smem:$0x7F7]  }
0x209: {  	[tilespmem:s10], [sflag:$0x1] =	stream.linear.gather [hbm4b:s9+s2], $0x80, $0x38;
	[tilespmem:$0xD400] =	vst v63  }
0x20a: {  	s8 =	simm.s32 $0x5480;
	s9 =	sld [smem:$0x7F8]  }
0x20b: {  	[tilespmem:s8], [sflag:$0x1] =	stream.linear.gather [hbm4b:s7+s2], $0x80, $0x38;
	[tilespmem:$0xD400] =	vst v63  }
0x20c: {  	s10 =	simm.s32 $0x5880;
	s7 =	sld [smem:$0x7F9]  }
0x20d: {  	[tilespmem:s10], [sflag:$0x1] =	stream.linear.gather [hbm4b:s9+s2], $0x80, $0x38;
	[tilespmem:$0xD400] =	vst v63  }
0x20e: {  	s8 =	simm.s32 $0x5C80;
	s9 =	sld [smem:$0x774]  }
0x20f: {  	[tilespmem:s8], [sflag:$0x1] =	stream.linear.gather [hbm4b:s7+s2], $0x80, $0x38;
	[tilespmem:$0xD400] =	vst v63  }
0x210: {  	s10 =	simm.s32 $0x5100;
	s7 =	sld [smem:$0x7FA]  }
0x211: {  	[tilespmem:s10], [sflag:$0x1] =	stream.linear.gather [hbm4b:s9+s2], $0x80, $0x38;
	[tilespmem:$0xD400] =	vst v63  }
0x212: {  	s8 =	simm.s32 $0x5500;
	s9 =	sld [smem:$0x7FB]  }
0x213: {  	[tilespmem:s8], [sflag:$0x1] =	stream.linear.gather [hbm4b:s7+s2], $0x80, $0x38;
	[tilespmem:$0xD400] =	vst v63  }
0x214: {  	s10 =	simm.s32 $0x5900;
	s7 =	sld [smem:$0x7FC]  }
0x215: {  	[tilespmem:s10], [sflag:$0x1] =	stream.linear.gather [hbm4b:s9+s2], $0x80, $0x38;
	[tilespmem:$0xD400] =	vst v63  }
0x216: {  	s8 =	simm.s32 $0x5D00;
	s9 =	sld [smem:$0x775]  }
0x217: {  	[tilespmem:s8], [sflag:$0x1] =	stream.linear.gather [hbm4b:s7+s2], $0x80, $0x38;
	[tilespmem:$0xD400] =	vst v63  }
0x218: {  	s10 =	simm.s32 $0x5180;
	s7 =	sld [smem:$0x7FD]  }
0x219: {  	[tilespmem:s10], [sflag:$0x1] =	stream.linear.gather [hbm4b:s9+s2], $0x80, $0x38;
	[tilespmem:$0xD400] =	vst v63  }
0x21a: {  	s8 =	simm.s32 $0x5580  }
0x21b: {  	[tilespmem:s8], [sflag:$0x1] =	stream.linear.gather [hbm4b:s7+s2], $0x80, $0x38;
	[tilespmem:$0xD400] =	vst v63  }
0x21c: {  	s9 =	simm.s32 $0x5980  }
0x21d: {  	[tilespmem:s9], [sflag:$0x1] =	stream.linear.gather [hbm4b:s11+s2], $0x80, $0x38;
	[tilespmem:$0xD400] =	vst v63  }
0x21e: {  	s10 =	simm.s32 $0x5D80;
	s7 =	sld [smem:$0x776]  }
0x21f: {  	[tilespmem:s10], [sflag:$0x1] =	stream.linear.gather [hbm4b:s12+s2], $0x80, $0x38;
	[tilespmem:$0xD400] =	vst v63  }
0x220: {  	s8 =	simm.s32 $0x5200  }
0x221: {  	[tilespmem:s8], [sflag:$0x1] =	stream.linear.gather [hbm4b:s7+s2], $0x80, $0x38;
	[tilespmem:$0xD400] =	vst v63  }
0x222: {  	s9 =	simm.s32 $0x5600  }
0x223: {  	[tilespmem:s9], [sflag:$0x1] =	stream.linear.gather [hbm4b:s13+s2], $0x80, $0x38;
	[tilespmem:$0xD400] =	vst v63  }
0x224: {  	s10 =	simm.s32 $0x5A00  }
0x225: {  	[tilespmem:s10], [sflag:$0x1] =	stream.linear.gather [hbm4b:s14+s2], $0x80, $0x38;
	[tilespmem:$0xD400] =	vst v63  }
0x226: {  	s7 =	simm.s32 $0x5E00;
	s8 =	sld [smem:$0x777]  }
0x227: {  	[tilespmem:s7], [sflag:$0x1] =	stream.linear.gather [hbm4b:s15+s2], $0x80, $0x38;
	[tilespmem:$0xD400] =	vst v63  }
0x228: {  	s9 =	simm.s32 $0x5280  }
0x229: {  	[tilespmem:s9], [sflag:$0x1] =	stream.linear.gather [hbm4b:s8+s2], $0x80, $0x38;
	[tilespmem:$0xD400] =	vst v63  }
0x22a: {  	s10 =	simm.s32 $0x5680  }
0x22b: {  	[tilespmem:s10], [sflag:$0x1] =	stream.linear.gather [hbm4b:s16+s2], $0x80, $0x38;
	[tilespmem:$0xD400] =	vst v63  }
0x22c: {  	s7 =	simm.s32 $0x5A80  }
0x22d: {  	[tilespmem:s7], [sflag:$0x1] =	stream.linear.gather [hbm4b:s17+s2], $0x80, $0x38;
	[tilespmem:$0xD400] =	vst v63  }
0x22e: {  	s8 =	simm.s32 $0x5E80;
	s9 =	sld [smem:$0x778]  }
0x22f: {  	[tilespmem:s8], [sflag:$0x1] =	stream.linear.gather [hbm4b:s18+s2], $0x80, $0x38;
	[tilespmem:$0xD400] =	vst v63  }
0x230: {  	s10 =	simm.s32 $0x5300  }
0x231: {  	[tilespmem:s10], [sflag:$0x1] =	stream.linear.gather [hbm4b:s9+s2], $0x80, $0x38;
	[tilespmem:$0xD400] =	vst v63  }
0x232: {  	s8 =	simm.s32 $0x5700  }
0x233: {  	[tilespmem:s8], [sflag:$0x1] =	stream.linear.gather [hbm4b:s19+s2], $0x80, $0x38;
	[tilespmem:$0xD400] =	vst v63  }
0x234: {  	s9 =	simm.s32 $0x5B00  }
0x235: {  	[tilespmem:s9], [sflag:$0x1] =	stream.linear.gather [hbm4b:s20+s2], $0x80, $0x38;
	[tilespmem:$0xD400] =	vst v63  }
0x236: {  	s7 =	sld [smem:$0x779];
	s10 =	simm.s32 $0x5F00  }
0x237: {  	[tilespmem:s10], [sflag:$0x1] =	stream.linear.gather [hbm4b:s21+s2], $0x80, $0x38;
	[tilespmem:$0xD400] =	vst v63  }
0x238: {  	s8 =	simm.s32 $0x5380  }
0x239: {  	[tilespmem:s8], [sflag:$0x1] =	stream.linear.gather [hbm4b:s7+s2], $0x80, $0x38;
	[tilespmem:$0xD400] =	vst v63  }
0x23a: {  	s9 =	simm.s32 $0x5780  }
0x23b: {  	[tilespmem:s9], [sflag:$0x1] =	stream.linear.gather [hbm4b:s22+s2], $0x80, $0x38;
	[tilespmem:$0xD400] =	vst v63  }
0x23c: {  	s10 =	simm.s32 $0x5B80  }
0x23d: {  	[tilespmem:s10], [sflag:$0x1] =	stream.linear.gather [hbm4b:s23+s2], $0x80, $0x38;
	[tilespmem:$0xD400] =	vst v63  }
0x23e: {  	s7 =	simm.s32 $0x5F80;
	s8 =	sld [smem:$0x77A]  }
0x23f: {  	[tilespmem:s7], [sflag:$0x1] =	stream.linear.gather [hbm4b:s24+s2], $0x80, $0x38;
	[tilespmem:$0xD400] =	vst v63  }
0x240: {  	s9 =	simm.s32 $0x6000  }
0x241: {  	[tilespmem:s9], [sflag:$0x1] =	stream.linear.gather [hbm4b:s8+s2], $0x80, $0x38;
	[tilespmem:$0xD400] =	vst v63  }
0x242: {  	s10 =	simm.s32 $0x6400  }
0x243: {  	[tilespmem:s10], [sflag:$0x1] =	stream.linear.gather [hbm4b:s25+s2], $0x80, $0x38;
	[tilespmem:$0xD400] =	vst v63  }
0x244: {  	s7 =	simm.s32 $0x6800  }
0x245: {  	[tilespmem:s7], [sflag:$0x1] =	stream.linear.gather [hbm4b:s26+s2], $0x80, $0x38;
	[tilespmem:$0xD400] =	vst v63  }
0x246: {  	s8 =	simm.s32 $0x6C00;
	s9 =	sld [smem:$0x77B]  }
0x247: {  	[tilespmem:s8], [sflag:$0x1] =	stream.linear.gather [hbm4b:s28+s2], $0x80, $0x38;
	[tilespmem:$0xD400] =	vst v63  }
0x248: {  	s10 =	simm.s32 $0x6080  }
0x249: {  	[tilespmem:s10], [sflag:$0x1] =	stream.linear.gather [hbm4b:s9+s2], $0x80, $0x38;
	[tilespmem:$0xD400] =	vst v63  }
0x24a: {  	s8 =	simm.s32 $0x6480  }
0x24b: {  	[tilespmem:s8], [sflag:$0x1] =	stream.linear.gather [hbm4b:s29+s2], $0x80, $0x38;
	[tilespmem:$0xD400] =	vst v63  }
0x24c: {  	s9 =	simm.s32 $0x6880  }
0x24d: {  	[tilespmem:s9], [sflag:$0x1] =	stream.linear.gather [hbm4b:s30+s2], $0x80, $0x38;
	[tilespmem:$0xD400] =	vst v63  }
0x24e: {  	s10 =	simm.s32 $0x6C80  }
0x24f: {  	[tilespmem:s10], [sflag:$0x1] =	stream.linear.gather [hbm4b:s31+s2], $0x80, $0x38;
	[tilespmem:$0xD400] =	vst v63  }
0x250: {  	_ =	swait.ge [sflag:s1], $0x200  }
0x251: {  	[sflag:s1] =	ssyncset.done $0x0  }
0x252: {  	[sflag:s1] =	ssyncadd.s32 $0xFFFFFE00  }
0x253: {  	_ =	swait.ge [sflag:s1], $0x200  }
0x254: {  	[sflag:s1] =	ssyncset.done $0x0  }
0x255: {  	[sflag:s1] =	ssyncadd.s32 $0xFFFFFE00  }
0x256: {  	_ =	swait.ge [sflag:s1], $0x200  }
0x257: {  	[sflag:s1] =	ssyncset.done $0x0  }
0x258: {  	[sflag:s1] =	ssyncadd.s32 $0xFFFFFE00  }
0x259: {  	_ =	swait.ge [sflag:s1], $0x200  }
0x25a: {  	[sflag:s1] =	ssyncset.done $0x0  }
0x25b: {  	[sflag:s1] =	ssyncadd.s32 $0xFFFFFE00  }
0x25c: {  	_ =	swait.ge [sflag:s1], $0x200  }
0x25d: {  	[sflag:s1] =	ssyncset.done $0x0  }
0x25e: {  	[sflag:s1] =	ssyncadd.s32 $0xFFFFFE00  }
0x25f: {  	_ =	swait.ge [sflag:s1], $0x200  }
0x260: {  	[sflag:s1] =	ssyncset.done $0x0  }
0x261: {  	[sflag:s1] =	ssyncadd.s32 $0xFFFFFE00  }
0x262: {  	_ =	swait.ge [sflag:s1], $0x200  }
0x263: {  	[sflag:s1] =	ssyncset.done $0x0  }
0x264: {  	[sflag:s1] =	ssyncadd.s32 $0xFFFFFE00  }
0x265: {  	_ =	swait.ge [sflag:s1], $0x200  }
0x266: {  	[sflag:s1] =	ssyncset.done $0x0  }
0x267: {  	[sflag:s1] =	ssyncadd.s32 $0xFFFFFE00  }
0x268: {  	_ =	swait.ge [sflag:s1], $0x200  }
0x269: {  	[sflag:s1] =	ssyncset.done $0x0  }
0x26a: {  	[sflag:s1] =	ssyncadd.s32 $0xFFFFFE00  }
0x26b: {  	_ =	swait.ge [sflag:s1], $0x200  }
0x26c: {  	[sflag:s1] =	ssyncset.done $0x0  }
0x26d: {  	[sflag:s1] =	ssyncadd.s32 $0xFFFFFE00  }
0x26e: {  	_ =	swait.ge [sflag:s1], $0x200  }
0x26f: {  	[sflag:s1] =	ssyncset.done $0x0  }
0x270: {  	[sflag:s1] =	ssyncadd.s32 $0xFFFFFE00  }
0x271: {  	_ =	swait.ge [sflag:s1], $0x200  }
0x272: {  	[sflag:s1] =	ssyncset.done $0x0  }
0x273: {  	[sflag:s1] =	ssyncadd.s32 $0xFFFFFE00  }
0x274: {  	_ =	swait.ge [sflag:s1], $0x200  }
0x275: {  	[sflag:s1] =	ssyncset.done $0x0  }
0x276: {  	[sflag:s1] =	ssyncadd.s32 $0xFFFFFE00  }
0x277: {  	_ =	swait.ge [sflag:s1], $0x200  }
0x278: {  	[sflag:s1] =	ssyncset.done $0x0  }
0x279: {  	[sflag:s1] =	ssyncadd.s32 $0xFFFFFE00  }
0x27a: {  	_ =	swait.ge [sflag:s1], $0x200  }
0x27b: {  	[sflag:s1] =	ssyncset.done $0x0  }
0x27c: {  	[sflag:s1] =	ssyncadd.s32 $0xFFFFFE00  }
0x27d: {  	_ =	swait.ge [sflag:s1], $0x200  }
0x27e: {  	[sflag:s1] =	ssyncset.done $0x0  }
0x27f: {  	[sflag:s1] =	ssyncadd.s32 $0xFFFFFE00  }
0x280: {  	_ =	swait.ge [sflag:s1], $0x200  }
0x281: {  	[sflag:s1] =	ssyncset.done $0x0  }
0x282: {  	[sflag:s1] =	ssyncadd.s32 $0xFFFFFE00  }
0x283: {  	_ =	swait.ge [sflag:s1], $0x200  }
0x284: {  	[sflag:s1] =	ssyncset.done $0x0  }
0x285: {  	[sflag:s1] =	ssyncadd.s32 $0xFFFFFE00  }
0x286: {  	_ =	swait.ge [sflag:s1], $0x200  }
0x287: {  	[sflag:s1] =	ssyncset.done $0x0  }
0x288: {  	[sflag:s1] =	ssyncadd.s32 $0xFFFFFE00  }
0x289: {  	_ =	swait.ge [sflag:s1], $0x200  }
0x28a: {  	[sflag:s1] =	ssyncset.done $0x0  }
0x28b: {  	[sflag:s1] =	ssyncadd.s32 $0xFFFFFE00  }
0x28c: {  	_ =	swait.ge [sflag:s1], $0x200  }
0x28d: {  	[sflag:s1] =	ssyncset.done $0x0  }
0x28e: {  	[sflag:s1] =	ssyncadd.s32 $0xFFFFFE00  }
0x28f: {  	_ =	swait.ge [sflag:s1], $0x200  }
0x290: {  	[sflag:s1] =	ssyncset.done $0x0  }
0x291: {  	[sflag:s1] =	ssyncadd.s32 $0xFFFFFE00  }
0x292: {  	_ =	swait.ge [sflag:s1], $0x200  }
0x293: {  	[sflag:s1] =	ssyncset.done $0x0  }
0x294: {  	[sflag:s1] =	ssyncadd.s32 $0xFFFFFE00  }
0x295: {  	_ =	swait.ge [sflag:s1], $0x200  }
0x296: {  	[sflag:s1] =	ssyncset.done $0x0  }
0x297: {  	[sflag:s1] =	ssyncadd.s32 $0xFFFFFE00  }
0x298: {  	_ =	swait.ge [sflag:s1], $0x200  }
0x299: {  	[sflag:s1] =	ssyncset.done $0x0  }
0x29a: {  	[sflag:s1] =	ssyncadd.s32 $0xFFFFFE00  }
0x29b: {  	_ =	swait.ge [sflag:s1], $0x200  }
0x29c: {  	[sflag:s1] =	ssyncset.done $0x0  }
0x29d: {  	[sflag:s1] =	ssyncadd.s32 $0xFFFFFE00  }
0x29e: {  	_ =	swait.ge [sflag:s1], $0x200  }
0x29f: {  	[sflag:s1] =	ssyncset.done $0x0  }
0x2a0: {  	[sflag:s1] =	ssyncadd.s32 $0xFFFFFE00  }
0x2a1: {  	_ =	swait.ge [sflag:s1], $0x200  }
0x2a2: {  	[sflag:s1] =	ssyncset.done $0x0  }
0x2a3: {  	[sflag:s1] =	ssyncadd.s32 $0xFFFFFE00  }
0x2a4: {  	_ =	swait.ge [sflag:s1], $0x200  }
0x2a5: {  	[sflag:s1] =	ssyncset.done $0x0  }
0x2a6: {  	[sflag:s1] =	ssyncadd.s32 $0xFFFFFE00  }
0x2a7: {  	_ =	swait.ge [sflag:s1], $0x200  }
0x2a8: {  	[sflag:s1] =	ssyncset.done $0x0  }
0x2a9: {  	[sflag:s1] =	ssyncadd.s32 $0xFFFFFE00  }
0x2aa: {  	_ =	swait.ge [sflag:s1], $0x200  }
0x2ab: {  	[sflag:s1] =	ssyncset.done $0x0  }
0x2ac: {  	[sflag:s1] =	ssyncadd.s32 $0xFFFFFE00  }
0x2ad: {  	_ =	swait.ge [sflag:s1], $0x200  }
0x2ae: {  	[sflag:s1] =	ssyncset.done $0x0  }
0x2af: {  	[sflag:s1] =	ssyncadd.s32 $0xFFFFFE00  }
0x2b0: {  	_ =	swait.ge [sflag:s1], $0x200  }
0x2b1: {  	[sflag:s1] =	ssyncset.done $0x0  }
0x2b2: {  	[sflag:s1] =	ssyncadd.s32 $0xFFFFFE00  }
0x2b3: {  	_ =	swait.ge [sflag:s1], $0x200  }
0x2b4: {  	[sflag:s1] =	ssyncset.done $0x0  }
0x2b5: {  	[sflag:s1] =	ssyncadd.s32 $0xFFFFFE00  }
0x2b6: {  	_ =	swait.ge [sflag:s1], $0x200  }
0x2b7: {  	[sflag:s1] =	ssyncset.done $0x0  }
0x2b8: {  	[sflag:s1] =	ssyncadd.s32 $0xFFFFFE00  }
0x2b9: {  	_ =	swait.ge [sflag:s1], $0x200  }
0x2ba: {  	[sflag:s1] =	ssyncset.done $0x0  }
0x2bb: {  	[sflag:s1] =	ssyncadd.s32 $0xFFFFFE00  }
0x2bc: {  	_ =	swait.ge [sflag:s1], $0x200  }
0x2bd: {  	[sflag:s1] =	ssyncset.done $0x0  }
0x2be: {  	[sflag:s1] =	ssyncadd.s32 $0xFFFFFE00  }
0x2bf: {  	_ =	swait.ge [sflag:s1], $0x200  }
0x2c0: {  	[sflag:s1] =	ssyncset.done $0x0  }
0x2c1: {  	[sflag:s1] =	ssyncadd.s32 $0xFFFFFE00  }
0x2c2: {  	_ =	swait.ge [sflag:s1], $0x200  }
0x2c3: {  	[sflag:s1] =	ssyncset.done $0x0  }
0x2c4: {  	[sflag:s1] =	ssyncadd.s32 $0xFFFFFE00  }
0x2c5: {  	_ =	swait.ge [sflag:s1], $0x200  }
0x2c6: {  	[sflag:s1] =	ssyncset.done $0x0  }
0x2c7: {  	[sflag:s1] =	ssyncadd.s32 $0xFFFFFE00  }
0x2c8: {  	_ =	swait.ge [sflag:s1], $0x200  }
0x2c9: {  	[sflag:s1] =	ssyncset.done $0x0  }
0x2ca: {  	[sflag:s1] =	ssyncadd.s32 $0xFFFFFE00  }
0x2cb: {  	_ =	swait.ge [sflag:s1], $0x200  }
0x2cc: {  	[sflag:s1] =	ssyncset.done $0x0  }
0x2cd: {  	[sflag:s1] =	ssyncadd.s32 $0xFFFFFE00  }
0x2ce: {  	_ =	swait.ge [sflag:s1], $0x200  }
0x2cf: {  	[sflag:s1] =	ssyncset.done $0x0  }
0x2d0: {  	[sflag:s1] =	ssyncadd.s32 $0xFFFFFE00  }
0x2d1: {  	_ =	swait.ge [sflag:s1], $0x200  }
0x2d2: {  	[sflag:s1] =	ssyncset.done $0x0  }
0x2d3: {  	[sflag:s1] =	ssyncadd.s32 $0xFFFFFE00  }
0x2d4: {  	_ =	swait.ge [sflag:s1], $0x200  }
0x2d5: {  	[sflag:s1] =	ssyncset.done $0x0  }
0x2d6: {  	[sflag:s1] =	ssyncadd.s32 $0xFFFFFE00  }
0x2d7: {  	_ =	swait.ge [sflag:s1], $0x200  }
0x2d8: {  	[sflag:s1] =	ssyncset.done $0x0  }
0x2d9: {  	[sflag:s1] =	ssyncadd.s32 $0xFFFFFE00  }
0x2da: {  	_ =	swait.ge [sflag:s1], $0x200  }
0x2db: {  	[sflag:s1] =	ssyncset.done $0x0  }
0x2dc: {  	[sflag:s1] =	ssyncadd.s32 $0xFFFFFE00  }
0x2dd: {  	_ =	swait.ge [sflag:s1], $0x200  }
0x2de: {  	[sflag:s1] =	ssyncset.done $0x0  }
0x2df: {  	[sflag:s1] =	ssyncadd.s32 $0xFFFFFE00  }
0x2e0: {  	_ =	swait.ge [sflag:s1], $0x200  }
0x2e1: {  	[sflag:s1] =	ssyncset.done $0x0  }
0x2e2: {  	[sflag:s1] =	ssyncadd.s32 $0xFFFFFE00  }
0x2e3: {  	_ =	swait.ge [sflag:s1], $0x200  }
0x2e4: {  	s6 =	simm.s32 $0x31;
	[sflag:s1] =	ssyncset.done $0x0  }
0x2e5: {  	s7 =	simm.s32 $0x0;
	s8 =	simm.s32 $0x0;
	[sflag:s1] =	ssyncadd.s32 $0xFFFFFE00  }
.LBB2_2:
0x2e6: {  	s9 =	sand.u32 $0x70, s7;
	s10 =	sand.u32 $0xC00, s8  }
0x2e7: {  	s9 =	sor.u32 s9, s10  }
0x2e8: {  	s10 =	sadd.s32 $0xFFFFFFCF, s6;
	v1 =	vld [tilespmem:s9+$0x0]  }
0x2e9: {  	v2 =	vadd.s32 s10, v0;
	_ =	sdelay $0x3  }
0x2ea: {  	v1 =	vshll.u32 v1, $0x1  }
0x2eb: {  	[tilespmem:v2+s0+$0x0] =	vst.idx.msk $0xffff, v1  }
0x2ec: {  	s10 =	sadd.s32 $0xFFFFFFD0, s6;
	v1 =	vld [tilespmem:s9+$0x80]  }
0x2ed: {  	v2 =	vadd.s32 s10, v0;
	_ =	sdelay $0x3  }
0x2ee: {  	v1 =	vshll.u32 v1, $0x1  }
0x2ef: {  	[tilespmem:v2+s0+$0x0] =	vst.idx.msk $0xffff, v1  }
0x2f0: {  	s10 =	sadd.s32 $0xFFFFFFD1, s6;
	v1 =	vld [tilespmem:s9+$0x100]  }
0x2f1: {  	v2 =	vadd.s32 s10, v0;
	_ =	sdelay $0x3  }
0x2f2: {  	v1 =	vshll.u32 v1, $0x1  }
0x2f3: {  	[tilespmem:v2+s0+$0x0] =	vst.idx.msk $0xffff, v1  }
0x2f4: {  	s10 =	sadd.s32 $0xFFFFFFD2, s6;
	v1 =	vld [tilespmem:s9+$0x180]  }
0x2f5: {  	v2 =	vadd.s32 s10, v0;
	_ =	sdelay $0x3  }
0x2f6: {  	v1 =	vshll.u32 v1, $0x1  }
0x2f7: {  	[tilespmem:v2+s0+$0x0] =	vst.idx.msk $0xffff, v1  }
0x2f8: {  	s10 =	sadd.s32 $0xFFFFFFD3, s6;
	v1 =	vld [tilespmem:s9+$0x200]  }
0x2f9: {  	v2 =	vadd.s32 s10, v0;
	_ =	sdelay $0x3  }
0x2fa: {  	v1 =	vshll.u32 v1, $0x1  }
0x2fb: {  	[tilespmem:v2+s0+$0x0] =	vst.idx.msk $0xffff, v1  }
0x2fc: {  	s10 =	sadd.s32 $0xFFFFFFD4, s6;
	v1 =	vld [tilespmem:s9+$0x280]  }
0x2fd: {  	v2 =	vadd.s32 s10, v0;
	_ =	sdelay $0x3  }
0x2fe: {  	v1 =	vshll.u32 v1, $0x1  }
0x2ff: {  	[tilespmem:v2+s0+$0x0] =	vst.idx.msk $0xffff, v1  }
0x300: {  	s10 =	sadd.s32 $0xFFFFFFD5, s6;
	v1 =	vld [tilespmem:s9+$0x300]  }
0x301: {  	v2 =	vadd.s32 s10, v0;
	_ =	sdelay $0x3  }
0x302: {  	s10 =	sor.u32 s8, s7;
	v1 =	vshll.u32 v1, $0x1  }
0x303: {  	s10 =	sor.u32 $0x380, s10;
	[tilespmem:v2+s0+$0x0] =	vst.idx.msk $0xffff, v1  }
0x304: {  	v1 =	vld [tilespmem:s10+$0x0];
	s10 =	sadd.s32 $0xFFFFFFD6, s6  }
0x305: {  	v2 =	vadd.s32 s10, v0;
	_ =	sdelay $0x3  }
0x306: {  	v1 =	vshll.u32 v1, $0x1  }
0x307: {  	[tilespmem:v2+s0+$0x0] =	vst.idx.msk $0xffff, v1  }
0x308: {  	s10 =	sadd.s32 $0xFFFFFFD7, s6;
	v1 =	vld [tilespmem:s9+$0x1000]  }
0x309: {  	v2 =	vadd.s32 s10, v0;
	_ =	sdelay $0x3  }
0x30a: {  	v1 =	vshll.u32 v1, $0x1  }
0x30b: {  	[tilespmem:v2+s0+$0x0] =	vst.idx.msk $0xffff, v1  }
0x30c: {  	s10 =	sadd.s32 $0xFFFFFFD8, s6;
	v1 =	vld [tilespmem:s9+$0x1080]  }
0x30d: {  	v2 =	vadd.s32 s10, v0;
	_ =	sdelay $0x3  }
0x30e: {  	v1 =	vshll.u32 v1, $0x1  }
0x30f: {  	[tilespmem:v2+s0+$0x0] =	vst.idx.msk $0xffff, v1  }
0x310: {  	s10 =	sadd.s32 $0xFFFFFFD9, s6;
	v1 =	vld [tilespmem:s9+$0x1100]  }
0x311: {  	v2 =	vadd.s32 s10, v0;
	_ =	sdelay $0x3  }
0x312: {  	v1 =	vshll.u32 v1, $0x1  }
0x313: {  	[tilespmem:v2+s0+$0x0] =	vst.idx.msk $0xffff, v1  }
0x314: {  	s10 =	sadd.s32 $0xFFFFFFDA, s6;
	v1 =	vld [tilespmem:s9+$0x1180]  }
0x315: {  	v2 =	vadd.s32 s10, v0;
	_ =	sdelay $0x3  }
0x316: {  	v1 =	vshll.u32 v1, $0x1  }
0x317: {  	[tilespmem:v2+s0+$0x0] =	vst.idx.msk $0xffff, v1  }
0x318: {  	s10 =	sadd.s32 $0xFFFFFFDB, s6;
	v1 =	vld [tilespmem:s9+$0x1200]  }
0x319: {  	v2 =	vadd.s32 s10, v0;
	_ =	sdelay $0x3  }
0x31a: {  	v1 =	vshll.u32 v1, $0x1  }
0x31b: {  	[tilespmem:v2+s0+$0x0] =	vst.idx.msk $0xffff, v1  }
0x31c: {  	s10 =	sadd.s32 $0xFFFFFFDC, s6;
	v1 =	vld [tilespmem:s9+$0x1280]  }
0x31d: {  	v2 =	vadd.s32 s10, v0;
	_ =	sdelay $0x3  }
0x31e: {  	v1 =	vshll.u32 v1, $0x1  }
0x31f: {  	[tilespmem:v2+s0+$0x0] =	vst.idx.msk $0xffff, v1  }
0x320: {  	s10 =	sadd.s32 $0xFFFFFFDD, s6;
	v1 =	vld [tilespmem:s9+$0x1300]  }
0x321: {  	v2 =	vadd.s32 s10, v0;
	_ =	sdelay $0x3  }
0x322: {  	v1 =	vshll.u32 v1, $0x1  }
0x323: {  	[tilespmem:v2+s0+$0x0] =	vst.idx.msk $0xffff, v1  }
0x324: {  	s10 =	sadd.s32 $0xFFFFFFDE, s6;
	v1 =	vld [tilespmem:s9+$0x1380]  }
0x325: {  	v2 =	vadd.s32 s10, v0;
	_ =	sdelay $0x3  }
0x326: {  	v1 =	vshll.u32 v1, $0x1  }
0x327: {  	[tilespmem:v2+s0+$0x0] =	vst.idx.msk $0xffff, v1  }
0x328: {  	s10 =	sadd.s32 $0xFFFFFFDF, s6;
	v1 =	vld [tilespmem:s9+$0x2000]  }
0x329: {  	v2 =	vadd.s32 s10, v0;
	_ =	sdelay $0x3  }
0x32a: {  	v1 =	vshll.u32 v1, $0x1  }
0x32b: {  	[tilespmem:v2+s0+$0x0] =	vst.idx.msk $0xffff, v1  }
0x32c: {  	s10 =	sadd.s32 $0xFFFFFFE0, s6;
	v1 =	vld [tilespmem:s9+$0x2080]  }
0x32d: {  	v2 =	vadd.s32 s10, v0;
	_ =	sdelay $0x3  }
0x32e: {  	v1 =	vshll.u32 v1, $0x1  }
0x32f: {  	[tilespmem:v2+s0+$0x0] =	vst.idx.msk $0xffff, v1  }
0x330: {  	s10 =	sadd.s32 $0xFFFFFFE1, s6;
	v1 =	vld [tilespmem:s9+$0x2100]  }
0x331: {  	v2 =	vadd.s32 s10, v0;
	_ =	sdelay $0x3  }
0x332: {  	v1 =	vshll.u32 v1, $0x1  }
0x333: {  	[tilespmem:v2+s0+$0x0] =	vst.idx.msk $0xffff, v1  }
0x334: {  	s10 =	sadd.s32 $0xFFFFFFE2, s6;
	v1 =	vld [tilespmem:s9+$0x2180]  }
0x335: {  	v2 =	vadd.s32 s10, v0;
	_ =	sdelay $0x3  }
0x336: {  	v1 =	vshll.u32 v1, $0x1  }
0x337: {  	[tilespmem:v2+s0+$0x0] =	vst.idx.msk $0xffff, v1  }
0x338: {  	s10 =	sadd.s32 $0xFFFFFFE3, s6;
	v1 =	vld [tilespmem:s9+$0x2200]  }
0x339: {  	v2 =	vadd.s32 s10, v0;
	_ =	sdelay $0x3  }
0x33a: {  	v1 =	vshll.u32 v1, $0x1  }
0x33b: {  	[tilespmem:v2+s0+$0x0] =	vst.idx.msk $0xffff, v1  }
0x33c: {  	s10 =	sadd.s32 $0xFFFFFFE4, s6;
	v1 =	vld [tilespmem:s9+$0x2280]  }
0x33d: {  	v2 =	vadd.s32 s10, v0;
	_ =	sdelay $0x3  }
0x33e: {  	v1 =	vshll.u32 v1, $0x1  }
0x33f: {  	[tilespmem:v2+s0+$0x0] =	vst.idx.msk $0xffff, v1  }
0x340: {  	s10 =	sadd.s32 $0xFFFFFFE5, s6;
	v1 =	vld [tilespmem:s9+$0x2300]  }
0x341: {  	v2 =	vadd.s32 s10, v0;
	_ =	sdelay $0x3  }
0x342: {  	v1 =	vshll.u32 v1, $0x1  }
0x343: {  	[tilespmem:v2+s0+$0x0] =	vst.idx.msk $0xffff, v1  }
0x344: {  	s10 =	sadd.s32 $0xFFFFFFE6, s6;
	v1 =	vld [tilespmem:s9+$0x2380]  }
0x345: {  	v2 =	vadd.s32 s10, v0;
	_ =	sdelay $0x3  }
0x346: {  	v1 =	vshll.u32 v1, $0x1  }
0x347: {  	[tilespmem:v2+s0+$0x0] =	vst.idx.msk $0xffff, v1  }
0x348: {  	s10 =	sadd.s32 $0xFFFFFFE7, s6;
	v1 =	vld [tilespmem:s9+$0x3000]  }
0x349: {  	v2 =	vadd.s32 s10, v0;
	_ =	sdelay $0x3  }
0x34a: {  	v1 =	vshll.u32 v1, $0x1  }
0x34b: {  	[tilespmem:v2+s0+$0x0] =	vst.idx.msk $0xffff, v1  }
0x34c: {  	s10 =	sadd.s32 $0xFFFFFFE8, s6;
	v1 =	vld [tilespmem:s9+$0x3080]  }
0x34d: {  	v2 =	vadd.s32 s10, v0;
	_ =	sdelay $0x3  }
0x34e: {  	v1 =	vshll.u32 v1, $0x1  }
0x34f: {  	[tilespmem:v2+s0+$0x0] =	vst.idx.msk $0xffff, v1  }
0x350: {  	s10 =	sadd.s32 $0xFFFFFFE9, s6;
	v1 =	vld [tilespmem:s9+$0x3100]  }
0x351: {  	v2 =	vadd.s32 s10, v0;
	_ =	sdelay $0x3  }
0x352: {  	v1 =	vshll.u32 v1, $0x1  }
0x353: {  	[tilespmem:v2+s0+$0x0] =	vst.idx.msk $0xffff, v1  }
0x354: {  	s10 =	sadd.s32 $0xFFFFFFEA, s6;
	v1 =	vld [tilespmem:s9+$0x3180]  }
0x355: {  	v2 =	vadd.s32 s10, v0;
	_ =	sdelay $0x3  }
0x356: {  	v1 =	vshll.u32 v1, $0x1  }
0x357: {  	[tilespmem:v2+s0+$0x0] =	vst.idx.msk $0xffff, v1  }
0x358: {  	s10 =	sadd.s32 $0xFFFFFFEB, s6;
	v1 =	vld [tilespmem:s9+$0x3200]  }
0x359: {  	v2 =	vadd.s32 s10, v0;
	_ =	sdelay $0x3  }
0x35a: {  	v1 =	vshll.u32 v1, $0x1  }
0x35b: {  	[tilespmem:v2+s0+$0x0] =	vst.idx.msk $0xffff, v1  }
0x35c: {  	s10 =	sadd.s32 $0xFFFFFFEC, s6;
	v1 =	vld [tilespmem:s9+$0x3280]  }
0x35d: {  	v2 =	vadd.s32 s10, v0;
	_ =	sdelay $0x3  }
0x35e: {  	v1 =	vshll.u32 v1, $0x1  }
0x35f: {  	[tilespmem:v2+s0+$0x0] =	vst.idx.msk $0xffff, v1  }
0x360: {  	s10 =	sadd.s32 $0xFFFFFFED, s6;
	v1 =	vld [tilespmem:s9+$0x3300]  }
0x361: {  	v2 =	vadd.s32 s10, v0;
	_ =	sdelay $0x3  }
0x362: {  	v1 =	vshll.u32 v1, $0x1  }
0x363: {  	[tilespmem:v2+s0+$0x0] =	vst.idx.msk $0xffff, v1  }
0x364: {  	s10 =	sadd.s32 $0xFFFFFFEE, s6;
	v1 =	vld [tilespmem:s9+$0x3380]  }
0x365: {  	v2 =	vadd.s32 s10, v0;
	_ =	sdelay $0x3  }
0x366: {  	v1 =	vshll.u32 v1, $0x1  }
0x367: {  	[tilespmem:v2+s0+$0x0] =	vst.idx.msk $0xffff, v1  }
0x368: {  	s10 =	sadd.s32 $0xFFFFFFEF, s6;
	v1 =	vld [tilespmem:s9+$0x4000]  }
0x369: {  	v2 =	vadd.s32 s10, v0;
	_ =	sdelay $0x3  }
0x36a: {  	v1 =	vshll.u32 v1, $0x1  }
0x36b: {  	[tilespmem:v2+s0+$0x0] =	vst.idx.msk $0xffff, v1  }
0x36c: {  	s10 =	sadd.s32 $0xFFFFFFF0, s6;
	v1 =	vld [tilespmem:s9+$0x4080]  }
0x36d: {  	v2 =	vadd.s32 s10, v0;
	_ =	sdelay $0x3  }
0x36e: {  	v1 =	vshll.u32 v1, $0x1  }
0x36f: {  	[tilespmem:v2+s0+$0x0] =	vst.idx.msk $0xffff, v1  }
0x370: {  	s10 =	sadd.s32 $0xFFFFFFF1, s6;
	v1 =	vld [tilespmem:s9+$0x4100]  }
0x371: {  	v2 =	vadd.s32 s10, v0;
	_ =	sdelay $0x3  }
0x372: {  	v1 =	vshll.u32 v1, $0x1  }
0x373: {  	[tilespmem:v2+s0+$0x0] =	vst.idx.msk $0xffff, v1  }
0x374: {  	s10 =	sadd.s32 $0xFFFFFFF2, s6;
	v1 =	vld [tilespmem:s9+$0x4180]  }
0x375: {  	v2 =	vadd.s32 s10, v0;
	_ =	sdelay $0x3  }
0x376: {  	v1 =	vshll.u32 v1, $0x1  }
0x377: {  	[tilespmem:v2+s0+$0x0] =	vst.idx.msk $0xffff, v1  }
0x378: {  	s10 =	sadd.s32 $0xFFFFFFF3, s6;
	v1 =	vld [tilespmem:s9+$0x4200]  }
0x379: {  	v2 =	vadd.s32 s10, v0;
	_ =	sdelay $0x3  }
0x37a: {  	v1 =	vshll.u32 v1, $0x1  }
0x37b: {  	[tilespmem:v2+s0+$0x0] =	vst.idx.msk $0xffff, v1  }
0x37c: {  	s10 =	sadd.s32 $0xFFFFFFF4, s6;
	v1 =	vld [tilespmem:s9+$0x4280]  }
0x37d: {  	v2 =	vadd.s32 s10, v0;
	_ =	sdelay $0x3  }
0x37e: {  	v1 =	vshll.u32 v1, $0x1  }
0x37f: {  	[tilespmem:v2+s0+$0x0] =	vst.idx.msk $0xffff, v1  }
0x380: {  	s10 =	sadd.s32 $0xFFFFFFF5, s6;
	v1 =	vld [tilespmem:s9+$0x4300]  }
0x381: {  	v2 =	vadd.s32 s10, v0;
	_ =	sdelay $0x3  }
0x382: {  	v1 =	vshll.u32 v1, $0x1  }
0x383: {  	[tilespmem:v2+s0+$0x0] =	vst.idx.msk $0xffff, v1  }
0x384: {  	s10 =	sadd.s32 $0xFFFFFFF6, s6;
	v1 =	vld [tilespmem:s9+$0x4380]  }
0x385: {  	v2 =	vadd.s32 s10, v0;
	_ =	sdelay $0x3  }
0x386: {  	v1 =	vshll.u32 v1, $0x1  }
0x387: {  	[tilespmem:v2+s0+$0x0] =	vst.idx.msk $0xffff, v1  }
0x388: {  	s10 =	sadd.s32 $0xFFFFFFF7, s6;
	v1 =	vld [tilespmem:s9+$0x5000]  }
0x389: {  	v2 =	vadd.s32 s10, v0;
	_ =	sdelay $0x3  }
0x38a: {  	v1 =	vshll.u32 v1, $0x1  }
0x38b: {  	[tilespmem:v2+s0+$0x0] =	vst.idx.msk $0xffff, v1  }
0x38c: {  	s10 =	sadd.s32 $0xFFFFFFF8, s6;
	v1 =	vld [tilespmem:s9+$0x5080]  }
0x38d: {  	v2 =	vadd.s32 s10, v0;
	_ =	sdelay $0x3  }
0x38e: {  	v1 =	vshll.u32 v1, $0x1  }
0x38f: {  	[tilespmem:v2+s0+$0x0] =	vst.idx.msk $0xffff, v1  }
0x390: {  	s10 =	sadd.s32 $0xFFFFFFF9, s6;
	v1 =	vld [tilespmem:s9+$0x5100]  }
0x391: {  	v2 =	vadd.s32 s10, v0;
	_ =	sdelay $0x3  }
0x392: {  	v1 =	vshll.u32 v1, $0x1  }
0x393: {  	[tilespmem:v2+s0+$0x0] =	vst.idx.msk $0xffff, v1  }
0x394: {  	s10 =	sadd.s32 $0xFFFFFFFA, s6;
	v1 =	vld [tilespmem:s9+$0x5180]  }
0x395: {  	v2 =	vadd.s32 s10, v0;
	_ =	sdelay $0x3  }
0x396: {  	v1 =	vshll.u32 v1, $0x1  }
0x397: {  	[tilespmem:v2+s0+$0x0] =	vst.idx.msk $0xffff, v1  }
0x398: {  	s10 =	sadd.s32 $0xFFFFFFFB, s6;
	v1 =	vld [tilespmem:s9+$0x5200]  }
0x399: {  	v2 =	vadd.s32 s10, v0;
	_ =	sdelay $0x3  }
0x39a: {  	v1 =	vshll.u32 v1, $0x1  }
0x39b: {  	[tilespmem:v2+s0+$0x0] =	vst.idx.msk $0xffff, v1  }
0x39c: {  	s10 =	sadd.s32 $0xFFFFFFFC, s6;
	v1 =	vld [tilespmem:s9+$0x5280]  }
0x39d: {  	v2 =	vadd.s32 s10, v0;
	_ =	sdelay $0x3  }
0x39e: {  	v1 =	vshll.u32 v1, $0x1  }
0x39f: {  	[tilespmem:v2+s0+$0x0] =	vst.idx.msk $0xffff, v1  }
0x3a0: {  	s10 =	sadd.s32 $0xFFFFFFFD, s6;
	v1 =	vld [tilespmem:s9+$0x5300]  }
0x3a1: {  	v2 =	vadd.s32 s10, v0;
	_ =	sdelay $0x3  }
0x3a2: {  	v1 =	vshll.u32 v1, $0x1  }
0x3a3: {  	[tilespmem:v2+s0+$0x0] =	vst.idx.msk $0xffff, v1  }
0x3a4: {  	s10 =	sadd.s32 $0xFFFFFFFE, s6;
	v1 =	vld [tilespmem:s9+$0x5380]  }
0x3a5: {  	v2 =	vadd.s32 s10, v0;
	_ =	sdelay $0x3  }
0x3a6: {  	v1 =	vshll.u32 v1, $0x1  }
0x3a7: {  	[tilespmem:v2+s0+$0x0] =	vst.idx.msk $0xffff, v1  }
0x3a8: {  	s10 =	sadd.s32 $0xFFFFFFFF, s6;
	v1 =	vld [tilespmem:s9+$0x6000]  }
0x3a9: {  	v2 =	vadd.s32 s10, v0;
	_ =	sdelay $0x3  }
0x3aa: {  	v1 =	vshll.u32 v1, $0x1  }
0x3ab: {  	[tilespmem:v2+s0+$0x0] =	vst.idx.msk $0xffff, v1  }
0x3ac: {  	v1 =	vld [tilespmem:s9+$0x6080]  }
0x3ad: {  	p0 =	sne.s32 s6, $0x6111;
	v2 =	vadd.s32 s6, v0  }
.Ltmp0:
0x3ae: {  	_ = 	snop;
	(pc) =	sbr.rel @p0 .LBB2_2-.Ltmp0, $3  }
0x3af: {  	_ =	sdelay $0x1  }
0x3b0: {  	v1 =	vshll.u32 v1, $0x1  }
0x3b1: {  	s8 =	sadd.s32 $0x80, s8;
	s7 =	sadd.s32 $0x10, s7;
	s6 =	sadd.s32 $0x320, s6;
	[tilespmem:v2+s0+$0x0] =	vst.idx.msk $0xffff, v1  }
0x3b2: {  	s6 =	rddreg [dreg:$0x17]  }
0x3b3: {  	[hbm4b:s6+s2] =	stream.linear.scatter [tilespmem:s0], [sflag:$0x2], $0x6400, $0x38;
	[tilespmem:$0xD400] =	vst v63  }
0x3b4: {  	_ =	swait.ge [sflag:s4], $0x6400  }
0x3b5: {  	s5 =	sadd.s32 $0x1, s5;
	s10 =	rddreg [dreg:$0x18]  }
0x3b6: {  	p0 =	sne.s32 s5, s10  }
.Ltmp1:
0x3b7: {  	_ = 	snop;
	(pc) =	sbr.rel @p0 .LBB2_1-.Ltmp1, $3  }
0x3b8: {  	_ =	sdelay $0x1  }
0x3b9: {  	[sflag:s4] =	ssyncset.done $0x0  }
0x3ba: {  	[sflag:s4] =	ssyncadd.s32 $0xFFFF9C00  }
0x3bb: {  	_ =	sfence.sel $0x180000  }
0x3bc: {  	[bflag:$0x0] =	sbarrier.arrive $0xFFFF  }
0x3bd: {  	_ =	strace $0x9000004A  }
0x3be: {  	s0 =	stileid.u32;
	[bflag:$0x2] =	sbarrier.arrive $0xFFFF  }
0x3bf: {  	p0 =	sne.s32 s0, $0x0;
	s0 =	rddreg [dreg:$0x2]  }
0x3c0: {  	s0 =	sadd.s32 @!p0 $0x100000, s0  }
0x3c1: {  	[sflag:s0] =	ssyncadd.tile.s32 @!p0 $0x1;
	_ =	shalt  }
.Lfunc_end2:
_tile_overlayer_lowered:
.L_overlay_start_2:
0x3c2: {  	(tag) =	ssettag $0x2  }
0x3c3: {  	s0 =	rddreg [dreg:$0x0];
	s2 =	stileid.u32  }
0x3c4: {  	s1 =	rddreg [dreg:$0x1];
	p0 =	sne.s32 s2, $0x0  }
0x3c5: {  	s3 =	rddreg [dreg:$0x2];
	[bflag:$0x3] =	sbarrier.arrive $0xFFFF;
	s2 =	simm.s32 @!p0 $0x1C03  }
0x3c6: {  	[timem:s3], [sflag:s2] =	dma.local @!p0 [hbm:s0], s1  }
0x3c7: {  	s0 =	simm.s32 @!p0 $0x3  }
0x3c8: {  	_ =	swait.ge @!p0 [sflag:s0], s1  }
0x3c9: {  	s1 =	ssub.s32 @!p0 $0x0, s1;
	[sflag:s0] =	ssyncset.done @!p0 $0x0  }
0x3ca: {  	[sflag:s0] =	ssyncadd.s32 @!p0 s1  }
0x3cb: {  	[bflag:$0x3] =	sbarrier.arrive $0xFFFF  }
0x3cc: {  	_ =	shalt  }

// kernel: kernel.7.cloned.1.call-start
scs
__scs_entry_jumppad:
0x0: {  	(pc) =	sbr.rel $0x88, $3  }
0x1: {  	(tag) =	ssettag $0x0;
	lr =	simm.s32 $0x1  }
0x2: {  	[smem:$0x3F9F] =	sst lr;
	_ =	strace $0xD0000000  }
0x3: {  	_ = 	snop  }
0x4: {  	_ = 	snop  }
0x5: {  	_ = 	snop  }
0x6: {  	_ = 	snop  }
0x7: {  	_ = 	snop  }
__scs_overlays_trampoline_lowered:
0x8: {  	[smem:$0x3FAE] =	sst s0  }
0x9: {  	[smem:$0x3FAF] =	sst s1  }
0xa: {  	[smem:$0x3FB0] =	sst s2  }
0xb: {  	[smem:$0x3FB1] =	sst s3  }
0xc: {  	[smem:$0x3FB2] =	sst s4  }
0xd: {  	[smem:$0x3FB3] =	sst s5  }
0xe: {  	[smem:$0x3FB4] =	sst s6  }
0xf: {  	[smem:$0x3FB5] =	sst s7  }
0x10: {  	[smem:$0x3FB6] =	sst s8  }
0x11: {  	[smem:$0x3FB7] =	sst s9;
	s0 =	simm.s32 @!p0 $0x0  }
0x12: {  	s1 =	sld [smem:$0x3F9D];
	s0 =	simm.s32 @p0 $0x1  }
0x13: {  	[smem:$0x3FB8] =	sst s0;
	s0 =	simm.s32 @!p1 $0x0  }
0x14: {  	s2 =	sld [smem:$0x3F9C];
	s0 =	simm.s32 @p1 $0x1  }
0x15: {  	[smem:$0x3FB9] =	sst s0;
	s0 =	simm.s32 @!p2 $0x0  }
0x16: {  	s3 =	sld [smem:$0x3FDB];
	s0 =	simm.s32 @p2 $0x1  }
0x17: {  	s4 =	simm.s32 $0x1BF5;
	[smem:$0x3FBB] =	sst s0  }
0x18: {  	s0 =	sld [smem:$0x3F9E];
	_ =	swait.ge [sflag:s4], $0x0  }
0x19: {  	s7 =	sld [smem:$0x3F9F]  }
0x1a: {  	s8 =	sadd.s32 $0xFFFFE003, lr  }
0x1b: {  	s9 =	sadd.s32 $0xFFFFFEF7, lr;
	s5 =	simm.s32 $0xFFFFFFFF;
	p2 =	slt.u32 s8, $0xFFFFF086  }
0x1c: {  	p1 =	slt.u32 s9, $0xF7A;
	s5 =	simm.s32 @!p2 $0x0  }
0x1d: {  	s5 =	simm.s32 @p1 $0x1;
	p0 =	seq.s32 s7, s2  }
0x1e: {  	s7 =	smul.u32 @!p0 $0xF7A, s2;
	p2 =	seq.s32 @!p0 s5, $0x0  }
0x1f: {  	s9 =	smul.u32 $0xF7A, s1;
	s8 =	simm.s32 @!p0 $0x1BF5;
	p2 =	por !p2, p0  }
0x20: {  	[sflag:s8] =	ssyncset.s32 @!p0 $0xFFFFF086;
	s6 =	sadd.s32 @!p0 s3, s7;
	s7 =	simm.s32 @!p0 $0x108  }
0x21: {  	s3 =	sadd.s32 s3, s9;
	s6 =	sadd.s32 @!p0 $0x88, s6;
	s7 =	simm.s32 @p2 $0x1082  }
0x22: {  	[simem:s7], [sflag:s8] =	dma.local @!p0 [hbm:s6], $0xF7A  }
0x23: {  	s9 =	sor.u32 $0xD0000000, s2;
	s6 =	simm.s32 $0x108;
	_ =	swait.ge @!p0 [sflag:s8], $0x0  }
0x24: {  	s3 =	sadd.s32 $0x88, s3;
	s6 =	simm.s32 @!p1 $0x1082;
	[sflag:s4] =	ssyncset.s32 $0xFFFFF086  }
0x25: {  	[simem:s6], [sflag:s4] =	dma.local [hbm:s3], $0xF7A  }
0x26: {  	[smem:$0x3F9F] =	sst s1;
	(tag) =	ssettag s2;
	_ =	strace s9  }
0x27: {  	s1 =	sld [smem:$0x3FAF]  }
0x28: {  	s2 =	sld [smem:$0x3FB0]  }
0x29: {  	s4 =	sld [smem:$0x3FB2]  }
0x2a: {  	p0 =	seq.s32 s5, $0x0;
	s5 =	sld [smem:$0x3FB3]  }
0x2b: {  	s6 =	sld [smem:$0x3FB4]  }
0x2c: {  	s7 =	sld [smem:$0x3FB5]  }
0x2d: {  	s3 =	simm.s32 $0x108;
	s8 =	sld [smem:$0x3FB6]  }
0x2e: {  	s3 =	simm.s32 @!p0 $0x1082;
	s9 =	sld [smem:$0x3FB7]  }
0x2f: {  	lr =	sadd.s32 s0, s3;
	s0 =	sld [smem:$0x3FAE]  }
0x30: {  	s3 =	sld [smem:$0x3FB1]  }
0x31: {  	[smem:$0x3FBA] =	sst s10  }
0x32: {  	s10 =	sld [smem:$0x3FB8];
	_ =	sdelay $0x3  }
0x33: {  	p0 =	seq.s32 s10, $0x1;
	s10 =	sld [smem:$0x3FBA];
	_ =	sdelay $0x3  }
0x34: {  	[smem:$0x3FBA] =	sst s10  }
0x35: {  	s10 =	sld [smem:$0x3FB9];
	_ =	sdelay $0x3  }
0x36: {  	p1 =	seq.s32 s10, $0x1;
	s10 =	sld [smem:$0x3FBA];
	_ =	sdelay $0x3  }
0x37: {  	[smem:$0x3FBA] =	sst s10  }
0x38: {  	s10 =	sld [smem:$0x3FBB]  }
0x39: {  	_ = 	snop;
	(pc) =	sbr.ind lr, $3  }
0x3a: {  	_ = 	snop  }
0x3b: {  	_ = 	snop  }
0x3c: {  	p2 =	seq.s32 s10, $0x1;
	s10 =	sld [smem:$0x3FBA]  }
0x3d: {  	_ =	shalt  }
0x3e: {  	_ =	shalt  }
0x3f: {  	_ =	shalt  }
0x40: {  	_ =	shalt  }
0x41: {  	_ =	shalt  }
0x42: {  	_ =	shalt  }
0x43: {  	_ =	shalt  }
0x44: {  	_ =	shalt  }
0x45: {  	_ =	shalt  }
0x46: {  	_ =	shalt  }
0x47: {  	_ =	shalt  }
0x48: {  	_ =	shalt  }
0x49: {  	_ =	shalt  }
0x4a: {  	_ =	shalt  }
0x4b: {  	_ =	shalt  }
0x4c: {  	_ =	shalt  }
0x4d: {  	_ =	shalt  }
0x4e: {  	_ =	shalt  }
0x4f: {  	_ =	shalt  }
0x50: {  	_ =	shalt  }
0x51: {  	_ =	shalt  }
0x52: {  	_ =	shalt  }
0x53: {  	_ =	shalt  }
0x54: {  	_ =	shalt  }
0x55: {  	_ =	shalt  }
0x56: {  	_ =	shalt  }
0x57: {  	_ =	shalt  }
0x58: {  	_ =	shalt  }
0x59: {  	_ =	shalt  }
0x5a: {  	_ =	shalt  }
0x5b: {  	_ =	shalt  }
0x5c: {  	_ =	shalt  }
0x5d: {  	_ =	shalt  }
0x5e: {  	_ =	shalt  }
0x5f: {  	_ =	shalt  }
0x60: {  	_ =	shalt  }
0x61: {  	_ =	shalt  }
0x62: {  	_ =	shalt  }
0x63: {  	_ =	shalt  }
0x64: {  	_ =	shalt  }
0x65: {  	_ =	shalt  }
0x66: {  	_ =	shalt  }
0x67: {  	_ =	shalt  }
0x68: {  	_ =	shalt  }
0x69: {  	_ =	shalt  }
0x6a: {  	_ =	shalt  }
0x6b: {  	_ =	shalt  }
0x6c: {  	_ =	shalt  }
0x6d: {  	_ =	shalt  }
0x6e: {  	_ =	shalt  }
0x6f: {  	_ =	shalt  }
0x70: {  	_ =	shalt  }
0x71: {  	_ =	shalt  }
0x72: {  	_ =	shalt  }
0x73: {  	_ =	shalt  }
0x74: {  	_ =	shalt  }
0x75: {  	_ =	shalt  }
0x76: {  	_ =	shalt  }
0x77: {  	_ =	shalt  }
0x78: {  	_ =	shalt  }
0x79: {  	_ =	shalt  }
0x7a: {  	_ =	shalt  }
0x7b: {  	_ =	shalt  }
0x7c: {  	_ =	shalt  }
0x7d: {  	_ =	shalt  }
0x7e: {  	_ =	shalt  }
0x7f: {  	_ =	shalt  }
0x80: {  	_ =	shalt  }
0x81: {  	_ =	shalt  }
0x82: {  	_ =	shalt  }
0x83: {  	_ =	shalt  }
0x84: {  	_ =	shalt  }
0x85: {  	_ =	shalt  }
0x86: {  	_ =	shalt  }
0x87: {  	_ =	shalt  }
.Lfunc_end0:
.L_simem_size_0:
called_computation.3_lowered:
.L_overlay_start_0:
0x88: {  	s2 =	sld [smem:$0x3FD9]  }
0x89: {  	s3 =	sld [smem:$0x3FFE];
	_ =	sdelay $0x1  }
0x8a: {  	s1 =	srdreg.scid  }
0x8b: {  	s0 =	sand.u32 $0x1, s1  }
0x8c: {  	s17 =	sshll.u32 s0, $0xA;
	s2 =	sadd.s32 s3, s2  }
0x8d: {  	s2 =	sadd.s32 s2, s17  }
0x8e: {  	[smem:$0x3FC6] =	sst s2  }
0x8f: {  	_ = 	snop  }
0x90: {  	s2 =	sld [smem:$0x3FD0];
	(tm) =	ssettm $0x1  }
0x91: {  	s18 =	sld [smem:$0x3FFB];
	_ =	sdelay $0x3  }
0x92: {  	_ =	strace s18  }
0x93: {  	s3 =	sld [smem:$0x3FFC];
	_ =	sdelay $0x3  }
0x94: {  	_ =	strace s3  }
0x95: {  	s3 =	sld [smem:$0x3FFD];
	_ =	sdelay $0x3  }
0x96: {  	_ =	strace s3  }
0x97: {  	_ =	strace $0x8FFFFFFF  }
0x98: {  	s19 =	sld [smem:$0x3FDB];
	_ =	sdelay $0x1  }
0x99: {  	s4 =	simm.s32 $_scs_section_size  }
0x9a: {  	s5 =	simm.s32 $_size__tile_overlayer_lowered;
	s6 =	simm.s32 $_tile_overlayer_lowered  }
0x9b: {  	s22 =	simm.s32 $0x1BFF;
	s21 =	sshll.u32 s6, $0x1;
	s3 =	sadd.s32 s4, s19  }
0x9c: {  	s7 =	simm.s32 $0x0;
	s20 =	sshll.u32 s5, $0x1;
	s5 =	sadd.s32 s21, s3  }
0x9d: {  	[timem:s7], [sflag:s22] =	dma.local [hbm:s5], s20  }
0x9e: {  	_ =	swait.ge [sflag:s22], s20  }
0x9f: {  	s4 =	ssub.s32 $0x0, s20;
	[sflag:s22] =	ssyncset.done $0x0  }
0xa0: {  	[sflag:s22] =	ssyncadd.s32 s4;
	_ =	sdelay $0x1  }
0xa1: {  	s23 =	simm.s32 $0x1B8B  }
0xa2: {  	_ =	swait.ge [sflag:s23], $0x1  }
0xa3: {  	[sflag:s23] =	ssyncset.done $0x0  }
0xa4: {  	s25 =	simm.s32 $0x1B8E;
	s24 =	sld [smem:$0x3FFE];
	[sflag:s23] =	ssyncadd.s32 $0xFFFFFFFF  }
0xa5: {  	s26 =	simm.s32 $execute0_lowered;
	[smem:$0x3FD2] =	sst s25  }
0xa6: {  	s5 =	sshll.u32 s26, $0x1;
	_ =	strace $0x8000004C;
	[dreg:$0x1] =	wrdreg $0xFFFFFFFF  }
0xa7: {  	s28 =	simm.s32 $_size_execute0_lowered;
	s3 =	sadd.s32 s3, s5;
	[dreg:$0x0] =	wrdreg $0x0  }
0xa8: {  	s5 =	sshll.u32 s28, $0x1;
	[dreg:$0x2] =	wrdreg s3  }
0xa9: {  	[dreg:$0x3] =	wrdreg s5  }
0xaa: {  	[dreg:$0x4] =	wrdreg $0xC0  }
0xab: {  	_ =	task [dreg:s7], $0x5FFFF  }
0xac: {  	[dreg:$0x1] =	wrdreg $0xFFFFFFFF  }
0xad: {  	[dreg:$0x0] =	wrdreg $0x60  }
0xae: {  	[dreg:$0x2] =	wrdreg s24  }
0xaf: {  	[dreg:$0x3] =	wrdreg s2  }
0xb0: {  	[dreg:$0x4] =	wrdreg $0x9  }
0xb1: {  	_ =	task.clear_ibuf [dreg:s7], $0x5FFFF;
	_ =	strace $0x9000004C  }
0xb2: {  	s29 =	simm.s32 $0x9;
	_ =	strace $0x8000004E  }
0xb3: {  	_ =	swait.ge [sflag:s29], $0x1  }
0xb4: {  	[sflag:s29] =	ssyncadd.s32 $0xFFFFFFFF  }
0xb5: {  	_ =	strace $0x9000004E  }
0xb6: {  	_ =	sfence  }
0xb7: {  	s30 =	sld [smem:$0x0];
	_ =	sdelay $0x2  }
0xb8: {  	s31 =	sshll.u32 s1, $0xD;
	s1 =	sshrl.u32 s1, $0x2  }
0xb9: {  	s3 =	sand.u32 $0x4000, s31;
	s1 =	sadd.s32 s1, s30  }
0xba: {  	s0 =	sor.u32 s3, s0;
	s1 =	sshll.u32 s1, $0x11  }
0xbb: {  	s0 =	sor.u32 s1, s0  }
0xbc: {  	s0 =	sadd.s32 $0x8F2B, s0  }
0xbd: {  	[sflag:s0] =	ssyncadd.remote.s32 $0x1  }
0xbe: {  	_ =	sfence.sel $0xFFFF  }
0xbf: {  	[dreg:$0x0] =	wrdreg $0xFFFFFFFF;
	(pc) =	sbr.abs _section_cstart, $3  }
0xc0: {  	[dreg:$0x1] =	wrdreg $0xFFFFFFFF  }
0xc1: {  	_ =	task.clear_ibuf [dreg:s7], $0x2FFFF;
	_ =	strace $0x9FFFFFFF  }
0xc2: {  	(tm) =	ssettm $0x7FFFFFFF  }
0xc3: {  	_ =	shalt  }
tec
execute0_lowered:
.L_overlay_start_1:
0x0: {  	(tag) =	ssettag $0x1  }
0x1: {  	s0 =	rddreg [dreg:$0x0]  }
0x2: {  	s2 =	rddreg [dreg:$0x1]  }
0x3: {  	s4 =	srdreg.scid;
	s1 =	stileid.u32  }
0x4: {  	s3 =	simm.s32 $0x0;
	s20 =	simm.s32 $0x400;
	s14 =	smul.u32 $0x320000, s1  }
0x5: {  	s21 =	simm.s32 $0x2;
	s22 =	simm.s32 $0x8400;
	s16 =	smul.u32 $0x64000, s1  }
0x6: {  	s23 =	simm.s32 $0x3;
	s12 =	sand.u32 $0x1, s4;
	s19 =	smul.u32 $0xC800, s1  }
0x7: {  	s28 =	simm.s32 $0x0;
	s24 =	sshll.u32 s1, $0x1;
	s15 =	smul.u32 $0x190000, s12  }
0x8: {  	[smem:$0x7FF] =	sst s3;
	s17 =	sadd.s32 $0xF43400, s0;
	s18 =	smul.u32 $0x32000, s12  }
0x9: {  	s4 =	sadd.s32 $0xF5C400, s0;
	s5 =	sor.u32 s12, s24;
	s29 =	smul.u32 $0x6400, s12  }
0xa: {  	_ =	strace $0x8000004D;
	s25 =	ssub.s32 $0x2, s12;
	s6 =	smul.u32 $0x6400, s5  }
0xb: {  	s24 =	simm.s32 $0x5;
	s7 =	smul.u32 $0x32000, s5;
	s26 =	sshrl.u32 s25, $0x1  }
0xc: {  	s8 =	smul.u32 $0x190000, s5;
	s0 =	ssub.s32 s25, s26;
	s14 =	sadd.s32 s15, s14  }
0xd: {  	s30 =	sadd.s32 s18, s16;
	s18 =	simm.s32 $0x200;
	s25 =	simm.s32 $0x4  }
0xe: {  	s26 =	simm.s32 $0x6;
	s6 =	sshrl.u32 s6, $0x3;
	s8 =	sshrl.u32 s8, $0x3  }
0xf: {  	s7 =	sadd.s32 s2, s7;
	s10 =	smax.u32 s0, $0x1;
	s14 =	sadd.s32 $0x10000, s14  }
0x10: {  	s0 =	sadd.s32 s29, s19;
	s15 =	sadd.s32 s30, s2;
	s19 =	simm.s32 $0x1  }
0x11: {  	s5 =	sadd.s32 s17, s6;
	s13 =	sadd.s32 s2, s8;
	s11 =	sadd.s32 $0x2F000, s7  }
0x12: {  	s31 =	sadd.s32 $0x600, s0;
	s0 =	sadd.s32 $0x800, s0;
	s15 =	sadd.s32 $0x1000, s15  }
0x13: {  	s6 =	sadd.s32 $0x40, s5;
	s8 =	sadd.s32 $0x80, s5;
	s9 =	sadd.s32 $0x31000, s13  }
0x14: {  	s12 =	sadd.s32 $0xC40, s5;
	s16 =	sshrl.u32 s31, $0x3;
	s0 =	sshrl.u32 s0, $0x3  }
0x15: {  	s13 =	sadd.s32 $0x30000, s13;
	s16 =	sadd.s32 s16, s17;
	s17 =	sadd.s32 s0, s17  }
.LBB2_1:
0x16: {  	[tilespmem:s3], [sflag:$0x1] =	stream.linear.gather [hbm4b:s5+s3], $0x200, $0x38;
	[tilespmem:$0x10400] =	vst v63  }
0x17: {  	_ = 	snop  }
0x18: {  	[tilespmem:s18], [sflag:$0x2] =	stream.linear.gather [hbm4b:s6+s3], $0x200, $0x38;
	[tilespmem:$0x10400] =	vst v63  }
0x19: {  	_ =	swait.ge [sflag:s19], $0x200  }
0x1a: {  	[sflag:s19] =	ssyncset.done $0x0  }
0x1b: {  	[sflag:s19] =	ssyncadd.s32 $0xFFFFFE00  }
0x1c: {  	[tilespmem:s20], [sflag:$0x3] =	stream.indirect.gather [hbm4b:s4+s18], $0x40, s3, s18, $0xb8;
	[tilespmem:$0x10400] =	vst v63  }
0x1d: {  	_ =	swait.ge [sflag:s21], $0x200  }
0x1e: {  	[sflag:s21] =	ssyncset.done $0x0  }
0x1f: {  	[sflag:s21] =	ssyncadd.s32 $0xFFFFFE00  }
0x20: {  	[tilespmem:s22], [sflag:$0x4] =	stream.indirect.gather [hbm4b:s4+s18], $0x40, s18, s18, $0xb8;
	[tilespmem:$0x10400] =	vst v63  }
0x21: {  	_ =	swait.ge [sflag:s23], $0x8000  }
0x22: {  	[sflag:s23] =	ssyncset.done $0x0  }
0x23: {  	[sflag:s23] =	ssyncadd.s32 $0xFFFF8000  }
0x24: {  	[hbm4b:s7+s3] =	stream.linear.scatter [tilespmem:s20], [sflag:$0x5], $0x8000, $0x38;
	[tilespmem:$0x10400] =	vst v63  }
0x25: {  	_ = 	snop  }
0x26: {  	[tilespmem:s3], [sflag:$0x1] =	stream.linear.gather [hbm4b:s8+s3], $0x200, $0x38;
	[tilespmem:$0x10400] =	vst v63  }
0x27: {  	_ =	swait.ge [sflag:s19], $0x200  }
0x28: {  	[sflag:s19] =	ssyncset.done $0x0  }
0x29: {  	[sflag:s19] =	ssyncadd.s32 $0xFFFFFE00  }
0x2a: {  	_ =	swait.ge [sflag:s24], $0x8000  }
0x2b: {  	[sflag:s24] =	ssyncset.done $0x0  }
0x2c: {  	[sflag:s24] =	ssyncadd.s32 $0xFFFF8000  }
0x2d: {  	[tilespmem:s20], [sflag:$0x3] =	stream.indirect.gather [hbm4b:s4+s18], $0x40, s3, s18, $0xb8;
	[tilespmem:$0x10400] =	vst v63  }
0x2e: {  	_ =	swait.ge [sflag:s25], $0x8000  }
0x2f: {  	[sflag:s25] =	ssyncset.done $0x0  }
0x30: {  	[sflag:s25] =	ssyncadd.s32 $0xFFFF8000  }
0x31: {  	[hbm4b:s15+s3] =	stream.linear.scatter [tilespmem:s22], [sflag:$0x6], $0x8000, $0x38;
	[tilespmem:$0x10400] =	vst v63  }
0x32: {  	s0 =	sadd.s32 $0x0, s16  }
0x33: {  	[tilespmem:s18], [sflag:$0x2] =	stream.linear.gather [hbm4b:s0+s3], $0x200, $0x38;
	[tilespmem:$0x10400] =	vst v63  }
0x34: {  	_ =	swait.ge [sflag:s21], $0x200  }
0x35: {  	[sflag:s21] =	ssyncset.done $0x0  }
0x36: {  	[sflag:s21] =	ssyncadd.s32 $0xFFFFFE00  }
0x37: {  	_ =	swait.ge [sflag:s26], $0x8000  }
0x38: {  	[sflag:s26] =	ssyncset.done $0x0  }
0x39: {  	[sflag:s26] =	ssyncadd.s32 $0xFFFF8000  }
0x3a: {  	[tilespmem:s22], [sflag:$0x4] =	stream.indirect.gather [hbm4b:s4+s18], $0x40, s18, s18, $0xb8;
	[tilespmem:$0x10400] =	vst v63  }
0x3b: {  	_ =	swait.ge [sflag:s23], $0x8000  }
0x3c: {  	s1 =	sshrl.u32 s14, $0x3;
	[sflag:s23] =	ssyncset.done $0x0  }
0x3d: {  	s29 =	simm.s32 $0x80;
	s0 =	sadd.s32 s2, s1;
	[sflag:s23] =	ssyncadd.s32 $0xFFFF8000  }
0x3e: {  	[hbm4b:s0+s3] =	stream.linear.scatter [tilespmem:s20], [sflag:$0x5], $0x8000, $0x38;
	[tilespmem:$0x10400] =	vst v63  }
0x3f: {  	s30 =	sadd.s32 $0x10000, s14;
	s31 =	sadd.s32 $0x2000, s15;
	s0 =	sadd.s32 $0x0, s17  }
.LBB2_2:
0x40: {  	[tilespmem:s3], [sflag:$0x1] =	stream.linear.gather [hbm4b:s0+s3], $0x200, $0x38;
	[tilespmem:$0x10400] =	vst v63  }
0x41: {  	s0 =	smov.u32 s29  }
0x42: {  	p0 =	sne.s32 s29, $0xB00;
	s29 =	sadd.s32 $0x80, s29;
	_ =	swait.ge [sflag:s19], $0x200  }
0x43: {  	[sflag:s19] =	ssyncset.done $0x0  }
0x44: {  	[sflag:s19] =	ssyncadd.s32 $0xFFFFFE00  }
0x45: {  	_ =	swait.ge [sflag:s24], $0x8000  }
0x46: {  	[sflag:s24] =	ssyncset.done $0x0  }
0x47: {  	[sflag:s24] =	ssyncadd.s32 $0xFFFF8000  }
0x48: {  	[tilespmem:s20], [sflag:$0x3] =	stream.indirect.gather [hbm4b:s4+s18], $0x40, s3, s18, $0xb8;
	[tilespmem:$0x10400] =	vst v63  }
0x49: {  	_ =	swait.ge [sflag:s25], $0x8000  }
0x4a: {  	[sflag:s25] =	ssyncset.done $0x0  }
0x4b: {  	[sflag:s25] =	ssyncadd.s32 $0xFFFF8000  }
0x4c: {  	[hbm4b:s31+s3] =	stream.linear.scatter [tilespmem:s22], [sflag:$0x6], $0x8000, $0x38;
	[tilespmem:$0x10400] =	vst v63  }
0x4d: {  	s1 =	sadd.s32 s0, s16  }
0x4e: {  	[tilespmem:s18], [sflag:$0x2] =	stream.linear.gather [hbm4b:s1+s3], $0x200, $0x38;
	[tilespmem:$0x10400] =	vst v63  }
0x4f: {  	_ =	swait.ge [sflag:s21], $0x200  }
0x50: {  	[sflag:s21] =	ssyncset.done $0x0  }
0x51: {  	[sflag:s21] =	ssyncadd.s32 $0xFFFFFE00  }
0x52: {  	_ =	swait.ge [sflag:s26], $0x8000  }
0x53: {  	[sflag:s26] =	ssyncset.done $0x0  }
0x54: {  	[sflag:s26] =	ssyncadd.s32 $0xFFFF8000  }
0x55: {  	[tilespmem:s22], [sflag:$0x4] =	stream.indirect.gather [hbm4b:s4+s18], $0x40, s18, s18, $0xb8;
	[tilespmem:$0x10400] =	vst v63  }
.Ltmp0:
0x56: {  	_ =	swait.ge [sflag:s23], $0x8000;
	(pc) =	sbr.rel @p0 .LBB2_2-.Ltmp0, $4  }
0x57: {  	s1 =	sshrl.u32 s30, $0x3;
	[sflag:s23] =	ssyncset.done $0x0  }
0x58: {  	s1 =	sadd.s32 s2, s1;
	[sflag:s23] =	ssyncadd.s32 $0xFFFF8000  }
0x59: {  	[hbm4b:s1+s3] =	stream.linear.scatter [tilespmem:s20], [sflag:$0x5], $0x8000, $0x38;
	[tilespmem:$0x10400] =	vst v63  }
0x5a: {  	s0 =	sadd.s32 s0, s17;
	s31 =	sadd.s32 $0x2000, s31;
	s30 =	sadd.s32 $0x10000, s30  }
0x5b: {  	[tilespmem:s3], [sflag:$0x1] =	stream.linear.gather [hbm4b:s0+s3], $0x200, $0x38;
	[tilespmem:$0x10400] =	vst v63  }
0x5c: {  	_ =	swait.ge [sflag:s19], $0x200  }
0x5d: {  	[sflag:s19] =	ssyncset.done $0x0  }
0x5e: {  	[sflag:s19] =	ssyncadd.s32 $0xFFFFFE00  }
0x5f: {  	_ =	swait.ge [sflag:s24], $0x8000  }
0x60: {  	[sflag:s24] =	ssyncset.done $0x0  }
0x61: {  	[sflag:s24] =	ssyncadd.s32 $0xFFFF8000  }
0x62: {  	[tilespmem:s20], [sflag:$0x3] =	stream.indirect.gather [hbm4b:s4+s18], $0x40, s3, s18, $0xb8;
	[tilespmem:$0x10400] =	vst v63  }
0x63: {  	_ =	swait.ge [sflag:s25], $0x8000  }
0x64: {  	[sflag:s25] =	ssyncset.done $0x0  }
0x65: {  	[sflag:s25] =	ssyncadd.s32 $0xFFFF8000  }
0x66: {  	[hbm4b:s11+s3] =	stream.linear.scatter [tilespmem:s22], [sflag:$0x6], $0x8000, $0x38;
	[tilespmem:$0x10400] =	vst v63  }
0x67: {  	_ = 	snop  }
0x68: {  	[tilespmem:s18], [sflag:$0x2] =	stream.linear.gather [hbm4b:s12+s3], $0x200, $0x38;
	[tilespmem:$0x10400] =	vst v63  }
0x69: {  	_ =	swait.ge [sflag:s21], $0x200  }
0x6a: {  	[sflag:s21] =	ssyncset.done $0x0  }
0x6b: {  	[sflag:s21] =	ssyncadd.s32 $0xFFFFFE00  }
0x6c: {  	_ =	swait.ge [sflag:s26], $0x8000  }
0x6d: {  	[sflag:s26] =	ssyncset.done $0x0  }
0x6e: {  	[sflag:s26] =	ssyncadd.s32 $0xFFFF8000  }
0x6f: {  	[tilespmem:s22], [sflag:$0x4] =	stream.indirect.gather [hbm4b:s4+s18], $0x40, s18, s18, $0xb8;
	[tilespmem:$0x10400] =	vst v63  }
0x70: {  	_ =	swait.ge [sflag:s23], $0x8000  }
0x71: {  	[sflag:s23] =	ssyncset.done $0x0  }
0x72: {  	[sflag:s23] =	ssyncadd.s32 $0xFFFF8000  }
0x73: {  	[hbm4b:s13+s3] =	stream.linear.scatter [tilespmem:s20], [sflag:$0x5], $0x8000, $0x38;
	[tilespmem:$0x10400] =	vst v63  }
0x74: {  	_ = 	snop  }
0x75: {  	[tilespmem:s3], [sflag:$0x1] =	stream.linear.gather [hbm4b:s12+s3], $0x200, $0x38;
	[tilespmem:$0x10400] =	vst v63  }
0x76: {  	_ =	swait.ge [sflag:s25], $0x8000  }
0x77: {  	[sflag:s25] =	ssyncset.done $0x0  }
0x78: {  	[sflag:s25] =	ssyncadd.s32 $0xFFFF8000  }
0x79: {  	[hbm4b:s9+s3] =	stream.linear.scatter [tilespmem:s22], [sflag:$0x6], $0x8000, $0x38;
	[tilespmem:$0x10400] =	vst v63  }
0x7a: {  	_ =	swait.ge [sflag:s24], $0x8000  }
0x7b: {  	[sflag:s24] =	ssyncset.done $0x0  }
0x7c: {  	s28 =	sadd.s32 $0x1, s28;
	[sflag:s24] =	ssyncadd.s32 $0xFFFF8000  }
0x7d: {  	p0 =	sne.s32 s28, s10;
	_ =	swait.ge [sflag:s26], $0x8000  }
.Ltmp1:
0x7e: {  	[sflag:s26] =	ssyncset.done $0x0;
	(pc) =	sbr.rel @p0 .LBB2_1-.Ltmp1, $4  }
0x7f: {  	[sflag:s26] =	ssyncadd.s32 $0xFFFF8000  }
0x80: {  	_ =	swait.ge [sflag:s19], $0x200  }
0x81: {  	[sflag:s19] =	ssyncset.done $0x0  }
0x82: {  	[sflag:s19] =	ssyncadd.s32 $0xFFFFFE00  }
0x83: {  	_ =	sfence.sel $0x180000  }
0x84: {  	[bflag:$0x0] =	sbarrier.arrive $0xFFFF  }
0x85: {  	_ =	strace $0x9000004D  }
0x86: {  	s0 =	stileid.u32;
	[bflag:$0x2] =	sbarrier.arrive $0xFFFF  }
0x87: {  	p0 =	sne.s32 s0, $0x0;
	s0 =	rddreg [dreg:$0x2]  }
0x88: {  	s0 =	sadd.s32 @!p0 $0x100000, s0  }
0x89: {  	[sflag:s0] =	ssyncadd.tile.s32 @!p0 $0x1;
	_ =	shalt  }
.Lfunc_end2:
_tile_overlayer_lowered:
.L_overlay_start_2:
0x8a: {  	(tag) =	ssettag $0x2  }
0x8b: {  	s0 =	rddreg [dreg:$0x0];
	s2 =	stileid.u32  }
0x8c: {  	s1 =	rddreg [dreg:$0x1];
	p0 =	sne.s32 s2, $0x0  }
0x8d: {  	s3 =	rddreg [dreg:$0x2];
	[bflag:$0x3] =	sbarrier.arrive $0xFFFF;
	s2 =	simm.s32 @!p0 $0x1C07  }
0x8e: {  	[timem:s3], [sflag:s2] =	dma.local @!p0 [hbm:s0], s1  }
0x8f: {  	s0 =	simm.s32 @!p0 $0x7  }
0x90: {  	_ =	swait.ge @!p0 [sflag:s0], s1  }
0x91: {  	s1 =	ssub.s32 @!p0 $0x0, s1;
	[sflag:s0] =	ssyncset.done @!p0 $0x0  }
0x92: {  	[sflag:s0] =	ssyncadd.s32 @!p0 s1  }
0x93: {  	[bflag:$0x3] =	sbarrier.arrive $0xFFFF  }
0x94: {  	_ =	shalt  }

// kernel: sparse-core-data-format-call.1.cloned.1.call-start
scs
called_computation.1_lowered:
.L_overlay_start_0:
0x0: {  	s2 =	sld [smem:$0x3FD9]  }
0x1: {  	s3 =	sld [smem:$0x3FFE];
	_ =	sdelay $0x1  }
0x2: {  	s1 =	srdreg.scid  }
0x3: {  	s0 =	sand.u32 $0x1, s1  }
0x4: {  	s18 =	sshll.u32 s0, $0xA;
	s2 =	sadd.s32 s3, s2  }
0x5: {  	s2 =	sadd.s32 s2, s18  }
0x6: {  	[smem:$0x3FC6] =	sst s2  }
0x7: {  	_ = 	snop  }
0x8: {  	s2 =	sld [smem:$0x3FC8];
	(tm) =	ssettm $0x1  }
0x9: {  	s19 =	sld [smem:$0x3FFB];
	_ =	sdelay $0x3  }
0xa: {  	_ =	strace s19  }
0xb: {  	s3 =	sld [smem:$0x3FFC];
	_ =	sdelay $0x3  }
0xc: {  	_ =	strace s3  }
0xd: {  	s3 =	sld [smem:$0x3FFD];
	_ =	sdelay $0x3  }
0xe: {  	_ =	strace s3  }
0xf: {  	_ =	strace $0x8FFFFFFF  }
0x10: {  	s20 =	sld [smem:$0x3FDB];
	_ =	sdelay $0x1  }
0x11: {  	s4 =	simm.s32 $_scs_section_size  }
0x12: {  	s5 =	simm.s32 $_size__tile_overlayer_lowered;
	s6 =	simm.s32 $_tile_overlayer_lowered  }
0x13: {  	s23 =	simm.s32 $0x1BFF;
	s22 =	sshll.u32 s6, $0x1;
	s3 =	sadd.s32 s4, s20  }
0x14: {  	s7 =	simm.s32 $0x0;
	s21 =	sshll.u32 s5, $0x1;
	s5 =	sadd.s32 s22, s3  }
0x15: {  	[timem:s7], [sflag:s23] =	dma.local [hbm:s5], s21  }
0x16: {  	_ =	swait.ge [sflag:s23], s21  }
0x17: {  	s4 =	ssub.s32 $0x0, s21;
	[sflag:s23] =	ssyncset.done $0x0  }
0x18: {  	[sflag:s23] =	ssyncadd.s32 s4;
	_ =	sdelay $0x1  }
0x19: {  	s24 =	simm.s32 $0x1B8B  }
0x1a: {  	_ =	swait.ge [sflag:s24], $0x1  }
0x1b: {  	[sflag:s24] =	ssyncset.done $0x0  }
0x1c: {  	s26 =	simm.s32 $0x1B8E;
	s25 =	sld [smem:$0x3FFE];
	[sflag:s24] =	ssyncadd.s32 $0xFFFFFFFF  }
0x1d: {  	s27 =	simm.s32 $execute0_lowered;
	[smem:$0x3FD2] =	sst s26  }
0x1e: {  	s5 =	sshll.u32 s27, $0x1;
	_ =	strace $0x80000046;
	[dreg:$0x1] =	wrdreg $0xFFFFFFFF  }
0x1f: {  	s28 =	simm.s32 $_size_execute0_lowered;
	s3 =	sadd.s32 s3, s5;
	[dreg:$0x0] =	wrdreg $0x0  }
0x20: {  	s5 =	sshll.u32 s28, $0x1;
	[dreg:$0x2] =	wrdreg s3  }
0x21: {  	[dreg:$0x3] =	wrdreg s5  }
0x22: {  	[dreg:$0x4] =	wrdreg $0xC0  }
0x23: {  	_ =	task [dreg:s7], $0x5FFFF  }
0x24: {  	[dreg:$0x1] =	wrdreg $0xFFFFFFFF  }
0x25: {  	[dreg:$0x0] =	wrdreg $0x60  }
0x26: {  	[dreg:$0x2] =	wrdreg s2  }
0x27: {  	[dreg:$0x3] =	wrdreg s25  }
0x28: {  	[dreg:$0x4] =	wrdreg $0x9  }
0x29: {  	_ =	task.clear_ibuf [dreg:s7], $0x5FFFF;
	_ =	strace $0x90000046  }
0x2a: {  	s29 =	simm.s32 $0x9;
	_ =	strace $0x80000048  }
0x2b: {  	_ =	swait.ge [sflag:s29], $0x1  }
0x2c: {  	[sflag:s29] =	ssyncadd.s32 $0xFFFFFFFF  }
0x2d: {  	_ =	strace $0x90000048  }
0x2e: {  	_ =	sfence  }
0x2f: {  	s30 =	sld [smem:$0x0];
	_ =	sdelay $0x2  }
0x30: {  	s31 =	sshll.u32 s1, $0xD;
	s1 =	sshrl.u32 s1, $0x2  }
0x31: {  	s3 =	sand.u32 $0x4000, s31;
	s1 =	sadd.s32 s1, s30  }
0x32: {  	s0 =	sor.u32 s3, s0;
	s1 =	sshll.u32 s1, $0x11  }
0x33: {  	s0 =	sor.u32 s1, s0  }
0x34: {  	s0 =	sadd.s32 $0x8F2B, s0  }
0x35: {  	[sflag:s0] =	ssyncadd.remote.s32 $0x1  }
0x36: {  	_ =	sfence.sel $0xFFFF  }
0x37: {  	[dreg:$0x0] =	wrdreg $0xFFFFFFFF;
	(pc) =	sbr.abs _section_cstart, $3  }
0x38: {  	[dreg:$0x1] =	wrdreg $0xFFFFFFFF  }
0x39: {  	_ =	task.clear_ibuf [dreg:s7], $0x2FFFF;
	_ =	strace $0x9FFFFFFF  }
0x3a: {  	(tm) =	ssettm $0x7FFFFFFF  }
0x3b: {  	_ =	shalt  }
tec
execute0_lowered:
.L_overlay_start_1:
0x0: {  	(tag) =	ssettag $0x1  }
0x1: {  	s0 =	srdreg.scid;
	s2 =	rddreg [dreg:$0x0]  }
0x2: {  	s5 =	rddreg [dreg:$0x1];
	s1 =	stileid.u32  }
0x3: {  	s4 =	simm.s32 $0x1;
	s6 =	simm.s32 $0x2;
	s15 =	simm.s32 $0x0  }
0x4: {  	p0 =	por $0x0, $0x0;
	s8 =	simm.s32 $0x80;
	s0 =	sshll.u32 s0, $0x4  }
0x5: {  	s14 =	simm.s32 $0x0;
	s9 =	simm.s32 $0x0;
	s3 =	sand.u32 $0x10, s0  }
.Ltmp0:
0x6: {  	s10 =	simm.s32 $0x0;
	s3 =	sor.u32 s1, s3;
	(pc) =	sbr.rel .LBB1_1-.Ltmp0, $4  }
0x7: {  	s0 =	rddreg [dreg:$0x2];
	_ =	strace $0x80000047;
	s3 =	sshll.u32 s3, $0x7  }
0x8: {  	s12 =	simm.s32 $0x0;
	[sflag:s4] =	ssyncpa.u1 $0x0;
	s7 =	ssub.s32 $0xF4200, s3  }
0x9: {  	s13 =	simm.s32 $0x0;
	[sflag:s6] =	ssyncpa.u1 $0x0;
	s6 =	sshrl.u32 s7, $0xC  }
0xa: {  	s5 =	sadd.s32 $0x1000, s5;
	s11 =	smov.u32 s3;
	s7 =	sadd.s32 $0x2, s6  }
.LBB1_5:
0xb: {  	p1 =	slt.u32 s13, $0x2  }
0xc: {  	s17 =	smov.u32 s15;
	p2 =	sgt.s32 @!p1 s15, $0xF41C0;
	s16 =	sshra.s32 @!p1 s15, $0x1F  }
0xd: {  	p3 =	sgt.s32 @!p1 s14, $0x40;
	s18 =	sshra.s32 @!p1 s14, $0x1F;
	p2 =	por !p2, p1  }
0xe: {  	s15 =	sand.u32 @!p1 s16, s15;
	p3 =	por !p3, p1;
	s16 =	smov.u32 s14  }
0xf: {  	s14 =	sand.u32 @!p1 s18, s14;
	s17 =	simm.s32 @p2 $0xF41C0;
	s16 =	simm.s32 @p3 $0x40  }
0x10: {  	s15 =	ssub.s32 @!p1 s17, s15;
	s14 =	ssub.s32 @!p1 s16, s14  }
0x11: {  	s18 =	smov.u32 s12;
	s16 =	sadd.s32 @!p1 $0xFFF0BE40, s15;
	s17 =	sadd.s32 @!p1 $0xFFFFFFC0, s14  }
0x12: {  	s15 =	ssub.s32 @!p1 $0xF4240, s15;
	p2 =	sgt.s32 @!p1 s16, $0x7F;
	p3 =	sgt.s32 @!p1 s17, $0x3F  }
0x13: {  	s14 =	ssub.s32 @!p1 $0x80, s14;
	p2 =	por !p2, p1;
	p3 =	por !p3, p1  }
0x14: {  	s16 =	sadd.s32 $0x1000, s11;
	s15 =	simm.s32 @!p2 $0x0;
	s14 =	simm.s32 @!p3 $0x0  }
0x15: {  	p2 =	sgt.s32 s16, $0xF423F;
	s14 =	smul.u32 @!p1 s14, s15;
	s15 =	sadd.s32 $0x40, s12  }
0x16: {  	s18 =	smov.u32 @p2 s15  }
0x17: {  	s16 =	smov.u32 @p2 s3;
	p2 =	sgt.s32 s18, $0x3F  }
0x18: {  	s18 =	simm.s32 @p2 $0x0;
	p2 =	sne.s32 s13, s7  }
.Ltmp1:
0x19: {  	p0 =	por !p0, !p0;
	s17 =	simm.s32 @!p1 $0x2;
	(pc) =	sbr.rel @!p2 .LBB1_6-.Ltmp1, $4  }
0x1a: {  	s15 =	smov.u32 s9;
	s9 =	smov.u32 s11;
	s14 =	sand.u32 @!p1 $0x3FFFFFFF, s14  }
0x1b: {  	s11 =	smov.u32 s16;
	_ =	swait.ge @!p1 [sflag:s17], s14;
	s19 =	ssub.s32 @!p1 $0x0, s14  }
0x1c: {  	s14 =	smov.u32 s10;
	s13 =	sadd.s32 $0x1, s13;
	[sflag:s17] =	ssyncset.done @!p1 $0x0  }
0x1d: {  	s10 =	smov.u32 s12;
	s12 =	smov.u32 s18;
	[sflag:s17] =	ssyncadd.s32 @!p1 s19  }
.LBB1_1:
0x1e: {  	p1 =	sgt.u32 s13, s6  }
0x1f: {  	s16 =	sshrl.u32 @!p1 s12, $0x3  }
0x20: {  	s17 =	sshll.u32 @!p1 s11, $0x3;
	s16 =	smul.u32 @!p1 $0x7A1400, s16  }
0x21: {  	s18 =	sshll.u32 @!p1 s12, $0x7;
	s17 =	sand.u32 @!p1 $0xFFFFFC00, s17  }
0x22: {  	s16 =	sadd.s32 @!p1 s16, s17;
	s17 =	sand.u32 @!p1 $0x380, s18  }
0x23: {  	s18 =	sand.u32 @!p1 $0x7F, s11;
	s16 =	sor.u32 @!p1 s17, s16  }
0x24: {  	s17 =	sor.u32 @!p1 s18, s16  }
0x25: {  	s18 =	smulhi.u32 @!p1 $0x218D6287, s17;
	_ =	sdelay $0x1  }
0x26: {  	s16 =	smulhi.u32 @!p1 $0x218D6287, s16;
	s18 =	sshrl.u32 @!p1 s18, $0x11  }
0x27: {  	s18 =	smul.u32 @!p1 $0xF4280, s18  }
0x28: {  	s19 =	sxor.u32 @!p1 $0xFFFFFFFF, s13;
	s16 =	sshrl.u32 @!p1 s16, $0x11  }
0x29: {  	s19 =	sshll.u32 @!p1 s19, $0xD;
	s16 =	sand.u32 @!p1 $0x3F, s16;
	s17 =	ssub.s32 @!p1 s17, s18  }
0x2a: {  	s16 =	smul.u32 @!p1 $0x1E850, s16;
	s18 =	sshrl.u32 @!p1 s17, $0x3;
	s17 =	sand.u32 @!p1 $0x7, s17  }
0x2b: {  	s19 =	sand.u32 @!p1 $0x2000, s19;
	s18 =	sadd.s32 @!p1 s2, s18;
	s17 =	sshll.u32 @!p1 s17, $0x12  }
0x2c: {  	s16 =	sadd.s32 @!p1 s16, s18;
	s17 =	sor.u32 @!p1 $0x400, s17;
	s18 =	simm.s32 @!p1 $0x7A1400  }
0x2d: {  	[tilespmem:s19], [sflag:$0x1] =	stream.strided.gather @!p1 [hbm4b:s16+s17], $0x2000, s18, s17, $0x38;
	[tilespmem:$0x8100] =	vst v63  }
0x2e: {  	p1 =	seq.s32 s13, $0x0  }
0x2f: {  	p2 =	sge.u32 @!p1 s13, s7  }
0x30: {  	p1 =	por p1, p2  }
.Ltmp2:
0x31: {  	_ = 	snop;
	(pc) =	sbr.rel @p1 .LBB1_5-.Ltmp2, $1  }
0x32: {  	_ =	sdelay $0x3  }
0x33: {  	s16 =	simm.s32 $0x1  }
0x34: {  	_ =	swait.ge [sflag:s4], $0x2000;
	s16 =	simm.s32 @!p0 $0x0  }
0x35: {  	[sflag:s4] =	ssyncset.done $0x0;
	s17 =	sshll.u32 s16, $0xD  }
0x36: {  	[sflag:s4] =	ssyncadd.s32 $0xFFFFE000;
	s17 =	sor.u32 $0x40, s17  }
0x37: {  	s16 =	smul.u32 $0x8200, s16;
	v0 =	vld [tilespmem:s17+$0x30]  }
0x38: {  	v1 =	vld [tilespmem:s17+$0xFFFFFFD0]  }
0x39: {  	s16 =	sshrl.u32 s16, $0x2;
	v5 =	vld [tilespmem:s17+$0xFFFFFFE0]  }
0x3a: {  	v6 =	vld [tilespmem:s17+$0xFFFFFFF0];
	s19 =	sor.u32 $0x4000, s16  }
0x3b: {  	s31 =	sand.u32 $0x1, s13;
	v4 =	vld [tilespmem:s17+$0x0];
	s18 =	sadd.s32 $0x0, s19  }
0x3c: {  	v3 =	vld [tilespmem:s17+$0x10];
	s16 =	smul.u32 $0x8200, s31;
	[tilespmem:s18+$0x1C70 ss:$0x41] =	vst.msk $0xffff, v0  }
0x3d: {  	v2 =	vld [tilespmem:s17+$0x20];
	[tilespmem:s18+$0x410 ss:$0x41] =	vst.msk $0xffff, v1  }
0x3e: {  	s16 =	sshrl.u32 s16, $0x2;
	v1 =	vld [tilespmem:s17+$0xFFFFFFC0];
	[tilespmem:s18+$0x820 ss:$0x41] =	vst.msk $0xffff, v5;
	s17 =	sadd.s32 $0x80, s17  }
0x3f: {  	s20 =	simm.s32 $0x4;
	s21 =	simm.s32 $0x8;
	s16 =	sor.u32 $0x4000, s16;
	[tilespmem:s18+$0xC30 ss:$0x41] =	vst.msk $0xffff, v6;
	v0 =	vld [tilespmem:s17+$0x30]  }
.LBB1_3:
0x40: {  	p1 =	sne.s32 s21, $0xFC;
	v5 =	vld [tilespmem:s17+$0xFFFFFFD0];
	[tilespmem:s18+$0x1040 ss:$0x41] =	vst.msk $0xffff, v4  }
0x41: {  	v6 =	vld [tilespmem:s17+$0xFFFFFFE0];
	[tilespmem:s18+$0x1450 ss:$0x41] =	vst.msk $0xffff, v3  }
0x42: {  	s22 =	sshra.s32 s20, $0x2;
	s20 =	smov.u32 s21;
	v7 =	vld [tilespmem:s17+$0xFFFFFFF0];
	[tilespmem:s18+$0x1860 ss:$0x41] =	vst.msk $0xffff, v2  }
.Ltmp3:
0x43: {  	v4 =	vld [tilespmem:s17+$0x0];
	[tilespmem:s18+$0x0 ss:$0x41] =	vst.msk $0xffff, v1;
	s18 =	sadd.s32 s22, s19;
	(pc) =	sbr.rel @p1 .LBB1_3-.Ltmp3, $4  }
0x44: {  	v3 =	vld [tilespmem:s17+$0x10];
	[tilespmem:s18+$0x1C70 ss:$0x41] =	vst.msk $0xffff, v0  }
0x45: {  	[tilespmem:s18+$0x410 ss:$0x41] =	vst.msk $0xffff, v5;
	v2 =	vld [tilespmem:s17+$0x20]  }
0x46: {  	v1 =	vld [tilespmem:s17+$0xFFFFFFC0];
	[tilespmem:s18+$0x820 ss:$0x41] =	vst.msk $0xffff, v6;
	s17 =	sadd.s32 $0x80, s17  }
0x47: {  	s21 =	sadd.s32 $0x4, s21;
	v0 =	vld [tilespmem:s17+$0x30];
	[tilespmem:s18+$0xC30 ss:$0x41] =	vst.msk $0xffff, v7  }
0x48: {  	s21 =	sshll.u32 s9, $0x7;
	s22 =	sshll.u32 s10, $0x3;
	s20 =	sshra.s32 s20, $0x2  }
0x49: {  	p1 =	sgt.s32 s9, $0xF41C0;
	s30 =	sshra.s32 s9, $0x1F;
	s25 =	sshra.s32 s10, $0x1F  }
0x4a: {  	v5 =	vld [tilespmem:s17+$0xFFFFFFD0];
	s28 =	sshrl.u32 s10, $0x3;
	s23 =	sand.u32 $0xFFFFFC00, s21;
	s22 =	sand.u32 $0xFFFFFC00, s22  }
0x4b: {  	[tilespmem:s18+$0x1040 ss:$0x41] =	vst.msk $0xffff, v4;
	v58 =	vld [tilespmem:s17+$0xFFFFFFE0];
	s21 =	sand.u32 $0x380, s21;
	s19 =	sadd.s32 s20, s19;
	s22 =	sadd.s32 s22, s23  }
0x4c: {  	v59 =	vld [tilespmem:s17+$0xFFFFFFF0];
	[tilespmem:s18+$0x1450 ss:$0x41] =	vst.msk $0xffff, v3;
	s29 =	sor.u32 s21, s22;
	s21 =	smov.u32 s9;
	s22 =	sand.u32 s30, s9  }
0x4d: {  	v60 =	vld [tilespmem:s17+$0x0];
	[tilespmem:s18+$0x1860 ss:$0x41] =	vst.msk $0xffff, v2;
	s30 =	sand.u32 $0x7, s10;
	s20 =	sshrl.u32 s29, $0x7;
	s21 =	simm.s32 @!p1 $0xF41C0  }
0x4e: {  	v61 =	vld [tilespmem:s17+$0x10];
	[tilespmem:s18+$0x0 ss:$0x41] =	vst.msk $0xffff, v1;
	p1 =	sgt.s32 s10, $0x40;
	s24 =	ssub.s32 s21, s22;
	s21 =	smov.u32 s10  }
0x4f: {  	v62 =	vld [tilespmem:s17+$0x20];
	[tilespmem:s19+$0x1C70 ss:$0x41] =	vst.msk $0xffff, v0;
	s31 =	smulhi.u32 $0x218DEF5, s20;
	s22 =	sand.u32 s25, s10;
	s21 =	simm.s32 @!p1 $0x40  }
0x50: {  	v63 =	vld [tilespmem:s17+$0xFFFFFFC0];
	[tilespmem:s19+$0x410 ss:$0x41] =	vst.msk $0xffff, v5;
	s26 =	sadd.s32 $0xFFF0BE40, s24;
	s17 =	ssub.s32 $0xF4240, s24;
	s21 =	ssub.s32 s21, s22  }
0x51: {  	[tilespmem:s19+$0x820 ss:$0x41] =	vst.msk $0xffff, v58;
	s23 =	sshrl.u32 s31, $0xD;
	p1 =	sgt.s32 s26, $0x7F;
	s27 =	sadd.s32 $0xFFFFFFC0, s21  }
0x52: {  	[tilespmem:s19+$0xC30 ss:$0x41] =	vst.msk $0xffff, v59;
	s23 =	smul.u32 $0xF4240, s23;
	s18 =	ssub.s32 $0x80, s21;
	p2 =	sgt.s32 s27, $0x3F  }
.Ltmp4:
0x53: {  	[tilespmem:s19+$0x1040 ss:$0x41] =	vst.msk $0xffff, v60;
	s17 =	simm.s32 @p1 $0x0;
	s18 =	simm.s32 @p2 $0x0;
	(pc) =	sbr.rel .LBB1_5-.Ltmp4, $4  }
0x54: {  	s29 =	sand.u32 $0xF, s28;
	[tilespmem:s19+$0x1450 ss:$0x41] =	vst.msk $0xffff, v61;
	s20 =	ssub.s32 s20, s23;
	s17 =	smul.u32 s18, s17  }
0x55: {  	[tilespmem:s19+$0x1860 ss:$0x41] =	vst.msk $0xffff, v62;
	s21 =	sshll.u32 s30, $0x12;
	s20 =	sshll.u32 s20, $0x4;
	s18 =	sadd.s32 s5, s29  }
0x56: {  	[tilespmem:s19+$0x0 ss:$0x41] =	vst.msk $0xffff, v63;
	s31 =	sor.u32 $0x40, s21;
	s18 =	sadd.s32 s20, s18;
	s17 =	sand.u32 $0x3FFFFFFF, s17  }
0x57: {  	[hbm4b:s18+s31] =	stream.strided.scatter [tilespmem:s16], [sflag:$0x2], s17, s8, s31, $0x18;
	[tilespmem:$0x8100] =	vst v63  }
.LBB1_6:
0x58: {  	_ =	sfence.sel $0x180000  }
0x59: {  	s2 =	simm.s32 $0x1;
	[bflag:$0x0] =	sbarrier.arrive $0xFFFF  }
0x5a: {  	s31 =	simm.s32 $0x2;
	[sflag:s2] =	ssyncpa.u1 $0x1  }
0x5b: {  	[sflag:s31] =	ssyncpa.u1 $0x1  }
0x5c: {  	p0 =	sne.s32 s1, $0x0;
	_ =	strace $0x90000047  }
0x5d: {  	s0 =	sadd.s32 @!p0 $0x100000, s0;
	[bflag:$0x2] =	sbarrier.arrive $0xFFFF  }
0x5e: {  	[sflag:s0] =	ssyncadd.tile.s32 @!p0 $0x1;
	_ =	shalt  }
.Lfunc_end1:
_tile_overlayer_lowered:
.L_overlay_start_2:
0x5f: {  	(tag) =	ssettag $0x2  }
0x60: {  	s0 =	rddreg [dreg:$0x0];
	s2 =	stileid.u32  }
0x61: {  	s1 =	rddreg [dreg:$0x1];
	p0 =	sne.s32 s2, $0x0  }
0x62: {  	s3 =	rddreg [dreg:$0x2];
	[bflag:$0x3] =	sbarrier.arrive $0xFFFF;
	s2 =	simm.s32 @!p0 $0x1C01  }
0x63: {  	[timem:s3], [sflag:s2] =	dma.local @!p0 [hbm:s0], s1  }
0x64: {  	s0 =	simm.s32 @!p0 $0x1  }
0x65: {  	_ =	swait.ge @!p0 [sflag:s0], s1  }
0x66: {  	s1 =	ssub.s32 @!p0 $0x0, s1;
	[sflag:s0] =	ssyncset.done @!p0 $0x0  }
0x67: {  	[sflag:s0] =	ssyncadd.s32 @!p0 s1  }
0x68: {  	[bflag:$0x3] =	sbarrier.arrive $0xFFFF  }
0x69: {  	_ =	shalt  }

// kernel: sparse-core-data-format-call.cloned.1.call-start
scs
called_computation_lowered:
.L_overlay_start_0:
0x0: {  	s2 =	sld [smem:$0x3FD9]  }
0x1: {  	s3 =	sld [smem:$0x3FFE];
	_ =	sdelay $0x1  }
0x2: {  	s1 =	srdreg.scid  }
0x3: {  	s0 =	sand.u32 $0x1, s1  }
0x4: {  	s18 =	sshll.u32 s0, $0xA;
	s2 =	sadd.s32 s3, s2  }
0x5: {  	s2 =	sadd.s32 s2, s18  }
0x6: {  	[smem:$0x3FC6] =	sst s2  }
0x7: {  	_ = 	snop  }
0x8: {  	s2 =	sld [smem:$0x3FD0];
	(tm) =	ssettm $0x1  }
0x9: {  	s19 =	sld [smem:$0x3FFB];
	_ =	sdelay $0x3  }
0xa: {  	_ =	strace s19  }
0xb: {  	s3 =	sld [smem:$0x3FFC];
	_ =	sdelay $0x3  }
0xc: {  	_ =	strace s3  }
0xd: {  	s3 =	sld [smem:$0x3FFD];
	_ =	sdelay $0x3  }
0xe: {  	_ =	strace s3  }
0xf: {  	_ =	strace $0x8FFFFFFF  }
0x10: {  	s20 =	sld [smem:$0x3FDB];
	_ =	sdelay $0x1  }
0x11: {  	s4 =	simm.s32 $_scs_section_size  }
0x12: {  	s5 =	simm.s32 $_size__tile_overlayer_lowered;
	s6 =	simm.s32 $_tile_overlayer_lowered  }
0x13: {  	s23 =	simm.s32 $0x1BFF;
	s22 =	sshll.u32 s6, $0x1;
	s3 =	sadd.s32 s4, s20  }
0x14: {  	s7 =	simm.s32 $0x0;
	s21 =	sshll.u32 s5, $0x1;
	s5 =	sadd.s32 s22, s3  }
0x15: {  	[timem:s7], [sflag:s23] =	dma.local [hbm:s5], s21  }
0x16: {  	_ =	swait.ge [sflag:s23], s21  }
0x17: {  	s4 =	ssub.s32 $0x0, s21;
	[sflag:s23] =	ssyncset.done $0x0  }
0x18: {  	[sflag:s23] =	ssyncadd.s32 s4;
	_ =	sdelay $0x1  }
0x19: {  	s24 =	simm.s32 $0x1B8B  }
0x1a: {  	_ =	swait.ge [sflag:s24], $0x1  }
0x1b: {  	[sflag:s24] =	ssyncset.done $0x0  }
0x1c: {  	s26 =	simm.s32 $0x1B8E;
	s25 =	sld [smem:$0x3FFE];
	[sflag:s24] =	ssyncadd.s32 $0xFFFFFFFF  }
0x1d: {  	s27 =	simm.s32 $execute0_lowered;
	[smem:$0x3FD2] =	sst s26  }
0x1e: {  	s5 =	sshll.u32 s27, $0x1;
	_ =	strace $0x8000004F;
	[dreg:$0x1] =	wrdreg $0xFFFFFFFF  }
0x1f: {  	s28 =	simm.s32 $_size_execute0_lowered;
	s3 =	sadd.s32 s3, s5;
	[dreg:$0x0] =	wrdreg $0x0  }
0x20: {  	s5 =	sshll.u32 s28, $0x1;
	[dreg:$0x2] =	wrdreg s3  }
0x21: {  	[dreg:$0x3] =	wrdreg s5  }
0x22: {  	[dreg:$0x4] =	wrdreg $0xC0  }
0x23: {  	_ =	task [dreg:s7], $0x5FFFF  }
0x24: {  	[dreg:$0x1] =	wrdreg $0xFFFFFFFF  }
0x25: {  	[dreg:$0x0] =	wrdreg $0x60  }
0x26: {  	[dreg:$0x2] =	wrdreg s25  }
0x27: {  	[dreg:$0x3] =	wrdreg s2  }
0x28: {  	[dreg:$0x4] =	wrdreg $0x9  }
0x29: {  	_ =	task.clear_ibuf [dreg:s7], $0x5FFFF;
	_ =	strace $0x9000004F  }
0x2a: {  	s29 =	simm.s32 $0x9;
	_ =	strace $0x80000051  }
0x2b: {  	_ =	swait.ge [sflag:s29], $0x1  }
0x2c: {  	[sflag:s29] =	ssyncadd.s32 $0xFFFFFFFF  }
0x2d: {  	_ =	strace $0x90000051  }
0x2e: {  	_ =	sfence  }
0x2f: {  	s30 =	sld [smem:$0x0];
	_ =	sdelay $0x2  }
0x30: {  	s31 =	sshll.u32 s1, $0xD;
	s1 =	sshrl.u32 s1, $0x2  }
0x31: {  	s3 =	sand.u32 $0x4000, s31;
	s1 =	sadd.s32 s1, s30  }
0x32: {  	s0 =	sor.u32 s3, s0;
	s1 =	sshll.u32 s1, $0x11  }
0x33: {  	s0 =	sor.u32 s1, s0  }
0x34: {  	s0 =	sadd.s32 $0x8F2B, s0  }
0x35: {  	[sflag:s0] =	ssyncadd.remote.s32 $0x1  }
0x36: {  	_ =	sfence.sel $0xFFFF  }
0x37: {  	[dreg:$0x0] =	wrdreg $0xFFFFFFFF;
	(pc) =	sbr.abs _section_cstart, $3  }
0x38: {  	[dreg:$0x1] =	wrdreg $0xFFFFFFFF  }
0x39: {  	_ =	task.clear_ibuf [dreg:s7], $0x2FFFF;
	_ =	strace $0x9FFFFFFF  }
0x3a: {  	(tm) =	ssettm $0x7FFFFFFF  }
0x3b: {  	_ =	shalt  }
tec
execute0_lowered:
.L_overlay_start_1:
0x0: {  	(tag) =	ssettag $0x1  }
0x1: {  	s0 =	srdreg.scid  }
0x2: {  	s1 =	sshll.u32 s0, $0x4  }
0x3: {  	s0 =	stileid.u32;
	s1 =	sand.u32 $0x10, s1  }
0x4: {  	s1 =	sor.u32 s0, s1  }
0x5: {  	s6 =	rddreg [dreg:$0x0];
	s4 =	simm.s32 $0x1;
	s2 =	sshll.u32 s1, $0x7  }
0x6: {  	s7 =	simm.s32 $0x2;
	s12 =	simm.s32 $0x0;
	s1 =	ssub.s32 $0x4000, s2  }
0x7: {  	s8 =	simm.s32 $0x20000;
	s13 =	simm.s32 $0x0;
	s3 =	sand.u32 $0xF80, s1  }
0x8: {  	s9 =	simm.s32 $0x0;
	s5 =	sshrl.u32 s1, $0xC;
	p0 =	sne.s32 s3, $0x0  }
.Ltmp0:
0x9: {  	s1 =	rddreg [dreg:$0x2];
	s4 =	simm.s32 @!p0 $0x0;
	(pc) =	sbr.rel .LBB1_1-.Ltmp0, $4  }
0xa: {  	s11 =	simm.s32 $0x0;
	s3 =	rddreg [dreg:$0x1];
	s5 =	sadd.s32 s4, s5  }
0xb: {  	_ =	strace $0x80000050;
	s4 =	simm.s32 $0x1;
	s5 =	smul.u32 $0x32, s5  }
0xc: {  	s6 =	sadd.s32 $0x1000, s6;
	s10 =	smov.u32 s2;
	[sflag:s4] =	ssyncpa.u1 $0x0  }
0xd: {  	p0 =	por $0x0, $0x0;
	[sflag:s7] =	ssyncpa.u1 $0x0;
	s7 =	sor.u32 $0x1, s5  }
.LBB1_4:
0xe: {  	s16 =	sshll.u32 s13, $0x3;
	s17 =	sand.u32 $0x78, s13  }
0xf: {  	s30 =	sand.u32 $0x1F800, s13;
	s12 =	sshll.u32 s12, $0x11;
	s16 =	sand.u32 $0x3C00, s16  }
0x10: {  	[tilespmem:s15+$0x810 ss:$0x81] =	vst.msk $0xffff, v2;
	s31 =	sand.u32 $0x7, s13;
	s16 =	sor.u32 s17, s16;
	s17 =	sadd.s32 s3, s30  }
0x11: {  	[tilespmem:s15+$0x1020 ss:$0x81] =	vst.msk $0xffff, v0;
	s13 =	sshll.u32 s31, $0x12;
	s12 =	sadd.s32 s12, s17;
	s16 =	sshrl.u32 s16, $0x3  }
0x12: {  	[tilespmem:s15+$0x0 ss:$0x81] =	vst.msk $0xffff, v1;
	s13 =	sor.u32 $0x400, s13;
	s12 =	sadd.s32 s16, s12  }
0x13: {  	[hbm4b:s12+s13] =	stream.strided.scatter [tilespmem:s14], [sflag:$0x2], $0x2000, s8, s13, $0x20;
	[tilespmem:$0x8080] =	vst v63  }
.LBB1_5:
0x14: {  	s14 =	sadd.s32 $0x1, s9  }
0x15: {  	s12 =	sadd.s32 $0x1000, s10;
	s16 =	smov.u32 s10;
	p2 =	sgt.s32 s14, $0x31  }
0x16: {  	s16 =	smov.u32 @p2 s12  }
0x17: {  	s14 =	simm.s32 @p2 $0x0;
	p2 =	sgt.s32 s16, $0x3FFF  }
0x18: {  	s16 =	smov.u32 @p2 s2;
	p2 =	sne.s32 s11, s7  }
.Ltmp1:
0x19: {  	p1 =	slt.u32 s11, $0x2;
	(pc) =	sbr.rel @!p2 .LBB1_6-.Ltmp1, $4  }
0x1a: {  	s15 =	simm.s32 @!p1 $0x2  }
0x1b: {  	s13 =	smov.u32 s10;
	p0 =	por !p0, !p0;
	_ =	swait.ge @!p1 [sflag:s15], $0x2000  }
0x1c: {  	s12 =	smov.u32 s9;
	[sflag:s15] =	ssyncset.done @!p1 $0x0;
	s9 =	smov.u32 s14  }
0x1d: {  	s11 =	sadd.s32 $0x1, s11;
	[sflag:s15] =	ssyncadd.s32 @!p1 $0xFFFFE000;
	s10 =	smov.u32 s16  }
.LBB1_1:
0x1e: {  	p1 =	sge.u32 s11, s5  }
0x1f: {  	s14 =	sand.u32 @!p1 $0x1FFFFFF, s9  }
0x20: {  	s15 =	smulhi.u32 @!p1 $0x4924925, s14;
	_ =	sdelay $0x1  }
0x21: {  	s15 =	smul.u32 @!p1 $0x38, s15  }
0x22: {  	s16 =	sxor.u32 @!p1 $0xFFFFFFFF, s11;
	s17 =	smul.u32 @!p1 $0x380, s10  }
0x23: {  	s31 =	sadd.s32 $0xFFFFFFFF, s11;
	s16 =	sshll.u32 @!p1 s16, $0xD;
	s14 =	ssub.s32 @!p1 s14, s15  }
0x24: {  	s15 =	sand.u32 @!p1 $0x2000, s16;
	s16 =	sadd.s32 @!p1 s6, s17;
	s14 =	sshll.u32 @!p1 s14, $0x4  }
0x25: {  	s17 =	simm.s32 @!p1 $0x1C00;
	s14 =	sadd.s32 @!p1 s14, s16;
	s16 =	simm.s32 @!p1 $0x40  }
0x26: {  	[tilespmem:s15], [sflag:$0x1] =	stream.strided.gather @!p1 [hbm4b:s14+s16], $0x2000, s17, s16, $0x38;
	[tilespmem:$0x8080] =	vst v63  }
0x27: {  	p1 =	sge.u32 s31, s5  }
.Ltmp2:
0x28: {  	_ = 	snop;
	(pc) =	sbr.rel @p1 .LBB1_5-.Ltmp2, $1  }
0x29: {  	_ =	sdelay $0x3  }
0x2a: {  	s14 =	simm.s32 $0x1  }
0x2b: {  	_ =	swait.ge [sflag:s4], $0x2000;
	s14 =	simm.s32 @!p0 $0x0  }
0x2c: {  	[sflag:s4] =	ssyncset.done $0x0;
	s15 =	sshll.u32 s14, $0xD  }
0x2d: {  	[sflag:s4] =	ssyncadd.s32 $0xFFFFE000;
	s18 =	sor.u32 $0x20, s15  }
0x2e: {  	s14 =	smul.u32 $0x8100, s14;
	v3 =	vld [tilespmem:s18+$0x10]  }
0x2f: {  	s30 =	sand.u32 $0x1, s11;
	v2 =	vld [tilespmem:s18+$0xFFFFFFF0]  }
0x30: {  	s15 =	smul.u32 $0x8100, s30;
	s14 =	sshrl.u32 s14, $0x2;
	v0 =	vld [tilespmem:s18+$0x0]  }
0x31: {  	v1 =	vld [tilespmem:s18+$0xFFFFFFE0];
	s16 =	sor.u32 $0x4000, s14  }
0x32: {  	s31 =	sshrl.u32 s15, $0x2;
	s15 =	sadd.s32 $0x0, s16  }
0x33: {  	s17 =	simm.s32 $0x4;
	s18 =	sadd.s32 $0x40, s18;
	s14 =	sor.u32 $0x4000, s31;
	[tilespmem:s15+$0x1830 ss:$0x81] =	vst.msk $0xffff, v3  }
.LBB1_3:
0x34: {  	v3 =	vld [tilespmem:s18+$0x10];
	p1 =	sne.s32 s17, $0x1FC;
	[tilespmem:s15+$0x810 ss:$0x81] =	vst.msk $0xffff, v2;
	s19 =	smov.u32 s17;
	s17 =	sadd.s32 $0x4, s17  }
.Ltmp3:
0x35: {  	v2 =	vld [tilespmem:s18+$0xFFFFFFF0];
	[tilespmem:s15+$0x1020 ss:$0x81] =	vst.msk $0xffff, v0;
	(pc) =	sbr.rel @p1 .LBB1_3-.Ltmp3, $4  }
0x36: {  	v0 =	vld [tilespmem:s18+$0x0];
	[tilespmem:s15+$0x0 ss:$0x81] =	vst.msk $0xffff, v1  }
0x37: {  	s15 =	sshra.s32 s19, $0x2;
	v1 =	vld [tilespmem:s18+$0xFFFFFFE0]  }
0x38: {  	s15 =	sadd.s32 s15, s16  }
0x39: {  	s18 =	sadd.s32 $0x40, s18;
	[tilespmem:s15+$0x1830 ss:$0x81] =	vst.msk $0xffff, v3  }
.Ltmp4:
0x3a: {  	_ = 	snop;
	(pc) =	sbr.rel .LBB1_4-.Ltmp4, $1  }
0x3b: {  	_ =	sdelay $0x3  }
.LBB1_6:
0x3c: {  	_ =	sfence.sel $0x180000  }
0x3d: {  	s2 =	simm.s32 $0x1;
	[bflag:$0x0] =	sbarrier.arrive $0xFFFF  }
0x3e: {  	s31 =	simm.s32 $0x2;
	[sflag:s2] =	ssyncpa.u1 $0x1  }
0x3f: {  	[sflag:s31] =	ssyncpa.u1 $0x1  }
0x40: {  	p0 =	sne.s32 s0, $0x0;
	_ =	strace $0x90000050  }
0x41: {  	s0 =	sadd.s32 @!p0 $0x100000, s1;
	[bflag:$0x2] =	sbarrier.arrive $0xFFFF  }
0x42: {  	[sflag:s0] =	ssyncadd.tile.s32 @!p0 $0x1;
	_ =	shalt  }
.Lfunc_end1:
_tile_overlayer_lowered:
.L_overlay_start_2:
0x43: {  	(tag) =	ssettag $0x2  }
0x44: {  	s0 =	rddreg [dreg:$0x0];
	s2 =	stileid.u32  }
0x45: {  	s1 =	rddreg [dreg:$0x1];
	p0 =	sne.s32 s2, $0x0  }
0x46: {  	s3 =	rddreg [dreg:$0x2];
	[bflag:$0x3] =	sbarrier.arrive $0xFFFF;
	s2 =	simm.s32 @!p0 $0x1C01  }
0x47: {  	[timem:s3], [sflag:s2] =	dma.local @!p0 [hbm:s0], s1  }
0x48: {  	s0 =	simm.s32 @!p0 $0x1  }
0x49: {  	_ =	swait.ge @!p0 [sflag:s0], s1  }
0x4a: {  	s1 =	ssub.s32 @!p0 $0x0, s1;
	[sflag:s0] =	ssyncset.done @!p0 $0x0  }
0x4b: {  	[sflag:s0] =	ssyncadd.s32 @!p0 s1  }
0x4c: {  	[bflag:$0x3] =	sbarrier.arrive $0xFFFF  }
0x4d: {  	_ =	shalt  }

</sc_bundles>
